<compile_context>
chip_gen: v7x
topology: tpu7x:2x2x1
jax: 0.10.2.dev20260603
libtpu: 0.0.44.dev20260713+nightly
codegen_flags: <defaults>
</compile_context>

<pallas_src>
import jax
import jax.numpy as jnp
from jax import lax
from jax.experimental import pallas as pl
from jax.experimental.pallas import tpu as pltpu
from jax.experimental.pallas import tpu_sc as plsc

VOCAB = 1000000
NUM_BUCKETS = 10
EMB = 64
BATCH = 16384
OUT_COLS = 2 * EMB + 1

NC, NS, L = 2, 16, 16
NW = NC * NS
BPW = BATCH // NW
HALF = BPW // 2


def _body(uid_hbm, age_hbm, table_hbm, agetabt_hbm, buckets_hbm, mscale_hbm,
          out_hbm,
          uid_v, agev_v, agetabt_v, urows_v, obuf, buckets_v, mscale_v, sem):
    wid = lax.axis_index("s") * NC + lax.axis_index("c")
    base = wid * BPW

    pltpu.sync_copy(uid_hbm.at[pl.ds(base, BPW)], uid_v)
    pltpu.sync_copy(age_hbm.at[pl.ds(base, BPW)], agev_v)
    pltpu.sync_copy(buckets_hbm, buckets_v)
    pltpu.sync_copy(mscale_hbm, mscale_v)
    pltpu.sync_copy(agetabt_hbm, agetabt_v)

    mean = mscale_v[0]
    scale = mscale_v[1]

    def shift(g, carry):
        sl = pl.ds(g * L, L)
        uid_v[sl] = uid_v[sl] + 1
        return carry

    lax.fori_loop(0, BPW // L, shift, 0)

    lanes = lax.iota(jnp.int32, L)

    def fetch(h):
        def body(g, carry):
            uvec = uid_v[pl.ds(h * HALF + g * L, L)]
            for l in range(L):
                u = uvec[l]
                pltpu.async_copy(table_hbm.at[pl.ds(u, 1)],
                                 urows_v.at[pl.ds(g * L + l, 1)], sem)
            return carry

        lax.fori_loop(0, HALF // L, body, 0)

    def drain():
        pltpu.make_async_copy(table_hbm.at[pl.ds(0, HALF)], urows_v,
                              sem).wait()

    def mv(h):
        def body(g, carry):
            rows = lanes + g * L
            for c in range(EMB):
                col = jnp.full((L,), c, jnp.int32)
                obuf[c, pl.ds(h * HALF + g * L, L)] = plsc.load_gather(
                    urows_v, [rows, col])
            return carry

        lax.fori_loop(0, HALF // L, body, 0)

    fetch(0)

    def agefill(g, carry):
        sl = pl.ds(g * L, L)
        a = agev_v[sl]
        one = jnp.ones((L,), jnp.int32)
        zero = jnp.zeros((L,), jnp.int32)
        cnt = jnp.where(a >= buckets_v[0], one, zero)
        for j in range(1, NUM_BUCKETS):
            cnt = cnt + jnp.where(a >= buckets_v[j], one, zero)
        obuf[2 * EMB, sl] = (a - mean) * scale
        for c in range(EMB):
            col = jnp.full((L,), c, jnp.int32)
            obuf[EMB + c, sl] = plsc.load_gather(agetabt_v, [col, cnt])
        return carry

    lax.fori_loop(0, BPW // L, agefill, 0)

    drain()
    mv(0)
    fetch(1)
    drain()
    mv(1)

    pltpu.sync_copy(obuf, out_hbm.at[:, pl.ds(base, BPW)])


@jax.jit
def _sc_lookup(user_id, age, user_table, age_table_t, buckets_b, mscale):
    mesh = plsc.VectorSubcoreMesh(core_axis_name="c", subcore_axis_name="s")
    f = pl.kernel(
        _body,
        out_type=jax.ShapeDtypeStruct((OUT_COLS, BATCH), jnp.float32),
        mesh=mesh,
        scratch_types=[
            pltpu.VMEM((BPW,), jnp.int32),
            pltpu.VMEM((BPW,), jnp.float32),
            pltpu.VMEM((EMB, NUM_BUCKETS + 1), jnp.float32),
            pltpu.VMEM((HALF, EMB), jnp.float32),
            pltpu.VMEM((OUT_COLS, BPW), jnp.float32),
            pltpu.VMEM((NUM_BUCKETS, L), jnp.float32),
            pltpu.VMEM((2, L), jnp.float32),
            pltpu.SemaphoreType.DMA,
        ],
        compiler_params=pltpu.CompilerParams(needs_layout_passes=False),
    )
    return f(user_id, age, user_table, age_table_t, buckets_b, mscale)


def kernel(user_id, age, user_table, age_table, age_buckets, age_mean, age_var):
    buckets_b = jnp.broadcast_to(age_buckets[:, None], (NUM_BUCKETS, L))
    scale = lax.rsqrt(age_var.astype(jnp.float32))
    mscale = jnp.stack([jnp.full((L,), age_mean, jnp.float32),
                        jnp.full((L,), scale, jnp.float32)])
    out_t = _sc_lookup(user_id, age, user_table, jnp.transpose(age_table),
                       buckets_b, mscale)
    return out_t.T

# --- scband reference (transcript-rebuilt; emitter-appended) ---
"""Pipeline reference for scband-user-model-781684048686 (READ-ONLY COPY).

The authoritative reference and input builder live on the scoring server;
editing this copy changes nothing except your own understanding.
"""

import jax, jax.numpy as jnp
import numpy as np

VOCAB = 1000000
NUM_BUCKETS = 10
EMB = 64
BATCH = 16384

def setup_inputs(seed: int = 0) -> dict:
    key = jax.random.key(seed)
    k1, k2, k3, k4 = jax.random.split(key, 4)
    user_id = jax.random.randint(k1, (BATCH,), 0, VOCAB, dtype=jnp.int32)
    age = jax.random.uniform(k2, (BATCH,), dtype=jnp.float32)
    # learned params: Embedding(len(unique_users)+1, 64) and Embedding(len(age_buckets)+1, 64)
    user_table = jax.random.normal(k3, (VOCAB + 1, EMB), dtype=jnp.float32) * 0.05
    age_table = jax.random.normal(k4, (NUM_BUCKETS + 1, EMB), dtype=jnp.float32) * 0.05
    # Discretization boundaries (non-trainable, adapted/fixed)
    age_buckets = jnp.linspace(0.05, 0.95, NUM_BUCKETS).astype(jnp.float32)
    # Normalization layer adapted stats (mean/var of uniform[0,1))
    age_mean = jnp.float32(0.5)
    age_var = jnp.float32(1.0 / 12.0)
    return {"user_id": user_id, "age": age, "user_table": user_table, "age_table": age_table, "age_buckets": age_buckets, "age_mean": age_mean, "age_var": age_var}

def reference(user_id, age, user_table, age_table, age_buckets, age_mean, age_var):
    # IntegerLookup(vocabulary=arange(VOCAB), mask_token=None, num_oov_indices=1):
    # in-vocab token t maps to index t + 1 (index 0 reserved for OOV)
    lookup_idx = user_id + 1
    user_emb = jnp.take(user_table, lookup_idx, axis=0)
    # Discretization: value < b[0] -> 0; b[i-1] <= value < b[i] -> i; value >= b[-1] -> NUM_BUCKETS
    bins = jnp.searchsorted(age_buckets, age, side='right')
    age_emb = jnp.take(age_table, bins, axis=0)
    # Normalization(axis=None): (x - mean) / sqrt(var)
    norm_age = (age - age_mean) / jnp.sqrt(age_var)
    return jnp.concatenate([user_emb, age_emb, jnp.reshape(norm_age, (-1, 1))], axis=1)

if __name__ == "__main__":
    import jax
    _d = setup_inputs()
    print(jax.jit(kernel)(*tuple(_d.values())))

</pallas_src>

<mosaic_0001>
#map = affine_map<(d0, d1) -> (0)>
#map1 = affine_map<(d0, d1) -> (0, 0)>
module attributes {stable_mosaic.version = 14 : i64} {
  func.func @_body(%arg0: i32, %arg1: i32, %arg2: memref<16384xi32, #tpu.memory_space<hbm>>, %arg3: memref<16384xf32, #tpu.memory_space<hbm>>, %arg4: memref<1000001x64xf32, #tpu.memory_space<hbm>>, %arg5: memref<64x11xf32, #tpu.memory_space<hbm>>, %arg6: memref<10x16xf32, #tpu.memory_space<hbm>>, %arg7: memref<2x16xf32, #tpu.memory_space<hbm>>, %arg8: memref<129x16384xf32, #tpu.memory_space<hbm>>, %arg9: memref<512xi32, #tpu.memory_space<vmem>>, %arg10: memref<512xf32, #tpu.memory_space<vmem>>, %arg11: memref<64x11xf32, #tpu.memory_space<vmem>>, %arg12: memref<256x64xf32, #tpu.memory_space<vmem>>, %arg13: memref<129x512xf32, #tpu.memory_space<vmem>>, %arg14: memref<10x16xf32, #tpu.memory_space<vmem>>, %arg15: memref<2x16xf32, #tpu.memory_space<vmem>>, %arg16: memref<!tpu.dma_semaphore, #tpu.memory_space<semaphore_mem>>) attributes {dimension_semantics = [#tpu.dimension_semantics<core_parallel>, #tpu.dimension_semantics<subcore_parallel>], iteration_bounds = array<i64: 2, 16>, scalar_prefetch = 0 : i64, scratch_operands = 8 : i64, tpu.core_type = #tpu.core_type<sc_vector_subcore>, window_params = [{transform_indices = #map}, {transform_indices = #map}, {transform_indices = #map1}, {transform_indices = #map1}, {transform_indices = #map1}, {transform_indices = #map1}, {transform_indices = #map1}]} {
    %mul3A = arith.constant 2 : i32
    %mul3A_0 = arith.muli %arg1, %mul3A : i32
    %add3A = arith.addi %mul3A_0, %arg0 : i32
    %mul3A_1 = arith.constant 512 : i32
    %mul3A_2 = arith.muli %add3A, %mul3A_1 : i32
    "tpu.region"() ({
      %run_scoped3A = tpu.sem_alloc : memref<!tpu.dma_semaphore, #tpu.memory_space<semaphore_mem>>
      %dma_start3A = tpu.memref_slice %arg2[%mul3A_2] : memref<16384xi32, #tpu.memory_space<hbm>> -> memref<512xi32, #tpu.memory_space<hbm>>
      %dma_start3A_56 = tpu.memref_slice %arg2[%mul3A_2] : memref<16384xi32, #tpu.memory_space<hbm>> -> memref<512xi32, #tpu.memory_space<hbm>>
      tpu.enqueue_dma source(%dma_start3A_56 : memref<512xi32, #tpu.memory_space<hbm>>) target(%arg9 : memref<512xi32, #tpu.memory_space<vmem>>) target_semaphore(%run_scoped3A : memref<!tpu.dma_semaphore, #tpu.memory_space<semaphore_mem>>)
      %dma_wait3A_57 = tpu.memref_slice %arg2[%mul3A_2] : memref<16384xi32, #tpu.memory_space<hbm>> -> memref<512xi32, #tpu.memory_space<hbm>>
      %dma_wait3A_58 = tpu.memref_slice %arg2[%mul3A_2] : memref<16384xi32, #tpu.memory_space<hbm>> -> memref<512xi32, #tpu.memory_space<hbm>>
      tpu.wait_dma2 semaphore(%run_scoped3A : memref<!tpu.dma_semaphore, #tpu.memory_space<semaphore_mem>>) src(%dma_wait3A_58 : memref<512xi32, #tpu.memory_space<hbm>>) dst(%arg9 : memref<512xi32, #tpu.memory_space<vmem>>)
      tpu.yield
    }) : () -> ()
    "tpu.region"() ({
      %run_scoped3A = tpu.sem_alloc : memref<!tpu.dma_semaphore, #tpu.memory_space<semaphore_mem>>
      %dma_start3A = tpu.memref_slice %arg3[%mul3A_2] : memref<16384xf32, #tpu.memory_space<hbm>> -> memref<512xf32, #tpu.memory_space<hbm>>
      %dma_start3A_56 = tpu.memref_slice %arg3[%mul3A_2] : memref<16384xf32, #tpu.memory_space<hbm>> -> memref<512xf32, #tpu.memory_space<hbm>>
      tpu.enqueue_dma source(%dma_start3A_56 : memref<512xf32, #tpu.memory_space<hbm>>) target(%arg10 : memref<512xf32, #tpu.memory_space<vmem>>) target_semaphore(%run_scoped3A : memref<!tpu.dma_semaphore, #tpu.memory_space<semaphore_mem>>)
      %dma_wait3A_57 = tpu.memref_slice %arg3[%mul3A_2] : memref<16384xf32, #tpu.memory_space<hbm>> -> memref<512xf32, #tpu.memory_space<hbm>>
      %dma_wait3A_58 = tpu.memref_slice %arg3[%mul3A_2] : memref<16384xf32, #tpu.memory_space<hbm>> -> memref<512xf32, #tpu.memory_space<hbm>>
      tpu.wait_dma2 semaphore(%run_scoped3A : memref<!tpu.dma_semaphore, #tpu.memory_space<semaphore_mem>>) src(%dma_wait3A_58 : memref<512xf32, #tpu.memory_space<hbm>>) dst(%arg10 : memref<512xf32, #tpu.memory_space<vmem>>)
      tpu.yield
    }) : () -> ()
    "tpu.region"() ({
      %run_scoped3A = tpu.sem_alloc : memref<!tpu.dma_semaphore, #tpu.memory_space<semaphore_mem>>
      tpu.enqueue_dma source(%arg6 : memref<10x16xf32, #tpu.memory_space<hbm>>) target(%arg14 : memref<10x16xf32, #tpu.memory_space<vmem>>) target_semaphore(%run_scoped3A : memref<!tpu.dma_semaphore, #tpu.memory_space<semaphore_mem>>)
      tpu.wait_dma2 semaphore(%run_scoped3A : memref<!tpu.dma_semaphore, #tpu.memory_space<semaphore_mem>>) src(%arg6 : memref<10x16xf32, #tpu.memory_space<hbm>>) dst(%arg14 : memref<10x16xf32, #tpu.memory_space<vmem>>)
      tpu.yield
    }) : () -> ()
    "tpu.region"() ({
      %run_scoped3A = tpu.sem_alloc : memref<!tpu.dma_semaphore, #tpu.memory_space<semaphore_mem>>
      tpu.enqueue_dma source(%arg7 : memref<2x16xf32, #tpu.memory_space<hbm>>) target(%arg15 : memref<2x16xf32, #tpu.memory_space<vmem>>) target_semaphore(%run_scoped3A : memref<!tpu.dma_semaphore, #tpu.memory_space<semaphore_mem>>)
      tpu.wait_dma2 semaphore(%run_scoped3A : memref<!tpu.dma_semaphore, #tpu.memory_space<semaphore_mem>>) src(%arg7 : memref<2x16xf32, #tpu.memory_space<hbm>>) dst(%arg15 : memref<2x16xf32, #tpu.memory_space<vmem>>)
      tpu.yield
    }) : () -> ()
    "tpu.region"() ({
      %run_scoped3A = tpu.sem_alloc : memref<!tpu.dma_semaphore, #tpu.memory_space<semaphore_mem>>
      tpu.enqueue_dma source(%arg5 : memref<64x11xf32, #tpu.memory_space<hbm>>) target(%arg11 : memref<64x11xf32, #tpu.memory_space<vmem>>) target_semaphore(%run_scoped3A : memref<!tpu.dma_semaphore, #tpu.memory_space<semaphore_mem>>)
      tpu.wait_dma2 semaphore(%run_scoped3A : memref<!tpu.dma_semaphore, #tpu.memory_space<semaphore_mem>>) src(%arg5 : memref<64x11xf32, #tpu.memory_space<hbm>>) dst(%arg11 : memref<64x11xf32, #tpu.memory_space<vmem>>)
      tpu.yield
    }) : () -> ()
    %get3A = arith.constant 0 : i32
    %get3A_3 = arith.index_cast %get3A : i32 to index
    %get3A_4 = arith.constant 0 : index
    %get3A_5 = tpu.vector_load %arg15[%get3A_3, %get3A_4] {strides = array<i32>} : memref<2x16xf32, #tpu.memory_space<vmem>>, vector<16xf32>,
    %get3A_6 = arith.constant 1 : i32
    %get3A_7 = arith.index_cast %get3A_6 : i32 to index
    %get3A_8 = arith.constant 0 : index
    %get3A_9 = tpu.vector_load %arg15[%get3A_7, %get3A_8] {strides = array<i32>} : memref<2x16xf32, #tpu.memory_space<vmem>>, vector<16xf32>,
    %scan3A = arith.constant 0 : i32
    %scan3A_10 = arith.constant 0 : i32
    %scan3A_11 = arith.constant 32 : i32
    %scan3A_12 = arith.addi %scan3A_10, %scan3A_11 : i32
    %scan3A_13 = arith.constant 1 : i32
    scf.for %scan3A_56 = %scan3A_10 to %scan3A_12 step %scan3A_13  : i32 {
      %mul3A_57 = arith.constant 16 : i32
      %mul3A_58 = arith.muli %scan3A_56, %mul3A_57 : i32
      %get3A_59 = arith.index_cast %mul3A_58 : i32 to index
      %get3A_60 = tpu.vector_load %arg9[%get3A_59] {strides = array<i32>} : memref<512xi32, #tpu.memory_space<vmem>>, vector<16xi32>,
      %add3A_61 = arith.constant 1 : i32
      %add3A_62 = vector.broadcast %add3A_61 : i32 to vector<16xi32>
      %add3A_63 = arith.addi %get3A_60, %add3A_62 : vector<16xi32>
      %swap3A = arith.index_cast %mul3A_58 : i32 to index
      %swap3A_64 = tpu.vector_load %arg9[%swap3A] {strides = array<i32>} : memref<512xi32, #tpu.memory_space<vmem>>, vector<16xi32>,
      tpu.vector_store %arg9[%swap3A], %add3A_63 {strides = array<i32>} : memref<512xi32, #tpu.memory_space<vmem>>, vector<16xi32>,
    }
    %scan3A_14 = arith.constant 32 : i32
    %iota3A = tpu.iota {dimensions = array<i32: 0>} : vector<16xi32>
    %scan3A_15 = arith.constant 0 : i32
    %scan3A_16 = arith.constant 0 : i32
    %scan3A_17 = arith.constant 16 : i32
    %scan3A_18 = arith.addi %scan3A_16, %scan3A_17 : i32
    %scan3A_19 = arith.constant 1 : i32
    scf.for %scan3A_56 = %scan3A_16 to %scan3A_18 step %scan3A_19  : i32 {
      %mul3A_57 = arith.constant 16 : i32
      %mul3A_58 = arith.muli %scan3A_56, %mul3A_57 : i32
      %add3A_59 = arith.constant 0 : i32
      %add3A_60 = arith.addi %add3A_59, %mul3A_58 : i32
      %get3A_61 = arith.index_cast %add3A_60 : i32 to index
      %get3A_62 = tpu.vector_load %arg9[%get3A_61] {strides = array<i32>} : memref<512xi32, #tpu.memory_space<vmem>>, vector<16xi32>,
      %slice3A = vector.extract_strided_slice %get3A_62 {offsets = [0], sizes = [1], strides = [1]} : vector<16xi32> to vector<1xi32>
      %squeeze3A = vector.extract %slice3A[0] : i32 from vector<1xi32>
      %mul3A_63 = arith.constant 16 : i32
      %mul3A_64 = arith.muli %scan3A_56, %mul3A_63 : i32
      %add3A_65 = arith.constant 0 : i32
      %add3A_66 = arith.addi %mul3A_64, %add3A_65 : i32
      %dma_start3A = arith.constant 0 : i32
      %dma_start3A_67 = tpu.memref_slice %arg12[%add3A_66, %dma_start3A] : memref<256x64xf32, #tpu.memory_space<vmem>> -> memref<1x64xf32, #tpu.memory_space<vmem>>
      %dma_start3A_68 = arith.constant 0 : i32
      %dma_start3A_69 = tpu.memref_slice %arg4[%squeeze3A, %dma_start3A_68] : memref<1000001x64xf32, #tpu.memory_space<hbm>> -> memref<1x64xf32, #tpu.memory_space<hbm>>
      %dma_start3A_70 = arith.constant 0 : i32
      %dma_start3A_71 = tpu.memref_slice %arg12[%add3A_66, %dma_start3A_70] : memref<256x64xf32, #tpu.memory_space<vmem>> -> memref<1x64xf32, #tpu.memory_space<vmem>>
      %dma_start3A_72 = arith.constant 0 : i32
      %dma_start3A_73 = tpu.memref_slice %arg4[%squeeze3A, %dma_start3A_72] : memref<1000001x64xf32, #tpu.memory_space<hbm>> -> memref<1x64xf32, #tpu.memory_space<hbm>>
      tpu.enqueue_dma source(%dma_start3A_73 : memref<1x64xf32, #tpu.memory_space<hbm>>) target(%dma_start3A_71 : memref<1x64xf32, #tpu.memory_space<vmem>>) target_semaphore(%arg16 : memref<!tpu.dma_semaphore, #tpu.memory_space<semaphore_mem>>)
      %slice3A_74 = vector.extract_strided_slice %get3A_62 {offsets = [1], sizes = [1], strides = [1]} : vector<16xi32> to vector<1xi32>
      %squeeze3A_75 = vector.extract %slice3A_74[0] : i32 from vector<1xi32>
      %mul3A_76 = arith.constant 16 : i32
      %mul3A_77 = arith.muli %scan3A_56, %mul3A_76 : i32
      %add3A_78 = arith.constant 1 : i32
      %add3A_79 = arith.addi %mul3A_77, %add3A_78 : i32
      %dma_start3A_80 = arith.constant 0 : i32
      %dma_start3A_81 = tpu.memref_slice %arg12[%add3A_79, %dma_start3A_80] : memref<256x64xf32, #tpu.memory_space<vmem>> -> memref<1x64xf32, #tpu.memory_space<vmem>>
      %dma_start3A_82 = arith.constant 0 : i32
      %dma_start3A_83 = tpu.memref_slice %arg4[%squeeze3A_75, %dma_start3A_82] : memref<1000001x64xf32, #tpu.memory_space<hbm>> -> memref<1x64xf32, #tpu.memory_space<hbm>>
      %dma_start3A_84 = arith.constant 0 : i32
      %dma_start3A_85 = tpu.memref_slice %arg12[%add3A_79, %dma_start3A_84] : memref<256x64xf32, #tpu.memory_space<vmem>> -> memref<1x64xf32, #tpu.memory_space<vmem>>
      %dma_start3A_86 = arith.constant 0 : i32
      %dma_start3A_87 = tpu.memref_slice %arg4[%squeeze3A_75, %dma_start3A_86] : memref<1000001x64xf32, #tpu.memory_space<hbm>> -> memref<1x64xf32, #tpu.memory_space<hbm>>
      tpu.enqueue_dma source(%dma_start3A_87 : memref<1x64xf32, #tpu.memory_space<hbm>>) target(%dma_start3A_85 : memref<1x64xf32, #tpu.memory_space<vmem>>) target_semaphore(%arg16 : memref<!tpu.dma_semaphore, #tpu.memory_space<semaphore_mem>>)
      %slice3A_88 = vector.extract_strided_slice %get3A_62 {offsets = [2], sizes = [1], strides = [1]} : vector<16xi32> to vector<1xi32>
      %squeeze3A_89 = vector.extract %slice3A_88[0] : i32 from vector<1xi32>
      %mul3A_90 = arith.constant 16 : i32
      %mul3A_91 = arith.muli %scan3A_56, %mul3A_90 : i32
      %add3A_92 = arith.constant 2 : i32
      %add3A_93 = arith.addi %mul3A_91, %add3A_92 : i32
      %dma_start3A_94 = arith.constant 0 : i32
      %dma_start3A_95 = tpu.memref_slice %arg12[%add3A_93, %dma_start3A_94] : memref<256x64xf32, #tpu.memory_space<vmem>> -> memref<1x64xf32, #tpu.memory_space<vmem>>
      %dma_start3A_96 = arith.constant 0 : i32
      %dma_start3A_97 = tpu.memref_slice %arg4[%squeeze3A_89, %dma_start3A_96] : memref<1000001x64xf32, #tpu.memory_space<hbm>> -> memref<1x64xf32, #tpu.memory_space<hbm>>
      %dma_start3A_98 = arith.constant 0 : i32
      %dma_start3A_99 = tpu.memref_slice %arg12[%add3A_93, %dma_start3A_98] : memref<256x64xf32, #tpu.memory_space<vmem>> -> memref<1x64xf32, #tpu.memory_space<vmem>>
      %dma_start3A_100 = arith.constant 0 : i32
      %dma_start3A_101 = tpu.memref_slice %arg4[%squeeze3A_89, %dma_start3A_100] : memref<1000001x64xf32, #tpu.memory_space<hbm>> -> memref<1x64xf32, #tpu.memory_space<hbm>>
      tpu.enqueue_dma source(%dma_start3A_101 : memref<1x64xf32, #tpu.memory_space<hbm>>) target(%dma_start3A_99 : memref<1x64xf32, #tpu.memory_space<vmem>>) target_semaphore(%arg16 : memref<!tpu.dma_semaphore, #tpu.memory_space<semaphore_mem>>)
      %slice3A_102 = vector.extract_strided_slice %get3A_62 {offsets = [3], sizes = [1], strides = [1]} : vector<16xi32> to vector<1xi32>
      %squeeze3A_103 = vector.extract %slice3A_102[0] : i32 from vector<1xi32>
      %mul3A_104 = arith.constant 16 : i32
      %mul3A_105 = arith.muli %scan3A_56, %mul3A_104 : i32
      %add3A_106 = arith.constant 3 : i32
      %add3A_107 = arith.addi %mul3A_105, %add3A_106 : i32
      %dma_start3A_108 = arith.constant 0 : i32
      %dma_start3A_109 = tpu.memref_slice %arg12[%add3A_107, %dma_start3A_108] : memref<256x64xf32, #tpu.memory_space<vmem>> -> memref<1x64xf32, #tpu.memory_space<vmem>>
      %dma_start3A_110 = arith.constant 0 : i32
      %dma_start3A_111 = tpu.memref_slice %arg4[%squeeze3A_103, %dma_start3A_110] : memref<1000001x64xf32, #tpu.memory_space<hbm>> -> memref<1x64xf32, #tpu.memory_space<hbm>>
      %dma_start3A_112 = arith.constant 0 : i32
      %dma_start3A_113 = tpu.memref_slice %arg12[%add3A_107, %dma_start3A_112] : memref<256x64xf32, #tpu.memory_space<vmem>> -> memref<1x64xf32, #tpu.memory_space<vmem>>
      %dma_start3A_114 = arith.constant 0 : i32
      %dma_start3A_115 = tpu.memref_slice %arg4[%squeeze3A_103, %dma_start3A_114] : memref<1000001x64xf32, #tpu.memory_space<hbm>> -> memref<1x64xf32, #tpu.memory_space<hbm>>
      tpu.enqueue_dma source(%dma_start3A_115 : memref<1x64xf32, #tpu.memory_space<hbm>>) target(%dma_start3A_113 : memref<1x64xf32, #tpu.memory_space<vmem>>) target_semaphore(%arg16 : memref<!tpu.dma_semaphore, #tpu.memory_space<semaphore_mem>>)
      %slice3A_116 = vector.extract_strided_slice %get3A_62 {offsets = [4], sizes = [1], strides = [1]} : vector<16xi32> to vector<1xi32>
      %squeeze3A_117 = vector.extract %slice3A_116[0] : i32 from vector<1xi32>
      %mul3A_118 = arith.constant 16 : i32
      %mul3A_119 = arith.muli %scan3A_56, %mul3A_118 : i32
      %add3A_120 = arith.constant 4 : i32
      %add3A_121 = arith.addi %mul3A_119, %add3A_120 : i32
      %dma_start3A_122 = arith.constant 0 : i32
      %dma_start3A_123 = tpu.memref_slice %arg12[%add3A_121, %dma_start3A_122] : memref<256x64xf32, #tpu.memory_space<vmem>> -> memref<1x64xf32, #tpu.memory_space<vmem>>
      %dma_start3A_124 = arith.constant 0 : i32
      %dma_start3A_125 = tpu.memref_slice %arg4[%squeeze3A_117, %dma_start3A_124] : memref<1000001x64xf32, #tpu.memory_space<hbm>> -> memref<1x64xf32, #tpu.memory_space<hbm>>
      %dma_start3A_126 = arith.constant 0 : i32
      %dma_start3A_127 = tpu.memref_slice %arg12[%add3A_121, %dma_start3A_126] : memref<256x64xf32, #tpu.memory_space<vmem>> -> memref<1x64xf32, #tpu.memory_space<vmem>>
      %dma_start3A_128 = arith.constant 0 : i32
      %dma_start3A_129 = tpu.memref_slice %arg4[%squeeze3A_117, %dma_start3A_128] : memref<1000001x64xf32, #tpu.memory_space<hbm>> -> memref<1x64xf32, #tpu.memory_space<hbm>>
      tpu.enqueue_dma source(%dma_start3A_129 : memref<1x64xf32, #tpu.memory_space<hbm>>) target(%dma_start3A_127 : memref<1x64xf32, #tpu.memory_space<vmem>>) target_semaphore(%arg16 : memref<!tpu.dma_semaphore, #tpu.memory_space<semaphore_mem>>)
      %slice3A_130 = vector.extract_strided_slice %get3A_62 {offsets = [5], sizes = [1], strides = [1]} : vector<16xi32> to vector<1xi32>
      %squeeze3A_131 = vector.extract %slice3A_130[0] : i32 from vector<1xi32>
      %mul3A_132 = arith.constant 16 : i32
      %mul3A_133 = arith.muli %scan3A_56, %mul3A_132 : i32
      %add3A_134 = arith.constant 5 : i32
      %add3A_135 = arith.addi %mul3A_133, %add3A_134 : i32
      %dma_start3A_136 = arith.constant 0 : i32
      %dma_start3A_137 = tpu.memref_slice %arg12[%add3A_135, %dma_start3A_136] : memref<256x64xf32, #tpu.memory_space<vmem>> -> memref<1x64xf32, #tpu.memory_space<vmem>>
      %dma_start3A_138 = arith.constant 0 : i32
      %dma_start3A_139 = tpu.memref_slice %arg4[%squeeze3A_131, %dma_start3A_138] : memref<1000001x64xf32, #tpu.memory_space<hbm>> -> memref<1x64xf32, #tpu.memory_space<hbm>>
      %dma_start3A_140 = arith.constant 0 : i32
      %dma_start3A_141 = tpu.memref_slice %arg12[%add3A_135, %dma_start3A_140] : memref<256x64xf32, #tpu.memory_space<vmem>> -> memref<1x64xf32, #tpu.memory_space<vmem>>
      %dma_start3A_142 = arith.constant 0 : i32
      %dma_start3A_143 = tpu.memref_slice %arg4[%squeeze3A_131, %dma_start3A_142] : memref<1000001x64xf32, #tpu.memory_space<hbm>> -> memref<1x64xf32, #tpu.memory_space<hbm>>
      tpu.enqueue_dma source(%dma_start3A_143 : memref<1x64xf32, #tpu.memory_space<hbm>>) target(%dma_start3A_141 : memref<1x64xf32, #tpu.memory_space<vmem>>) target_semaphore(%arg16 : memref<!tpu.dma_semaphore, #tpu.memory_space<semaphore_mem>>)
      %slice3A_144 = vector.extract_strided_slice %get3A_62 {offsets = [6], sizes = [1], strides = [1]} : vector<16xi32> to vector<1xi32>
      %squeeze3A_145 = vector.extract %slice3A_144[0] : i32 from vector<1xi32>
      %mul3A_146 = arith.constant 16 : i32
      %mul3A_147 = arith.muli %scan3A_56, %mul3A_146 : i32
      %add3A_148 = arith.constant 6 : i32
      %add3A_149 = arith.addi %mul3A_147, %add3A_148 : i32
      %dma_start3A_150 = arith.constant 0 : i32
      %dma_start3A_151 = tpu.memref_slice %arg12[%add3A_149, %dma_start3A_150] : memref<256x64xf32, #tpu.memory_space<vmem>> -> memref<1x64xf32, #tpu.memory_space<vmem>>
      %dma_start3A_152 = arith.constant 0 : i32
      %dma_start3A_153 = tpu.memref_slice %arg4[%squeeze3A_145, %dma_start3A_152] : memref<1000001x64xf32, #tpu.memory_space<hbm>> -> memref<1x64xf32, #tpu.memory_space<hbm>>
      %dma_start3A_154 = arith.constant 0 : i32
      %dma_start3A_155 = tpu.memref_slice %arg12[%add3A_149, %dma_start3A_154] : memref<256x64xf32, #tpu.memory_space<vmem>> -> memref<1x64xf32, #tpu.memory_space<vmem>>
      %dma_start3A_156 = arith.constant 0 : i32
      %dma_start3A_157 = tpu.memref_slice %arg4[%squeeze3A_145, %dma_start3A_156] : memref<1000001x64xf32, #tpu.memory_space<hbm>> -> memref<1x64xf32, #tpu.memory_space<hbm>>
      tpu.enqueue_dma source(%dma_start3A_157 : memref<1x64xf32, #tpu.memory_space<hbm>>) target(%dma_start3A_155 : memref<1x64xf32, #tpu.memory_space<vmem>>) target_semaphore(%arg16 : memref<!tpu.dma_semaphore, #tpu.memory_space<semaphore_mem>>)
      %slice3A_158 = vector.extract_strided_slice %get3A_62 {offsets = [7], sizes = [1], strides = [1]} : vector<16xi32> to vector<1xi32>
      %squeeze3A_159 = vector.extract %slice3A_158[0] : i32 from vector<1xi32>
      %mul3A_160 = arith.constant 16 : i32
      %mul3A_161 = arith.muli %scan3A_56, %mul3A_160 : i32
      %add3A_162 = arith.constant 7 : i32
      %add3A_163 = arith.addi %mul3A_161, %add3A_162 : i32
      %dma_start3A_164 = arith.constant 0 : i32
      %dma_start3A_165 = tpu.memref_slice %arg12[%add3A_163, %dma_start3A_164] : memref<256x64xf32, #tpu.memory_space<vmem>> -> memref<1x64xf32, #tpu.memory_space<vmem>>
      %dma_start3A_166 = arith.constant 0 : i32
      %dma_start3A_167 = tpu.memref_slice %arg4[%squeeze3A_159, %dma_start3A_166] : memref<1000001x64xf32, #tpu.memory_space<hbm>> -> memref<1x64xf32, #tpu.memory_space<hbm>>
      %dma_start3A_168 = arith.constant 0 : i32
      %dma_start3A_169 = tpu.memref_slice %arg12[%add3A_163, %dma_start3A_168] : memref<256x64xf32, #tpu.memory_space<vmem>> -> memref<1x64xf32, #tpu.memory_space<vmem>>
      %dma_start3A_170 = arith.constant 0 : i32
      %dma_start3A_171 = tpu.memref_slice %arg4[%squeeze3A_159, %dma_start3A_170] : memref<1000001x64xf32, #tpu.memory_space<hbm>> -> memref<1x64xf32, #tpu.memory_space<hbm>>
      tpu.enqueue_dma source(%dma_start3A_171 : memref<1x64xf32, #tpu.memory_space<hbm>>) target(%dma_start3A_169 : memref<1x64xf32, #tpu.memory_space<vmem>>) target_semaphore(%arg16 : memref<!tpu.dma_semaphore, #tpu.memory_space<semaphore_mem>>)
      %slice3A_172 = vector.extract_strided_slice %get3A_62 {offsets = [8], sizes = [1], strides = [1]} : vector<16xi32> to vector<1xi32>
      %squeeze3A_173 = vector.extract %slice3A_172[0] : i32 from vector<1xi32>
      %mul3A_174 = arith.constant 16 : i32
      %mul3A_175 = arith.muli %scan3A_56, %mul3A_174 : i32
      %add3A_176 = arith.constant 8 : i32
      %add3A_177 = arith.addi %mul3A_175, %add3A_176 : i32
      %dma_start3A_178 = arith.constant 0 : i32
      %dma_start3A_179 = tpu.memref_slice %arg12[%add3A_177, %dma_start3A_178] : memref<256x64xf32, #tpu.memory_space<vmem>> -> memref<1x64xf32, #tpu.memory_space<vmem>>
      %dma_start3A_180 = arith.constant 0 : i32
      %dma_start3A_181 = tpu.memref_slice %arg4[%squeeze3A_173, %dma_start3A_180] : memref<1000001x64xf32, #tpu.memory_space<hbm>> -> memref<1x64xf32, #tpu.memory_space<hbm>>
      %dma_start3A_182 = arith.constant 0 : i32
      %dma_start3A_183 = tpu.memref_slice %arg12[%add3A_177, %dma_start3A_182] : memref<256x64xf32, #tpu.memory_space<vmem>> -> memref<1x64xf32, #tpu.memory_space<vmem>>
      %dma_start3A_184 = arith.constant 0 : i32
      %dma_start3A_185 = tpu.memref_slice %arg4[%squeeze3A_173, %dma_start3A_184] : memref<1000001x64xf32, #tpu.memory_space<hbm>> -> memref<1x64xf32, #tpu.memory_space<hbm>>
      tpu.enqueue_dma source(%dma_start3A_185 : memref<1x64xf32, #tpu.memory_space<hbm>>) target(%dma_start3A_183 : memref<1x64xf32, #tpu.memory_space<vmem>>) target_semaphore(%arg16 : memref<!tpu.dma_semaphore, #tpu.memory_space<semaphore_mem>>)
      %slice3A_186 = vector.extract_strided_slice %get3A_62 {offsets = [9], sizes = [1], strides = [1]} : vector<16xi32> to vector<1xi32>
      %squeeze3A_187 = vector.extract %slice3A_186[0] : i32 from vector<1xi32>
      %mul3A_188 = arith.constant 16 : i32
      %mul3A_189 = arith.muli %scan3A_56, %mul3A_188 : i32
      %add3A_190 = arith.constant 9 : i32
      %add3A_191 = arith.addi %mul3A_189, %add3A_190 : i32
      %dma_start3A_192 = arith.constant 0 : i32
      %dma_start3A_193 = tpu.memref_slice %arg12[%add3A_191, %dma_start3A_192] : memref<256x64xf32, #tpu.memory_space<vmem>> -> memref<1x64xf32, #tpu.memory_space<vmem>>
      %dma_start3A_194 = arith.constant 0 : i32
      %dma_start3A_195 = tpu.memref_slice %arg4[%squeeze3A_187, %dma_start3A_194] : memref<1000001x64xf32, #tpu.memory_space<hbm>> -> memref<1x64xf32, #tpu.memory_space<hbm>>
      %dma_start3A_196 = arith.constant 0 : i32
      %dma_start3A_197 = tpu.memref_slice %arg12[%add3A_191, %dma_start3A_196] : memref<256x64xf32, #tpu.memory_space<vmem>> -> memref<1x64xf32, #tpu.memory_space<vmem>>
      %dma_start3A_198 = arith.constant 0 : i32
      %dma_start3A_199 = tpu.memref_slice %arg4[%squeeze3A_187, %dma_start3A_198] : memref<1000001x64xf32, #tpu.memory_space<hbm>> -> memref<1x64xf32, #tpu.memory_space<hbm>>
      tpu.enqueue_dma source(%dma_start3A_199 : memref<1x64xf32, #tpu.memory_space<hbm>>) target(%dma_start3A_197 : memref<1x64xf32, #tpu.memory_space<vmem>>) target_semaphore(%arg16 : memref<!tpu.dma_semaphore, #tpu.memory_space<semaphore_mem>>)
      %slice3A_200 = vector.extract_strided_slice %get3A_62 {offsets = [10], sizes = [1], strides = [1]} : vector<16xi32> to vector<1xi32>
      %squeeze3A_201 = vector.extract %slice3A_200[0] : i32 from vector<1xi32>
      %mul3A_202 = arith.constant 16 : i32
      %mul3A_203 = arith.muli %scan3A_56, %mul3A_202 : i32
      %add3A_204 = arith.constant 10 : i32
      %add3A_205 = arith.addi %mul3A_203, %add3A_204 : i32
      %dma_start3A_206 = arith.constant 0 : i32
      %dma_start3A_207 = tpu.memref_slice %arg12[%add3A_205, %dma_start3A_206] : memref<256x64xf32, #tpu.memory_space<vmem>> -> memref<1x64xf32, #tpu.memory_space<vmem>>
      %dma_start3A_208 = arith.constant 0 : i32
      %dma_start3A_209 = tpu.memref_slice %arg4[%squeeze3A_201, %dma_start3A_208] : memref<1000001x64xf32, #tpu.memory_space<hbm>> -> memref<1x64xf32, #tpu.memory_space<hbm>>
      %dma_start3A_210 = arith.constant 0 : i32
      %dma_start3A_211 = tpu.memref_slice %arg12[%add3A_205, %dma_start3A_210] : memref<256x64xf32, #tpu.memory_space<vmem>> -> memref<1x64xf32, #tpu.memory_space<vmem>>
      %dma_start3A_212 = arith.constant 0 : i32
      %dma_start3A_213 = tpu.memref_slice %arg4[%squeeze3A_201, %dma_start3A_212] : memref<1000001x64xf32, #tpu.memory_space<hbm>> -> memref<1x64xf32, #tpu.memory_space<hbm>>
      tpu.enqueue_dma source(%dma_start3A_213 : memref<1x64xf32, #tpu.memory_space<hbm>>) target(%dma_start3A_211 : memref<1x64xf32, #tpu.memory_space<vmem>>) target_semaphore(%arg16 : memref<!tpu.dma_semaphore, #tpu.memory_space<semaphore_mem>>)
      %slice3A_214 = vector.extract_strided_slice %get3A_62 {offsets = [11], sizes = [1], strides = [1]} : vector<16xi32> to vector<1xi32>
      %squeeze3A_215 = vector.extract %slice3A_214[0] : i32 from vector<1xi32>
      %mul3A_216 = arith.constant 16 : i32
      %mul3A_217 = arith.muli %scan3A_56, %mul3A_216 : i32
      %add3A_218 = arith.constant 11 : i32
      %add3A_219 = arith.addi %mul3A_217, %add3A_218 : i32
      %dma_start3A_220 = arith.constant 0 : i32
      %dma_start3A_221 = tpu.memref_slice %arg12[%add3A_219, %dma_start3A_220] : memref<256x64xf32, #tpu.memory_space<vmem>> -> memref<1x64xf32, #tpu.memory_space<vmem>>
      %dma_start3A_222 = arith.constant 0 : i32
      %dma_start3A_223 = tpu.memref_slice %arg4[%squeeze3A_215, %dma_start3A_222] : memref<1000001x64xf32, #tpu.memory_space<hbm>> -> memref<1x64xf32, #tpu.memory_space<hbm>>
      %dma_start3A_224 = arith.constant 0 : i32
      %dma_start3A_225 = tpu.memref_slice %arg12[%add3A_219, %dma_start3A_224] : memref<256x64xf32, #tpu.memory_space<vmem>> -> memref<1x64xf32, #tpu.memory_space<vmem>>
      %dma_start3A_226 = arith.constant 0 : i32
      %dma_start3A_227 = tpu.memref_slice %arg4[%squeeze3A_215, %dma_start3A_226] : memref<1000001x64xf32, #tpu.memory_space<hbm>> -> memref<1x64xf32, #tpu.memory_space<hbm>>
      tpu.enqueue_dma source(%dma_start3A_227 : memref<1x64xf32, #tpu.memory_space<hbm>>) target(%dma_start3A_225 : memref<1x64xf32, #tpu.memory_space<vmem>>) target_semaphore(%arg16 : memref<!tpu.dma_semaphore, #tpu.memory_space<semaphore_mem>>)
      %slice3A_228 = vector.extract_strided_slice %get3A_62 {offsets = [12], sizes = [1], strides = [1]} : vector<16xi32> to vector<1xi32>
      %squeeze3A_229 = vector.extract %slice3A_228[0] : i32 from vector<1xi32>
      %mul3A_230 = arith.constant 16 : i32
      %mul3A_231 = arith.muli %scan3A_56, %mul3A_230 : i32
      %add3A_232 = arith.constant 12 : i32
      %add3A_233 = arith.addi %mul3A_231, %add3A_232 : i32
      %dma_start3A_234 = arith.constant 0 : i32
      %dma_start3A_235 = tpu.memref_slice %arg12[%add3A_233, %dma_start3A_234] : memref<256x64xf32, #tpu.memory_space<vmem>> -> memref<1x64xf32, #tpu.memory_space<vmem>>
      %dma_start3A_236 = arith.constant 0 : i32
      %dma_start3A_237 = tpu.memref_slice %arg4[%squeeze3A_229, %dma_start3A_236] : memref<1000001x64xf32, #tpu.memory_space<hbm>> -> memref<1x64xf32, #tpu.memory_space<hbm>>
      %dma_start3A_238 = arith.constant 0 : i32
      %dma_start3A_239 = tpu.memref_slice %arg12[%add3A_233, %dma_start3A_238] : memref<256x64xf32, #tpu.memory_space<vmem>> -> memref<1x64xf32, #tpu.memory_space<vmem>>
      %dma_start3A_240 = arith.constant 0 : i32
      %dma_start3A_241 = tpu.memref_slice %arg4[%squeeze3A_229, %dma_start3A_240] : memref<1000001x64xf32, #tpu.memory_space<hbm>> -> memref<1x64xf32, #tpu.memory_space<hbm>>
      tpu.enqueue_dma source(%dma_start3A_241 : memref<1x64xf32, #tpu.memory_space<hbm>>) target(%dma_start3A_239 : memref<1x64xf32, #tpu.memory_space<vmem>>) target_semaphore(%arg16 : memref<!tpu.dma_semaphore, #tpu.memory_space<semaphore_mem>>)
      %slice3A_242 = vector.extract_strided_slice %get3A_62 {offsets = [13], sizes = [1], strides = [1]} : vector<16xi32> to vector<1xi32>
      %squeeze3A_243 = vector.extract %slice3A_242[0] : i32 from vector<1xi32>
      %mul3A_244 = arith.constant 16 : i32
      %mul3A_245 = arith.muli %scan3A_56, %mul3A_244 : i32
      %add3A_246 = arith.constant 13 : i32
      %add3A_247 = arith.addi %mul3A_245, %add3A_246 : i32
      %dma_start3A_248 = arith.constant 0 : i32
      %dma_start3A_249 = tpu.memref_slice %arg12[%add3A_247, %dma_start3A_248] : memref<256x64xf32, #tpu.memory_space<vmem>> -> memref<1x64xf32, #tpu.memory_space<vmem>>
      %dma_start3A_250 = arith.constant 0 : i32
      %dma_start3A_251 = tpu.memref_slice %arg4[%squeeze3A_243, %dma_start3A_250] : memref<1000001x64xf32, #tpu.memory_space<hbm>> -> memref<1x64xf32, #tpu.memory_space<hbm>>
      %dma_start3A_252 = arith.constant 0 : i32
      %dma_start3A_253 = tpu.memref_slice %arg12[%add3A_247, %dma_start3A_252] : memref<256x64xf32, #tpu.memory_space<vmem>> -> memref<1x64xf32, #tpu.memory_space<vmem>>
      %dma_start3A_254 = arith.constant 0 : i32
      %dma_start3A_255 = tpu.memref_slice %arg4[%squeeze3A_243, %dma_start3A_254] : memref<1000001x64xf32, #tpu.memory_space<hbm>> -> memref<1x64xf32, #tpu.memory_space<hbm>>
      tpu.enqueue_dma source(%dma_start3A_255 : memref<1x64xf32, #tpu.memory_space<hbm>>) target(%dma_start3A_253 : memref<1x64xf32, #tpu.memory_space<vmem>>) target_semaphore(%arg16 : memref<!tpu.dma_semaphore, #tpu.memory_space<semaphore_mem>>)
      %slice3A_256 = vector.extract_strided_slice %get3A_62 {offsets = [14], sizes = [1], strides = [1]} : vector<16xi32> to vector<1xi32>
      %squeeze3A_257 = vector.extract %slice3A_256[0] : i32 from vector<1xi32>
      %mul3A_258 = arith.constant 16 : i32
      %mul3A_259 = arith.muli %scan3A_56, %mul3A_258 : i32
      %add3A_260 = arith.constant 14 : i32
      %add3A_261 = arith.addi %mul3A_259, %add3A_260 : i32
      %dma_start3A_262 = arith.constant 0 : i32
      %dma_start3A_263 = tpu.memref_slice %arg12[%add3A_261, %dma_start3A_262] : memref<256x64xf32, #tpu.memory_space<vmem>> -> memref<1x64xf32, #tpu.memory_space<vmem>>
      %dma_start3A_264 = arith.constant 0 : i32
      %dma_start3A_265 = tpu.memref_slice %arg4[%squeeze3A_257, %dma_start3A_264] : memref<1000001x64xf32, #tpu.memory_space<hbm>> -> memref<1x64xf32, #tpu.memory_space<hbm>>
      %dma_start3A_266 = arith.constant 0 : i32
      %dma_start3A_267 = tpu.memref_slice %arg12[%add3A_261, %dma_start3A_266] : memref<256x64xf32, #tpu.memory_space<vmem>> -> memref<1x64xf32, #tpu.memory_space<vmem>>
      %dma_start3A_268 = arith.constant 0 : i32
      %dma_start3A_269 = tpu.memref_slice %arg4[%squeeze3A_257, %dma_start3A_268] : memref<1000001x64xf32, #tpu.memory_space<hbm>> -> memref<1x64xf32, #tpu.memory_space<hbm>>
      tpu.enqueue_dma source(%dma_start3A_269 : memref<1x64xf32, #tpu.memory_space<hbm>>) target(%dma_start3A_267 : memref<1x64xf32, #tpu.memory_space<vmem>>) target_semaphore(%arg16 : memref<!tpu.dma_semaphore, #tpu.memory_space<semaphore_mem>>)
      %slice3A_270 = vector.extract_strided_slice %get3A_62 {offsets = [15], sizes = [1], strides = [1]} : vector<16xi32> to vector<1xi32>
      %squeeze3A_271 = vector.extract %slice3A_270[0] : i32 from vector<1xi32>
      %mul3A_272 = arith.constant 16 : i32
      %mul3A_273 = arith.muli %scan3A_56, %mul3A_272 : i32
      %add3A_274 = arith.constant 15 : i32
      %add3A_275 = arith.addi %mul3A_273, %add3A_274 : i32
      %dma_start3A_276 = arith.constant 0 : i32
      %dma_start3A_277 = tpu.memref_slice %arg12[%add3A_275, %dma_start3A_276] : memref<256x64xf32, #tpu.memory_space<vmem>> -> memref<1x64xf32, #tpu.memory_space<vmem>>
      %dma_start3A_278 = arith.constant 0 : i32
      %dma_start3A_279 = tpu.memref_slice %arg4[%squeeze3A_271, %dma_start3A_278] : memref<1000001x64xf32, #tpu.memory_space<hbm>> -> memref<1x64xf32, #tpu.memory_space<hbm>>
      %dma_start3A_280 = arith.constant 0 : i32
      %dma_start3A_281 = tpu.memref_slice %arg12[%add3A_275, %dma_start3A_280] : memref<256x64xf32, #tpu.memory_space<vmem>> -> memref<1x64xf32, #tpu.memory_space<vmem>>
      %dma_start3A_282 = arith.constant 0 : i32
      %dma_start3A_283 = tpu.memref_slice %arg4[%squeeze3A_271, %dma_start3A_282] : memref<1000001x64xf32, #tpu.memory_space<hbm>> -> memref<1x64xf32, #tpu.memory_space<hbm>>
      tpu.enqueue_dma source(%dma_start3A_283 : memref<1x64xf32, #tpu.memory_space<hbm>>) target(%dma_start3A_281 : memref<1x64xf32, #tpu.memory_space<vmem>>) target_semaphore(%arg16 : memref<!tpu.dma_semaphore, #tpu.memory_space<semaphore_mem>>)
    }
    %scan3A_20 = arith.constant 16 : i32
    %scan3A_21 = arith.constant 0 : i32
    %scan3A_22 = arith.constant 0 : i32
    %scan3A_23 = arith.constant 32 : i32
    %scan3A_24 = arith.addi %scan3A_22, %scan3A_23 : i32
    %scan3A_25 = arith.constant 1 : i32
    scf.for %scan3A_56 = %scan3A_22 to %scan3A_24 step %scan3A_25  : i32 {
      %mul3A_57 = arith.constant 16 : i32
      %mul3A_58 = arith.muli %scan3A_56, %mul3A_57 : i32
      %get3A_59 = arith.index_cast %mul3A_58 : i32 to index
      %get3A_60 = tpu.vector_load %arg10[%get3A_59] {strides = array<i32>} : memref<512xf32, #tpu.memory_space<vmem>>, vector<16xf32>,
      %broadcast_in_dim3A = arith.constant 1 : i32
      %broadcast_in_dim3A_61 = vector.broadcast %broadcast_in_dim3A : i32 to vector<16xi32>
      %broadcast_in_dim3A_62 = arith.constant 0 : i32
      %broadcast_in_dim3A_63 = vector.broadcast %broadcast_in_dim3A_62 : i32 to vector<16xi32>
      %get3A_64 = arith.constant 0 : i32
      %get3A_65 = arith.index_cast %get3A_64 : i32 to index
      %get3A_66 = arith.constant 0 : index
      %get3A_67 = tpu.vector_load %arg14[%get3A_65, %get3A_66] {strides = array<i32>} : memref<10x16xf32, #tpu.memory_space<vmem>>, vector<16xf32>,
      %ge3A = arith.cmpf oge, %get3A_60, %get3A_67 : vector<16xf32>
      %select_n3A = arith.select %ge3A, %broadcast_in_dim3A_61, %broadcast_in_dim3A_63 : vector<16xi1>, vector<16xi32>
      %get3A_68 = arith.constant 1 : i32
      %get3A_69 = arith.index_cast %get3A_68 : i32 to index
      %get3A_70 = arith.constant 0 : index
      %get3A_71 = tpu.vector_load %arg14[%get3A_69, %get3A_70] {strides = array<i32>} : memref<10x16xf32, #tpu.memory_space<vmem>>, vector<16xf32>,
      %ge3A_72 = arith.cmpf oge, %get3A_60, %get3A_71 : vector<16xf32>
      %select_n3A_73 = arith.select %ge3A_72, %broadcast_in_dim3A_61, %broadcast_in_dim3A_63 : vector<16xi1>, vector<16xi32>
      %add3A_74 = arith.addi %select_n3A, %select_n3A_73 : vector<16xi32>
      %get3A_75 = arith.constant 2 : i32
      %get3A_76 = arith.index_cast %get3A_75 : i32 to index
      %get3A_77 = arith.constant 0 : index
      %get3A_78 = tpu.vector_load %arg14[%get3A_76, %get3A_77] {strides = array<i32>} : memref<10x16xf32, #tpu.memory_space<vmem>>, vector<16xf32>,
      %ge3A_79 = arith.cmpf oge, %get3A_60, %get3A_78 : vector<16xf32>
      %select_n3A_80 = arith.select %ge3A_79, %broadcast_in_dim3A_61, %broadcast_in_dim3A_63 : vector<16xi1>, vector<16xi32>
      %add3A_81 = arith.addi %add3A_74, %select_n3A_80 : vector<16xi32>
      %get3A_82 = arith.constant 3 : i32
      %get3A_83 = arith.index_cast %get3A_82 : i32 to index
      %get3A_84 = arith.constant 0 : index
      %get3A_85 = tpu.vector_load %arg14[%get3A_83, %get3A_84] {strides = array<i32>} : memref<10x16xf32, #tpu.memory_space<vmem>>, vector<16xf32>,
      %ge3A_86 = arith.cmpf oge, %get3A_60, %get3A_85 : vector<16xf32>
      %select_n3A_87 = arith.select %ge3A_86, %broadcast_in_dim3A_61, %broadcast_in_dim3A_63 : vector<16xi1>, vector<16xi32>
      %add3A_88 = arith.addi %add3A_81, %select_n3A_87 : vector<16xi32>
      %get3A_89 = arith.constant 4 : i32
      %get3A_90 = arith.index_cast %get3A_89 : i32 to index
      %get3A_91 = arith.constant 0 : index
      %get3A_92 = tpu.vector_load %arg14[%get3A_90, %get3A_91] {strides = array<i32>} : memref<10x16xf32, #tpu.memory_space<vmem>>, vector<16xf32>,
      %ge3A_93 = arith.cmpf oge, %get3A_60, %get3A_92 : vector<16xf32>
      %select_n3A_94 = arith.select %ge3A_93, %broadcast_in_dim3A_61, %broadcast_in_dim3A_63 : vector<16xi1>, vector<16xi32>
      %add3A_95 = arith.addi %add3A_88, %select_n3A_94 : vector<16xi32>
      %get3A_96 = arith.constant 5 : i32
      %get3A_97 = arith.index_cast %get3A_96 : i32 to index
      %get3A_98 = arith.constant 0 : index
      %get3A_99 = tpu.vector_load %arg14[%get3A_97, %get3A_98] {strides = array<i32>} : memref<10x16xf32, #tpu.memory_space<vmem>>, vector<16xf32>,
      %ge3A_100 = arith.cmpf oge, %get3A_60, %get3A_99 : vector<16xf32>
      %select_n3A_101 = arith.select %ge3A_100, %broadcast_in_dim3A_61, %broadcast_in_dim3A_63 : vector<16xi1>, vector<16xi32>
      %add3A_102 = arith.addi %add3A_95, %select_n3A_101 : vector<16xi32>
      %get3A_103 = arith.constant 6 : i32
      %get3A_104 = arith.index_cast %get3A_103 : i32 to index
      %get3A_105 = arith.constant 0 : index
      %get3A_106 = tpu.vector_load %arg14[%get3A_104, %get3A_105] {strides = array<i32>} : memref<10x16xf32, #tpu.memory_space<vmem>>, vector<16xf32>,
      %ge3A_107 = arith.cmpf oge, %get3A_60, %get3A_106 : vector<16xf32>
      %select_n3A_108 = arith.select %ge3A_107, %broadcast_in_dim3A_61, %broadcast_in_dim3A_63 : vector<16xi1>, vector<16xi32>
      %add3A_109 = arith.addi %add3A_102, %select_n3A_108 : vector<16xi32>
      %get3A_110 = arith.constant 7 : i32
      %get3A_111 = arith.index_cast %get3A_110 : i32 to index
      %get3A_112 = arith.constant 0 : index
      %get3A_113 = tpu.vector_load %arg14[%get3A_111, %get3A_112] {strides = array<i32>} : memref<10x16xf32, #tpu.memory_space<vmem>>, vector<16xf32>,
      %ge3A_114 = arith.cmpf oge, %get3A_60, %get3A_113 : vector<16xf32>
      %select_n3A_115 = arith.select %ge3A_114, %broadcast_in_dim3A_61, %broadcast_in_dim3A_63 : vector<16xi1>, vector<16xi32>
      %add3A_116 = arith.addi %add3A_109, %select_n3A_115 : vector<16xi32>
      %get3A_117 = arith.constant 8 : i32
      %get3A_118 = arith.index_cast %get3A_117 : i32 to index
      %get3A_119 = arith.constant 0 : index
      %get3A_120 = tpu.vector_load %arg14[%get3A_118, %get3A_119] {strides = array<i32>} : memref<10x16xf32, #tpu.memory_space<vmem>>, vector<16xf32>,
      %ge3A_121 = arith.cmpf oge, %get3A_60, %get3A_120 : vector<16xf32>
      %select_n3A_122 = arith.select %ge3A_121, %broadcast_in_dim3A_61, %broadcast_in_dim3A_63 : vector<16xi1>, vector<16xi32>
      %add3A_123 = arith.addi %add3A_116, %select_n3A_122 : vector<16xi32>
      %get3A_124 = arith.constant 9 : i32
      %get3A_125 = arith.index_cast %get3A_124 : i32 to index
      %get3A_126 = arith.constant 0 : index
      %get3A_127 = tpu.vector_load %arg14[%get3A_125, %get3A_126] {strides = array<i32>} : memref<10x16xf32, #tpu.memory_space<vmem>>, vector<16xf32>,
      %ge3A_128 = arith.cmpf oge, %get3A_60, %get3A_127 : vector<16xf32>
      %select_n3A_129 = arith.select %ge3A_128, %broadcast_in_dim3A_61, %broadcast_in_dim3A_63 : vector<16xi1>, vector<16xi32>
      %add3A_130 = arith.addi %add3A_123, %select_n3A_129 : vector<16xi32>
      %sub3A = arith.subf %get3A_60, %get3A_5 : vector<16xf32>
      %mul3A_131 = arith.mulf %sub3A, %get3A_9 : vector<16xf32>
      %swap3A = arith.constant 128 : i32
      %swap3A_132 = arith.index_cast %swap3A : i32 to index
      %swap3A_133 = arith.index_cast %mul3A_58 : i32 to index
      %swap3A_134 = tpu.vector_load %arg13[%swap3A_132, %swap3A_133] {strides = array<i32>} : memref<129x512xf32, #tpu.memory_space<vmem>>, vector<16xf32>,
      tpu.vector_store %arg13[%swap3A_132, %swap3A_133], %mul3A_131 {strides = array<i32>} : memref<129x512xf32, #tpu.memory_space<vmem>>, vector<16xf32>,
      %broadcast_in_dim3A_135 = arith.constant 0 : i32
      %broadcast_in_dim3A_136 = vector.broadcast %broadcast_in_dim3A_135 : i32 to vector<16xi32>
      %gather3A = tpu.vector_load_idx %arg11[%broadcast_in_dim3A_136, %add3A_130] : memref<64x11xf32, #tpu.memory_space<vmem>>[vector<16xi32>, vector<16xi32>], vector<16xf32>,
      %swap3A_137 = arith.constant 64 : i32
      %swap3A_138 = arith.index_cast %swap3A_137 : i32 to index
      %swap3A_139 = arith.index_cast %mul3A_58 : i32 to index
      %swap3A_140 = tpu.vector_load %arg13[%swap3A_138, %swap3A_139] {strides = array<i32>} : memref<129x512xf32, #tpu.memory_space<vmem>>, vector<16xf32>,
      tpu.vector_store %arg13[%swap3A_138, %swap3A_139], %gather3A {strides = array<i32>} : memref<129x512xf32, #tpu.memory_space<vmem>>, vector<16xf32>,
      %broadcast_in_dim3A_141 = arith.constant 1 : i32
      %broadcast_in_dim3A_142 = vector.broadcast %broadcast_in_dim3A_141 : i32 to vector<16xi32>
      %gather3A_143 = tpu.vector_load_idx %arg11[%broadcast_in_dim3A_142, %add3A_130] : memref<64x11xf32, #tpu.memory_space<vmem>>[vector<16xi32>, vector<16xi32>], vector<16xf32>,
      %swap3A_144 = arith.constant 65 : i32
      %swap3A_145 = arith.index_cast %swap3A_144 : i32 to index
      %swap3A_146 = arith.index_cast %mul3A_58 : i32 to index
      %swap3A_147 = tpu.vector_load %arg13[%swap3A_145, %swap3A_146] {strides = array<i32>} : memref<129x512xf32, #tpu.memory_space<vmem>>, vector<16xf32>,
      tpu.vector_store %arg13[%swap3A_145, %swap3A_146], %gather3A_143 {strides = array<i32>} : memref<129x512xf32, #tpu.memory_space<vmem>>, vector<16xf32>,
      %broadcast_in_dim3A_148 = arith.constant 2 : i32
      %broadcast_in_dim3A_149 = vector.broadcast %broadcast_in_dim3A_148 : i32 to vector<16xi32>
      %gather3A_150 = tpu.vector_load_idx %arg11[%broadcast_in_dim3A_149, %add3A_130] : memref<64x11xf32, #tpu.memory_space<vmem>>[vector<16xi32>, vector<16xi32>], vector<16xf32>,
      %swap3A_151 = arith.constant 66 : i32
      %swap3A_152 = arith.index_cast %swap3A_151 : i32 to index
      %swap3A_153 = arith.index_cast %mul3A_58 : i32 to index
      %swap3A_154 = tpu.vector_load %arg13[%swap3A_152, %swap3A_153] {strides = array<i32>} : memref<129x512xf32, #tpu.memory_space<vmem>>, vector<16xf32>,
      tpu.vector_store %arg13[%swap3A_152, %swap3A_153], %gather3A_150 {strides = array<i32>} : memref<129x512xf32, #tpu.memory_space<vmem>>, vector<16xf32>,
      %broadcast_in_dim3A_155 = arith.constant 3 : i32
      %broadcast_in_dim3A_156 = vector.broadcast %broadcast_in_dim3A_155 : i32 to vector<16xi32>
      %gather3A_157 = tpu.vector_load_idx %arg11[%broadcast_in_dim3A_156, %add3A_130] : memref<64x11xf32, #tpu.memory_space<vmem>>[vector<16xi32>, vector<16xi32>], vector<16xf32>,
      %swap3A_158 = arith.constant 67 : i32
      %swap3A_159 = arith.index_cast %swap3A_158 : i32 to index
      %swap3A_160 = arith.index_cast %mul3A_58 : i32 to index
      %swap3A_161 = tpu.vector_load %arg13[%swap3A_159, %swap3A_160] {strides = array<i32>} : memref<129x512xf32, #tpu.memory_space<vmem>>, vector<16xf32>,
      tpu.vector_store %arg13[%swap3A_159, %swap3A_160], %gather3A_157 {strides = array<i32>} : memref<129x512xf32, #tpu.memory_space<vmem>>, vector<16xf32>,
      %broadcast_in_dim3A_162 = arith.constant 4 : i32
      %broadcast_in_dim3A_163 = vector.broadcast %broadcast_in_dim3A_162 : i32 to vector<16xi32>
      %gather3A_164 = tpu.vector_load_idx %arg11[%broadcast_in_dim3A_163, %add3A_130] : memref<64x11xf32, #tpu.memory_space<vmem>>[vector<16xi32>, vector<16xi32>], vector<16xf32>,
      %swap3A_165 = arith.constant 68 : i32
      %swap3A_166 = arith.index_cast %swap3A_165 : i32 to index
      %swap3A_167 = arith.index_cast %mul3A_58 : i32 to index
      %swap3A_168 = tpu.vector_load %arg13[%swap3A_166, %swap3A_167] {strides = array<i32>} : memref<129x512xf32, #tpu.memory_space<vmem>>, vector<16xf32>,
      tpu.vector_store %arg13[%swap3A_166, %swap3A_167], %gather3A_164 {strides = array<i32>} : memref<129x512xf32, #tpu.memory_space<vmem>>, vector<16xf32>,
      %broadcast_in_dim3A_169 = arith.constant 5 : i32
      %broadcast_in_dim3A_170 = vector.broadcast %broadcast_in_dim3A_169 : i32 to vector<16xi32>
      %gather3A_171 = tpu.vector_load_idx %arg11[%broadcast_in_dim3A_170, %add3A_130] : memref<64x11xf32, #tpu.memory_space<vmem>>[vector<16xi32>, vector<16xi32>], vector<16xf32>,
      %swap3A_172 = arith.constant 69 : i32
      %swap3A_173 = arith.index_cast %swap3A_172 : i32 to index
      %swap3A_174 = arith.index_cast %mul3A_58 : i32 to index
      %swap3A_175 = tpu.vector_load %arg13[%swap3A_173, %swap3A_174] {strides = array<i32>} : memref<129x512xf32, #tpu.memory_space<vmem>>, vector<16xf32>,
      tpu.vector_store %arg13[%swap3A_173, %swap3A_174], %gather3A_171 {strides = array<i32>} : memref<129x512xf32, #tpu.memory_space<vmem>>, vector<16xf32>,
      %broadcast_in_dim3A_176 = arith.constant 6 : i32
      %broadcast_in_dim3A_177 = vector.broadcast %broadcast_in_dim3A_176 : i32 to vector<16xi32>
      %gather3A_178 = tpu.vector_load_idx %arg11[%broadcast_in_dim3A_177, %add3A_130] : memref<64x11xf32, #tpu.memory_space<vmem>>[vector<16xi32>, vector<16xi32>], vector<16xf32>,
      %swap3A_179 = arith.constant 70 : i32
      %swap3A_180 = arith.index_cast %swap3A_179 : i32 to index
      %swap3A_181 = arith.index_cast %mul3A_58 : i32 to index
      %swap3A_182 = tpu.vector_load %arg13[%swap3A_180, %swap3A_181] {strides = array<i32>} : memref<129x512xf32, #tpu.memory_space<vmem>>, vector<16xf32>,
      tpu.vector_store %arg13[%swap3A_180, %swap3A_181], %gather3A_178 {strides = array<i32>} : memref<129x512xf32, #tpu.memory_space<vmem>>, vector<16xf32>,
      %broadcast_in_dim3A_183 = arith.constant 7 : i32
      %broadcast_in_dim3A_184 = vector.broadcast %broadcast_in_dim3A_183 : i32 to vector<16xi32>
      %gather3A_185 = tpu.vector_load_idx %arg11[%broadcast_in_dim3A_184, %add3A_130] : memref<64x11xf32, #tpu.memory_space<vmem>>[vector<16xi32>, vector<16xi32>], vector<16xf32>,
      %swap3A_186 = arith.constant 71 : i32
      %swap3A_187 = arith.index_cast %swap3A_186 : i32 to index
      %swap3A_188 = arith.index_cast %mul3A_58 : i32 to index
      %swap3A_189 = tpu.vector_load %arg13[%swap3A_187, %swap3A_188] {strides = array<i32>} : memref<129x512xf32, #tpu.memory_space<vmem>>, vector<16xf32>,
      tpu.vector_store %arg13[%swap3A_187, %swap3A_188], %gather3A_185 {strides = array<i32>} : memref<129x512xf32, #tpu.memory_space<vmem>>, vector<16xf32>,
      %broadcast_in_dim3A_190 = arith.constant 8 : i32
      %broadcast_in_dim3A_191 = vector.broadcast %broadcast_in_dim3A_190 : i32 to vector<16xi32>
      %gather3A_192 = tpu.vector_load_idx %arg11[%broadcast_in_dim3A_191, %add3A_130] : memref<64x11xf32, #tpu.memory_space<vmem>>[vector<16xi32>, vector<16xi32>], vector<16xf32>,
      %swap3A_193 = arith.constant 72 : i32
      %swap3A_194 = arith.index_cast %swap3A_193 : i32 to index
      %swap3A_195 = arith.index_cast %mul3A_58 : i32 to index
      %swap3A_196 = tpu.vector_load %arg13[%swap3A_194, %swap3A_195] {strides = array<i32>} : memref<129x512xf32, #tpu.memory_space<vmem>>, vector<16xf32>,
      tpu.vector_store %arg13[%swap3A_194, %swap3A_195], %gather3A_192 {strides = array<i32>} : memref<129x512xf32, #tpu.memory_space<vmem>>, vector<16xf32>,
      %broadcast_in_dim3A_197 = arith.constant 9 : i32
      %broadcast_in_dim3A_198 = vector.broadcast %broadcast_in_dim3A_197 : i32 to vector<16xi32>
      %gather3A_199 = tpu.vector_load_idx %arg11[%broadcast_in_dim3A_198, %add3A_130] : memref<64x11xf32, #tpu.memory_space<vmem>>[vector<16xi32>, vector<16xi32>], vector<16xf32>,
      %swap3A_200 = arith.constant 73 : i32
      %swap3A_201 = arith.index_cast %swap3A_200 : i32 to index
      %swap3A_202 = arith.index_cast %mul3A_58 : i32 to index
      %swap3A_203 = tpu.vector_load %arg13[%swap3A_201, %swap3A_202] {strides = array<i32>} : memref<129x512xf32, #tpu.memory_space<vmem>>, vector<16xf32>,
      tpu.vector_store %arg13[%swap3A_201, %swap3A_202], %gather3A_199 {strides = array<i32>} : memref<129x512xf32, #tpu.memory_space<vmem>>, vector<16xf32>,
      %broadcast_in_dim3A_204 = arith.constant 10 : i32
      %broadcast_in_dim3A_205 = vector.broadcast %broadcast_in_dim3A_204 : i32 to vector<16xi32>
      %gather3A_206 = tpu.vector_load_idx %arg11[%broadcast_in_dim3A_205, %add3A_130] : memref<64x11xf32, #tpu.memory_space<vmem>>[vector<16xi32>, vector<16xi32>], vector<16xf32>,
      %swap3A_207 = arith.constant 74 : i32
      %swap3A_208 = arith.index_cast %swap3A_207 : i32 to index
      %swap3A_209 = arith.index_cast %mul3A_58 : i32 to index
      %swap3A_210 = tpu.vector_load %arg13[%swap3A_208, %swap3A_209] {strides = array<i32>} : memref<129x512xf32, #tpu.memory_space<vmem>>, vector<16xf32>,
      tpu.vector_store %arg13[%swap3A_208, %swap3A_209], %gather3A_206 {strides = array<i32>} : memref<129x512xf32, #tpu.memory_space<vmem>>, vector<16xf32>,
      %broadcast_in_dim3A_211 = arith.constant 11 : i32
      %broadcast_in_dim3A_212 = vector.broadcast %broadcast_in_dim3A_211 : i32 to vector<16xi32>
      %gather3A_213 = tpu.vector_load_idx %arg11[%broadcast_in_dim3A_212, %add3A_130] : memref<64x11xf32, #tpu.memory_space<vmem>>[vector<16xi32>, vector<16xi32>], vector<16xf32>,
      %swap3A_214 = arith.constant 75 : i32
      %swap3A_215 = arith.index_cast %swap3A_214 : i32 to index
      %swap3A_216 = arith.index_cast %mul3A_58 : i32 to index
      %swap3A_217 = tpu.vector_load %arg13[%swap3A_215, %swap3A_216] {strides = array<i32>} : memref<129x512xf32, #tpu.memory_space<vmem>>, vector<16xf32>,
      tpu.vector_store %arg13[%swap3A_215, %swap3A_216], %gather3A_213 {strides = array<i32>} : memref<129x512xf32, #tpu.memory_space<vmem>>, vector<16xf32>,
      %broadcast_in_dim3A_218 = arith.constant 12 : i32
      %broadcast_in_dim3A_219 = vector.broadcast %broadcast_in_dim3A_218 : i32 to vector<16xi32>
      %gather3A_220 = tpu.vector_load_idx %arg11[%broadcast_in_dim3A_219, %add3A_130] : memref<64x11xf32, #tpu.memory_space<vmem>>[vector<16xi32>, vector<16xi32>], vector<16xf32>,
      %swap3A_221 = arith.constant 76 : i32
      %swap3A_222 = arith.index_cast %swap3A_221 : i32 to index
      %swap3A_223 = arith.index_cast %mul3A_58 : i32 to index
      %swap3A_224 = tpu.vector_load %arg13[%swap3A_222, %swap3A_223] {strides = array<i32>} : memref<129x512xf32, #tpu.memory_space<vmem>>, vector<16xf32>,
      tpu.vector_store %arg13[%swap3A_222, %swap3A_223], %gather3A_220 {strides = array<i32>} : memref<129x512xf32, #tpu.memory_space<vmem>>, vector<16xf32>,
      %broadcast_in_dim3A_225 = arith.constant 13 : i32
      %broadcast_in_dim3A_226 = vector.broadcast %broadcast_in_dim3A_225 : i32 to vector<16xi32>
      %gather3A_227 = tpu.vector_load_idx %arg11[%broadcast_in_dim3A_226, %add3A_130] : memref<64x11xf32, #tpu.memory_space<vmem>>[vector<16xi32>, vector<16xi32>], vector<16xf32>,
      %swap3A_228 = arith.constant 77 : i32
      %swap3A_229 = arith.index_cast %swap3A_228 : i32 to index
      %swap3A_230 = arith.index_cast %mul3A_58 : i32 to index
      %swap3A_231 = tpu.vector_load %arg13[%swap3A_229, %swap3A_230] {strides = array<i32>} : memref<129x512xf32, #tpu.memory_space<vmem>>, vector<16xf32>,
      tpu.vector_store %arg13[%swap3A_229, %swap3A_230], %gather3A_227 {strides = array<i32>} : memref<129x512xf32, #tpu.memory_space<vmem>>, vector<16xf32>,
      %broadcast_in_dim3A_232 = arith.constant 14 : i32
      %broadcast_in_dim3A_233 = vector.broadcast %broadcast_in_dim3A_232 : i32 to vector<16xi32>
      %gather3A_234 = tpu.vector_load_idx %arg11[%broadcast_in_dim3A_233, %add3A_130] : memref<64x11xf32, #tpu.memory_space<vmem>>[vector<16xi32>, vector<16xi32>], vector<16xf32>,
      %swap3A_235 = arith.constant 78 : i32
      %swap3A_236 = arith.index_cast %swap3A_235 : i32 to index
      %swap3A_237 = arith.index_cast %mul3A_58 : i32 to index
      %swap3A_238 = tpu.vector_load %arg13[%swap3A_236, %swap3A_237] {strides = array<i32>} : memref<129x512xf32, #tpu.memory_space<vmem>>, vector<16xf32>,
      tpu.vector_store %arg13[%swap3A_236, %swap3A_237], %gather3A_234 {strides = array<i32>} : memref<129x512xf32, #tpu.memory_space<vmem>>, vector<16xf32>,
      %broadcast_in_dim3A_239 = arith.constant 15 : i32
      %broadcast_in_dim3A_240 = vector.broadcast %broadcast_in_dim3A_239 : i32 to vector<16xi32>
      %gather3A_241 = tpu.vector_load_idx %arg11[%broadcast_in_dim3A_240, %add3A_130] : memref<64x11xf32, #tpu.memory_space<vmem>>[vector<16xi32>, vector<16xi32>], vector<16xf32>,
      %swap3A_242 = arith.constant 79 : i32
      %swap3A_243 = arith.index_cast %swap3A_242 : i32 to index
      %swap3A_244 = arith.index_cast %mul3A_58 : i32 to index
      %swap3A_245 = tpu.vector_load %arg13[%swap3A_243, %swap3A_244] {strides = array<i32>} : memref<129x512xf32, #tpu.memory_space<vmem>>, vector<16xf32>,
      tpu.vector_store %arg13[%swap3A_243, %swap3A_244], %gather3A_241 {strides = array<i32>} : memref<129x512xf32, #tpu.memory_space<vmem>>, vector<16xf32>,
      %broadcast_in_dim3A_246 = arith.constant 16 : i32
      %broadcast_in_dim3A_247 = vector.broadcast %broadcast_in_dim3A_246 : i32 to vector<16xi32>
      %gather3A_248 = tpu.vector_load_idx %arg11[%broadcast_in_dim3A_247, %add3A_130] : memref<64x11xf32, #tpu.memory_space<vmem>>[vector<16xi32>, vector<16xi32>], vector<16xf32>,
      %swap3A_249 = arith.constant 80 : i32
      %swap3A_250 = arith.index_cast %swap3A_249 : i32 to index
      %swap3A_251 = arith.index_cast %mul3A_58 : i32 to index
      %swap3A_252 = tpu.vector_load %arg13[%swap3A_250, %swap3A_251] {strides = array<i32>} : memref<129x512xf32, #tpu.memory_space<vmem>>, vector<16xf32>,
      tpu.vector_store %arg13[%swap3A_250, %swap3A_251], %gather3A_248 {strides = array<i32>} : memref<129x512xf32, #tpu.memory_space<vmem>>, vector<16xf32>,
      %broadcast_in_dim3A_253 = arith.constant 17 : i32
      %broadcast_in_dim3A_254 = vector.broadcast %broadcast_in_dim3A_253 : i32 to vector<16xi32>
      %gather3A_255 = tpu.vector_load_idx %arg11[%broadcast_in_dim3A_254, %add3A_130] : memref<64x11xf32, #tpu.memory_space<vmem>>[vector<16xi32>, vector<16xi32>], vector<16xf32>,
      %swap3A_256 = arith.constant 81 : i32
      %swap3A_257 = arith.index_cast %swap3A_256 : i32 to index
      %swap3A_258 = arith.index_cast %mul3A_58 : i32 to index
      %swap3A_259 = tpu.vector_load %arg13[%swap3A_257, %swap3A_258] {strides = array<i32>} : memref<129x512xf32, #tpu.memory_space<vmem>>, vector<16xf32>,
      tpu.vector_store %arg13[%swap3A_257, %swap3A_258], %gather3A_255 {strides = array<i32>} : memref<129x512xf32, #tpu.memory_space<vmem>>, vector<16xf32>,
      %broadcast_in_dim3A_260 = arith.constant 18 : i32
      %broadcast_in_dim3A_261 = vector.broadcast %broadcast_in_dim3A_260 : i32 to vector<16xi32>
      %gather3A_262 = tpu.vector_load_idx %arg11[%broadcast_in_dim3A_261, %add3A_130] : memref<64x11xf32, #tpu.memory_space<vmem>>[vector<16xi32>, vector<16xi32>], vector<16xf32>,
      %swap3A_263 = arith.constant 82 : i32
      %swap3A_264 = arith.index_cast %swap3A_263 : i32 to index
      %swap3A_265 = arith.index_cast %mul3A_58 : i32 to index
      %swap3A_266 = tpu.vector_load %arg13[%swap3A_264, %swap3A_265] {strides = array<i32>} : memref<129x512xf32, #tpu.memory_space<vmem>>, vector<16xf32>,
      tpu.vector_store %arg13[%swap3A_264, %swap3A_265], %gather3A_262 {strides = array<i32>} : memref<129x512xf32, #tpu.memory_space<vmem>>, vector<16xf32>,
      %broadcast_in_dim3A_267 = arith.constant 19 : i32
      %broadcast_in_dim3A_268 = vector.broadcast %broadcast_in_dim3A_267 : i32 to vector<16xi32>
      %gather3A_269 = tpu.vector_load_idx %arg11[%broadcast_in_dim3A_268, %add3A_130] : memref<64x11xf32, #tpu.memory_space<vmem>>[vector<16xi32>, vector<16xi32>], vector<16xf32>,
      %swap3A_270 = arith.constant 83 : i32
      %swap3A_271 = arith.index_cast %swap3A_270 : i32 to index
      %swap3A_272 = arith.index_cast %mul3A_58 : i32 to index
      %swap3A_273 = tpu.vector_load %arg13[%swap3A_271, %swap3A_272] {strides = array<i32>} : memref<129x512xf32, #tpu.memory_space<vmem>>, vector<16xf32>,
      tpu.vector_store %arg13[%swap3A_271, %swap3A_272], %gather3A_269 {strides = array<i32>} : memref<129x512xf32, #tpu.memory_space<vmem>>, vector<16xf32>,
      %broadcast_in_dim3A_274 = arith.constant 20 : i32
      %broadcast_in_dim3A_275 = vector.broadcast %broadcast_in_dim3A_274 : i32 to vector<16xi32>
      %gather3A_276 = tpu.vector_load_idx %arg11[%broadcast_in_dim3A_275, %add3A_130] : memref<64x11xf32, #tpu.memory_space<vmem>>[vector<16xi32>, vector<16xi32>], vector<16xf32>,
      %swap3A_277 = arith.constant 84 : i32
      %swap3A_278 = arith.index_cast %swap3A_277 : i32 to index
      %swap3A_279 = arith.index_cast %mul3A_58 : i32 to index
      %swap3A_280 = tpu.vector_load %arg13[%swap3A_278, %swap3A_279] {strides = array<i32>} : memref<129x512xf32, #tpu.memory_space<vmem>>, vector<16xf32>,
      tpu.vector_store %arg13[%swap3A_278, %swap3A_279], %gather3A_276 {strides = array<i32>} : memref<129x512xf32, #tpu.memory_space<vmem>>, vector<16xf32>,
      %broadcast_in_dim3A_281 = arith.constant 21 : i32
      %broadcast_in_dim3A_282 = vector.broadcast %broadcast_in_dim3A_281 : i32 to vector<16xi32>
      %gather3A_283 = tpu.vector_load_idx %arg11[%broadcast_in_dim3A_282, %add3A_130] : memref<64x11xf32, #tpu.memory_space<vmem>>[vector<16xi32>, vector<16xi32>], vector<16xf32>,
      %swap3A_284 = arith.constant 85 : i32
      %swap3A_285 = arith.index_cast %swap3A_284 : i32 to index
      %swap3A_286 = arith.index_cast %mul3A_58 : i32 to index
      %swap3A_287 = tpu.vector_load %arg13[%swap3A_285, %swap3A_286] {strides = array<i32>} : memref<129x512xf32, #tpu.memory_space<vmem>>, vector<16xf32>,
      tpu.vector_store %arg13[%swap3A_285, %swap3A_286], %gather3A_283 {strides = array<i32>} : memref<129x512xf32, #tpu.memory_space<vmem>>, vector<16xf32>,
      %broadcast_in_dim3A_288 = arith.constant 22 : i32
      %broadcast_in_dim3A_289 = vector.broadcast %broadcast_in_dim3A_288 : i32 to vector<16xi32>
      %gather3A_290 = tpu.vector_load_idx %arg11[%broadcast_in_dim3A_289, %add3A_130] : memref<64x11xf32, #tpu.memory_space<vmem>>[vector<16xi32>, vector<16xi32>], vector<16xf32>,
      %swap3A_291 = arith.constant 86 : i32
      %swap3A_292 = arith.index_cast %swap3A_291 : i32 to index
      %swap3A_293 = arith.index_cast %mul3A_58 : i32 to index
      %swap3A_294 = tpu.vector_load %arg13[%swap3A_292, %swap3A_293] {strides = array<i32>} : memref<129x512xf32, #tpu.memory_space<vmem>>, vector<16xf32>,
      tpu.vector_store %arg13[%swap3A_292, %swap3A_293], %gather3A_290 {strides = array<i32>} : memref<129x512xf32, #tpu.memory_space<vmem>>, vector<16xf32>,
      %broadcast_in_dim3A_295 = arith.constant 23 : i32
      %broadcast_in_dim3A_296 = vector.broadcast %broadcast_in_dim3A_295 : i32 to vector<16xi32>
      %gather3A_297 = tpu.vector_load_idx %arg11[%broadcast_in_dim3A_296, %add3A_130] : memref<64x11xf32, #tpu.memory_space<vmem>>[vector<16xi32>, vector<16xi32>], vector<16xf32>,
      %swap3A_298 = arith.constant 87 : i32
      %swap3A_299 = arith.index_cast %swap3A_298 : i32 to index
      %swap3A_300 = arith.index_cast %mul3A_58 : i32 to index
      %swap3A_301 = tpu.vector_load %arg13[%swap3A_299, %swap3A_300] {strides = array<i32>} : memref<129x512xf32, #tpu.memory_space<vmem>>, vector<16xf32>,
      tpu.vector_store %arg13[%swap3A_299, %swap3A_300], %gather3A_297 {strides = array<i32>} : memref<129x512xf32, #tpu.memory_space<vmem>>, vector<16xf32>,
      %broadcast_in_dim3A_302 = arith.constant 24 : i32
      %broadcast_in_dim3A_303 = vector.broadcast %broadcast_in_dim3A_302 : i32 to vector<16xi32>
      %gather3A_304 = tpu.vector_load_idx %arg11[%broadcast_in_dim3A_303, %add3A_130] : memref<64x11xf32, #tpu.memory_space<vmem>>[vector<16xi32>, vector<16xi32>], vector<16xf32>,
      %swap3A_305 = arith.constant 88 : i32
      %swap3A_306 = arith.index_cast %swap3A_305 : i32 to index
      %swap3A_307 = arith.index_cast %mul3A_58 : i32 to index
      %swap3A_308 = tpu.vector_load %arg13[%swap3A_306, %swap3A_307] {strides = array<i32>} : memref<129x512xf32, #tpu.memory_space<vmem>>, vector<16xf32>,
      tpu.vector_store %arg13[%swap3A_306, %swap3A_307], %gather3A_304 {strides = array<i32>} : memref<129x512xf32, #tpu.memory_space<vmem>>, vector<16xf32>,
      %broadcast_in_dim3A_309 = arith.constant 25 : i32
      %broadcast_in_dim3A_310 = vector.broadcast %broadcast_in_dim3A_309 : i32 to vector<16xi32>
      %gather3A_311 = tpu.vector_load_idx %arg11[%broadcast_in_dim3A_310, %add3A_130] : memref<64x11xf32, #tpu.memory_space<vmem>>[vector<16xi32>, vector<16xi32>], vector<16xf32>,
      %swap3A_312 = arith.constant 89 : i32
      %swap3A_313 = arith.index_cast %swap3A_312 : i32 to index
      %swap3A_314 = arith.index_cast %mul3A_58 : i32 to index
      %swap3A_315 = tpu.vector_load %arg13[%swap3A_313, %swap3A_314] {strides = array<i32>} : memref<129x512xf32, #tpu.memory_space<vmem>>, vector<16xf32>,
      tpu.vector_store %arg13[%swap3A_313, %swap3A_314], %gather3A_311 {strides = array<i32>} : memref<129x512xf32, #tpu.memory_space<vmem>>, vector<16xf32>,
      %broadcast_in_dim3A_316 = arith.constant 26 : i32
      %broadcast_in_dim3A_317 = vector.broadcast %broadcast_in_dim3A_316 : i32 to vector<16xi32>
      %gather3A_318 = tpu.vector_load_idx %arg11[%broadcast_in_dim3A_317, %add3A_130] : memref<64x11xf32, #tpu.memory_space<vmem>>[vector<16xi32>, vector<16xi32>], vector<16xf32>,
      %swap3A_319 = arith.constant 90 : i32
      %swap3A_320 = arith.index_cast %swap3A_319 : i32 to index
      %swap3A_321 = arith.index_cast %mul3A_58 : i32 to index
      %swap3A_322 = tpu.vector_load %arg13[%swap3A_320, %swap3A_321] {strides = array<i32>} : memref<129x512xf32, #tpu.memory_space<vmem>>, vector<16xf32>,
      tpu.vector_store %arg13[%swap3A_320, %swap3A_321], %gather3A_318 {strides = array<i32>} : memref<129x512xf32, #tpu.memory_space<vmem>>, vector<16xf32>,
      %broadcast_in_dim3A_323 = arith.constant 27 : i32
      %broadcast_in_dim3A_324 = vector.broadcast %broadcast_in_dim3A_323 : i32 to vector<16xi32>
      %gather3A_325 = tpu.vector_load_idx %arg11[%broadcast_in_dim3A_324, %add3A_130] : memref<64x11xf32, #tpu.memory_space<vmem>>[vector<16xi32>, vector<16xi32>], vector<16xf32>,
      %swap3A_326 = arith.constant 91 : i32
      %swap3A_327 = arith.index_cast %swap3A_326 : i32 to index
      %swap3A_328 = arith.index_cast %mul3A_58 : i32 to index
      %swap3A_329 = tpu.vector_load %arg13[%swap3A_327, %swap3A_328] {strides = array<i32>} : memref<129x512xf32, #tpu.memory_space<vmem>>, vector<16xf32>,
      tpu.vector_store %arg13[%swap3A_327, %swap3A_328], %gather3A_325 {strides = array<i32>} : memref<129x512xf32, #tpu.memory_space<vmem>>, vector<16xf32>,
      %broadcast_in_dim3A_330 = arith.constant 28 : i32
      %broadcast_in_dim3A_331 = vector.broadcast %broadcast_in_dim3A_330 : i32 to vector<16xi32>
      %gather3A_332 = tpu.vector_load_idx %arg11[%broadcast_in_dim3A_331, %add3A_130] : memref<64x11xf32, #tpu.memory_space<vmem>>[vector<16xi32>, vector<16xi32>], vector<16xf32>,
      %swap3A_333 = arith.constant 92 : i32
      %swap3A_334 = arith.index_cast %swap3A_333 : i32 to index
      %swap3A_335 = arith.index_cast %mul3A_58 : i32 to index
      %swap3A_336 = tpu.vector_load %arg13[%swap3A_334, %swap3A_335] {strides = array<i32>} : memref<129x512xf32, #tpu.memory_space<vmem>>, vector<16xf32>,
      tpu.vector_store %arg13[%swap3A_334, %swap3A_335], %gather3A_332 {strides = array<i32>} : memref<129x512xf32, #tpu.memory_space<vmem>>, vector<16xf32>,
      %broadcast_in_dim3A_337 = arith.constant 29 : i32
      %broadcast_in_dim3A_338 = vector.broadcast %broadcast_in_dim3A_337 : i32 to vector<16xi32>
      %gather3A_339 = tpu.vector_load_idx %arg11[%broadcast_in_dim3A_338, %add3A_130] : memref<64x11xf32, #tpu.memory_space<vmem>>[vector<16xi32>, vector<16xi32>], vector<16xf32>,
      %swap3A_340 = arith.constant 93 : i32
      %swap3A_341 = arith.index_cast %swap3A_340 : i32 to index
      %swap3A_342 = arith.index_cast %mul3A_58 : i32 to index
      %swap3A_343 = tpu.vector_load %arg13[%swap3A_341, %swap3A_342] {strides = array<i32>} : memref<129x512xf32, #tpu.memory_space<vmem>>, vector<16xf32>,
      tpu.vector_store %arg13[%swap3A_341, %swap3A_342], %gather3A_339 {strides = array<i32>} : memref<129x512xf32, #tpu.memory_space<vmem>>, vector<16xf32>,
      %broadcast_in_dim3A_344 = arith.constant 30 : i32
      %broadcast_in_dim3A_345 = vector.broadcast %broadcast_in_dim3A_344 : i32 to vector<16xi32>
      %gather3A_346 = tpu.vector_load_idx %arg11[%broadcast_in_dim3A_345, %add3A_130] : memref<64x11xf32, #tpu.memory_space<vmem>>[vector<16xi32>, vector<16xi32>], vector<16xf32>,
      %swap3A_347 = arith.constant 94 : i32
      %swap3A_348 = arith.index_cast %swap3A_347 : i32 to index
      %swap3A_349 = arith.index_cast %mul3A_58 : i32 to index
      %swap3A_350 = tpu.vector_load %arg13[%swap3A_348, %swap3A_349] {strides = array<i32>} : memref<129x512xf32, #tpu.memory_space<vmem>>, vector<16xf32>,
      tpu.vector_store %arg13[%swap3A_348, %swap3A_349], %gather3A_346 {strides = array<i32>} : memref<129x512xf32, #tpu.memory_space<vmem>>, vector<16xf32>,
      %broadcast_in_dim3A_351 = arith.constant 31 : i32
      %broadcast_in_dim3A_352 = vector.broadcast %broadcast_in_dim3A_351 : i32 to vector<16xi32>
      %gather3A_353 = tpu.vector_load_idx %arg11[%broadcast_in_dim3A_352, %add3A_130] : memref<64x11xf32, #tpu.memory_space<vmem>>[vector<16xi32>, vector<16xi32>], vector<16xf32>,
      %swap3A_354 = arith.constant 95 : i32
      %swap3A_355 = arith.index_cast %swap3A_354 : i32 to index
      %swap3A_356 = arith.index_cast %mul3A_58 : i32 to index
      %swap3A_357 = tpu.vector_load %arg13[%swap3A_355, %swap3A_356] {strides = array<i32>} : memref<129x512xf32, #tpu.memory_space<vmem>>, vector<16xf32>,
      tpu.vector_store %arg13[%swap3A_355, %swap3A_356], %gather3A_353 {strides = array<i32>} : memref<129x512xf32, #tpu.memory_space<vmem>>, vector<16xf32>,
      %broadcast_in_dim3A_358 = arith.constant 32 : i32
      %broadcast_in_dim3A_359 = vector.broadcast %broadcast_in_dim3A_358 : i32 to vector<16xi32>
      %gather3A_360 = tpu.vector_load_idx %arg11[%broadcast_in_dim3A_359, %add3A_130] : memref<64x11xf32, #tpu.memory_space<vmem>>[vector<16xi32>, vector<16xi32>], vector<16xf32>,
      %swap3A_361 = arith.constant 96 : i32
      %swap3A_362 = arith.index_cast %swap3A_361 : i32 to index
      %swap3A_363 = arith.index_cast %mul3A_58 : i32 to index
      %swap3A_364 = tpu.vector_load %arg13[%swap3A_362, %swap3A_363] {strides = array<i32>} : memref<129x512xf32, #tpu.memory_space<vmem>>, vector<16xf32>,
      tpu.vector_store %arg13[%swap3A_362, %swap3A_363], %gather3A_360 {strides = array<i32>} : memref<129x512xf32, #tpu.memory_space<vmem>>, vector<16xf32>,
      %broadcast_in_dim3A_365 = arith.constant 33 : i32
      %broadcast_in_dim3A_366 = vector.broadcast %broadcast_in_dim3A_365 : i32 to vector<16xi32>
      %gather3A_367 = tpu.vector_load_idx %arg11[%broadcast_in_dim3A_366, %add3A_130] : memref<64x11xf32, #tpu.memory_space<vmem>>[vector<16xi32>, vector<16xi32>], vector<16xf32>,
      %swap3A_368 = arith.constant 97 : i32
      %swap3A_369 = arith.index_cast %swap3A_368 : i32 to index
      %swap3A_370 = arith.index_cast %mul3A_58 : i32 to index
      %swap3A_371 = tpu.vector_load %arg13[%swap3A_369, %swap3A_370] {strides = array<i32>} : memref<129x512xf32, #tpu.memory_space<vmem>>, vector<16xf32>,
      tpu.vector_store %arg13[%swap3A_369, %swap3A_370], %gather3A_367 {strides = array<i32>} : memref<129x512xf32, #tpu.memory_space<vmem>>, vector<16xf32>,
      %broadcast_in_dim3A_372 = arith.constant 34 : i32
      %broadcast_in_dim3A_373 = vector.broadcast %broadcast_in_dim3A_372 : i32 to vector<16xi32>
      %gather3A_374 = tpu.vector_load_idx %arg11[%broadcast_in_dim3A_373, %add3A_130] : memref<64x11xf32, #tpu.memory_space<vmem>>[vector<16xi32>, vector<16xi32>], vector<16xf32>,
      %swap3A_375 = arith.constant 98 : i32
      %swap3A_376 = arith.index_cast %swap3A_375 : i32 to index
      %swap3A_377 = arith.index_cast %mul3A_58 : i32 to index
      %swap3A_378 = tpu.vector_load %arg13[%swap3A_376, %swap3A_377] {strides = array<i32>} : memref<129x512xf32, #tpu.memory_space<vmem>>, vector<16xf32>,
      tpu.vector_store %arg13[%swap3A_376, %swap3A_377], %gather3A_374 {strides = array<i32>} : memref<129x512xf32, #tpu.memory_space<vmem>>, vector<16xf32>,
      %broadcast_in_dim3A_379 = arith.constant 35 : i32
      %broadcast_in_dim3A_380 = vector.broadcast %broadcast_in_dim3A_379 : i32 to vector<16xi32>
      %gather3A_381 = tpu.vector_load_idx %arg11[%broadcast_in_dim3A_380, %add3A_130] : memref<64x11xf32, #tpu.memory_space<vmem>>[vector<16xi32>, vector<16xi32>], vector<16xf32>,
      %swap3A_382 = arith.constant 99 : i32
      %swap3A_383 = arith.index_cast %swap3A_382 : i32 to index
      %swap3A_384 = arith.index_cast %mul3A_58 : i32 to index
      %swap3A_385 = tpu.vector_load %arg13[%swap3A_383, %swap3A_384] {strides = array<i32>} : memref<129x512xf32, #tpu.memory_space<vmem>>, vector<16xf32>,
      tpu.vector_store %arg13[%swap3A_383, %swap3A_384], %gather3A_381 {strides = array<i32>} : memref<129x512xf32, #tpu.memory_space<vmem>>, vector<16xf32>,
      %broadcast_in_dim3A_386 = arith.constant 36 : i32
      %broadcast_in_dim3A_387 = vector.broadcast %broadcast_in_dim3A_386 : i32 to vector<16xi32>
      %gather3A_388 = tpu.vector_load_idx %arg11[%broadcast_in_dim3A_387, %add3A_130] : memref<64x11xf32, #tpu.memory_space<vmem>>[vector<16xi32>, vector<16xi32>], vector<16xf32>,
      %swap3A_389 = arith.constant 100 : i32
      %swap3A_390 = arith.index_cast %swap3A_389 : i32 to index
      %swap3A_391 = arith.index_cast %mul3A_58 : i32 to index
      %swap3A_392 = tpu.vector_load %arg13[%swap3A_390, %swap3A_391] {strides = array<i32>} : memref<129x512xf32, #tpu.memory_space<vmem>>, vector<16xf32>,
      tpu.vector_store %arg13[%swap3A_390, %swap3A_391], %gather3A_388 {strides = array<i32>} : memref<129x512xf32, #tpu.memory_space<vmem>>, vector<16xf32>,
      %broadcast_in_dim3A_393 = arith.constant 37 : i32
      %broadcast_in_dim3A_394 = vector.broadcast %broadcast_in_dim3A_393 : i32 to vector<16xi32>
      %gather3A_395 = tpu.vector_load_idx %arg11[%broadcast_in_dim3A_394, %add3A_130] : memref<64x11xf32, #tpu.memory_space<vmem>>[vector<16xi32>, vector<16xi32>], vector<16xf32>,
      %swap3A_396 = arith.constant 101 : i32
      %swap3A_397 = arith.index_cast %swap3A_396 : i32 to index
      %swap3A_398 = arith.index_cast %mul3A_58 : i32 to index
      %swap3A_399 = tpu.vector_load %arg13[%swap3A_397, %swap3A_398] {strides = array<i32>} : memref<129x512xf32, #tpu.memory_space<vmem>>, vector<16xf32>,
      tpu.vector_store %arg13[%swap3A_397, %swap3A_398], %gather3A_395 {strides = array<i32>} : memref<129x512xf32, #tpu.memory_space<vmem>>, vector<16xf32>,
      %broadcast_in_dim3A_400 = arith.constant 38 : i32
      %broadcast_in_dim3A_401 = vector.broadcast %broadcast_in_dim3A_400 : i32 to vector<16xi32>
      %gather3A_402 = tpu.vector_load_idx %arg11[%broadcast_in_dim3A_401, %add3A_130] : memref<64x11xf32, #tpu.memory_space<vmem>>[vector<16xi32>, vector<16xi32>], vector<16xf32>,
      %swap3A_403 = arith.constant 102 : i32
      %swap3A_404 = arith.index_cast %swap3A_403 : i32 to index
      %swap3A_405 = arith.index_cast %mul3A_58 : i32 to index
      %swap3A_406 = tpu.vector_load %arg13[%swap3A_404, %swap3A_405] {strides = array<i32>} : memref<129x512xf32, #tpu.memory_space<vmem>>, vector<16xf32>,
      tpu.vector_store %arg13[%swap3A_404, %swap3A_405], %gather3A_402 {strides = array<i32>} : memref<129x512xf32, #tpu.memory_space<vmem>>, vector<16xf32>,
      %broadcast_in_dim3A_407 = arith.constant 39 : i32
      %broadcast_in_dim3A_408 = vector.broadcast %broadcast_in_dim3A_407 : i32 to vector<16xi32>
      %gather3A_409 = tpu.vector_load_idx %arg11[%broadcast_in_dim3A_408, %add3A_130] : memref<64x11xf32, #tpu.memory_space<vmem>>[vector<16xi32>, vector<16xi32>], vector<16xf32>,
      %swap3A_410 = arith.constant 103 : i32
      %swap3A_411 = arith.index_cast %swap3A_410 : i32 to index
      %swap3A_412 = arith.index_cast %mul3A_58 : i32 to index
      %swap3A_413 = tpu.vector_load %arg13[%swap3A_411, %swap3A_412] {strides = array<i32>} : memref<129x512xf32, #tpu.memory_space<vmem>>, vector<16xf32>,
      tpu.vector_store %arg13[%swap3A_411, %swap3A_412], %gather3A_409 {strides = array<i32>} : memref<129x512xf32, #tpu.memory_space<vmem>>, vector<16xf32>,
      %broadcast_in_dim3A_414 = arith.constant 40 : i32
      %broadcast_in_dim3A_415 = vector.broadcast %broadcast_in_dim3A_414 : i32 to vector<16xi32>
      %gather3A_416 = tpu.vector_load_idx %arg11[%broadcast_in_dim3A_415, %add3A_130] : memref<64x11xf32, #tpu.memory_space<vmem>>[vector<16xi32>, vector<16xi32>], vector<16xf32>,
      %swap3A_417 = arith.constant 104 : i32
      %swap3A_418 = arith.index_cast %swap3A_417 : i32 to index
      %swap3A_419 = arith.index_cast %mul3A_58 : i32 to index
      %swap3A_420 = tpu.vector_load %arg13[%swap3A_418, %swap3A_419] {strides = array<i32>} : memref<129x512xf32, #tpu.memory_space<vmem>>, vector<16xf32>,
      tpu.vector_store %arg13[%swap3A_418, %swap3A_419], %gather3A_416 {strides = array<i32>} : memref<129x512xf32, #tpu.memory_space<vmem>>, vector<16xf32>,
      %broadcast_in_dim3A_421 = arith.constant 41 : i32
      %broadcast_in_dim3A_422 = vector.broadcast %broadcast_in_dim3A_421 : i32 to vector<16xi32>
      %gather3A_423 = tpu.vector_load_idx %arg11[%broadcast_in_dim3A_422, %add3A_130] : memref<64x11xf32, #tpu.memory_space<vmem>>[vector<16xi32>, vector<16xi32>], vector<16xf32>,
      %swap3A_424 = arith.constant 105 : i32
      %swap3A_425 = arith.index_cast %swap3A_424 : i32 to index
      %swap3A_426 = arith.index_cast %mul3A_58 : i32 to index
      %swap3A_427 = tpu.vector_load %arg13[%swap3A_425, %swap3A_426] {strides = array<i32>} : memref<129x512xf32, #tpu.memory_space<vmem>>, vector<16xf32>,
      tpu.vector_store %arg13[%swap3A_425, %swap3A_426], %gather3A_423 {strides = array<i32>} : memref<129x512xf32, #tpu.memory_space<vmem>>, vector<16xf32>,
      %broadcast_in_dim3A_428 = arith.constant 42 : i32
      %broadcast_in_dim3A_429 = vector.broadcast %broadcast_in_dim3A_428 : i32 to vector<16xi32>
      %gather3A_430 = tpu.vector_load_idx %arg11[%broadcast_in_dim3A_429, %add3A_130] : memref<64x11xf32, #tpu.memory_space<vmem>>[vector<16xi32>, vector<16xi32>], vector<16xf32>,
      %swap3A_431 = arith.constant 106 : i32
      %swap3A_432 = arith.index_cast %swap3A_431 : i32 to index
      %swap3A_433 = arith.index_cast %mul3A_58 : i32 to index
      %swap3A_434 = tpu.vector_load %arg13[%swap3A_432, %swap3A_433] {strides = array<i32>} : memref<129x512xf32, #tpu.memory_space<vmem>>, vector<16xf32>,
      tpu.vector_store %arg13[%swap3A_432, %swap3A_433], %gather3A_430 {strides = array<i32>} : memref<129x512xf32, #tpu.memory_space<vmem>>, vector<16xf32>,
      %broadcast_in_dim3A_435 = arith.constant 43 : i32
      %broadcast_in_dim3A_436 = vector.broadcast %broadcast_in_dim3A_435 : i32 to vector<16xi32>
      %gather3A_437 = tpu.vector_load_idx %arg11[%broadcast_in_dim3A_436, %add3A_130] : memref<64x11xf32, #tpu.memory_space<vmem>>[vector<16xi32>, vector<16xi32>], vector<16xf32>,
      %swap3A_438 = arith.constant 107 : i32
      %swap3A_439 = arith.index_cast %swap3A_438 : i32 to index
      %swap3A_440 = arith.index_cast %mul3A_58 : i32 to index
      %swap3A_441 = tpu.vector_load %arg13[%swap3A_439, %swap3A_440] {strides = array<i32>} : memref<129x512xf32, #tpu.memory_space<vmem>>, vector<16xf32>,
      tpu.vector_store %arg13[%swap3A_439, %swap3A_440], %gather3A_437 {strides = array<i32>} : memref<129x512xf32, #tpu.memory_space<vmem>>, vector<16xf32>,
      %broadcast_in_dim3A_442 = arith.constant 44 : i32
      %broadcast_in_dim3A_443 = vector.broadcast %broadcast_in_dim3A_442 : i32 to vector<16xi32>
      %gather3A_444 = tpu.vector_load_idx %arg11[%broadcast_in_dim3A_443, %add3A_130] : memref<64x11xf32, #tpu.memory_space<vmem>>[vector<16xi32>, vector<16xi32>], vector<16xf32>,
      %swap3A_445 = arith.constant 108 : i32
      %swap3A_446 = arith.index_cast %swap3A_445 : i32 to index
      %swap3A_447 = arith.index_cast %mul3A_58 : i32 to index
      %swap3A_448 = tpu.vector_load %arg13[%swap3A_446, %swap3A_447] {strides = array<i32>} : memref<129x512xf32, #tpu.memory_space<vmem>>, vector<16xf32>,
      tpu.vector_store %arg13[%swap3A_446, %swap3A_447], %gather3A_444 {strides = array<i32>} : memref<129x512xf32, #tpu.memory_space<vmem>>, vector<16xf32>,
      %broadcast_in_dim3A_449 = arith.constant 45 : i32
      %broadcast_in_dim3A_450 = vector.broadcast %broadcast_in_dim3A_449 : i32 to vector<16xi32>
      %gather3A_451 = tpu.vector_load_idx %arg11[%broadcast_in_dim3A_450, %add3A_130] : memref<64x11xf32, #tpu.memory_space<vmem>>[vector<16xi32>, vector<16xi32>], vector<16xf32>,
      %swap3A_452 = arith.constant 109 : i32
      %swap3A_453 = arith.index_cast %swap3A_452 : i32 to index
      %swap3A_454 = arith.index_cast %mul3A_58 : i32 to index
      %swap3A_455 = tpu.vector_load %arg13[%swap3A_453, %swap3A_454] {strides = array<i32>} : memref<129x512xf32, #tpu.memory_space<vmem>>, vector<16xf32>,
      tpu.vector_store %arg13[%swap3A_453, %swap3A_454], %gather3A_451 {strides = array<i32>} : memref<129x512xf32, #tpu.memory_space<vmem>>, vector<16xf32>,
      %broadcast_in_dim3A_456 = arith.constant 46 : i32
      %broadcast_in_dim3A_457 = vector.broadcast %broadcast_in_dim3A_456 : i32 to vector<16xi32>
      %gather3A_458 = tpu.vector_load_idx %arg11[%broadcast_in_dim3A_457, %add3A_130] : memref<64x11xf32, #tpu.memory_space<vmem>>[vector<16xi32>, vector<16xi32>], vector<16xf32>,
      %swap3A_459 = arith.constant 110 : i32
      %swap3A_460 = arith.index_cast %swap3A_459 : i32 to index
      %swap3A_461 = arith.index_cast %mul3A_58 : i32 to index
      %swap3A_462 = tpu.vector_load %arg13[%swap3A_460, %swap3A_461] {strides = array<i32>} : memref<129x512xf32, #tpu.memory_space<vmem>>, vector<16xf32>,
      tpu.vector_store %arg13[%swap3A_460, %swap3A_461], %gather3A_458 {strides = array<i32>} : memref<129x512xf32, #tpu.memory_space<vmem>>, vector<16xf32>,
      %broadcast_in_dim3A_463 = arith.constant 47 : i32
      %broadcast_in_dim3A_464 = vector.broadcast %broadcast_in_dim3A_463 : i32 to vector<16xi32>
      %gather3A_465 = tpu.vector_load_idx %arg11[%broadcast_in_dim3A_464, %add3A_130] : memref<64x11xf32, #tpu.memory_space<vmem>>[vector<16xi32>, vector<16xi32>], vector<16xf32>,
      %swap3A_466 = arith.constant 111 : i32
      %swap3A_467 = arith.index_cast %swap3A_466 : i32 to index
      %swap3A_468 = arith.index_cast %mul3A_58 : i32 to index
      %swap3A_469 = tpu.vector_load %arg13[%swap3A_467, %swap3A_468] {strides = array<i32>} : memref<129x512xf32, #tpu.memory_space<vmem>>, vector<16xf32>,
      tpu.vector_store %arg13[%swap3A_467, %swap3A_468], %gather3A_465 {strides = array<i32>} : memref<129x512xf32, #tpu.memory_space<vmem>>, vector<16xf32>,
      %broadcast_in_dim3A_470 = arith.constant 48 : i32
      %broadcast_in_dim3A_471 = vector.broadcast %broadcast_in_dim3A_470 : i32 to vector<16xi32>
      %gather3A_472 = tpu.vector_load_idx %arg11[%broadcast_in_dim3A_471, %add3A_130] : memref<64x11xf32, #tpu.memory_space<vmem>>[vector<16xi32>, vector<16xi32>], vector<16xf32>,
      %swap3A_473 = arith.constant 112 : i32
      %swap3A_474 = arith.index_cast %swap3A_473 : i32 to index
      %swap3A_475 = arith.index_cast %mul3A_58 : i32 to index
      %swap3A_476 = tpu.vector_load %arg13[%swap3A_474, %swap3A_475] {strides = array<i32>} : memref<129x512xf32, #tpu.memory_space<vmem>>, vector<16xf32>,
      tpu.vector_store %arg13[%swap3A_474, %swap3A_475], %gather3A_472 {strides = array<i32>} : memref<129x512xf32, #tpu.memory_space<vmem>>, vector<16xf32>,
      %broadcast_in_dim3A_477 = arith.constant 49 : i32
      %broadcast_in_dim3A_478 = vector.broadcast %broadcast_in_dim3A_477 : i32 to vector<16xi32>
      %gather3A_479 = tpu.vector_load_idx %arg11[%broadcast_in_dim3A_478, %add3A_130] : memref<64x11xf32, #tpu.memory_space<vmem>>[vector<16xi32>, vector<16xi32>], vector<16xf32>,
      %swap3A_480 = arith.constant 113 : i32
      %swap3A_481 = arith.index_cast %swap3A_480 : i32 to index
      %swap3A_482 = arith.index_cast %mul3A_58 : i32 to index
      %swap3A_483 = tpu.vector_load %arg13[%swap3A_481, %swap3A_482] {strides = array<i32>} : memref<129x512xf32, #tpu.memory_space<vmem>>, vector<16xf32>,
      tpu.vector_store %arg13[%swap3A_481, %swap3A_482], %gather3A_479 {strides = array<i32>} : memref<129x512xf32, #tpu.memory_space<vmem>>, vector<16xf32>,
      %broadcast_in_dim3A_484 = arith.constant 50 : i32
      %broadcast_in_dim3A_485 = vector.broadcast %broadcast_in_dim3A_484 : i32 to vector<16xi32>
      %gather3A_486 = tpu.vector_load_idx %arg11[%broadcast_in_dim3A_485, %add3A_130] : memref<64x11xf32, #tpu.memory_space<vmem>>[vector<16xi32>, vector<16xi32>], vector<16xf32>,
      %swap3A_487 = arith.constant 114 : i32
      %swap3A_488 = arith.index_cast %swap3A_487 : i32 to index
      %swap3A_489 = arith.index_cast %mul3A_58 : i32 to index
      %swap3A_490 = tpu.vector_load %arg13[%swap3A_488, %swap3A_489] {strides = array<i32>} : memref<129x512xf32, #tpu.memory_space<vmem>>, vector<16xf32>,
      tpu.vector_store %arg13[%swap3A_488, %swap3A_489], %gather3A_486 {strides = array<i32>} : memref<129x512xf32, #tpu.memory_space<vmem>>, vector<16xf32>,
      %broadcast_in_dim3A_491 = arith.constant 51 : i32
      %broadcast_in_dim3A_492 = vector.broadcast %broadcast_in_dim3A_491 : i32 to vector<16xi32>
      %gather3A_493 = tpu.vector_load_idx %arg11[%broadcast_in_dim3A_492, %add3A_130] : memref<64x11xf32, #tpu.memory_space<vmem>>[vector<16xi32>, vector<16xi32>], vector<16xf32>,
      %swap3A_494 = arith.constant 115 : i32
      %swap3A_495 = arith.index_cast %swap3A_494 : i32 to index
      %swap3A_496 = arith.index_cast %mul3A_58 : i32 to index
      %swap3A_497 = tpu.vector_load %arg13[%swap3A_495, %swap3A_496] {strides = array<i32>} : memref<129x512xf32, #tpu.memory_space<vmem>>, vector<16xf32>,
      tpu.vector_store %arg13[%swap3A_495, %swap3A_496], %gather3A_493 {strides = array<i32>} : memref<129x512xf32, #tpu.memory_space<vmem>>, vector<16xf32>,
      %broadcast_in_dim3A_498 = arith.constant 52 : i32
      %broadcast_in_dim3A_499 = vector.broadcast %broadcast_in_dim3A_498 : i32 to vector<16xi32>
      %gather3A_500 = tpu.vector_load_idx %arg11[%broadcast_in_dim3A_499, %add3A_130] : memref<64x11xf32, #tpu.memory_space<vmem>>[vector<16xi32>, vector<16xi32>], vector<16xf32>,
      %swap3A_501 = arith.constant 116 : i32
      %swap3A_502 = arith.index_cast %swap3A_501 : i32 to index
      %swap3A_503 = arith.index_cast %mul3A_58 : i32 to index
      %swap3A_504 = tpu.vector_load %arg13[%swap3A_502, %swap3A_503] {strides = array<i32>} : memref<129x512xf32, #tpu.memory_space<vmem>>, vector<16xf32>,
      tpu.vector_store %arg13[%swap3A_502, %swap3A_503], %gather3A_500 {strides = array<i32>} : memref<129x512xf32, #tpu.memory_space<vmem>>, vector<16xf32>,
      %broadcast_in_dim3A_505 = arith.constant 53 : i32
      %broadcast_in_dim3A_506 = vector.broadcast %broadcast_in_dim3A_505 : i32 to vector<16xi32>
      %gather3A_507 = tpu.vector_load_idx %arg11[%broadcast_in_dim3A_506, %add3A_130] : memref<64x11xf32, #tpu.memory_space<vmem>>[vector<16xi32>, vector<16xi32>], vector<16xf32>,
      %swap3A_508 = arith.constant 117 : i32
      %swap3A_509 = arith.index_cast %swap3A_508 : i32 to index
      %swap3A_510 = arith.index_cast %mul3A_58 : i32 to index
      %swap3A_511 = tpu.vector_load %arg13[%swap3A_509, %swap3A_510] {strides = array<i32>} : memref<129x512xf32, #tpu.memory_space<vmem>>, vector<16xf32>,
      tpu.vector_store %arg13[%swap3A_509, %swap3A_510], %gather3A_507 {strides = array<i32>} : memref<129x512xf32, #tpu.memory_space<vmem>>, vector<16xf32>,
      %broadcast_in_dim3A_512 = arith.constant 54 : i32
      %broadcast_in_dim3A_513 = vector.broadcast %broadcast_in_dim3A_512 : i32 to vector<16xi32>
      %gather3A_514 = tpu.vector_load_idx %arg11[%broadcast_in_dim3A_513, %add3A_130] : memref<64x11xf32, #tpu.memory_space<vmem>>[vector<16xi32>, vector<16xi32>], vector<16xf32>,
      %swap3A_515 = arith.constant 118 : i32
      %swap3A_516 = arith.index_cast %swap3A_515 : i32 to index
      %swap3A_517 = arith.index_cast %mul3A_58 : i32 to index
      %swap3A_518 = tpu.vector_load %arg13[%swap3A_516, %swap3A_517] {strides = array<i32>} : memref<129x512xf32, #tpu.memory_space<vmem>>, vector<16xf32>,
      tpu.vector_store %arg13[%swap3A_516, %swap3A_517], %gather3A_514 {strides = array<i32>} : memref<129x512xf32, #tpu.memory_space<vmem>>, vector<16xf32>,
      %broadcast_in_dim3A_519 = arith.constant 55 : i32
      %broadcast_in_dim3A_520 = vector.broadcast %broadcast_in_dim3A_519 : i32 to vector<16xi32>
      %gather3A_521 = tpu.vector_load_idx %arg11[%broadcast_in_dim3A_520, %add3A_130] : memref<64x11xf32, #tpu.memory_space<vmem>>[vector<16xi32>, vector<16xi32>], vector<16xf32>,
      %swap3A_522 = arith.constant 119 : i32
      %swap3A_523 = arith.index_cast %swap3A_522 : i32 to index
      %swap3A_524 = arith.index_cast %mul3A_58 : i32 to index
      %swap3A_525 = tpu.vector_load %arg13[%swap3A_523, %swap3A_524] {strides = array<i32>} : memref<129x512xf32, #tpu.memory_space<vmem>>, vector<16xf32>,
      tpu.vector_store %arg13[%swap3A_523, %swap3A_524], %gather3A_521 {strides = array<i32>} : memref<129x512xf32, #tpu.memory_space<vmem>>, vector<16xf32>,
      %broadcast_in_dim3A_526 = arith.constant 56 : i32
      %broadcast_in_dim3A_527 = vector.broadcast %broadcast_in_dim3A_526 : i32 to vector<16xi32>
      %gather3A_528 = tpu.vector_load_idx %arg11[%broadcast_in_dim3A_527, %add3A_130] : memref<64x11xf32, #tpu.memory_space<vmem>>[vector<16xi32>, vector<16xi32>], vector<16xf32>,
      %swap3A_529 = arith.constant 120 : i32
      %swap3A_530 = arith.index_cast %swap3A_529 : i32 to index
      %swap3A_531 = arith.index_cast %mul3A_58 : i32 to index
      %swap3A_532 = tpu.vector_load %arg13[%swap3A_530, %swap3A_531] {strides = array<i32>} : memref<129x512xf32, #tpu.memory_space<vmem>>, vector<16xf32>,
      tpu.vector_store %arg13[%swap3A_530, %swap3A_531], %gather3A_528 {strides = array<i32>} : memref<129x512xf32, #tpu.memory_space<vmem>>, vector<16xf32>,
      %broadcast_in_dim3A_533 = arith.constant 57 : i32
      %broadcast_in_dim3A_534 = vector.broadcast %broadcast_in_dim3A_533 : i32 to vector<16xi32>
      %gather3A_535 = tpu.vector_load_idx %arg11[%broadcast_in_dim3A_534, %add3A_130] : memref<64x11xf32, #tpu.memory_space<vmem>>[vector<16xi32>, vector<16xi32>], vector<16xf32>,
      %swap3A_536 = arith.constant 121 : i32
      %swap3A_537 = arith.index_cast %swap3A_536 : i32 to index
      %swap3A_538 = arith.index_cast %mul3A_58 : i32 to index
      %swap3A_539 = tpu.vector_load %arg13[%swap3A_537, %swap3A_538] {strides = array<i32>} : memref<129x512xf32, #tpu.memory_space<vmem>>, vector<16xf32>,
      tpu.vector_store %arg13[%swap3A_537, %swap3A_538], %gather3A_535 {strides = array<i32>} : memref<129x512xf32, #tpu.memory_space<vmem>>, vector<16xf32>,
      %broadcast_in_dim3A_540 = arith.constant 58 : i32
      %broadcast_in_dim3A_541 = vector.broadcast %broadcast_in_dim3A_540 : i32 to vector<16xi32>
      %gather3A_542 = tpu.vector_load_idx %arg11[%broadcast_in_dim3A_541, %add3A_130] : memref<64x11xf32, #tpu.memory_space<vmem>>[vector<16xi32>, vector<16xi32>], vector<16xf32>,
      %swap3A_543 = arith.constant 122 : i32
      %swap3A_544 = arith.index_cast %swap3A_543 : i32 to index
      %swap3A_545 = arith.index_cast %mul3A_58 : i32 to index
      %swap3A_546 = tpu.vector_load %arg13[%swap3A_544, %swap3A_545] {strides = array<i32>} : memref<129x512xf32, #tpu.memory_space<vmem>>, vector<16xf32>,
      tpu.vector_store %arg13[%swap3A_544, %swap3A_545], %gather3A_542 {strides = array<i32>} : memref<129x512xf32, #tpu.memory_space<vmem>>, vector<16xf32>,
      %broadcast_in_dim3A_547 = arith.constant 59 : i32
      %broadcast_in_dim3A_548 = vector.broadcast %broadcast_in_dim3A_547 : i32 to vector<16xi32>
      %gather3A_549 = tpu.vector_load_idx %arg11[%broadcast_in_dim3A_548, %add3A_130] : memref<64x11xf32, #tpu.memory_space<vmem>>[vector<16xi32>, vector<16xi32>], vector<16xf32>,
      %swap3A_550 = arith.constant 123 : i32
      %swap3A_551 = arith.index_cast %swap3A_550 : i32 to index
      %swap3A_552 = arith.index_cast %mul3A_58 : i32 to index
      %swap3A_553 = tpu.vector_load %arg13[%swap3A_551, %swap3A_552] {strides = array<i32>} : memref<129x512xf32, #tpu.memory_space<vmem>>, vector<16xf32>,
      tpu.vector_store %arg13[%swap3A_551, %swap3A_552], %gather3A_549 {strides = array<i32>} : memref<129x512xf32, #tpu.memory_space<vmem>>, vector<16xf32>,
      %broadcast_in_dim3A_554 = arith.constant 60 : i32
      %broadcast_in_dim3A_555 = vector.broadcast %broadcast_in_dim3A_554 : i32 to vector<16xi32>
      %gather3A_556 = tpu.vector_load_idx %arg11[%broadcast_in_dim3A_555, %add3A_130] : memref<64x11xf32, #tpu.memory_space<vmem>>[vector<16xi32>, vector<16xi32>], vector<16xf32>,
      %swap3A_557 = arith.constant 124 : i32
      %swap3A_558 = arith.index_cast %swap3A_557 : i32 to index
      %swap3A_559 = arith.index_cast %mul3A_58 : i32 to index
      %swap3A_560 = tpu.vector_load %arg13[%swap3A_558, %swap3A_559] {strides = array<i32>} : memref<129x512xf32, #tpu.memory_space<vmem>>, vector<16xf32>,
      tpu.vector_store %arg13[%swap3A_558, %swap3A_559], %gather3A_556 {strides = array<i32>} : memref<129x512xf32, #tpu.memory_space<vmem>>, vector<16xf32>,
      %broadcast_in_dim3A_561 = arith.constant 61 : i32
      %broadcast_in_dim3A_562 = vector.broadcast %broadcast_in_dim3A_561 : i32 to vector<16xi32>
      %gather3A_563 = tpu.vector_load_idx %arg11[%broadcast_in_dim3A_562, %add3A_130] : memref<64x11xf32, #tpu.memory_space<vmem>>[vector<16xi32>, vector<16xi32>], vector<16xf32>,
      %swap3A_564 = arith.constant 125 : i32
      %swap3A_565 = arith.index_cast %swap3A_564 : i32 to index
      %swap3A_566 = arith.index_cast %mul3A_58 : i32 to index
      %swap3A_567 = tpu.vector_load %arg13[%swap3A_565, %swap3A_566] {strides = array<i32>} : memref<129x512xf32, #tpu.memory_space<vmem>>, vector<16xf32>,
      tpu.vector_store %arg13[%swap3A_565, %swap3A_566], %gather3A_563 {strides = array<i32>} : memref<129x512xf32, #tpu.memory_space<vmem>>, vector<16xf32>,
      %broadcast_in_dim3A_568 = arith.constant 62 : i32
      %broadcast_in_dim3A_569 = vector.broadcast %broadcast_in_dim3A_568 : i32 to vector<16xi32>
      %gather3A_570 = tpu.vector_load_idx %arg11[%broadcast_in_dim3A_569, %add3A_130] : memref<64x11xf32, #tpu.memory_space<vmem>>[vector<16xi32>, vector<16xi32>], vector<16xf32>,
      %swap3A_571 = arith.constant 126 : i32
      %swap3A_572 = arith.index_cast %swap3A_571 : i32 to index
      %swap3A_573 = arith.index_cast %mul3A_58 : i32 to index
      %swap3A_574 = tpu.vector_load %arg13[%swap3A_572, %swap3A_573] {strides = array<i32>} : memref<129x512xf32, #tpu.memory_space<vmem>>, vector<16xf32>,
      tpu.vector_store %arg13[%swap3A_572, %swap3A_573], %gather3A_570 {strides = array<i32>} : memref<129x512xf32, #tpu.memory_space<vmem>>, vector<16xf32>,
      %broadcast_in_dim3A_575 = arith.constant 63 : i32
      %broadcast_in_dim3A_576 = vector.broadcast %broadcast_in_dim3A_575 : i32 to vector<16xi32>
      %gather3A_577 = tpu.vector_load_idx %arg11[%broadcast_in_dim3A_576, %add3A_130] : memref<64x11xf32, #tpu.memory_space<vmem>>[vector<16xi32>, vector<16xi32>], vector<16xf32>,
      %swap3A_578 = arith.constant 127 : i32
      %swap3A_579 = arith.index_cast %swap3A_578 : i32 to index
      %swap3A_580 = arith.index_cast %mul3A_58 : i32 to index
      %swap3A_581 = tpu.vector_load %arg13[%swap3A_579, %swap3A_580] {strides = array<i32>} : memref<129x512xf32, #tpu.memory_space<vmem>>, vector<16xf32>,
      tpu.vector_store %arg13[%swap3A_579, %swap3A_580], %gather3A_577 {strides = array<i32>} : memref<129x512xf32, #tpu.memory_space<vmem>>, vector<16xf32>,
    }
    %scan3A_26 = arith.constant 32 : i32
    %dma_wait3A = arith.constant 0 : i32
    %dma_wait3A_27 = arith.constant 0 : i32
    %dma_wait3A_28 = tpu.memref_slice %arg4[%dma_wait3A, %dma_wait3A_27] : memref<1000001x64xf32, #tpu.memory_space<hbm>> -> memref<256x64xf32, #tpu.memory_space<hbm>>
    %dma_wait3A_29 = arith.constant 0 : i32
    %dma_wait3A_30 = arith.constant 0 : i32
    %dma_wait3A_31 = tpu.memref_slice %arg4[%dma_wait3A_29, %dma_wait3A_30] : memref<1000001x64xf32, #tpu.memory_space<hbm>> -> memref<256x64xf32, #tpu.memory_space<hbm>>
    tpu.wait_dma2 semaphore(%arg16 : memref<!tpu.dma_semaphore, #tpu.memory_space<semaphore_mem>>) src(%dma_wait3A_31 : memref<256x64xf32, #tpu.memory_space<hbm>>) dst(%arg12 : memref<256x64xf32, #tpu.memory_space<vmem>>)
    %scan3A_32 = arith.constant 0 : i32
    %scan3A_33 = arith.constant 0 : i32
    %scan3A_34 = arith.constant 16 : i32
    %scan3A_35 = arith.addi %scan3A_33, %scan3A_34 : i32
    %scan3A_36 = arith.constant 1 : i32
    scf.for %scan3A_56 = %scan3A_33 to %scan3A_35 step %scan3A_36  : i32 {
      %mul3A_57 = arith.constant 16 : i32
      %mul3A_58 = arith.muli %scan3A_56, %mul3A_57 : i32
      %add3A_59 = vector.broadcast %mul3A_58 : i32 to vector<16xi32>
      %add3A_60 = arith.addi %iota3A, %add3A_59 : vector<16xi32>
      %broadcast_in_dim3A = arith.constant 0 : i32
      %broadcast_in_dim3A_61 = vector.broadcast %broadcast_in_dim3A : i32 to vector<16xi32>
      %gather3A = tpu.vector_load_idx %arg12[%add3A_60, %broadcast_in_dim3A_61] : memref<256x64xf32, #tpu.memory_space<vmem>>[vector<16xi32>, vector<16xi32>], vector<16xf32>,
      %mul3A_62 = arith.constant 16 : i32
      %mul3A_63 = arith.muli %scan3A_56, %mul3A_62 : i32
      %add3A_64 = arith.constant 0 : i32
      %add3A_65 = arith.addi %add3A_64, %mul3A_63 : i32
      %swap3A = arith.constant 0 : i32
      %swap3A_66 = arith.index_cast %swap3A : i32 to index
      %swap3A_67 = arith.index_cast %add3A_65 : i32 to index
      %swap3A_68 = tpu.vector_load %arg13[%swap3A_66, %swap3A_67] {strides = array<i32>} : memref<129x512xf32, #tpu.memory_space<vmem>>, vector<16xf32>,
      tpu.vector_store %arg13[%swap3A_66, %swap3A_67], %gather3A {strides = array<i32>} : memref<129x512xf32, #tpu.memory_space<vmem>>, vector<16xf32>,
      %broadcast_in_dim3A_69 = arith.constant 1 : i32
      %broadcast_in_dim3A_70 = vector.broadcast %broadcast_in_dim3A_69 : i32 to vector<16xi32>
      %gather3A_71 = tpu.vector_load_idx %arg12[%add3A_60, %broadcast_in_dim3A_70] : memref<256x64xf32, #tpu.memory_space<vmem>>[vector<16xi32>, vector<16xi32>], vector<16xf32>,
      %mul3A_72 = arith.constant 16 : i32
      %mul3A_73 = arith.muli %scan3A_56, %mul3A_72 : i32
      %add3A_74 = arith.constant 0 : i32
      %add3A_75 = arith.addi %add3A_74, %mul3A_73 : i32
      %swap3A_76 = arith.constant 1 : i32
      %swap3A_77 = arith.index_cast %swap3A_76 : i32 to index
      %swap3A_78 = arith.index_cast %add3A_75 : i32 to index
      %swap3A_79 = tpu.vector_load %arg13[%swap3A_77, %swap3A_78] {strides = array<i32>} : memref<129x512xf32, #tpu.memory_space<vmem>>, vector<16xf32>,
      tpu.vector_store %arg13[%swap3A_77, %swap3A_78], %gather3A_71 {strides = array<i32>} : memref<129x512xf32, #tpu.memory_space<vmem>>, vector<16xf32>,
      %broadcast_in_dim3A_80 = arith.constant 2 : i32
      %broadcast_in_dim3A_81 = vector.broadcast %broadcast_in_dim3A_80 : i32 to vector<16xi32>
      %gather3A_82 = tpu.vector_load_idx %arg12[%add3A_60, %broadcast_in_dim3A_81] : memref<256x64xf32, #tpu.memory_space<vmem>>[vector<16xi32>, vector<16xi32>], vector<16xf32>,
      %mul3A_83 = arith.constant 16 : i32
      %mul3A_84 = arith.muli %scan3A_56, %mul3A_83 : i32
      %add3A_85 = arith.constant 0 : i32
      %add3A_86 = arith.addi %add3A_85, %mul3A_84 : i32
      %swap3A_87 = arith.constant 2 : i32
      %swap3A_88 = arith.index_cast %swap3A_87 : i32 to index
      %swap3A_89 = arith.index_cast %add3A_86 : i32 to index
      %swap3A_90 = tpu.vector_load %arg13[%swap3A_88, %swap3A_89] {strides = array<i32>} : memref<129x512xf32, #tpu.memory_space<vmem>>, vector<16xf32>,
      tpu.vector_store %arg13[%swap3A_88, %swap3A_89], %gather3A_82 {strides = array<i32>} : memref<129x512xf32, #tpu.memory_space<vmem>>, vector<16xf32>,
      %broadcast_in_dim3A_91 = arith.constant 3 : i32
      %broadcast_in_dim3A_92 = vector.broadcast %broadcast_in_dim3A_91 : i32 to vector<16xi32>
      %gather3A_93 = tpu.vector_load_idx %arg12[%add3A_60, %broadcast_in_dim3A_92] : memref<256x64xf32, #tpu.memory_space<vmem>>[vector<16xi32>, vector<16xi32>], vector<16xf32>,
      %mul3A_94 = arith.constant 16 : i32
      %mul3A_95 = arith.muli %scan3A_56, %mul3A_94 : i32
      %add3A_96 = arith.constant 0 : i32
      %add3A_97 = arith.addi %add3A_96, %mul3A_95 : i32
      %swap3A_98 = arith.constant 3 : i32
      %swap3A_99 = arith.index_cast %swap3A_98 : i32 to index
      %swap3A_100 = arith.index_cast %add3A_97 : i32 to index
      %swap3A_101 = tpu.vector_load %arg13[%swap3A_99, %swap3A_100] {strides = array<i32>} : memref<129x512xf32, #tpu.memory_space<vmem>>, vector<16xf32>,
      tpu.vector_store %arg13[%swap3A_99, %swap3A_100], %gather3A_93 {strides = array<i32>} : memref<129x512xf32, #tpu.memory_space<vmem>>, vector<16xf32>,
      %broadcast_in_dim3A_102 = arith.constant 4 : i32
      %broadcast_in_dim3A_103 = vector.broadcast %broadcast_in_dim3A_102 : i32 to vector<16xi32>
      %gather3A_104 = tpu.vector_load_idx %arg12[%add3A_60, %broadcast_in_dim3A_103] : memref<256x64xf32, #tpu.memory_space<vmem>>[vector<16xi32>, vector<16xi32>], vector<16xf32>,
      %mul3A_105 = arith.constant 16 : i32
      %mul3A_106 = arith.muli %scan3A_56, %mul3A_105 : i32
      %add3A_107 = arith.constant 0 : i32
      %add3A_108 = arith.addi %add3A_107, %mul3A_106 : i32
      %swap3A_109 = arith.constant 4 : i32
      %swap3A_110 = arith.index_cast %swap3A_109 : i32 to index
      %swap3A_111 = arith.index_cast %add3A_108 : i32 to index
      %swap3A_112 = tpu.vector_load %arg13[%swap3A_110, %swap3A_111] {strides = array<i32>} : memref<129x512xf32, #tpu.memory_space<vmem>>, vector<16xf32>,
      tpu.vector_store %arg13[%swap3A_110, %swap3A_111], %gather3A_104 {strides = array<i32>} : memref<129x512xf32, #tpu.memory_space<vmem>>, vector<16xf32>,
      %broadcast_in_dim3A_113 = arith.constant 5 : i32
      %broadcast_in_dim3A_114 = vector.broadcast %broadcast_in_dim3A_113 : i32 to vector<16xi32>
      %gather3A_115 = tpu.vector_load_idx %arg12[%add3A_60, %broadcast_in_dim3A_114] : memref<256x64xf32, #tpu.memory_space<vmem>>[vector<16xi32>, vector<16xi32>], vector<16xf32>,
      %mul3A_116 = arith.constant 16 : i32
      %mul3A_117 = arith.muli %scan3A_56, %mul3A_116 : i32
      %add3A_118 = arith.constant 0 : i32
      %add3A_119 = arith.addi %add3A_118, %mul3A_117 : i32
      %swap3A_120 = arith.constant 5 : i32
      %swap3A_121 = arith.index_cast %swap3A_120 : i32 to index
      %swap3A_122 = arith.index_cast %add3A_119 : i32 to index
      %swap3A_123 = tpu.vector_load %arg13[%swap3A_121, %swap3A_122] {strides = array<i32>} : memref<129x512xf32, #tpu.memory_space<vmem>>, vector<16xf32>,
      tpu.vector_store %arg13[%swap3A_121, %swap3A_122], %gather3A_115 {strides = array<i32>} : memref<129x512xf32, #tpu.memory_space<vmem>>, vector<16xf32>,
      %broadcast_in_dim3A_124 = arith.constant 6 : i32
      %broadcast_in_dim3A_125 = vector.broadcast %broadcast_in_dim3A_124 : i32 to vector<16xi32>
      %gather3A_126 = tpu.vector_load_idx %arg12[%add3A_60, %broadcast_in_dim3A_125] : memref<256x64xf32, #tpu.memory_space<vmem>>[vector<16xi32>, vector<16xi32>], vector<16xf32>,
      %mul3A_127 = arith.constant 16 : i32
      %mul3A_128 = arith.muli %scan3A_56, %mul3A_127 : i32
      %add3A_129 = arith.constant 0 : i32
      %add3A_130 = arith.addi %add3A_129, %mul3A_128 : i32
      %swap3A_131 = arith.constant 6 : i32
      %swap3A_132 = arith.index_cast %swap3A_131 : i32 to index
      %swap3A_133 = arith.index_cast %add3A_130 : i32 to index
      %swap3A_134 = tpu.vector_load %arg13[%swap3A_132, %swap3A_133] {strides = array<i32>} : memref<129x512xf32, #tpu.memory_space<vmem>>, vector<16xf32>,
      tpu.vector_store %arg13[%swap3A_132, %swap3A_133], %gather3A_126 {strides = array<i32>} : memref<129x512xf32, #tpu.memory_space<vmem>>, vector<16xf32>,
      %broadcast_in_dim3A_135 = arith.constant 7 : i32
      %broadcast_in_dim3A_136 = vector.broadcast %broadcast_in_dim3A_135 : i32 to vector<16xi32>
      %gather3A_137 = tpu.vector_load_idx %arg12[%add3A_60, %broadcast_in_dim3A_136] : memref<256x64xf32, #tpu.memory_space<vmem>>[vector<16xi32>, vector<16xi32>], vector<16xf32>,
      %mul3A_138 = arith.constant 16 : i32
      %mul3A_139 = arith.muli %scan3A_56, %mul3A_138 : i32
      %add3A_140 = arith.constant 0 : i32
      %add3A_141 = arith.addi %add3A_140, %mul3A_139 : i32
      %swap3A_142 = arith.constant 7 : i32
      %swap3A_143 = arith.index_cast %swap3A_142 : i32 to index
      %swap3A_144 = arith.index_cast %add3A_141 : i32 to index
      %swap3A_145 = tpu.vector_load %arg13[%swap3A_143, %swap3A_144] {strides = array<i32>} : memref<129x512xf32, #tpu.memory_space<vmem>>, vector<16xf32>,
      tpu.vector_store %arg13[%swap3A_143, %swap3A_144], %gather3A_137 {strides = array<i32>} : memref<129x512xf32, #tpu.memory_space<vmem>>, vector<16xf32>,
      %broadcast_in_dim3A_146 = arith.constant 8 : i32
      %broadcast_in_dim3A_147 = vector.broadcast %broadcast_in_dim3A_146 : i32 to vector<16xi32>
      %gather3A_148 = tpu.vector_load_idx %arg12[%add3A_60, %broadcast_in_dim3A_147] : memref<256x64xf32, #tpu.memory_space<vmem>>[vector<16xi32>, vector<16xi32>], vector<16xf32>,
      %mul3A_149 = arith.constant 16 : i32
      %mul3A_150 = arith.muli %scan3A_56, %mul3A_149 : i32
      %add3A_151 = arith.constant 0 : i32
      %add3A_152 = arith.addi %add3A_151, %mul3A_150 : i32
      %swap3A_153 = arith.constant 8 : i32
      %swap3A_154 = arith.index_cast %swap3A_153 : i32 to index
      %swap3A_155 = arith.index_cast %add3A_152 : i32 to index
      %swap3A_156 = tpu.vector_load %arg13[%swap3A_154, %swap3A_155] {strides = array<i32>} : memref<129x512xf32, #tpu.memory_space<vmem>>, vector<16xf32>,
      tpu.vector_store %arg13[%swap3A_154, %swap3A_155], %gather3A_148 {strides = array<i32>} : memref<129x512xf32, #tpu.memory_space<vmem>>, vector<16xf32>,
      %broadcast_in_dim3A_157 = arith.constant 9 : i32
      %broadcast_in_dim3A_158 = vector.broadcast %broadcast_in_dim3A_157 : i32 to vector<16xi32>
      %gather3A_159 = tpu.vector_load_idx %arg12[%add3A_60, %broadcast_in_dim3A_158] : memref<256x64xf32, #tpu.memory_space<vmem>>[vector<16xi32>, vector<16xi32>], vector<16xf32>,
      %mul3A_160 = arith.constant 16 : i32
      %mul3A_161 = arith.muli %scan3A_56, %mul3A_160 : i32
      %add3A_162 = arith.constant 0 : i32
      %add3A_163 = arith.addi %add3A_162, %mul3A_161 : i32
      %swap3A_164 = arith.constant 9 : i32
      %swap3A_165 = arith.index_cast %swap3A_164 : i32 to index
      %swap3A_166 = arith.index_cast %add3A_163 : i32 to index
      %swap3A_167 = tpu.vector_load %arg13[%swap3A_165, %swap3A_166] {strides = array<i32>} : memref<129x512xf32, #tpu.memory_space<vmem>>, vector<16xf32>,
      tpu.vector_store %arg13[%swap3A_165, %swap3A_166], %gather3A_159 {strides = array<i32>} : memref<129x512xf32, #tpu.memory_space<vmem>>, vector<16xf32>,
      %broadcast_in_dim3A_168 = arith.constant 10 : i32
      %broadcast_in_dim3A_169 = vector.broadcast %broadcast_in_dim3A_168 : i32 to vector<16xi32>
      %gather3A_170 = tpu.vector_load_idx %arg12[%add3A_60, %broadcast_in_dim3A_169] : memref<256x64xf32, #tpu.memory_space<vmem>>[vector<16xi32>, vector<16xi32>], vector<16xf32>,
      %mul3A_171 = arith.constant 16 : i32
      %mul3A_172 = arith.muli %scan3A_56, %mul3A_171 : i32
      %add3A_173 = arith.constant 0 : i32
      %add3A_174 = arith.addi %add3A_173, %mul3A_172 : i32
      %swap3A_175 = arith.constant 10 : i32
      %swap3A_176 = arith.index_cast %swap3A_175 : i32 to index
      %swap3A_177 = arith.index_cast %add3A_174 : i32 to index
      %swap3A_178 = tpu.vector_load %arg13[%swap3A_176, %swap3A_177] {strides = array<i32>} : memref<129x512xf32, #tpu.memory_space<vmem>>, vector<16xf32>,
      tpu.vector_store %arg13[%swap3A_176, %swap3A_177], %gather3A_170 {strides = array<i32>} : memref<129x512xf32, #tpu.memory_space<vmem>>, vector<16xf32>,
      %broadcast_in_dim3A_179 = arith.constant 11 : i32
      %broadcast_in_dim3A_180 = vector.broadcast %broadcast_in_dim3A_179 : i32 to vector<16xi32>
      %gather3A_181 = tpu.vector_load_idx %arg12[%add3A_60, %broadcast_in_dim3A_180] : memref<256x64xf32, #tpu.memory_space<vmem>>[vector<16xi32>, vector<16xi32>], vector<16xf32>,
      %mul3A_182 = arith.constant 16 : i32
      %mul3A_183 = arith.muli %scan3A_56, %mul3A_182 : i32
      %add3A_184 = arith.constant 0 : i32
      %add3A_185 = arith.addi %add3A_184, %mul3A_183 : i32
      %swap3A_186 = arith.constant 11 : i32
      %swap3A_187 = arith.index_cast %swap3A_186 : i32 to index
      %swap3A_188 = arith.index_cast %add3A_185 : i32 to index
      %swap3A_189 = tpu.vector_load %arg13[%swap3A_187, %swap3A_188] {strides = array<i32>} : memref<129x512xf32, #tpu.memory_space<vmem>>, vector<16xf32>,
      tpu.vector_store %arg13[%swap3A_187, %swap3A_188], %gather3A_181 {strides = array<i32>} : memref<129x512xf32, #tpu.memory_space<vmem>>, vector<16xf32>,
      %broadcast_in_dim3A_190 = arith.constant 12 : i32
      %broadcast_in_dim3A_191 = vector.broadcast %broadcast_in_dim3A_190 : i32 to vector<16xi32>
      %gather3A_192 = tpu.vector_load_idx %arg12[%add3A_60, %broadcast_in_dim3A_191] : memref<256x64xf32, #tpu.memory_space<vmem>>[vector<16xi32>, vector<16xi32>], vector<16xf32>,
      %mul3A_193 = arith.constant 16 : i32
      %mul3A_194 = arith.muli %scan3A_56, %mul3A_193 : i32
      %add3A_195 = arith.constant 0 : i32
      %add3A_196 = arith.addi %add3A_195, %mul3A_194 : i32
      %swap3A_197 = arith.constant 12 : i32
      %swap3A_198 = arith.index_cast %swap3A_197 : i32 to index
      %swap3A_199 = arith.index_cast %add3A_196 : i32 to index
      %swap3A_200 = tpu.vector_load %arg13[%swap3A_198, %swap3A_199] {strides = array<i32>} : memref<129x512xf32, #tpu.memory_space<vmem>>, vector<16xf32>,
      tpu.vector_store %arg13[%swap3A_198, %swap3A_199], %gather3A_192 {strides = array<i32>} : memref<129x512xf32, #tpu.memory_space<vmem>>, vector<16xf32>,
      %broadcast_in_dim3A_201 = arith.constant 13 : i32
      %broadcast_in_dim3A_202 = vector.broadcast %broadcast_in_dim3A_201 : i32 to vector<16xi32>
      %gather3A_203 = tpu.vector_load_idx %arg12[%add3A_60, %broadcast_in_dim3A_202] : memref<256x64xf32, #tpu.memory_space<vmem>>[vector<16xi32>, vector<16xi32>], vector<16xf32>,
      %mul3A_204 = arith.constant 16 : i32
      %mul3A_205 = arith.muli %scan3A_56, %mul3A_204 : i32
      %add3A_206 = arith.constant 0 : i32
      %add3A_207 = arith.addi %add3A_206, %mul3A_205 : i32
      %swap3A_208 = arith.constant 13 : i32
      %swap3A_209 = arith.index_cast %swap3A_208 : i32 to index
      %swap3A_210 = arith.index_cast %add3A_207 : i32 to index
      %swap3A_211 = tpu.vector_load %arg13[%swap3A_209, %swap3A_210] {strides = array<i32>} : memref<129x512xf32, #tpu.memory_space<vmem>>, vector<16xf32>,
      tpu.vector_store %arg13[%swap3A_209, %swap3A_210], %gather3A_203 {strides = array<i32>} : memref<129x512xf32, #tpu.memory_space<vmem>>, vector<16xf32>,
      %broadcast_in_dim3A_212 = arith.constant 14 : i32
      %broadcast_in_dim3A_213 = vector.broadcast %broadcast_in_dim3A_212 : i32 to vector<16xi32>
      %gather3A_214 = tpu.vector_load_idx %arg12[%add3A_60, %broadcast_in_dim3A_213] : memref<256x64xf32, #tpu.memory_space<vmem>>[vector<16xi32>, vector<16xi32>], vector<16xf32>,
      %mul3A_215 = arith.constant 16 : i32
      %mul3A_216 = arith.muli %scan3A_56, %mul3A_215 : i32
      %add3A_217 = arith.constant 0 : i32
      %add3A_218 = arith.addi %add3A_217, %mul3A_216 : i32
      %swap3A_219 = arith.constant 14 : i32
      %swap3A_220 = arith.index_cast %swap3A_219 : i32 to index
      %swap3A_221 = arith.index_cast %add3A_218 : i32 to index
      %swap3A_222 = tpu.vector_load %arg13[%swap3A_220, %swap3A_221] {strides = array<i32>} : memref<129x512xf32, #tpu.memory_space<vmem>>, vector<16xf32>,
      tpu.vector_store %arg13[%swap3A_220, %swap3A_221], %gather3A_214 {strides = array<i32>} : memref<129x512xf32, #tpu.memory_space<vmem>>, vector<16xf32>,
      %broadcast_in_dim3A_223 = arith.constant 15 : i32
      %broadcast_in_dim3A_224 = vector.broadcast %broadcast_in_dim3A_223 : i32 to vector<16xi32>
      %gather3A_225 = tpu.vector_load_idx %arg12[%add3A_60, %broadcast_in_dim3A_224] : memref<256x64xf32, #tpu.memory_space<vmem>>[vector<16xi32>, vector<16xi32>], vector<16xf32>,
      %mul3A_226 = arith.constant 16 : i32
      %mul3A_227 = arith.muli %scan3A_56, %mul3A_226 : i32
      %add3A_228 = arith.constant 0 : i32
      %add3A_229 = arith.addi %add3A_228, %mul3A_227 : i32
      %swap3A_230 = arith.constant 15 : i32
      %swap3A_231 = arith.index_cast %swap3A_230 : i32 to index
      %swap3A_232 = arith.index_cast %add3A_229 : i32 to index
      %swap3A_233 = tpu.vector_load %arg13[%swap3A_231, %swap3A_232] {strides = array<i32>} : memref<129x512xf32, #tpu.memory_space<vmem>>, vector<16xf32>,
      tpu.vector_store %arg13[%swap3A_231, %swap3A_232], %gather3A_225 {strides = array<i32>} : memref<129x512xf32, #tpu.memory_space<vmem>>, vector<16xf32>,
      %broadcast_in_dim3A_234 = arith.constant 16 : i32
      %broadcast_in_dim3A_235 = vector.broadcast %broadcast_in_dim3A_234 : i32 to vector<16xi32>
      %gather3A_236 = tpu.vector_load_idx %arg12[%add3A_60, %broadcast_in_dim3A_235] : memref<256x64xf32, #tpu.memory_space<vmem>>[vector<16xi32>, vector<16xi32>], vector<16xf32>,
      %mul3A_237 = arith.constant 16 : i32
      %mul3A_238 = arith.muli %scan3A_56, %mul3A_237 : i32
      %add3A_239 = arith.constant 0 : i32
      %add3A_240 = arith.addi %add3A_239, %mul3A_238 : i32
      %swap3A_241 = arith.constant 16 : i32
      %swap3A_242 = arith.index_cast %swap3A_241 : i32 to index
      %swap3A_243 = arith.index_cast %add3A_240 : i32 to index
      %swap3A_244 = tpu.vector_load %arg13[%swap3A_242, %swap3A_243] {strides = array<i32>} : memref<129x512xf32, #tpu.memory_space<vmem>>, vector<16xf32>,
      tpu.vector_store %arg13[%swap3A_242, %swap3A_243], %gather3A_236 {strides = array<i32>} : memref<129x512xf32, #tpu.memory_space<vmem>>, vector<16xf32>,
      %broadcast_in_dim3A_245 = arith.constant 17 : i32
      %broadcast_in_dim3A_246 = vector.broadcast %broadcast_in_dim3A_245 : i32 to vector<16xi32>
      %gather3A_247 = tpu.vector_load_idx %arg12[%add3A_60, %broadcast_in_dim3A_246] : memref<256x64xf32, #tpu.memory_space<vmem>>[vector<16xi32>, vector<16xi32>], vector<16xf32>,
      %mul3A_248 = arith.constant 16 : i32
      %mul3A_249 = arith.muli %scan3A_56, %mul3A_248 : i32
      %add3A_250 = arith.constant 0 : i32
      %add3A_251 = arith.addi %add3A_250, %mul3A_249 : i32
      %swap3A_252 = arith.constant 17 : i32
      %swap3A_253 = arith.index_cast %swap3A_252 : i32 to index
      %swap3A_254 = arith.index_cast %add3A_251 : i32 to index
      %swap3A_255 = tpu.vector_load %arg13[%swap3A_253, %swap3A_254] {strides = array<i32>} : memref<129x512xf32, #tpu.memory_space<vmem>>, vector<16xf32>,
      tpu.vector_store %arg13[%swap3A_253, %swap3A_254], %gather3A_247 {strides = array<i32>} : memref<129x512xf32, #tpu.memory_space<vmem>>, vector<16xf32>,
      %broadcast_in_dim3A_256 = arith.constant 18 : i32
      %broadcast_in_dim3A_257 = vector.broadcast %broadcast_in_dim3A_256 : i32 to vector<16xi32>
      %gather3A_258 = tpu.vector_load_idx %arg12[%add3A_60, %broadcast_in_dim3A_257] : memref<256x64xf32, #tpu.memory_space<vmem>>[vector<16xi32>, vector<16xi32>], vector<16xf32>,
      %mul3A_259 = arith.constant 16 : i32
      %mul3A_260 = arith.muli %scan3A_56, %mul3A_259 : i32
      %add3A_261 = arith.constant 0 : i32
      %add3A_262 = arith.addi %add3A_261, %mul3A_260 : i32
      %swap3A_263 = arith.constant 18 : i32
      %swap3A_264 = arith.index_cast %swap3A_263 : i32 to index
      %swap3A_265 = arith.index_cast %add3A_262 : i32 to index
      %swap3A_266 = tpu.vector_load %arg13[%swap3A_264, %swap3A_265] {strides = array<i32>} : memref<129x512xf32, #tpu.memory_space<vmem>>, vector<16xf32>,
      tpu.vector_store %arg13[%swap3A_264, %swap3A_265], %gather3A_258 {strides = array<i32>} : memref<129x512xf32, #tpu.memory_space<vmem>>, vector<16xf32>,
      %broadcast_in_dim3A_267 = arith.constant 19 : i32
      %broadcast_in_dim3A_268 = vector.broadcast %broadcast_in_dim3A_267 : i32 to vector<16xi32>
      %gather3A_269 = tpu.vector_load_idx %arg12[%add3A_60, %broadcast_in_dim3A_268] : memref<256x64xf32, #tpu.memory_space<vmem>>[vector<16xi32>, vector<16xi32>], vector<16xf32>,
      %mul3A_270 = arith.constant 16 : i32
      %mul3A_271 = arith.muli %scan3A_56, %mul3A_270 : i32
      %add3A_272 = arith.constant 0 : i32
      %add3A_273 = arith.addi %add3A_272, %mul3A_271 : i32
      %swap3A_274 = arith.constant 19 : i32
      %swap3A_275 = arith.index_cast %swap3A_274 : i32 to index
      %swap3A_276 = arith.index_cast %add3A_273 : i32 to index
      %swap3A_277 = tpu.vector_load %arg13[%swap3A_275, %swap3A_276] {strides = array<i32>} : memref<129x512xf32, #tpu.memory_space<vmem>>, vector<16xf32>,
      tpu.vector_store %arg13[%swap3A_275, %swap3A_276], %gather3A_269 {strides = array<i32>} : memref<129x512xf32, #tpu.memory_space<vmem>>, vector<16xf32>,
      %broadcast_in_dim3A_278 = arith.constant 20 : i32
      %broadcast_in_dim3A_279 = vector.broadcast %broadcast_in_dim3A_278 : i32 to vector<16xi32>
      %gather3A_280 = tpu.vector_load_idx %arg12[%add3A_60, %broadcast_in_dim3A_279] : memref<256x64xf32, #tpu.memory_space<vmem>>[vector<16xi32>, vector<16xi32>], vector<16xf32>,
      %mul3A_281 = arith.constant 16 : i32
      %mul3A_282 = arith.muli %scan3A_56, %mul3A_281 : i32
      %add3A_283 = arith.constant 0 : i32
      %add3A_284 = arith.addi %add3A_283, %mul3A_282 : i32
      %swap3A_285 = arith.constant 20 : i32
      %swap3A_286 = arith.index_cast %swap3A_285 : i32 to index
      %swap3A_287 = arith.index_cast %add3A_284 : i32 to index
      %swap3A_288 = tpu.vector_load %arg13[%swap3A_286, %swap3A_287] {strides = array<i32>} : memref<129x512xf32, #tpu.memory_space<vmem>>, vector<16xf32>,
      tpu.vector_store %arg13[%swap3A_286, %swap3A_287], %gather3A_280 {strides = array<i32>} : memref<129x512xf32, #tpu.memory_space<vmem>>, vector<16xf32>,
      %broadcast_in_dim3A_289 = arith.constant 21 : i32
      %broadcast_in_dim3A_290 = vector.broadcast %broadcast_in_dim3A_289 : i32 to vector<16xi32>
      %gather3A_291 = tpu.vector_load_idx %arg12[%add3A_60, %broadcast_in_dim3A_290] : memref<256x64xf32, #tpu.memory_space<vmem>>[vector<16xi32>, vector<16xi32>], vector<16xf32>,
      %mul3A_292 = arith.constant 16 : i32
      %mul3A_293 = arith.muli %scan3A_56, %mul3A_292 : i32
      %add3A_294 = arith.constant 0 : i32
      %add3A_295 = arith.addi %add3A_294, %mul3A_293 : i32
      %swap3A_296 = arith.constant 21 : i32
      %swap3A_297 = arith.index_cast %swap3A_296 : i32 to index
      %swap3A_298 = arith.index_cast %add3A_295 : i32 to index
      %swap3A_299 = tpu.vector_load %arg13[%swap3A_297, %swap3A_298] {strides = array<i32>} : memref<129x512xf32, #tpu.memory_space<vmem>>, vector<16xf32>,
      tpu.vector_store %arg13[%swap3A_297, %swap3A_298], %gather3A_291 {strides = array<i32>} : memref<129x512xf32, #tpu.memory_space<vmem>>, vector<16xf32>,
      %broadcast_in_dim3A_300 = arith.constant 22 : i32
      %broadcast_in_dim3A_301 = vector.broadcast %broadcast_in_dim3A_300 : i32 to vector<16xi32>
      %gather3A_302 = tpu.vector_load_idx %arg12[%add3A_60, %broadcast_in_dim3A_301] : memref<256x64xf32, #tpu.memory_space<vmem>>[vector<16xi32>, vector<16xi32>], vector<16xf32>,
      %mul3A_303 = arith.constant 16 : i32
      %mul3A_304 = arith.muli %scan3A_56, %mul3A_303 : i32
      %add3A_305 = arith.constant 0 : i32
      %add3A_306 = arith.addi %add3A_305, %mul3A_304 : i32
      %swap3A_307 = arith.constant 22 : i32
      %swap3A_308 = arith.index_cast %swap3A_307 : i32 to index
      %swap3A_309 = arith.index_cast %add3A_306 : i32 to index
      %swap3A_310 = tpu.vector_load %arg13[%swap3A_308, %swap3A_309] {strides = array<i32>} : memref<129x512xf32, #tpu.memory_space<vmem>>, vector<16xf32>,
      tpu.vector_store %arg13[%swap3A_308, %swap3A_309], %gather3A_302 {strides = array<i32>} : memref<129x512xf32, #tpu.memory_space<vmem>>, vector<16xf32>,
      %broadcast_in_dim3A_311 = arith.constant 23 : i32
      %broadcast_in_dim3A_312 = vector.broadcast %broadcast_in_dim3A_311 : i32 to vector<16xi32>
      %gather3A_313 = tpu.vector_load_idx %arg12[%add3A_60, %broadcast_in_dim3A_312] : memref<256x64xf32, #tpu.memory_space<vmem>>[vector<16xi32>, vector<16xi32>], vector<16xf32>,
      %mul3A_314 = arith.constant 16 : i32
      %mul3A_315 = arith.muli %scan3A_56, %mul3A_314 : i32
      %add3A_316 = arith.constant 0 : i32
      %add3A_317 = arith.addi %add3A_316, %mul3A_315 : i32
      %swap3A_318 = arith.constant 23 : i32
      %swap3A_319 = arith.index_cast %swap3A_318 : i32 to index
      %swap3A_320 = arith.index_cast %add3A_317 : i32 to index
      %swap3A_321 = tpu.vector_load %arg13[%swap3A_319, %swap3A_320] {strides = array<i32>} : memref<129x512xf32, #tpu.memory_space<vmem>>, vector<16xf32>,
      tpu.vector_store %arg13[%swap3A_319, %swap3A_320], %gather3A_313 {strides = array<i32>} : memref<129x512xf32, #tpu.memory_space<vmem>>, vector<16xf32>,
      %broadcast_in_dim3A_322 = arith.constant 24 : i32
      %broadcast_in_dim3A_323 = vector.broadcast %broadcast_in_dim3A_322 : i32 to vector<16xi32>
      %gather3A_324 = tpu.vector_load_idx %arg12[%add3A_60, %broadcast_in_dim3A_323] : memref<256x64xf32, #tpu.memory_space<vmem>>[vector<16xi32>, vector<16xi32>], vector<16xf32>,
      %mul3A_325 = arith.constant 16 : i32
      %mul3A_326 = arith.muli %scan3A_56, %mul3A_325 : i32
      %add3A_327 = arith.constant 0 : i32
      %add3A_328 = arith.addi %add3A_327, %mul3A_326 : i32
      %swap3A_329 = arith.constant 24 : i32
      %swap3A_330 = arith.index_cast %swap3A_329 : i32 to index
      %swap3A_331 = arith.index_cast %add3A_328 : i32 to index
      %swap3A_332 = tpu.vector_load %arg13[%swap3A_330, %swap3A_331] {strides = array<i32>} : memref<129x512xf32, #tpu.memory_space<vmem>>, vector<16xf32>,
      tpu.vector_store %arg13[%swap3A_330, %swap3A_331], %gather3A_324 {strides = array<i32>} : memref<129x512xf32, #tpu.memory_space<vmem>>, vector<16xf32>,
      %broadcast_in_dim3A_333 = arith.constant 25 : i32
      %broadcast_in_dim3A_334 = vector.broadcast %broadcast_in_dim3A_333 : i32 to vector<16xi32>
      %gather3A_335 = tpu.vector_load_idx %arg12[%add3A_60, %broadcast_in_dim3A_334] : memref<256x64xf32, #tpu.memory_space<vmem>>[vector<16xi32>, vector<16xi32>], vector<16xf32>,
      %mul3A_336 = arith.constant 16 : i32
      %mul3A_337 = arith.muli %scan3A_56, %mul3A_336 : i32
      %add3A_338 = arith.constant 0 : i32
      %add3A_339 = arith.addi %add3A_338, %mul3A_337 : i32
      %swap3A_340 = arith.constant 25 : i32
      %swap3A_341 = arith.index_cast %swap3A_340 : i32 to index
      %swap3A_342 = arith.index_cast %add3A_339 : i32 to index
      %swap3A_343 = tpu.vector_load %arg13[%swap3A_341, %swap3A_342] {strides = array<i32>} : memref<129x512xf32, #tpu.memory_space<vmem>>, vector<16xf32>,
      tpu.vector_store %arg13[%swap3A_341, %swap3A_342], %gather3A_335 {strides = array<i32>} : memref<129x512xf32, #tpu.memory_space<vmem>>, vector<16xf32>,
      %broadcast_in_dim3A_344 = arith.constant 26 : i32
      %broadcast_in_dim3A_345 = vector.broadcast %broadcast_in_dim3A_344 : i32 to vector<16xi32>
      %gather3A_346 = tpu.vector_load_idx %arg12[%add3A_60, %broadcast_in_dim3A_345] : memref<256x64xf32, #tpu.memory_space<vmem>>[vector<16xi32>, vector<16xi32>], vector<16xf32>,
      %mul3A_347 = arith.constant 16 : i32
      %mul3A_348 = arith.muli %scan3A_56, %mul3A_347 : i32
      %add3A_349 = arith.constant 0 : i32
      %add3A_350 = arith.addi %add3A_349, %mul3A_348 : i32
      %swap3A_351 = arith.constant 26 : i32
      %swap3A_352 = arith.index_cast %swap3A_351 : i32 to index
      %swap3A_353 = arith.index_cast %add3A_350 : i32 to index
      %swap3A_354 = tpu.vector_load %arg13[%swap3A_352, %swap3A_353] {strides = array<i32>} : memref<129x512xf32, #tpu.memory_space<vmem>>, vector<16xf32>,
      tpu.vector_store %arg13[%swap3A_352, %swap3A_353], %gather3A_346 {strides = array<i32>} : memref<129x512xf32, #tpu.memory_space<vmem>>, vector<16xf32>,
      %broadcast_in_dim3A_355 = arith.constant 27 : i32
      %broadcast_in_dim3A_356 = vector.broadcast %broadcast_in_dim3A_355 : i32 to vector<16xi32>
      %gather3A_357 = tpu.vector_load_idx %arg12[%add3A_60, %broadcast_in_dim3A_356] : memref<256x64xf32, #tpu.memory_space<vmem>>[vector<16xi32>, vector<16xi32>], vector<16xf32>,
      %mul3A_358 = arith.constant 16 : i32
      %mul3A_359 = arith.muli %scan3A_56, %mul3A_358 : i32
      %add3A_360 = arith.constant 0 : i32
      %add3A_361 = arith.addi %add3A_360, %mul3A_359 : i32
      %swap3A_362 = arith.constant 27 : i32
      %swap3A_363 = arith.index_cast %swap3A_362 : i32 to index
      %swap3A_364 = arith.index_cast %add3A_361 : i32 to index
      %swap3A_365 = tpu.vector_load %arg13[%swap3A_363, %swap3A_364] {strides = array<i32>} : memref<129x512xf32, #tpu.memory_space<vmem>>, vector<16xf32>,
      tpu.vector_store %arg13[%swap3A_363, %swap3A_364], %gather3A_357 {strides = array<i32>} : memref<129x512xf32, #tpu.memory_space<vmem>>, vector<16xf32>,
      %broadcast_in_dim3A_366 = arith.constant 28 : i32
      %broadcast_in_dim3A_367 = vector.broadcast %broadcast_in_dim3A_366 : i32 to vector<16xi32>
      %gather3A_368 = tpu.vector_load_idx %arg12[%add3A_60, %broadcast_in_dim3A_367] : memref<256x64xf32, #tpu.memory_space<vmem>>[vector<16xi32>, vector<16xi32>], vector<16xf32>,
      %mul3A_369 = arith.constant 16 : i32
      %mul3A_370 = arith.muli %scan3A_56, %mul3A_369 : i32
      %add3A_371 = arith.constant 0 : i32
      %add3A_372 = arith.addi %add3A_371, %mul3A_370 : i32
      %swap3A_373 = arith.constant 28 : i32
      %swap3A_374 = arith.index_cast %swap3A_373 : i32 to index
      %swap3A_375 = arith.index_cast %add3A_372 : i32 to index
      %swap3A_376 = tpu.vector_load %arg13[%swap3A_374, %swap3A_375] {strides = array<i32>} : memref<129x512xf32, #tpu.memory_space<vmem>>, vector<16xf32>,
      tpu.vector_store %arg13[%swap3A_374, %swap3A_375], %gather3A_368 {strides = array<i32>} : memref<129x512xf32, #tpu.memory_space<vmem>>, vector<16xf32>,
      %broadcast_in_dim3A_377 = arith.constant 29 : i32
      %broadcast_in_dim3A_378 = vector.broadcast %broadcast_in_dim3A_377 : i32 to vector<16xi32>
      %gather3A_379 = tpu.vector_load_idx %arg12[%add3A_60, %broadcast_in_dim3A_378] : memref<256x64xf32, #tpu.memory_space<vmem>>[vector<16xi32>, vector<16xi32>], vector<16xf32>,
      %mul3A_380 = arith.constant 16 : i32
      %mul3A_381 = arith.muli %scan3A_56, %mul3A_380 : i32
      %add3A_382 = arith.constant 0 : i32
      %add3A_383 = arith.addi %add3A_382, %mul3A_381 : i32
      %swap3A_384 = arith.constant 29 : i32
      %swap3A_385 = arith.index_cast %swap3A_384 : i32 to index
      %swap3A_386 = arith.index_cast %add3A_383 : i32 to index
      %swap3A_387 = tpu.vector_load %arg13[%swap3A_385, %swap3A_386] {strides = array<i32>} : memref<129x512xf32, #tpu.memory_space<vmem>>, vector<16xf32>,
      tpu.vector_store %arg13[%swap3A_385, %swap3A_386], %gather3A_379 {strides = array<i32>} : memref<129x512xf32, #tpu.memory_space<vmem>>, vector<16xf32>,
      %broadcast_in_dim3A_388 = arith.constant 30 : i32
      %broadcast_in_dim3A_389 = vector.broadcast %broadcast_in_dim3A_388 : i32 to vector<16xi32>
      %gather3A_390 = tpu.vector_load_idx %arg12[%add3A_60, %broadcast_in_dim3A_389] : memref<256x64xf32, #tpu.memory_space<vmem>>[vector<16xi32>, vector<16xi32>], vector<16xf32>,
      %mul3A_391 = arith.constant 16 : i32
      %mul3A_392 = arith.muli %scan3A_56, %mul3A_391 : i32
      %add3A_393 = arith.constant 0 : i32
      %add3A_394 = arith.addi %add3A_393, %mul3A_392 : i32
      %swap3A_395 = arith.constant 30 : i32
      %swap3A_396 = arith.index_cast %swap3A_395 : i32 to index
      %swap3A_397 = arith.index_cast %add3A_394 : i32 to index
      %swap3A_398 = tpu.vector_load %arg13[%swap3A_396, %swap3A_397] {strides = array<i32>} : memref<129x512xf32, #tpu.memory_space<vmem>>, vector<16xf32>,
      tpu.vector_store %arg13[%swap3A_396, %swap3A_397], %gather3A_390 {strides = array<i32>} : memref<129x512xf32, #tpu.memory_space<vmem>>, vector<16xf32>,
      %broadcast_in_dim3A_399 = arith.constant 31 : i32
      %broadcast_in_dim3A_400 = vector.broadcast %broadcast_in_dim3A_399 : i32 to vector<16xi32>
      %gather3A_401 = tpu.vector_load_idx %arg12[%add3A_60, %broadcast_in_dim3A_400] : memref<256x64xf32, #tpu.memory_space<vmem>>[vector<16xi32>, vector<16xi32>], vector<16xf32>,
      %mul3A_402 = arith.constant 16 : i32
      %mul3A_403 = arith.muli %scan3A_56, %mul3A_402 : i32
      %add3A_404 = arith.constant 0 : i32
      %add3A_405 = arith.addi %add3A_404, %mul3A_403 : i32
      %swap3A_406 = arith.constant 31 : i32
      %swap3A_407 = arith.index_cast %swap3A_406 : i32 to index
      %swap3A_408 = arith.index_cast %add3A_405 : i32 to index
      %swap3A_409 = tpu.vector_load %arg13[%swap3A_407, %swap3A_408] {strides = array<i32>} : memref<129x512xf32, #tpu.memory_space<vmem>>, vector<16xf32>,
      tpu.vector_store %arg13[%swap3A_407, %swap3A_408], %gather3A_401 {strides = array<i32>} : memref<129x512xf32, #tpu.memory_space<vmem>>, vector<16xf32>,
      %broadcast_in_dim3A_410 = arith.constant 32 : i32
      %broadcast_in_dim3A_411 = vector.broadcast %broadcast_in_dim3A_410 : i32 to vector<16xi32>
      %gather3A_412 = tpu.vector_load_idx %arg12[%add3A_60, %broadcast_in_dim3A_411] : memref<256x64xf32, #tpu.memory_space<vmem>>[vector<16xi32>, vector<16xi32>], vector<16xf32>,
      %mul3A_413 = arith.constant 16 : i32
      %mul3A_414 = arith.muli %scan3A_56, %mul3A_413 : i32
      %add3A_415 = arith.constant 0 : i32
      %add3A_416 = arith.addi %add3A_415, %mul3A_414 : i32
      %swap3A_417 = arith.constant 32 : i32
      %swap3A_418 = arith.index_cast %swap3A_417 : i32 to index
      %swap3A_419 = arith.index_cast %add3A_416 : i32 to index
      %swap3A_420 = tpu.vector_load %arg13[%swap3A_418, %swap3A_419] {strides = array<i32>} : memref<129x512xf32, #tpu.memory_space<vmem>>, vector<16xf32>,
      tpu.vector_store %arg13[%swap3A_418, %swap3A_419], %gather3A_412 {strides = array<i32>} : memref<129x512xf32, #tpu.memory_space<vmem>>, vector<16xf32>,
      %broadcast_in_dim3A_421 = arith.constant 33 : i32
      %broadcast_in_dim3A_422 = vector.broadcast %broadcast_in_dim3A_421 : i32 to vector<16xi32>
      %gather3A_423 = tpu.vector_load_idx %arg12[%add3A_60, %broadcast_in_dim3A_422] : memref<256x64xf32, #tpu.memory_space<vmem>>[vector<16xi32>, vector<16xi32>], vector<16xf32>,
      %mul3A_424 = arith.constant 16 : i32
      %mul3A_425 = arith.muli %scan3A_56, %mul3A_424 : i32
      %add3A_426 = arith.constant 0 : i32
      %add3A_427 = arith.addi %add3A_426, %mul3A_425 : i32
      %swap3A_428 = arith.constant 33 : i32
      %swap3A_429 = arith.index_cast %swap3A_428 : i32 to index
      %swap3A_430 = arith.index_cast %add3A_427 : i32 to index
      %swap3A_431 = tpu.vector_load %arg13[%swap3A_429, %swap3A_430] {strides = array<i32>} : memref<129x512xf32, #tpu.memory_space<vmem>>, vector<16xf32>,
      tpu.vector_store %arg13[%swap3A_429, %swap3A_430], %gather3A_423 {strides = array<i32>} : memref<129x512xf32, #tpu.memory_space<vmem>>, vector<16xf32>,
      %broadcast_in_dim3A_432 = arith.constant 34 : i32
      %broadcast_in_dim3A_433 = vector.broadcast %broadcast_in_dim3A_432 : i32 to vector<16xi32>
      %gather3A_434 = tpu.vector_load_idx %arg12[%add3A_60, %broadcast_in_dim3A_433] : memref<256x64xf32, #tpu.memory_space<vmem>>[vector<16xi32>, vector<16xi32>], vector<16xf32>,
      %mul3A_435 = arith.constant 16 : i32
      %mul3A_436 = arith.muli %scan3A_56, %mul3A_435 : i32
      %add3A_437 = arith.constant 0 : i32
      %add3A_438 = arith.addi %add3A_437, %mul3A_436 : i32
      %swap3A_439 = arith.constant 34 : i32
      %swap3A_440 = arith.index_cast %swap3A_439 : i32 to index
      %swap3A_441 = arith.index_cast %add3A_438 : i32 to index
      %swap3A_442 = tpu.vector_load %arg13[%swap3A_440, %swap3A_441] {strides = array<i32>} : memref<129x512xf32, #tpu.memory_space<vmem>>, vector<16xf32>,
      tpu.vector_store %arg13[%swap3A_440, %swap3A_441], %gather3A_434 {strides = array<i32>} : memref<129x512xf32, #tpu.memory_space<vmem>>, vector<16xf32>,
      %broadcast_in_dim3A_443 = arith.constant 35 : i32
      %broadcast_in_dim3A_444 = vector.broadcast %broadcast_in_dim3A_443 : i32 to vector<16xi32>
      %gather3A_445 = tpu.vector_load_idx %arg12[%add3A_60, %broadcast_in_dim3A_444] : memref<256x64xf32, #tpu.memory_space<vmem>>[vector<16xi32>, vector<16xi32>], vector<16xf32>,
      %mul3A_446 = arith.constant 16 : i32
      %mul3A_447 = arith.muli %scan3A_56, %mul3A_446 : i32
      %add3A_448 = arith.constant 0 : i32
      %add3A_449 = arith.addi %add3A_448, %mul3A_447 : i32
      %swap3A_450 = arith.constant 35 : i32
      %swap3A_451 = arith.index_cast %swap3A_450 : i32 to index
      %swap3A_452 = arith.index_cast %add3A_449 : i32 to index
      %swap3A_453 = tpu.vector_load %arg13[%swap3A_451, %swap3A_452] {strides = array<i32>} : memref<129x512xf32, #tpu.memory_space<vmem>>, vector<16xf32>,
      tpu.vector_store %arg13[%swap3A_451, %swap3A_452], %gather3A_445 {strides = array<i32>} : memref<129x512xf32, #tpu.memory_space<vmem>>, vector<16xf32>,
      %broadcast_in_dim3A_454 = arith.constant 36 : i32
      %broadcast_in_dim3A_455 = vector.broadcast %broadcast_in_dim3A_454 : i32 to vector<16xi32>
      %gather3A_456 = tpu.vector_load_idx %arg12[%add3A_60, %broadcast_in_dim3A_455] : memref<256x64xf32, #tpu.memory_space<vmem>>[vector<16xi32>, vector<16xi32>], vector<16xf32>,
      %mul3A_457 = arith.constant 16 : i32
      %mul3A_458 = arith.muli %scan3A_56, %mul3A_457 : i32
      %add3A_459 = arith.constant 0 : i32
      %add3A_460 = arith.addi %add3A_459, %mul3A_458 : i32
      %swap3A_461 = arith.constant 36 : i32
      %swap3A_462 = arith.index_cast %swap3A_461 : i32 to index
      %swap3A_463 = arith.index_cast %add3A_460 : i32 to index
      %swap3A_464 = tpu.vector_load %arg13[%swap3A_462, %swap3A_463] {strides = array<i32>} : memref<129x512xf32, #tpu.memory_space<vmem>>, vector<16xf32>,
      tpu.vector_store %arg13[%swap3A_462, %swap3A_463], %gather3A_456 {strides = array<i32>} : memref<129x512xf32, #tpu.memory_space<vmem>>, vector<16xf32>,
      %broadcast_in_dim3A_465 = arith.constant 37 : i32
      %broadcast_in_dim3A_466 = vector.broadcast %broadcast_in_dim3A_465 : i32 to vector<16xi32>
      %gather3A_467 = tpu.vector_load_idx %arg12[%add3A_60, %broadcast_in_dim3A_466] : memref<256x64xf32, #tpu.memory_space<vmem>>[vector<16xi32>, vector<16xi32>], vector<16xf32>,
      %mul3A_468 = arith.constant 16 : i32
      %mul3A_469 = arith.muli %scan3A_56, %mul3A_468 : i32
      %add3A_470 = arith.constant 0 : i32
      %add3A_471 = arith.addi %add3A_470, %mul3A_469 : i32
      %swap3A_472 = arith.constant 37 : i32
      %swap3A_473 = arith.index_cast %swap3A_472 : i32 to index
      %swap3A_474 = arith.index_cast %add3A_471 : i32 to index
      %swap3A_475 = tpu.vector_load %arg13[%swap3A_473, %swap3A_474] {strides = array<i32>} : memref<129x512xf32, #tpu.memory_space<vmem>>, vector<16xf32>,
      tpu.vector_store %arg13[%swap3A_473, %swap3A_474], %gather3A_467 {strides = array<i32>} : memref<129x512xf32, #tpu.memory_space<vmem>>, vector<16xf32>,
      %broadcast_in_dim3A_476 = arith.constant 38 : i32
      %broadcast_in_dim3A_477 = vector.broadcast %broadcast_in_dim3A_476 : i32 to vector<16xi32>
      %gather3A_478 = tpu.vector_load_idx %arg12[%add3A_60, %broadcast_in_dim3A_477] : memref<256x64xf32, #tpu.memory_space<vmem>>[vector<16xi32>, vector<16xi32>], vector<16xf32>,
      %mul3A_479 = arith.constant 16 : i32
      %mul3A_480 = arith.muli %scan3A_56, %mul3A_479 : i32
      %add3A_481 = arith.constant 0 : i32
      %add3A_482 = arith.addi %add3A_481, %mul3A_480 : i32
      %swap3A_483 = arith.constant 38 : i32
      %swap3A_484 = arith.index_cast %swap3A_483 : i32 to index
      %swap3A_485 = arith.index_cast %add3A_482 : i32 to index
      %swap3A_486 = tpu.vector_load %arg13[%swap3A_484, %swap3A_485] {strides = array<i32>} : memref<129x512xf32, #tpu.memory_space<vmem>>, vector<16xf32>,
      tpu.vector_store %arg13[%swap3A_484, %swap3A_485], %gather3A_478 {strides = array<i32>} : memref<129x512xf32, #tpu.memory_space<vmem>>, vector<16xf32>,
      %broadcast_in_dim3A_487 = arith.constant 39 : i32
      %broadcast_in_dim3A_488 = vector.broadcast %broadcast_in_dim3A_487 : i32 to vector<16xi32>
      %gather3A_489 = tpu.vector_load_idx %arg12[%add3A_60, %broadcast_in_dim3A_488] : memref<256x64xf32, #tpu.memory_space<vmem>>[vector<16xi32>, vector<16xi32>], vector<16xf32>,
      %mul3A_490 = arith.constant 16 : i32
      %mul3A_491 = arith.muli %scan3A_56, %mul3A_490 : i32
      %add3A_492 = arith.constant 0 : i32
      %add3A_493 = arith.addi %add3A_492, %mul3A_491 : i32
      %swap3A_494 = arith.constant 39 : i32
      %swap3A_495 = arith.index_cast %swap3A_494 : i32 to index
      %swap3A_496 = arith.index_cast %add3A_493 : i32 to index
      %swap3A_497 = tpu.vector_load %arg13[%swap3A_495, %swap3A_496] {strides = array<i32>} : memref<129x512xf32, #tpu.memory_space<vmem>>, vector<16xf32>,
      tpu.vector_store %arg13[%swap3A_495, %swap3A_496], %gather3A_489 {strides = array<i32>} : memref<129x512xf32, #tpu.memory_space<vmem>>, vector<16xf32>,
      %broadcast_in_dim3A_498 = arith.constant 40 : i32
      %broadcast_in_dim3A_499 = vector.broadcast %broadcast_in_dim3A_498 : i32 to vector<16xi32>
      %gather3A_500 = tpu.vector_load_idx %arg12[%add3A_60, %broadcast_in_dim3A_499] : memref<256x64xf32, #tpu.memory_space<vmem>>[vector<16xi32>, vector<16xi32>], vector<16xf32>,
      %mul3A_501 = arith.constant 16 : i32
      %mul3A_502 = arith.muli %scan3A_56, %mul3A_501 : i32
      %add3A_503 = arith.constant 0 : i32
      %add3A_504 = arith.addi %add3A_503, %mul3A_502 : i32
      %swap3A_505 = arith.constant 40 : i32
      %swap3A_506 = arith.index_cast %swap3A_505 : i32 to index
      %swap3A_507 = arith.index_cast %add3A_504 : i32 to index
      %swap3A_508 = tpu.vector_load %arg13[%swap3A_506, %swap3A_507] {strides = array<i32>} : memref<129x512xf32, #tpu.memory_space<vmem>>, vector<16xf32>,
      tpu.vector_store %arg13[%swap3A_506, %swap3A_507], %gather3A_500 {strides = array<i32>} : memref<129x512xf32, #tpu.memory_space<vmem>>, vector<16xf32>,
      %broadcast_in_dim3A_509 = arith.constant 41 : i32
      %broadcast_in_dim3A_510 = vector.broadcast %broadcast_in_dim3A_509 : i32 to vector<16xi32>
      %gather3A_511 = tpu.vector_load_idx %arg12[%add3A_60, %broadcast_in_dim3A_510] : memref<256x64xf32, #tpu.memory_space<vmem>>[vector<16xi32>, vector<16xi32>], vector<16xf32>,
      %mul3A_512 = arith.constant 16 : i32
      %mul3A_513 = arith.muli %scan3A_56, %mul3A_512 : i32
      %add3A_514 = arith.constant 0 : i32
      %add3A_515 = arith.addi %add3A_514, %mul3A_513 : i32
      %swap3A_516 = arith.constant 41 : i32
      %swap3A_517 = arith.index_cast %swap3A_516 : i32 to index
      %swap3A_518 = arith.index_cast %add3A_515 : i32 to index
      %swap3A_519 = tpu.vector_load %arg13[%swap3A_517, %swap3A_518] {strides = array<i32>} : memref<129x512xf32, #tpu.memory_space<vmem>>, vector<16xf32>,
      tpu.vector_store %arg13[%swap3A_517, %swap3A_518], %gather3A_511 {strides = array<i32>} : memref<129x512xf32, #tpu.memory_space<vmem>>, vector<16xf32>,
      %broadcast_in_dim3A_520 = arith.constant 42 : i32
      %broadcast_in_dim3A_521 = vector.broadcast %broadcast_in_dim3A_520 : i32 to vector<16xi32>
      %gather3A_522 = tpu.vector_load_idx %arg12[%add3A_60, %broadcast_in_dim3A_521] : memref<256x64xf32, #tpu.memory_space<vmem>>[vector<16xi32>, vector<16xi32>], vector<16xf32>,
      %mul3A_523 = arith.constant 16 : i32
      %mul3A_524 = arith.muli %scan3A_56, %mul3A_523 : i32
      %add3A_525 = arith.constant 0 : i32
      %add3A_526 = arith.addi %add3A_525, %mul3A_524 : i32
      %swap3A_527 = arith.constant 42 : i32
      %swap3A_528 = arith.index_cast %swap3A_527 : i32 to index
      %swap3A_529 = arith.index_cast %add3A_526 : i32 to index
      %swap3A_530 = tpu.vector_load %arg13[%swap3A_528, %swap3A_529] {strides = array<i32>} : memref<129x512xf32, #tpu.memory_space<vmem>>, vector<16xf32>,
      tpu.vector_store %arg13[%swap3A_528, %swap3A_529], %gather3A_522 {strides = array<i32>} : memref<129x512xf32, #tpu.memory_space<vmem>>, vector<16xf32>,
      %broadcast_in_dim3A_531 = arith.constant 43 : i32
      %broadcast_in_dim3A_532 = vector.broadcast %broadcast_in_dim3A_531 : i32 to vector<16xi32>
      %gather3A_533 = tpu.vector_load_idx %arg12[%add3A_60, %broadcast_in_dim3A_532] : memref<256x64xf32, #tpu.memory_space<vmem>>[vector<16xi32>, vector<16xi32>], vector<16xf32>,
      %mul3A_534 = arith.constant 16 : i32
      %mul3A_535 = arith.muli %scan3A_56, %mul3A_534 : i32
      %add3A_536 = arith.constant 0 : i32
      %add3A_537 = arith.addi %add3A_536, %mul3A_535 : i32
      %swap3A_538 = arith.constant 43 : i32
      %swap3A_539 = arith.index_cast %swap3A_538 : i32 to index
      %swap3A_540 = arith.index_cast %add3A_537 : i32 to index
      %swap3A_541 = tpu.vector_load %arg13[%swap3A_539, %swap3A_540] {strides = array<i32>} : memref<129x512xf32, #tpu.memory_space<vmem>>, vector<16xf32>,
      tpu.vector_store %arg13[%swap3A_539, %swap3A_540], %gather3A_533 {strides = array<i32>} : memref<129x512xf32, #tpu.memory_space<vmem>>, vector<16xf32>,
      %broadcast_in_dim3A_542 = arith.constant 44 : i32
      %broadcast_in_dim3A_543 = vector.broadcast %broadcast_in_dim3A_542 : i32 to vector<16xi32>
      %gather3A_544 = tpu.vector_load_idx %arg12[%add3A_60, %broadcast_in_dim3A_543] : memref<256x64xf32, #tpu.memory_space<vmem>>[vector<16xi32>, vector<16xi32>], vector<16xf32>,
      %mul3A_545 = arith.constant 16 : i32
      %mul3A_546 = arith.muli %scan3A_56, %mul3A_545 : i32
      %add3A_547 = arith.constant 0 : i32
      %add3A_548 = arith.addi %add3A_547, %mul3A_546 : i32
      %swap3A_549 = arith.constant 44 : i32
      %swap3A_550 = arith.index_cast %swap3A_549 : i32 to index
      %swap3A_551 = arith.index_cast %add3A_548 : i32 to index
      %swap3A_552 = tpu.vector_load %arg13[%swap3A_550, %swap3A_551] {strides = array<i32>} : memref<129x512xf32, #tpu.memory_space<vmem>>, vector<16xf32>,
      tpu.vector_store %arg13[%swap3A_550, %swap3A_551], %gather3A_544 {strides = array<i32>} : memref<129x512xf32, #tpu.memory_space<vmem>>, vector<16xf32>,
      %broadcast_in_dim3A_553 = arith.constant 45 : i32
      %broadcast_in_dim3A_554 = vector.broadcast %broadcast_in_dim3A_553 : i32 to vector<16xi32>
      %gather3A_555 = tpu.vector_load_idx %arg12[%add3A_60, %broadcast_in_dim3A_554] : memref<256x64xf32, #tpu.memory_space<vmem>>[vector<16xi32>, vector<16xi32>], vector<16xf32>,
      %mul3A_556 = arith.constant 16 : i32
      %mul3A_557 = arith.muli %scan3A_56, %mul3A_556 : i32
      %add3A_558 = arith.constant 0 : i32
      %add3A_559 = arith.addi %add3A_558, %mul3A_557 : i32
      %swap3A_560 = arith.constant 45 : i32
      %swap3A_561 = arith.index_cast %swap3A_560 : i32 to index
      %swap3A_562 = arith.index_cast %add3A_559 : i32 to index
      %swap3A_563 = tpu.vector_load %arg13[%swap3A_561, %swap3A_562] {strides = array<i32>} : memref<129x512xf32, #tpu.memory_space<vmem>>, vector<16xf32>,
      tpu.vector_store %arg13[%swap3A_561, %swap3A_562], %gather3A_555 {strides = array<i32>} : memref<129x512xf32, #tpu.memory_space<vmem>>, vector<16xf32>,
      %broadcast_in_dim3A_564 = arith.constant 46 : i32
      %broadcast_in_dim3A_565 = vector.broadcast %broadcast_in_dim3A_564 : i32 to vector<16xi32>
      %gather3A_566 = tpu.vector_load_idx %arg12[%add3A_60, %broadcast_in_dim3A_565] : memref<256x64xf32, #tpu.memory_space<vmem>>[vector<16xi32>, vector<16xi32>], vector<16xf32>,
      %mul3A_567 = arith.constant 16 : i32
      %mul3A_568 = arith.muli %scan3A_56, %mul3A_567 : i32
      %add3A_569 = arith.constant 0 : i32
      %add3A_570 = arith.addi %add3A_569, %mul3A_568 : i32
      %swap3A_571 = arith.constant 46 : i32
      %swap3A_572 = arith.index_cast %swap3A_571 : i32 to index
      %swap3A_573 = arith.index_cast %add3A_570 : i32 to index
      %swap3A_574 = tpu.vector_load %arg13[%swap3A_572, %swap3A_573] {strides = array<i32>} : memref<129x512xf32, #tpu.memory_space<vmem>>, vector<16xf32>,
      tpu.vector_store %arg13[%swap3A_572, %swap3A_573], %gather3A_566 {strides = array<i32>} : memref<129x512xf32, #tpu.memory_space<vmem>>, vector<16xf32>,
      %broadcast_in_dim3A_575 = arith.constant 47 : i32
      %broadcast_in_dim3A_576 = vector.broadcast %broadcast_in_dim3A_575 : i32 to vector<16xi32>
      %gather3A_577 = tpu.vector_load_idx %arg12[%add3A_60, %broadcast_in_dim3A_576] : memref<256x64xf32, #tpu.memory_space<vmem>>[vector<16xi32>, vector<16xi32>], vector<16xf32>,
      %mul3A_578 = arith.constant 16 : i32
      %mul3A_579 = arith.muli %scan3A_56, %mul3A_578 : i32
      %add3A_580 = arith.constant 0 : i32
      %add3A_581 = arith.addi %add3A_580, %mul3A_579 : i32
      %swap3A_582 = arith.constant 47 : i32
      %swap3A_583 = arith.index_cast %swap3A_582 : i32 to index
      %swap3A_584 = arith.index_cast %add3A_581 : i32 to index
      %swap3A_585 = tpu.vector_load %arg13[%swap3A_583, %swap3A_584] {strides = array<i32>} : memref<129x512xf32, #tpu.memory_space<vmem>>, vector<16xf32>,
      tpu.vector_store %arg13[%swap3A_583, %swap3A_584], %gather3A_577 {strides = array<i32>} : memref<129x512xf32, #tpu.memory_space<vmem>>, vector<16xf32>,
      %broadcast_in_dim3A_586 = arith.constant 48 : i32
      %broadcast_in_dim3A_587 = vector.broadcast %broadcast_in_dim3A_586 : i32 to vector<16xi32>
      %gather3A_588 = tpu.vector_load_idx %arg12[%add3A_60, %broadcast_in_dim3A_587] : memref<256x64xf32, #tpu.memory_space<vmem>>[vector<16xi32>, vector<16xi32>], vector<16xf32>,
      %mul3A_589 = arith.constant 16 : i32
      %mul3A_590 = arith.muli %scan3A_56, %mul3A_589 : i32
      %add3A_591 = arith.constant 0 : i32
      %add3A_592 = arith.addi %add3A_591, %mul3A_590 : i32
      %swap3A_593 = arith.constant 48 : i32
      %swap3A_594 = arith.index_cast %swap3A_593 : i32 to index
      %swap3A_595 = arith.index_cast %add3A_592 : i32 to index
      %swap3A_596 = tpu.vector_load %arg13[%swap3A_594, %swap3A_595] {strides = array<i32>} : memref<129x512xf32, #tpu.memory_space<vmem>>, vector<16xf32>,
      tpu.vector_store %arg13[%swap3A_594, %swap3A_595], %gather3A_588 {strides = array<i32>} : memref<129x512xf32, #tpu.memory_space<vmem>>, vector<16xf32>,
      %broadcast_in_dim3A_597 = arith.constant 49 : i32
      %broadcast_in_dim3A_598 = vector.broadcast %broadcast_in_dim3A_597 : i32 to vector<16xi32>
      %gather3A_599 = tpu.vector_load_idx %arg12[%add3A_60, %broadcast_in_dim3A_598] : memref<256x64xf32, #tpu.memory_space<vmem>>[vector<16xi32>, vector<16xi32>], vector<16xf32>,
      %mul3A_600 = arith.constant 16 : i32
      %mul3A_601 = arith.muli %scan3A_56, %mul3A_600 : i32
      %add3A_602 = arith.constant 0 : i32
      %add3A_603 = arith.addi %add3A_602, %mul3A_601 : i32
      %swap3A_604 = arith.constant 49 : i32
      %swap3A_605 = arith.index_cast %swap3A_604 : i32 to index
      %swap3A_606 = arith.index_cast %add3A_603 : i32 to index
      %swap3A_607 = tpu.vector_load %arg13[%swap3A_605, %swap3A_606] {strides = array<i32>} : memref<129x512xf32, #tpu.memory_space<vmem>>, vector<16xf32>,
      tpu.vector_store %arg13[%swap3A_605, %swap3A_606], %gather3A_599 {strides = array<i32>} : memref<129x512xf32, #tpu.memory_space<vmem>>, vector<16xf32>,
      %broadcast_in_dim3A_608 = arith.constant 50 : i32
      %broadcast_in_dim3A_609 = vector.broadcast %broadcast_in_dim3A_608 : i32 to vector<16xi32>
      %gather3A_610 = tpu.vector_load_idx %arg12[%add3A_60, %broadcast_in_dim3A_609] : memref<256x64xf32, #tpu.memory_space<vmem>>[vector<16xi32>, vector<16xi32>], vector<16xf32>,
      %mul3A_611 = arith.constant 16 : i32
      %mul3A_612 = arith.muli %scan3A_56, %mul3A_611 : i32
      %add3A_613 = arith.constant 0 : i32
      %add3A_614 = arith.addi %add3A_613, %mul3A_612 : i32
      %swap3A_615 = arith.constant 50 : i32
      %swap3A_616 = arith.index_cast %swap3A_615 : i32 to index
      %swap3A_617 = arith.index_cast %add3A_614 : i32 to index
      %swap3A_618 = tpu.vector_load %arg13[%swap3A_616, %swap3A_617] {strides = array<i32>} : memref<129x512xf32, #tpu.memory_space<vmem>>, vector<16xf32>,
      tpu.vector_store %arg13[%swap3A_616, %swap3A_617], %gather3A_610 {strides = array<i32>} : memref<129x512xf32, #tpu.memory_space<vmem>>, vector<16xf32>,
      %broadcast_in_dim3A_619 = arith.constant 51 : i32
      %broadcast_in_dim3A_620 = vector.broadcast %broadcast_in_dim3A_619 : i32 to vector<16xi32>
      %gather3A_621 = tpu.vector_load_idx %arg12[%add3A_60, %broadcast_in_dim3A_620] : memref<256x64xf32, #tpu.memory_space<vmem>>[vector<16xi32>, vector<16xi32>], vector<16xf32>,
      %mul3A_622 = arith.constant 16 : i32
      %mul3A_623 = arith.muli %scan3A_56, %mul3A_622 : i32
      %add3A_624 = arith.constant 0 : i32
      %add3A_625 = arith.addi %add3A_624, %mul3A_623 : i32
      %swap3A_626 = arith.constant 51 : i32
      %swap3A_627 = arith.index_cast %swap3A_626 : i32 to index
      %swap3A_628 = arith.index_cast %add3A_625 : i32 to index
      %swap3A_629 = tpu.vector_load %arg13[%swap3A_627, %swap3A_628] {strides = array<i32>} : memref<129x512xf32, #tpu.memory_space<vmem>>, vector<16xf32>,
      tpu.vector_store %arg13[%swap3A_627, %swap3A_628], %gather3A_621 {strides = array<i32>} : memref<129x512xf32, #tpu.memory_space<vmem>>, vector<16xf32>,
      %broadcast_in_dim3A_630 = arith.constant 52 : i32
      %broadcast_in_dim3A_631 = vector.broadcast %broadcast_in_dim3A_630 : i32 to vector<16xi32>
      %gather3A_632 = tpu.vector_load_idx %arg12[%add3A_60, %broadcast_in_dim3A_631] : memref<256x64xf32, #tpu.memory_space<vmem>>[vector<16xi32>, vector<16xi32>], vector<16xf32>,
      %mul3A_633 = arith.constant 16 : i32
      %mul3A_634 = arith.muli %scan3A_56, %mul3A_633 : i32
      %add3A_635 = arith.constant 0 : i32
      %add3A_636 = arith.addi %add3A_635, %mul3A_634 : i32
      %swap3A_637 = arith.constant 52 : i32
      %swap3A_638 = arith.index_cast %swap3A_637 : i32 to index
      %swap3A_639 = arith.index_cast %add3A_636 : i32 to index
      %swap3A_640 = tpu.vector_load %arg13[%swap3A_638, %swap3A_639] {strides = array<i32>} : memref<129x512xf32, #tpu.memory_space<vmem>>, vector<16xf32>,
      tpu.vector_store %arg13[%swap3A_638, %swap3A_639], %gather3A_632 {strides = array<i32>} : memref<129x512xf32, #tpu.memory_space<vmem>>, vector<16xf32>,
      %broadcast_in_dim3A_641 = arith.constant 53 : i32
      %broadcast_in_dim3A_642 = vector.broadcast %broadcast_in_dim3A_641 : i32 to vector<16xi32>
      %gather3A_643 = tpu.vector_load_idx %arg12[%add3A_60, %broadcast_in_dim3A_642] : memref<256x64xf32, #tpu.memory_space<vmem>>[vector<16xi32>, vector<16xi32>], vector<16xf32>,
      %mul3A_644 = arith.constant 16 : i32
      %mul3A_645 = arith.muli %scan3A_56, %mul3A_644 : i32
      %add3A_646 = arith.constant 0 : i32
      %add3A_647 = arith.addi %add3A_646, %mul3A_645 : i32
      %swap3A_648 = arith.constant 53 : i32
      %swap3A_649 = arith.index_cast %swap3A_648 : i32 to index
      %swap3A_650 = arith.index_cast %add3A_647 : i32 to index
      %swap3A_651 = tpu.vector_load %arg13[%swap3A_649, %swap3A_650] {strides = array<i32>} : memref<129x512xf32, #tpu.memory_space<vmem>>, vector<16xf32>,
      tpu.vector_store %arg13[%swap3A_649, %swap3A_650], %gather3A_643 {strides = array<i32>} : memref<129x512xf32, #tpu.memory_space<vmem>>, vector<16xf32>,
      %broadcast_in_dim3A_652 = arith.constant 54 : i32
      %broadcast_in_dim3A_653 = vector.broadcast %broadcast_in_dim3A_652 : i32 to vector<16xi32>
      %gather3A_654 = tpu.vector_load_idx %arg12[%add3A_60, %broadcast_in_dim3A_653] : memref<256x64xf32, #tpu.memory_space<vmem>>[vector<16xi32>, vector<16xi32>], vector<16xf32>,
      %mul3A_655 = arith.constant 16 : i32
      %mul3A_656 = arith.muli %scan3A_56, %mul3A_655 : i32
      %add3A_657 = arith.constant 0 : i32
      %add3A_658 = arith.addi %add3A_657, %mul3A_656 : i32
      %swap3A_659 = arith.constant 54 : i32
      %swap3A_660 = arith.index_cast %swap3A_659 : i32 to index
      %swap3A_661 = arith.index_cast %add3A_658 : i32 to index
      %swap3A_662 = tpu.vector_load %arg13[%swap3A_660, %swap3A_661] {strides = array<i32>} : memref<129x512xf32, #tpu.memory_space<vmem>>, vector<16xf32>,
      tpu.vector_store %arg13[%swap3A_660, %swap3A_661], %gather3A_654 {strides = array<i32>} : memref<129x512xf32, #tpu.memory_space<vmem>>, vector<16xf32>,
      %broadcast_in_dim3A_663 = arith.constant 55 : i32
      %broadcast_in_dim3A_664 = vector.broadcast %broadcast_in_dim3A_663 : i32 to vector<16xi32>
      %gather3A_665 = tpu.vector_load_idx %arg12[%add3A_60, %broadcast_in_dim3A_664] : memref<256x64xf32, #tpu.memory_space<vmem>>[vector<16xi32>, vector<16xi32>], vector<16xf32>,
      %mul3A_666 = arith.constant 16 : i32
      %mul3A_667 = arith.muli %scan3A_56, %mul3A_666 : i32
      %add3A_668 = arith.constant 0 : i32
      %add3A_669 = arith.addi %add3A_668, %mul3A_667 : i32
      %swap3A_670 = arith.constant 55 : i32
      %swap3A_671 = arith.index_cast %swap3A_670 : i32 to index
      %swap3A_672 = arith.index_cast %add3A_669 : i32 to index
      %swap3A_673 = tpu.vector_load %arg13[%swap3A_671, %swap3A_672] {strides = array<i32>} : memref<129x512xf32, #tpu.memory_space<vmem>>, vector<16xf32>,
      tpu.vector_store %arg13[%swap3A_671, %swap3A_672], %gather3A_665 {strides = array<i32>} : memref<129x512xf32, #tpu.memory_space<vmem>>, vector<16xf32>,
      %broadcast_in_dim3A_674 = arith.constant 56 : i32
      %broadcast_in_dim3A_675 = vector.broadcast %broadcast_in_dim3A_674 : i32 to vector<16xi32>
      %gather3A_676 = tpu.vector_load_idx %arg12[%add3A_60, %broadcast_in_dim3A_675] : memref<256x64xf32, #tpu.memory_space<vmem>>[vector<16xi32>, vector<16xi32>], vector<16xf32>,
      %mul3A_677 = arith.constant 16 : i32
      %mul3A_678 = arith.muli %scan3A_56, %mul3A_677 : i32
      %add3A_679 = arith.constant 0 : i32
      %add3A_680 = arith.addi %add3A_679, %mul3A_678 : i32
      %swap3A_681 = arith.constant 56 : i32
      %swap3A_682 = arith.index_cast %swap3A_681 : i32 to index
      %swap3A_683 = arith.index_cast %add3A_680 : i32 to index
      %swap3A_684 = tpu.vector_load %arg13[%swap3A_682, %swap3A_683] {strides = array<i32>} : memref<129x512xf32, #tpu.memory_space<vmem>>, vector<16xf32>,
      tpu.vector_store %arg13[%swap3A_682, %swap3A_683], %gather3A_676 {strides = array<i32>} : memref<129x512xf32, #tpu.memory_space<vmem>>, vector<16xf32>,
      %broadcast_in_dim3A_685 = arith.constant 57 : i32
      %broadcast_in_dim3A_686 = vector.broadcast %broadcast_in_dim3A_685 : i32 to vector<16xi32>
      %gather3A_687 = tpu.vector_load_idx %arg12[%add3A_60, %broadcast_in_dim3A_686] : memref<256x64xf32, #tpu.memory_space<vmem>>[vector<16xi32>, vector<16xi32>], vector<16xf32>,
      %mul3A_688 = arith.constant 16 : i32
      %mul3A_689 = arith.muli %scan3A_56, %mul3A_688 : i32
      %add3A_690 = arith.constant 0 : i32
      %add3A_691 = arith.addi %add3A_690, %mul3A_689 : i32
      %swap3A_692 = arith.constant 57 : i32
      %swap3A_693 = arith.index_cast %swap3A_692 : i32 to index
      %swap3A_694 = arith.index_cast %add3A_691 : i32 to index
      %swap3A_695 = tpu.vector_load %arg13[%swap3A_693, %swap3A_694] {strides = array<i32>} : memref<129x512xf32, #tpu.memory_space<vmem>>, vector<16xf32>,
      tpu.vector_store %arg13[%swap3A_693, %swap3A_694], %gather3A_687 {strides = array<i32>} : memref<129x512xf32, #tpu.memory_space<vmem>>, vector<16xf32>,
      %broadcast_in_dim3A_696 = arith.constant 58 : i32
      %broadcast_in_dim3A_697 = vector.broadcast %broadcast_in_dim3A_696 : i32 to vector<16xi32>
      %gather3A_698 = tpu.vector_load_idx %arg12[%add3A_60, %broadcast_in_dim3A_697] : memref<256x64xf32, #tpu.memory_space<vmem>>[vector<16xi32>, vector<16xi32>], vector<16xf32>,
      %mul3A_699 = arith.constant 16 : i32
      %mul3A_700 = arith.muli %scan3A_56, %mul3A_699 : i32
      %add3A_701 = arith.constant 0 : i32
      %add3A_702 = arith.addi %add3A_701, %mul3A_700 : i32
      %swap3A_703 = arith.constant 58 : i32
      %swap3A_704 = arith.index_cast %swap3A_703 : i32 to index
      %swap3A_705 = arith.index_cast %add3A_702 : i32 to index
      %swap3A_706 = tpu.vector_load %arg13[%swap3A_704, %swap3A_705] {strides = array<i32>} : memref<129x512xf32, #tpu.memory_space<vmem>>, vector<16xf32>,
      tpu.vector_store %arg13[%swap3A_704, %swap3A_705], %gather3A_698 {strides = array<i32>} : memref<129x512xf32, #tpu.memory_space<vmem>>, vector<16xf32>,
      %broadcast_in_dim3A_707 = arith.constant 59 : i32
      %broadcast_in_dim3A_708 = vector.broadcast %broadcast_in_dim3A_707 : i32 to vector<16xi32>
      %gather3A_709 = tpu.vector_load_idx %arg12[%add3A_60, %broadcast_in_dim3A_708] : memref<256x64xf32, #tpu.memory_space<vmem>>[vector<16xi32>, vector<16xi32>], vector<16xf32>,
      %mul3A_710 = arith.constant 16 : i32
      %mul3A_711 = arith.muli %scan3A_56, %mul3A_710 : i32
      %add3A_712 = arith.constant 0 : i32
      %add3A_713 = arith.addi %add3A_712, %mul3A_711 : i32
      %swap3A_714 = arith.constant 59 : i32
      %swap3A_715 = arith.index_cast %swap3A_714 : i32 to index
      %swap3A_716 = arith.index_cast %add3A_713 : i32 to index
      %swap3A_717 = tpu.vector_load %arg13[%swap3A_715, %swap3A_716] {strides = array<i32>} : memref<129x512xf32, #tpu.memory_space<vmem>>, vector<16xf32>,
      tpu.vector_store %arg13[%swap3A_715, %swap3A_716], %gather3A_709 {strides = array<i32>} : memref<129x512xf32, #tpu.memory_space<vmem>>, vector<16xf32>,
      %broadcast_in_dim3A_718 = arith.constant 60 : i32
      %broadcast_in_dim3A_719 = vector.broadcast %broadcast_in_dim3A_718 : i32 to vector<16xi32>
      %gather3A_720 = tpu.vector_load_idx %arg12[%add3A_60, %broadcast_in_dim3A_719] : memref<256x64xf32, #tpu.memory_space<vmem>>[vector<16xi32>, vector<16xi32>], vector<16xf32>,
      %mul3A_721 = arith.constant 16 : i32
      %mul3A_722 = arith.muli %scan3A_56, %mul3A_721 : i32
      %add3A_723 = arith.constant 0 : i32
      %add3A_724 = arith.addi %add3A_723, %mul3A_722 : i32
      %swap3A_725 = arith.constant 60 : i32
      %swap3A_726 = arith.index_cast %swap3A_725 : i32 to index
      %swap3A_727 = arith.index_cast %add3A_724 : i32 to index
      %swap3A_728 = tpu.vector_load %arg13[%swap3A_726, %swap3A_727] {strides = array<i32>} : memref<129x512xf32, #tpu.memory_space<vmem>>, vector<16xf32>,
      tpu.vector_store %arg13[%swap3A_726, %swap3A_727], %gather3A_720 {strides = array<i32>} : memref<129x512xf32, #tpu.memory_space<vmem>>, vector<16xf32>,
      %broadcast_in_dim3A_729 = arith.constant 61 : i32
      %broadcast_in_dim3A_730 = vector.broadcast %broadcast_in_dim3A_729 : i32 to vector<16xi32>
      %gather3A_731 = tpu.vector_load_idx %arg12[%add3A_60, %broadcast_in_dim3A_730] : memref<256x64xf32, #tpu.memory_space<vmem>>[vector<16xi32>, vector<16xi32>], vector<16xf32>,
      %mul3A_732 = arith.constant 16 : i32
      %mul3A_733 = arith.muli %scan3A_56, %mul3A_732 : i32
      %add3A_734 = arith.constant 0 : i32
      %add3A_735 = arith.addi %add3A_734, %mul3A_733 : i32
      %swap3A_736 = arith.constant 61 : i32
      %swap3A_737 = arith.index_cast %swap3A_736 : i32 to index
      %swap3A_738 = arith.index_cast %add3A_735 : i32 to index
      %swap3A_739 = tpu.vector_load %arg13[%swap3A_737, %swap3A_738] {strides = array<i32>} : memref<129x512xf32, #tpu.memory_space<vmem>>, vector<16xf32>,
      tpu.vector_store %arg13[%swap3A_737, %swap3A_738], %gather3A_731 {strides = array<i32>} : memref<129x512xf32, #tpu.memory_space<vmem>>, vector<16xf32>,
      %broadcast_in_dim3A_740 = arith.constant 62 : i32
      %broadcast_in_dim3A_741 = vector.broadcast %broadcast_in_dim3A_740 : i32 to vector<16xi32>
      %gather3A_742 = tpu.vector_load_idx %arg12[%add3A_60, %broadcast_in_dim3A_741] : memref<256x64xf32, #tpu.memory_space<vmem>>[vector<16xi32>, vector<16xi32>], vector<16xf32>,
      %mul3A_743 = arith.constant 16 : i32
      %mul3A_744 = arith.muli %scan3A_56, %mul3A_743 : i32
      %add3A_745 = arith.constant 0 : i32
      %add3A_746 = arith.addi %add3A_745, %mul3A_744 : i32
      %swap3A_747 = arith.constant 62 : i32
      %swap3A_748 = arith.index_cast %swap3A_747 : i32 to index
      %swap3A_749 = arith.index_cast %add3A_746 : i32 to index
      %swap3A_750 = tpu.vector_load %arg13[%swap3A_748, %swap3A_749] {strides = array<i32>} : memref<129x512xf32, #tpu.memory_space<vmem>>, vector<16xf32>,
      tpu.vector_store %arg13[%swap3A_748, %swap3A_749], %gather3A_742 {strides = array<i32>} : memref<129x512xf32, #tpu.memory_space<vmem>>, vector<16xf32>,
      %broadcast_in_dim3A_751 = arith.constant 63 : i32
      %broadcast_in_dim3A_752 = vector.broadcast %broadcast_in_dim3A_751 : i32 to vector<16xi32>
      %gather3A_753 = tpu.vector_load_idx %arg12[%add3A_60, %broadcast_in_dim3A_752] : memref<256x64xf32, #tpu.memory_space<vmem>>[vector<16xi32>, vector<16xi32>], vector<16xf32>,
      %mul3A_754 = arith.constant 16 : i32
      %mul3A_755 = arith.muli %scan3A_56, %mul3A_754 : i32
      %add3A_756 = arith.constant 0 : i32
      %add3A_757 = arith.addi %add3A_756, %mul3A_755 : i32
      %swap3A_758 = arith.constant 63 : i32
      %swap3A_759 = arith.index_cast %swap3A_758 : i32 to index
      %swap3A_760 = arith.index_cast %add3A_757 : i32 to index
      %swap3A_761 = tpu.vector_load %arg13[%swap3A_759, %swap3A_760] {strides = array<i32>} : memref<129x512xf32, #tpu.memory_space<vmem>>, vector<16xf32>,
      tpu.vector_store %arg13[%swap3A_759, %swap3A_760], %gather3A_753 {strides = array<i32>} : memref<129x512xf32, #tpu.memory_space<vmem>>, vector<16xf32>,
    }
    %scan3A_37 = arith.constant 16 : i32
    %scan3A_38 = arith.constant 0 : i32
    %scan3A_39 = arith.constant 0 : i32
    %scan3A_40 = arith.constant 16 : i32
    %scan3A_41 = arith.addi %scan3A_39, %scan3A_40 : i32
    %scan3A_42 = arith.constant 1 : i32
    scf.for %scan3A_56 = %scan3A_39 to %scan3A_41 step %scan3A_42  : i32 {
      %mul3A_57 = arith.constant 16 : i32
      %mul3A_58 = arith.muli %scan3A_56, %mul3A_57 : i32
      %add3A_59 = arith.constant 256 : i32
      %add3A_60 = arith.addi %add3A_59, %mul3A_58 : i32
      %get3A_61 = arith.index_cast %add3A_60 : i32 to index
      %get3A_62 = tpu.vector_load %arg9[%get3A_61] {strides = array<i32>} : memref<512xi32, #tpu.memory_space<vmem>>, vector<16xi32>,
      %slice3A = vector.extract_strided_slice %get3A_62 {offsets = [0], sizes = [1], strides = [1]} : vector<16xi32> to vector<1xi32>
      %squeeze3A = vector.extract %slice3A[0] : i32 from vector<1xi32>
      %mul3A_63 = arith.constant 16 : i32
      %mul3A_64 = arith.muli %scan3A_56, %mul3A_63 : i32
      %add3A_65 = arith.constant 0 : i32
      %add3A_66 = arith.addi %mul3A_64, %add3A_65 : i32
      %dma_start3A = arith.constant 0 : i32
      %dma_start3A_67 = tpu.memref_slice %arg12[%add3A_66, %dma_start3A] : memref<256x64xf32, #tpu.memory_space<vmem>> -> memref<1x64xf32, #tpu.memory_space<vmem>>
      %dma_start3A_68 = arith.constant 0 : i32
      %dma_start3A_69 = tpu.memref_slice %arg4[%squeeze3A, %dma_start3A_68] : memref<1000001x64xf32, #tpu.memory_space<hbm>> -> memref<1x64xf32, #tpu.memory_space<hbm>>
      %dma_start3A_70 = arith.constant 0 : i32
      %dma_start3A_71 = tpu.memref_slice %arg12[%add3A_66, %dma_start3A_70] : memref<256x64xf32, #tpu.memory_space<vmem>> -> memref<1x64xf32, #tpu.memory_space<vmem>>
      %dma_start3A_72 = arith.constant 0 : i32
      %dma_start3A_73 = tpu.memref_slice %arg4[%squeeze3A, %dma_start3A_72] : memref<1000001x64xf32, #tpu.memory_space<hbm>> -> memref<1x64xf32, #tpu.memory_space<hbm>>
      tpu.enqueue_dma source(%dma_start3A_73 : memref<1x64xf32, #tpu.memory_space<hbm>>) target(%dma_start3A_71 : memref<1x64xf32, #tpu.memory_space<vmem>>) target_semaphore(%arg16 : memref<!tpu.dma_semaphore, #tpu.memory_space<semaphore_mem>>)
      %slice3A_74 = vector.extract_strided_slice %get3A_62 {offsets = [1], sizes = [1], strides = [1]} : vector<16xi32> to vector<1xi32>
      %squeeze3A_75 = vector.extract %slice3A_74[0] : i32 from vector<1xi32>
      %mul3A_76 = arith.constant 16 : i32
      %mul3A_77 = arith.muli %scan3A_56, %mul3A_76 : i32
      %add3A_78 = arith.constant 1 : i32
      %add3A_79 = arith.addi %mul3A_77, %add3A_78 : i32
      %dma_start3A_80 = arith.constant 0 : i32
      %dma_start3A_81 = tpu.memref_slice %arg12[%add3A_79, %dma_start3A_80] : memref<256x64xf32, #tpu.memory_space<vmem>> -> memref<1x64xf32, #tpu.memory_space<vmem>>
      %dma_start3A_82 = arith.constant 0 : i32
      %dma_start3A_83 = tpu.memref_slice %arg4[%squeeze3A_75, %dma_start3A_82] : memref<1000001x64xf32, #tpu.memory_space<hbm>> -> memref<1x64xf32, #tpu.memory_space<hbm>>
      %dma_start3A_84 = arith.constant 0 : i32
      %dma_start3A_85 = tpu.memref_slice %arg12[%add3A_79, %dma_start3A_84] : memref<256x64xf32, #tpu.memory_space<vmem>> -> memref<1x64xf32, #tpu.memory_space<vmem>>
      %dma_start3A_86 = arith.constant 0 : i32
      %dma_start3A_87 = tpu.memref_slice %arg4[%squeeze3A_75, %dma_start3A_86] : memref<1000001x64xf32, #tpu.memory_space<hbm>> -> memref<1x64xf32, #tpu.memory_space<hbm>>
      tpu.enqueue_dma source(%dma_start3A_87 : memref<1x64xf32, #tpu.memory_space<hbm>>) target(%dma_start3A_85 : memref<1x64xf32, #tpu.memory_space<vmem>>) target_semaphore(%arg16 : memref<!tpu.dma_semaphore, #tpu.memory_space<semaphore_mem>>)
      %slice3A_88 = vector.extract_strided_slice %get3A_62 {offsets = [2], sizes = [1], strides = [1]} : vector<16xi32> to vector<1xi32>
      %squeeze3A_89 = vector.extract %slice3A_88[0] : i32 from vector<1xi32>
      %mul3A_90 = arith.constant 16 : i32
      %mul3A_91 = arith.muli %scan3A_56, %mul3A_90 : i32
      %add3A_92 = arith.constant 2 : i32
      %add3A_93 = arith.addi %mul3A_91, %add3A_92 : i32
      %dma_start3A_94 = arith.constant 0 : i32
      %dma_start3A_95 = tpu.memref_slice %arg12[%add3A_93, %dma_start3A_94] : memref<256x64xf32, #tpu.memory_space<vmem>> -> memref<1x64xf32, #tpu.memory_space<vmem>>
      %dma_start3A_96 = arith.constant 0 : i32
      %dma_start3A_97 = tpu.memref_slice %arg4[%squeeze3A_89, %dma_start3A_96] : memref<1000001x64xf32, #tpu.memory_space<hbm>> -> memref<1x64xf32, #tpu.memory_space<hbm>>
      %dma_start3A_98 = arith.constant 0 : i32
      %dma_start3A_99 = tpu.memref_slice %arg12[%add3A_93, %dma_start3A_98] : memref<256x64xf32, #tpu.memory_space<vmem>> -> memref<1x64xf32, #tpu.memory_space<vmem>>
      %dma_start3A_100 = arith.constant 0 : i32
      %dma_start3A_101 = tpu.memref_slice %arg4[%squeeze3A_89, %dma_start3A_100] : memref<1000001x64xf32, #tpu.memory_space<hbm>> -> memref<1x64xf32, #tpu.memory_space<hbm>>
      tpu.enqueue_dma source(%dma_start3A_101 : memref<1x64xf32, #tpu.memory_space<hbm>>) target(%dma_start3A_99 : memref<1x64xf32, #tpu.memory_space<vmem>>) target_semaphore(%arg16 : memref<!tpu.dma_semaphore, #tpu.memory_space<semaphore_mem>>)
      %slice3A_102 = vector.extract_strided_slice %get3A_62 {offsets = [3], sizes = [1], strides = [1]} : vector<16xi32> to vector<1xi32>
      %squeeze3A_103 = vector.extract %slice3A_102[0] : i32 from vector<1xi32>
      %mul3A_104 = arith.constant 16 : i32
      %mul3A_105 = arith.muli %scan3A_56, %mul3A_104 : i32
      %add3A_106 = arith.constant 3 : i32
      %add3A_107 = arith.addi %mul3A_105, %add3A_106 : i32
      %dma_start3A_108 = arith.constant 0 : i32
      %dma_start3A_109 = tpu.memref_slice %arg12[%add3A_107, %dma_start3A_108] : memref<256x64xf32, #tpu.memory_space<vmem>> -> memref<1x64xf32, #tpu.memory_space<vmem>>
      %dma_start3A_110 = arith.constant 0 : i32
      %dma_start3A_111 = tpu.memref_slice %arg4[%squeeze3A_103, %dma_start3A_110] : memref<1000001x64xf32, #tpu.memory_space<hbm>> -> memref<1x64xf32, #tpu.memory_space<hbm>>
      %dma_start3A_112 = arith.constant 0 : i32
      %dma_start3A_113 = tpu.memref_slice %arg12[%add3A_107, %dma_start3A_112] : memref<256x64xf32, #tpu.memory_space<vmem>> -> memref<1x64xf32, #tpu.memory_space<vmem>>
      %dma_start3A_114 = arith.constant 0 : i32
      %dma_start3A_115 = tpu.memref_slice %arg4[%squeeze3A_103, %dma_start3A_114] : memref<1000001x64xf32, #tpu.memory_space<hbm>> -> memref<1x64xf32, #tpu.memory_space<hbm>>
      tpu.enqueue_dma source(%dma_start3A_115 : memref<1x64xf32, #tpu.memory_space<hbm>>) target(%dma_start3A_113 : memref<1x64xf32, #tpu.memory_space<vmem>>) target_semaphore(%arg16 : memref<!tpu.dma_semaphore, #tpu.memory_space<semaphore_mem>>)
      %slice3A_116 = vector.extract_strided_slice %get3A_62 {offsets = [4], sizes = [1], strides = [1]} : vector<16xi32> to vector<1xi32>
      %squeeze3A_117 = vector.extract %slice3A_116[0] : i32 from vector<1xi32>
      %mul3A_118 = arith.constant 16 : i32
      %mul3A_119 = arith.muli %scan3A_56, %mul3A_118 : i32
      %add3A_120 = arith.constant 4 : i32
      %add3A_121 = arith.addi %mul3A_119, %add3A_120 : i32
      %dma_start3A_122 = arith.constant 0 : i32
      %dma_start3A_123 = tpu.memref_slice %arg12[%add3A_121, %dma_start3A_122] : memref<256x64xf32, #tpu.memory_space<vmem>> -> memref<1x64xf32, #tpu.memory_space<vmem>>
      %dma_start3A_124 = arith.constant 0 : i32
      %dma_start3A_125 = tpu.memref_slice %arg4[%squeeze3A_117, %dma_start3A_124] : memref<1000001x64xf32, #tpu.memory_space<hbm>> -> memref<1x64xf32, #tpu.memory_space<hbm>>
      %dma_start3A_126 = arith.constant 0 : i32
      %dma_start3A_127 = tpu.memref_slice %arg12[%add3A_121, %dma_start3A_126] : memref<256x64xf32, #tpu.memory_space<vmem>> -> memref<1x64xf32, #tpu.memory_space<vmem>>
      %dma_start3A_128 = arith.constant 0 : i32
      %dma_start3A_129 = tpu.memref_slice %arg4[%squeeze3A_117, %dma_start3A_128] : memref<1000001x64xf32, #tpu.memory_space<hbm>> -> memref<1x64xf32, #tpu.memory_space<hbm>>
      tpu.enqueue_dma source(%dma_start3A_129 : memref<1x64xf32, #tpu.memory_space<hbm>>) target(%dma_start3A_127 : memref<1x64xf32, #tpu.memory_space<vmem>>) target_semaphore(%arg16 : memref<!tpu.dma_semaphore, #tpu.memory_space<semaphore_mem>>)
      %slice3A_130 = vector.extract_strided_slice %get3A_62 {offsets = [5], sizes = [1], strides = [1]} : vector<16xi32> to vector<1xi32>
      %squeeze3A_131 = vector.extract %slice3A_130[0] : i32 from vector<1xi32>
      %mul3A_132 = arith.constant 16 : i32
      %mul3A_133 = arith.muli %scan3A_56, %mul3A_132 : i32
      %add3A_134 = arith.constant 5 : i32
      %add3A_135 = arith.addi %mul3A_133, %add3A_134 : i32
      %dma_start3A_136 = arith.constant 0 : i32
      %dma_start3A_137 = tpu.memref_slice %arg12[%add3A_135, %dma_start3A_136] : memref<256x64xf32, #tpu.memory_space<vmem>> -> memref<1x64xf32, #tpu.memory_space<vmem>>
      %dma_start3A_138 = arith.constant 0 : i32
      %dma_start3A_139 = tpu.memref_slice %arg4[%squeeze3A_131, %dma_start3A_138] : memref<1000001x64xf32, #tpu.memory_space<hbm>> -> memref<1x64xf32, #tpu.memory_space<hbm>>
      %dma_start3A_140 = arith.constant 0 : i32
      %dma_start3A_141 = tpu.memref_slice %arg12[%add3A_135, %dma_start3A_140] : memref<256x64xf32, #tpu.memory_space<vmem>> -> memref<1x64xf32, #tpu.memory_space<vmem>>
      %dma_start3A_142 = arith.constant 0 : i32
      %dma_start3A_143 = tpu.memref_slice %arg4[%squeeze3A_131, %dma_start3A_142] : memref<1000001x64xf32, #tpu.memory_space<hbm>> -> memref<1x64xf32, #tpu.memory_space<hbm>>
      tpu.enqueue_dma source(%dma_start3A_143 : memref<1x64xf32, #tpu.memory_space<hbm>>) target(%dma_start3A_141 : memref<1x64xf32, #tpu.memory_space<vmem>>) target_semaphore(%arg16 : memref<!tpu.dma_semaphore, #tpu.memory_space<semaphore_mem>>)
      %slice3A_144 = vector.extract_strided_slice %get3A_62 {offsets = [6], sizes = [1], strides = [1]} : vector<16xi32> to vector<1xi32>
      %squeeze3A_145 = vector.extract %slice3A_144[0] : i32 from vector<1xi32>
      %mul3A_146 = arith.constant 16 : i32
      %mul3A_147 = arith.muli %scan3A_56, %mul3A_146 : i32
      %add3A_148 = arith.constant 6 : i32
      %add3A_149 = arith.addi %mul3A_147, %add3A_148 : i32
      %dma_start3A_150 = arith.constant 0 : i32
      %dma_start3A_151 = tpu.memref_slice %arg12[%add3A_149, %dma_start3A_150] : memref<256x64xf32, #tpu.memory_space<vmem>> -> memref<1x64xf32, #tpu.memory_space<vmem>>
      %dma_start3A_152 = arith.constant 0 : i32
      %dma_start3A_153 = tpu.memref_slice %arg4[%squeeze3A_145, %dma_start3A_152] : memref<1000001x64xf32, #tpu.memory_space<hbm>> -> memref<1x64xf32, #tpu.memory_space<hbm>>
      %dma_start3A_154 = arith.constant 0 : i32
      %dma_start3A_155 = tpu.memref_slice %arg12[%add3A_149, %dma_start3A_154] : memref<256x64xf32, #tpu.memory_space<vmem>> -> memref<1x64xf32, #tpu.memory_space<vmem>>
      %dma_start3A_156 = arith.constant 0 : i32
      %dma_start3A_157 = tpu.memref_slice %arg4[%squeeze3A_145, %dma_start3A_156] : memref<1000001x64xf32, #tpu.memory_space<hbm>> -> memref<1x64xf32, #tpu.memory_space<hbm>>
      tpu.enqueue_dma source(%dma_start3A_157 : memref<1x64xf32, #tpu.memory_space<hbm>>) target(%dma_start3A_155 : memref<1x64xf32, #tpu.memory_space<vmem>>) target_semaphore(%arg16 : memref<!tpu.dma_semaphore, #tpu.memory_space<semaphore_mem>>)
      %slice3A_158 = vector.extract_strided_slice %get3A_62 {offsets = [7], sizes = [1], strides = [1]} : vector<16xi32> to vector<1xi32>
      %squeeze3A_159 = vector.extract %slice3A_158[0] : i32 from vector<1xi32>
      %mul3A_160 = arith.constant 16 : i32
      %mul3A_161 = arith.muli %scan3A_56, %mul3A_160 : i32
      %add3A_162 = arith.constant 7 : i32
      %add3A_163 = arith.addi %mul3A_161, %add3A_162 : i32
      %dma_start3A_164 = arith.constant 0 : i32
      %dma_start3A_165 = tpu.memref_slice %arg12[%add3A_163, %dma_start3A_164] : memref<256x64xf32, #tpu.memory_space<vmem>> -> memref<1x64xf32, #tpu.memory_space<vmem>>
      %dma_start3A_166 = arith.constant 0 : i32
      %dma_start3A_167 = tpu.memref_slice %arg4[%squeeze3A_159, %dma_start3A_166] : memref<1000001x64xf32, #tpu.memory_space<hbm>> -> memref<1x64xf32, #tpu.memory_space<hbm>>
      %dma_start3A_168 = arith.constant 0 : i32
      %dma_start3A_169 = tpu.memref_slice %arg12[%add3A_163, %dma_start3A_168] : memref<256x64xf32, #tpu.memory_space<vmem>> -> memref<1x64xf32, #tpu.memory_space<vmem>>
      %dma_start3A_170 = arith.constant 0 : i32
      %dma_start3A_171 = tpu.memref_slice %arg4[%squeeze3A_159, %dma_start3A_170] : memref<1000001x64xf32, #tpu.memory_space<hbm>> -> memref<1x64xf32, #tpu.memory_space<hbm>>
      tpu.enqueue_dma source(%dma_start3A_171 : memref<1x64xf32, #tpu.memory_space<hbm>>) target(%dma_start3A_169 : memref<1x64xf32, #tpu.memory_space<vmem>>) target_semaphore(%arg16 : memref<!tpu.dma_semaphore, #tpu.memory_space<semaphore_mem>>)
      %slice3A_172 = vector.extract_strided_slice %get3A_62 {offsets = [8], sizes = [1], strides = [1]} : vector<16xi32> to vector<1xi32>
      %squeeze3A_173 = vector.extract %slice3A_172[0] : i32 from vector<1xi32>
      %mul3A_174 = arith.constant 16 : i32
      %mul3A_175 = arith.muli %scan3A_56, %mul3A_174 : i32
      %add3A_176 = arith.constant 8 : i32
      %add3A_177 = arith.addi %mul3A_175, %add3A_176 : i32
      %dma_start3A_178 = arith.constant 0 : i32
      %dma_start3A_179 = tpu.memref_slice %arg12[%add3A_177, %dma_start3A_178] : memref<256x64xf32, #tpu.memory_space<vmem>> -> memref<1x64xf32, #tpu.memory_space<vmem>>
      %dma_start3A_180 = arith.constant 0 : i32
      %dma_start3A_181 = tpu.memref_slice %arg4[%squeeze3A_173, %dma_start3A_180] : memref<1000001x64xf32, #tpu.memory_space<hbm>> -> memref<1x64xf32, #tpu.memory_space<hbm>>
      %dma_start3A_182 = arith.constant 0 : i32
      %dma_start3A_183 = tpu.memref_slice %arg12[%add3A_177, %dma_start3A_182] : memref<256x64xf32, #tpu.memory_space<vmem>> -> memref<1x64xf32, #tpu.memory_space<vmem>>
      %dma_start3A_184 = arith.constant 0 : i32
      %dma_start3A_185 = tpu.memref_slice %arg4[%squeeze3A_173, %dma_start3A_184] : memref<1000001x64xf32, #tpu.memory_space<hbm>> -> memref<1x64xf32, #tpu.memory_space<hbm>>
      tpu.enqueue_dma source(%dma_start3A_185 : memref<1x64xf32, #tpu.memory_space<hbm>>) target(%dma_start3A_183 : memref<1x64xf32, #tpu.memory_space<vmem>>) target_semaphore(%arg16 : memref<!tpu.dma_semaphore, #tpu.memory_space<semaphore_mem>>)
      %slice3A_186 = vector.extract_strided_slice %get3A_62 {offsets = [9], sizes = [1], strides = [1]} : vector<16xi32> to vector<1xi32>
      %squeeze3A_187 = vector.extract %slice3A_186[0] : i32 from vector<1xi32>
      %mul3A_188 = arith.constant 16 : i32
      %mul3A_189 = arith.muli %scan3A_56, %mul3A_188 : i32
      %add3A_190 = arith.constant 9 : i32
      %add3A_191 = arith.addi %mul3A_189, %add3A_190 : i32
      %dma_start3A_192 = arith.constant 0 : i32
      %dma_start3A_193 = tpu.memref_slice %arg12[%add3A_191, %dma_start3A_192] : memref<256x64xf32, #tpu.memory_space<vmem>> -> memref<1x64xf32, #tpu.memory_space<vmem>>
      %dma_start3A_194 = arith.constant 0 : i32
      %dma_start3A_195 = tpu.memref_slice %arg4[%squeeze3A_187, %dma_start3A_194] : memref<1000001x64xf32, #tpu.memory_space<hbm>> -> memref<1x64xf32, #tpu.memory_space<hbm>>
      %dma_start3A_196 = arith.constant 0 : i32
      %dma_start3A_197 = tpu.memref_slice %arg12[%add3A_191, %dma_start3A_196] : memref<256x64xf32, #tpu.memory_space<vmem>> -> memref<1x64xf32, #tpu.memory_space<vmem>>
      %dma_start3A_198 = arith.constant 0 : i32
      %dma_start3A_199 = tpu.memref_slice %arg4[%squeeze3A_187, %dma_start3A_198] : memref<1000001x64xf32, #tpu.memory_space<hbm>> -> memref<1x64xf32, #tpu.memory_space<hbm>>
      tpu.enqueue_dma source(%dma_start3A_199 : memref<1x64xf32, #tpu.memory_space<hbm>>) target(%dma_start3A_197 : memref<1x64xf32, #tpu.memory_space<vmem>>) target_semaphore(%arg16 : memref<!tpu.dma_semaphore, #tpu.memory_space<semaphore_mem>>)
      %slice3A_200 = vector.extract_strided_slice %get3A_62 {offsets = [10], sizes = [1], strides = [1]} : vector<16xi32> to vector<1xi32>
      %squeeze3A_201 = vector.extract %slice3A_200[0] : i32 from vector<1xi32>
      %mul3A_202 = arith.constant 16 : i32
      %mul3A_203 = arith.muli %scan3A_56, %mul3A_202 : i32
      %add3A_204 = arith.constant 10 : i32
      %add3A_205 = arith.addi %mul3A_203, %add3A_204 : i32
      %dma_start3A_206 = arith.constant 0 : i32
      %dma_start3A_207 = tpu.memref_slice %arg12[%add3A_205, %dma_start3A_206] : memref<256x64xf32, #tpu.memory_space<vmem>> -> memref<1x64xf32, #tpu.memory_space<vmem>>
      %dma_start3A_208 = arith.constant 0 : i32
      %dma_start3A_209 = tpu.memref_slice %arg4[%squeeze3A_201, %dma_start3A_208] : memref<1000001x64xf32, #tpu.memory_space<hbm>> -> memref<1x64xf32, #tpu.memory_space<hbm>>
      %dma_start3A_210 = arith.constant 0 : i32
      %dma_start3A_211 = tpu.memref_slice %arg12[%add3A_205, %dma_start3A_210] : memref<256x64xf32, #tpu.memory_space<vmem>> -> memref<1x64xf32, #tpu.memory_space<vmem>>
      %dma_start3A_212 = arith.constant 0 : i32
      %dma_start3A_213 = tpu.memref_slice %arg4[%squeeze3A_201, %dma_start3A_212] : memref<1000001x64xf32, #tpu.memory_space<hbm>> -> memref<1x64xf32, #tpu.memory_space<hbm>>
      tpu.enqueue_dma source(%dma_start3A_213 : memref<1x64xf32, #tpu.memory_space<hbm>>) target(%dma_start3A_211 : memref<1x64xf32, #tpu.memory_space<vmem>>) target_semaphore(%arg16 : memref<!tpu.dma_semaphore, #tpu.memory_space<semaphore_mem>>)
      %slice3A_214 = vector.extract_strided_slice %get3A_62 {offsets = [11], sizes = [1], strides = [1]} : vector<16xi32> to vector<1xi32>
      %squeeze3A_215 = vector.extract %slice3A_214[0] : i32 from vector<1xi32>
      %mul3A_216 = arith.constant 16 : i32
      %mul3A_217 = arith.muli %scan3A_56, %mul3A_216 : i32
      %add3A_218 = arith.constant 11 : i32
      %add3A_219 = arith.addi %mul3A_217, %add3A_218 : i32
      %dma_start3A_220 = arith.constant 0 : i32
      %dma_start3A_221 = tpu.memref_slice %arg12[%add3A_219, %dma_start3A_220] : memref<256x64xf32, #tpu.memory_space<vmem>> -> memref<1x64xf32, #tpu.memory_space<vmem>>
      %dma_start3A_222 = arith.constant 0 : i32
      %dma_start3A_223 = tpu.memref_slice %arg4[%squeeze3A_215, %dma_start3A_222] : memref<1000001x64xf32, #tpu.memory_space<hbm>> -> memref<1x64xf32, #tpu.memory_space<hbm>>
      %dma_start3A_224 = arith.constant 0 : i32
      %dma_start3A_225 = tpu.memref_slice %arg12[%add3A_219, %dma_start3A_224] : memref<256x64xf32, #tpu.memory_space<vmem>> -> memref<1x64xf32, #tpu.memory_space<vmem>>
      %dma_start3A_226 = arith.constant 0 : i32
      %dma_start3A_227 = tpu.memref_slice %arg4[%squeeze3A_215, %dma_start3A_226] : memref<1000001x64xf32, #tpu.memory_space<hbm>> -> memref<1x64xf32, #tpu.memory_space<hbm>>
      tpu.enqueue_dma source(%dma_start3A_227 : memref<1x64xf32, #tpu.memory_space<hbm>>) target(%dma_start3A_225 : memref<1x64xf32, #tpu.memory_space<vmem>>) target_semaphore(%arg16 : memref<!tpu.dma_semaphore, #tpu.memory_space<semaphore_mem>>)
      %slice3A_228 = vector.extract_strided_slice %get3A_62 {offsets = [12], sizes = [1], strides = [1]} : vector<16xi32> to vector<1xi32>
      %squeeze3A_229 = vector.extract %slice3A_228[0] : i32 from vector<1xi32>
      %mul3A_230 = arith.constant 16 : i32
      %mul3A_231 = arith.muli %scan3A_56, %mul3A_230 : i32
      %add3A_232 = arith.constant 12 : i32
      %add3A_233 = arith.addi %mul3A_231, %add3A_232 : i32
      %dma_start3A_234 = arith.constant 0 : i32
      %dma_start3A_235 = tpu.memref_slice %arg12[%add3A_233, %dma_start3A_234] : memref<256x64xf32, #tpu.memory_space<vmem>> -> memref<1x64xf32, #tpu.memory_space<vmem>>
      %dma_start3A_236 = arith.constant 0 : i32
      %dma_start3A_237 = tpu.memref_slice %arg4[%squeeze3A_229, %dma_start3A_236] : memref<1000001x64xf32, #tpu.memory_space<hbm>> -> memref<1x64xf32, #tpu.memory_space<hbm>>
      %dma_start3A_238 = arith.constant 0 : i32
      %dma_start3A_239 = tpu.memref_slice %arg12[%add3A_233, %dma_start3A_238] : memref<256x64xf32, #tpu.memory_space<vmem>> -> memref<1x64xf32, #tpu.memory_space<vmem>>
      %dma_start3A_240 = arith.constant 0 : i32
      %dma_start3A_241 = tpu.memref_slice %arg4[%squeeze3A_229, %dma_start3A_240] : memref<1000001x64xf32, #tpu.memory_space<hbm>> -> memref<1x64xf32, #tpu.memory_space<hbm>>
      tpu.enqueue_dma source(%dma_start3A_241 : memref<1x64xf32, #tpu.memory_space<hbm>>) target(%dma_start3A_239 : memref<1x64xf32, #tpu.memory_space<vmem>>) target_semaphore(%arg16 : memref<!tpu.dma_semaphore, #tpu.memory_space<semaphore_mem>>)
      %slice3A_242 = vector.extract_strided_slice %get3A_62 {offsets = [13], sizes = [1], strides = [1]} : vector<16xi32> to vector<1xi32>
      %squeeze3A_243 = vector.extract %slice3A_242[0] : i32 from vector<1xi32>
      %mul3A_244 = arith.constant 16 : i32
      %mul3A_245 = arith.muli %scan3A_56, %mul3A_244 : i32
      %add3A_246 = arith.constant 13 : i32
      %add3A_247 = arith.addi %mul3A_245, %add3A_246 : i32
      %dma_start3A_248 = arith.constant 0 : i32
      %dma_start3A_249 = tpu.memref_slice %arg12[%add3A_247, %dma_start3A_248] : memref<256x64xf32, #tpu.memory_space<vmem>> -> memref<1x64xf32, #tpu.memory_space<vmem>>
      %dma_start3A_250 = arith.constant 0 : i32
      %dma_start3A_251 = tpu.memref_slice %arg4[%squeeze3A_243, %dma_start3A_250] : memref<1000001x64xf32, #tpu.memory_space<hbm>> -> memref<1x64xf32, #tpu.memory_space<hbm>>
      %dma_start3A_252 = arith.constant 0 : i32
      %dma_start3A_253 = tpu.memref_slice %arg12[%add3A_247, %dma_start3A_252] : memref<256x64xf32, #tpu.memory_space<vmem>> -> memref<1x64xf32, #tpu.memory_space<vmem>>
      %dma_start3A_254 = arith.constant 0 : i32
      %dma_start3A_255 = tpu.memref_slice %arg4[%squeeze3A_243, %dma_start3A_254] : memref<1000001x64xf32, #tpu.memory_space<hbm>> -> memref<1x64xf32, #tpu.memory_space<hbm>>
      tpu.enqueue_dma source(%dma_start3A_255 : memref<1x64xf32, #tpu.memory_space<hbm>>) target(%dma_start3A_253 : memref<1x64xf32, #tpu.memory_space<vmem>>) target_semaphore(%arg16 : memref<!tpu.dma_semaphore, #tpu.memory_space<semaphore_mem>>)
      %slice3A_256 = vector.extract_strided_slice %get3A_62 {offsets = [14], sizes = [1], strides = [1]} : vector<16xi32> to vector<1xi32>
      %squeeze3A_257 = vector.extract %slice3A_256[0] : i32 from vector<1xi32>
      %mul3A_258 = arith.constant 16 : i32
      %mul3A_259 = arith.muli %scan3A_56, %mul3A_258 : i32
      %add3A_260 = arith.constant 14 : i32
      %add3A_261 = arith.addi %mul3A_259, %add3A_260 : i32
      %dma_start3A_262 = arith.constant 0 : i32
      %dma_start3A_263 = tpu.memref_slice %arg12[%add3A_261, %dma_start3A_262] : memref<256x64xf32, #tpu.memory_space<vmem>> -> memref<1x64xf32, #tpu.memory_space<vmem>>
      %dma_start3A_264 = arith.constant 0 : i32
      %dma_start3A_265 = tpu.memref_slice %arg4[%squeeze3A_257, %dma_start3A_264] : memref<1000001x64xf32, #tpu.memory_space<hbm>> -> memref<1x64xf32, #tpu.memory_space<hbm>>
      %dma_start3A_266 = arith.constant 0 : i32
      %dma_start3A_267 = tpu.memref_slice %arg12[%add3A_261, %dma_start3A_266] : memref<256x64xf32, #tpu.memory_space<vmem>> -> memref<1x64xf32, #tpu.memory_space<vmem>>
      %dma_start3A_268 = arith.constant 0 : i32
      %dma_start3A_269 = tpu.memref_slice %arg4[%squeeze3A_257, %dma_start3A_268] : memref<1000001x64xf32, #tpu.memory_space<hbm>> -> memref<1x64xf32, #tpu.memory_space<hbm>>
      tpu.enqueue_dma source(%dma_start3A_269 : memref<1x64xf32, #tpu.memory_space<hbm>>) target(%dma_start3A_267 : memref<1x64xf32, #tpu.memory_space<vmem>>) target_semaphore(%arg16 : memref<!tpu.dma_semaphore, #tpu.memory_space<semaphore_mem>>)
      %slice3A_270 = vector.extract_strided_slice %get3A_62 {offsets = [15], sizes = [1], strides = [1]} : vector<16xi32> to vector<1xi32>
      %squeeze3A_271 = vector.extract %slice3A_270[0] : i32 from vector<1xi32>
      %mul3A_272 = arith.constant 16 : i32
      %mul3A_273 = arith.muli %scan3A_56, %mul3A_272 : i32
      %add3A_274 = arith.constant 15 : i32
      %add3A_275 = arith.addi %mul3A_273, %add3A_274 : i32
      %dma_start3A_276 = arith.constant 0 : i32
      %dma_start3A_277 = tpu.memref_slice %arg12[%add3A_275, %dma_start3A_276] : memref<256x64xf32, #tpu.memory_space<vmem>> -> memref<1x64xf32, #tpu.memory_space<vmem>>
      %dma_start3A_278 = arith.constant 0 : i32
      %dma_start3A_279 = tpu.memref_slice %arg4[%squeeze3A_271, %dma_start3A_278] : memref<1000001x64xf32, #tpu.memory_space<hbm>> -> memref<1x64xf32, #tpu.memory_space<hbm>>
      %dma_start3A_280 = arith.constant 0 : i32
      %dma_start3A_281 = tpu.memref_slice %arg12[%add3A_275, %dma_start3A_280] : memref<256x64xf32, #tpu.memory_space<vmem>> -> memref<1x64xf32, #tpu.memory_space<vmem>>
      %dma_start3A_282 = arith.constant 0 : i32
      %dma_start3A_283 = tpu.memref_slice %arg4[%squeeze3A_271, %dma_start3A_282] : memref<1000001x64xf32, #tpu.memory_space<hbm>> -> memref<1x64xf32, #tpu.memory_space<hbm>>
      tpu.enqueue_dma source(%dma_start3A_283 : memref<1x64xf32, #tpu.memory_space<hbm>>) target(%dma_start3A_281 : memref<1x64xf32, #tpu.memory_space<vmem>>) target_semaphore(%arg16 : memref<!tpu.dma_semaphore, #tpu.memory_space<semaphore_mem>>)
    }
    %scan3A_43 = arith.constant 16 : i32
    %dma_wait3A_44 = arith.constant 0 : i32
    %dma_wait3A_45 = arith.constant 0 : i32
    %dma_wait3A_46 = tpu.memref_slice %arg4[%dma_wait3A_44, %dma_wait3A_45] : memref<1000001x64xf32, #tpu.memory_space<hbm>> -> memref<256x64xf32, #tpu.memory_space<hbm>>
    %dma_wait3A_47 = arith.constant 0 : i32
    %dma_wait3A_48 = arith.constant 0 : i32
    %dma_wait3A_49 = tpu.memref_slice %arg4[%dma_wait3A_47, %dma_wait3A_48] : memref<1000001x64xf32, #tpu.memory_space<hbm>> -> memref<256x64xf32, #tpu.memory_space<hbm>>
    tpu.wait_dma2 semaphore(%arg16 : memref<!tpu.dma_semaphore, #tpu.memory_space<semaphore_mem>>) src(%dma_wait3A_49 : memref<256x64xf32, #tpu.memory_space<hbm>>) dst(%arg12 : memref<256x64xf32, #tpu.memory_space<vmem>>)
    %scan3A_50 = arith.constant 0 : i32
    %scan3A_51 = arith.constant 0 : i32
    %scan3A_52 = arith.constant 16 : i32
    %scan3A_53 = arith.addi %scan3A_51, %scan3A_52 : i32
    %scan3A_54 = arith.constant 1 : i32
    scf.for %scan3A_56 = %scan3A_51 to %scan3A_53 step %scan3A_54  : i32 {
      %mul3A_57 = arith.constant 16 : i32
      %mul3A_58 = arith.muli %scan3A_56, %mul3A_57 : i32
      %add3A_59 = vector.broadcast %mul3A_58 : i32 to vector<16xi32>
      %add3A_60 = arith.addi %iota3A, %add3A_59 : vector<16xi32>
      %broadcast_in_dim3A = arith.constant 0 : i32
      %broadcast_in_dim3A_61 = vector.broadcast %broadcast_in_dim3A : i32 to vector<16xi32>
      %gather3A = tpu.vector_load_idx %arg12[%add3A_60, %broadcast_in_dim3A_61] : memref<256x64xf32, #tpu.memory_space<vmem>>[vector<16xi32>, vector<16xi32>], vector<16xf32>,
      %mul3A_62 = arith.constant 16 : i32
      %mul3A_63 = arith.muli %scan3A_56, %mul3A_62 : i32
      %add3A_64 = arith.constant 256 : i32
      %add3A_65 = arith.addi %add3A_64, %mul3A_63 : i32
      %swap3A = arith.constant 0 : i32
      %swap3A_66 = arith.index_cast %swap3A : i32 to index
      %swap3A_67 = arith.index_cast %add3A_65 : i32 to index
      %swap3A_68 = tpu.vector_load %arg13[%swap3A_66, %swap3A_67] {strides = array<i32>} : memref<129x512xf32, #tpu.memory_space<vmem>>, vector<16xf32>,
      tpu.vector_store %arg13[%swap3A_66, %swap3A_67], %gather3A {strides = array<i32>} : memref<129x512xf32, #tpu.memory_space<vmem>>, vector<16xf32>,
      %broadcast_in_dim3A_69 = arith.constant 1 : i32
      %broadcast_in_dim3A_70 = vector.broadcast %broadcast_in_dim3A_69 : i32 to vector<16xi32>
      %gather3A_71 = tpu.vector_load_idx %arg12[%add3A_60, %broadcast_in_dim3A_70] : memref<256x64xf32, #tpu.memory_space<vmem>>[vector<16xi32>, vector<16xi32>], vector<16xf32>,
      %mul3A_72 = arith.constant 16 : i32
      %mul3A_73 = arith.muli %scan3A_56, %mul3A_72 : i32
      %add3A_74 = arith.constant 256 : i32
      %add3A_75 = arith.addi %add3A_74, %mul3A_73 : i32
      %swap3A_76 = arith.constant 1 : i32
      %swap3A_77 = arith.index_cast %swap3A_76 : i32 to index
      %swap3A_78 = arith.index_cast %add3A_75 : i32 to index
      %swap3A_79 = tpu.vector_load %arg13[%swap3A_77, %swap3A_78] {strides = array<i32>} : memref<129x512xf32, #tpu.memory_space<vmem>>, vector<16xf32>,
      tpu.vector_store %arg13[%swap3A_77, %swap3A_78], %gather3A_71 {strides = array<i32>} : memref<129x512xf32, #tpu.memory_space<vmem>>, vector<16xf32>,
      %broadcast_in_dim3A_80 = arith.constant 2 : i32
      %broadcast_in_dim3A_81 = vector.broadcast %broadcast_in_dim3A_80 : i32 to vector<16xi32>
      %gather3A_82 = tpu.vector_load_idx %arg12[%add3A_60, %broadcast_in_dim3A_81] : memref<256x64xf32, #tpu.memory_space<vmem>>[vector<16xi32>, vector<16xi32>], vector<16xf32>,
      %mul3A_83 = arith.constant 16 : i32
      %mul3A_84 = arith.muli %scan3A_56, %mul3A_83 : i32
      %add3A_85 = arith.constant 256 : i32
      %add3A_86 = arith.addi %add3A_85, %mul3A_84 : i32
      %swap3A_87 = arith.constant 2 : i32
      %swap3A_88 = arith.index_cast %swap3A_87 : i32 to index
      %swap3A_89 = arith.index_cast %add3A_86 : i32 to index
      %swap3A_90 = tpu.vector_load %arg13[%swap3A_88, %swap3A_89] {strides = array<i32>} : memref<129x512xf32, #tpu.memory_space<vmem>>, vector<16xf32>,
      tpu.vector_store %arg13[%swap3A_88, %swap3A_89], %gather3A_82 {strides = array<i32>} : memref<129x512xf32, #tpu.memory_space<vmem>>, vector<16xf32>,
      %broadcast_in_dim3A_91 = arith.constant 3 : i32
      %broadcast_in_dim3A_92 = vector.broadcast %broadcast_in_dim3A_91 : i32 to vector<16xi32>
      %gather3A_93 = tpu.vector_load_idx %arg12[%add3A_60, %broadcast_in_dim3A_92] : memref<256x64xf32, #tpu.memory_space<vmem>>[vector<16xi32>, vector<16xi32>], vector<16xf32>,
      %mul3A_94 = arith.constant 16 : i32
      %mul3A_95 = arith.muli %scan3A_56, %mul3A_94 : i32
      %add3A_96 = arith.constant 256 : i32
      %add3A_97 = arith.addi %add3A_96, %mul3A_95 : i32
      %swap3A_98 = arith.constant 3 : i32
      %swap3A_99 = arith.index_cast %swap3A_98 : i32 to index
      %swap3A_100 = arith.index_cast %add3A_97 : i32 to index
      %swap3A_101 = tpu.vector_load %arg13[%swap3A_99, %swap3A_100] {strides = array<i32>} : memref<129x512xf32, #tpu.memory_space<vmem>>, vector<16xf32>,
      tpu.vector_store %arg13[%swap3A_99, %swap3A_100], %gather3A_93 {strides = array<i32>} : memref<129x512xf32, #tpu.memory_space<vmem>>, vector<16xf32>,
      %broadcast_in_dim3A_102 = arith.constant 4 : i32
      %broadcast_in_dim3A_103 = vector.broadcast %broadcast_in_dim3A_102 : i32 to vector<16xi32>
      %gather3A_104 = tpu.vector_load_idx %arg12[%add3A_60, %broadcast_in_dim3A_103] : memref<256x64xf32, #tpu.memory_space<vmem>>[vector<16xi32>, vector<16xi32>], vector<16xf32>,
      %mul3A_105 = arith.constant 16 : i32
      %mul3A_106 = arith.muli %scan3A_56, %mul3A_105 : i32
      %add3A_107 = arith.constant 256 : i32
      %add3A_108 = arith.addi %add3A_107, %mul3A_106 : i32
      %swap3A_109 = arith.constant 4 : i32
      %swap3A_110 = arith.index_cast %swap3A_109 : i32 to index
      %swap3A_111 = arith.index_cast %add3A_108 : i32 to index
      %swap3A_112 = tpu.vector_load %arg13[%swap3A_110, %swap3A_111] {strides = array<i32>} : memref<129x512xf32, #tpu.memory_space<vmem>>, vector<16xf32>,
      tpu.vector_store %arg13[%swap3A_110, %swap3A_111], %gather3A_104 {strides = array<i32>} : memref<129x512xf32, #tpu.memory_space<vmem>>, vector<16xf32>,
      %broadcast_in_dim3A_113 = arith.constant 5 : i32
      %broadcast_in_dim3A_114 = vector.broadcast %broadcast_in_dim3A_113 : i32 to vector<16xi32>
      %gather3A_115 = tpu.vector_load_idx %arg12[%add3A_60, %broadcast_in_dim3A_114] : memref<256x64xf32, #tpu.memory_space<vmem>>[vector<16xi32>, vector<16xi32>], vector<16xf32>,
      %mul3A_116 = arith.constant 16 : i32
      %mul3A_117 = arith.muli %scan3A_56, %mul3A_116 : i32
      %add3A_118 = arith.constant 256 : i32
      %add3A_119 = arith.addi %add3A_118, %mul3A_117 : i32
      %swap3A_120 = arith.constant 5 : i32
      %swap3A_121 = arith.index_cast %swap3A_120 : i32 to index
      %swap3A_122 = arith.index_cast %add3A_119 : i32 to index
      %swap3A_123 = tpu.vector_load %arg13[%swap3A_121, %swap3A_122] {strides = array<i32>} : memref<129x512xf32, #tpu.memory_space<vmem>>, vector<16xf32>,
      tpu.vector_store %arg13[%swap3A_121, %swap3A_122], %gather3A_115 {strides = array<i32>} : memref<129x512xf32, #tpu.memory_space<vmem>>, vector<16xf32>,
      %broadcast_in_dim3A_124 = arith.constant 6 : i32
      %broadcast_in_dim3A_125 = vector.broadcast %broadcast_in_dim3A_124 : i32 to vector<16xi32>
      %gather3A_126 = tpu.vector_load_idx %arg12[%add3A_60, %broadcast_in_dim3A_125] : memref<256x64xf32, #tpu.memory_space<vmem>>[vector<16xi32>, vector<16xi32>], vector<16xf32>,
      %mul3A_127 = arith.constant 16 : i32
      %mul3A_128 = arith.muli %scan3A_56, %mul3A_127 : i32
      %add3A_129 = arith.constant 256 : i32
      %add3A_130 = arith.addi %add3A_129, %mul3A_128 : i32
      %swap3A_131 = arith.constant 6 : i32
      %swap3A_132 = arith.index_cast %swap3A_131 : i32 to index
      %swap3A_133 = arith.index_cast %add3A_130 : i32 to index
      %swap3A_134 = tpu.vector_load %arg13[%swap3A_132, %swap3A_133] {strides = array<i32>} : memref<129x512xf32, #tpu.memory_space<vmem>>, vector<16xf32>,
      tpu.vector_store %arg13[%swap3A_132, %swap3A_133], %gather3A_126 {strides = array<i32>} : memref<129x512xf32, #tpu.memory_space<vmem>>, vector<16xf32>,
      %broadcast_in_dim3A_135 = arith.constant 7 : i32
      %broadcast_in_dim3A_136 = vector.broadcast %broadcast_in_dim3A_135 : i32 to vector<16xi32>
      %gather3A_137 = tpu.vector_load_idx %arg12[%add3A_60, %broadcast_in_dim3A_136] : memref<256x64xf32, #tpu.memory_space<vmem>>[vector<16xi32>, vector<16xi32>], vector<16xf32>,
      %mul3A_138 = arith.constant 16 : i32
      %mul3A_139 = arith.muli %scan3A_56, %mul3A_138 : i32
      %add3A_140 = arith.constant 256 : i32
      %add3A_141 = arith.addi %add3A_140, %mul3A_139 : i32
      %swap3A_142 = arith.constant 7 : i32
      %swap3A_143 = arith.index_cast %swap3A_142 : i32 to index
      %swap3A_144 = arith.index_cast %add3A_141 : i32 to index
      %swap3A_145 = tpu.vector_load %arg13[%swap3A_143, %swap3A_144] {strides = array<i32>} : memref<129x512xf32, #tpu.memory_space<vmem>>, vector<16xf32>,
      tpu.vector_store %arg13[%swap3A_143, %swap3A_144], %gather3A_137 {strides = array<i32>} : memref<129x512xf32, #tpu.memory_space<vmem>>, vector<16xf32>,
      %broadcast_in_dim3A_146 = arith.constant 8 : i32
      %broadcast_in_dim3A_147 = vector.broadcast %broadcast_in_dim3A_146 : i32 to vector<16xi32>
      %gather3A_148 = tpu.vector_load_idx %arg12[%add3A_60, %broadcast_in_dim3A_147] : memref<256x64xf32, #tpu.memory_space<vmem>>[vector<16xi32>, vector<16xi32>], vector<16xf32>,
      %mul3A_149 = arith.constant 16 : i32
      %mul3A_150 = arith.muli %scan3A_56, %mul3A_149 : i32
      %add3A_151 = arith.constant 256 : i32
      %add3A_152 = arith.addi %add3A_151, %mul3A_150 : i32
      %swap3A_153 = arith.constant 8 : i32
      %swap3A_154 = arith.index_cast %swap3A_153 : i32 to index
      %swap3A_155 = arith.index_cast %add3A_152 : i32 to index
      %swap3A_156 = tpu.vector_load %arg13[%swap3A_154, %swap3A_155] {strides = array<i32>} : memref<129x512xf32, #tpu.memory_space<vmem>>, vector<16xf32>,
      tpu.vector_store %arg13[%swap3A_154, %swap3A_155], %gather3A_148 {strides = array<i32>} : memref<129x512xf32, #tpu.memory_space<vmem>>, vector<16xf32>,
      %broadcast_in_dim3A_157 = arith.constant 9 : i32
      %broadcast_in_dim3A_158 = vector.broadcast %broadcast_in_dim3A_157 : i32 to vector<16xi32>
      %gather3A_159 = tpu.vector_load_idx %arg12[%add3A_60, %broadcast_in_dim3A_158] : memref<256x64xf32, #tpu.memory_space<vmem>>[vector<16xi32>, vector<16xi32>], vector<16xf32>,
      %mul3A_160 = arith.constant 16 : i32
      %mul3A_161 = arith.muli %scan3A_56, %mul3A_160 : i32
      %add3A_162 = arith.constant 256 : i32
      %add3A_163 = arith.addi %add3A_162, %mul3A_161 : i32
      %swap3A_164 = arith.constant 9 : i32
      %swap3A_165 = arith.index_cast %swap3A_164 : i32 to index
      %swap3A_166 = arith.index_cast %add3A_163 : i32 to index
      %swap3A_167 = tpu.vector_load %arg13[%swap3A_165, %swap3A_166] {strides = array<i32>} : memref<129x512xf32, #tpu.memory_space<vmem>>, vector<16xf32>,
      tpu.vector_store %arg13[%swap3A_165, %swap3A_166], %gather3A_159 {strides = array<i32>} : memref<129x512xf32, #tpu.memory_space<vmem>>, vector<16xf32>,
      %broadcast_in_dim3A_168 = arith.constant 10 : i32
      %broadcast_in_dim3A_169 = vector.broadcast %broadcast_in_dim3A_168 : i32 to vector<16xi32>
      %gather3A_170 = tpu.vector_load_idx %arg12[%add3A_60, %broadcast_in_dim3A_169] : memref<256x64xf32, #tpu.memory_space<vmem>>[vector<16xi32>, vector<16xi32>], vector<16xf32>,
      %mul3A_171 = arith.constant 16 : i32
      %mul3A_172 = arith.muli %scan3A_56, %mul3A_171 : i32
      %add3A_173 = arith.constant 256 : i32
      %add3A_174 = arith.addi %add3A_173, %mul3A_172 : i32
      %swap3A_175 = arith.constant 10 : i32
      %swap3A_176 = arith.index_cast %swap3A_175 : i32 to index
      %swap3A_177 = arith.index_cast %add3A_174 : i32 to index
      %swap3A_178 = tpu.vector_load %arg13[%swap3A_176, %swap3A_177] {strides = array<i32>} : memref<129x512xf32, #tpu.memory_space<vmem>>, vector<16xf32>,
      tpu.vector_store %arg13[%swap3A_176, %swap3A_177], %gather3A_170 {strides = array<i32>} : memref<129x512xf32, #tpu.memory_space<vmem>>, vector<16xf32>,
      %broadcast_in_dim3A_179 = arith.constant 11 : i32
      %broadcast_in_dim3A_180 = vector.broadcast %broadcast_in_dim3A_179 : i32 to vector<16xi32>
      %gather3A_181 = tpu.vector_load_idx %arg12[%add3A_60, %broadcast_in_dim3A_180] : memref<256x64xf32, #tpu.memory_space<vmem>>[vector<16xi32>, vector<16xi32>], vector<16xf32>,
      %mul3A_182 = arith.constant 16 : i32
      %mul3A_183 = arith.muli %scan3A_56, %mul3A_182 : i32
      %add3A_184 = arith.constant 256 : i32
      %add3A_185 = arith.addi %add3A_184, %mul3A_183 : i32
      %swap3A_186 = arith.constant 11 : i32
      %swap3A_187 = arith.index_cast %swap3A_186 : i32 to index
      %swap3A_188 = arith.index_cast %add3A_185 : i32 to index
      %swap3A_189 = tpu.vector_load %arg13[%swap3A_187, %swap3A_188] {strides = array<i32>} : memref<129x512xf32, #tpu.memory_space<vmem>>, vector<16xf32>,
      tpu.vector_store %arg13[%swap3A_187, %swap3A_188], %gather3A_181 {strides = array<i32>} : memref<129x512xf32, #tpu.memory_space<vmem>>, vector<16xf32>,
      %broadcast_in_dim3A_190 = arith.constant 12 : i32
      %broadcast_in_dim3A_191 = vector.broadcast %broadcast_in_dim3A_190 : i32 to vector<16xi32>
      %gather3A_192 = tpu.vector_load_idx %arg12[%add3A_60, %broadcast_in_dim3A_191] : memref<256x64xf32, #tpu.memory_space<vmem>>[vector<16xi32>, vector<16xi32>], vector<16xf32>,
      %mul3A_193 = arith.constant 16 : i32
      %mul3A_194 = arith.muli %scan3A_56, %mul3A_193 : i32
      %add3A_195 = arith.constant 256 : i32
      %add3A_196 = arith.addi %add3A_195, %mul3A_194 : i32
      %swap3A_197 = arith.constant 12 : i32
      %swap3A_198 = arith.index_cast %swap3A_197 : i32 to index
      %swap3A_199 = arith.index_cast %add3A_196 : i32 to index
      %swap3A_200 = tpu.vector_load %arg13[%swap3A_198, %swap3A_199] {strides = array<i32>} : memref<129x512xf32, #tpu.memory_space<vmem>>, vector<16xf32>,
      tpu.vector_store %arg13[%swap3A_198, %swap3A_199], %gather3A_192 {strides = array<i32>} : memref<129x512xf32, #tpu.memory_space<vmem>>, vector<16xf32>,
      %broadcast_in_dim3A_201 = arith.constant 13 : i32
      %broadcast_in_dim3A_202 = vector.broadcast %broadcast_in_dim3A_201 : i32 to vector<16xi32>
      %gather3A_203 = tpu.vector_load_idx %arg12[%add3A_60, %broadcast_in_dim3A_202] : memref<256x64xf32, #tpu.memory_space<vmem>>[vector<16xi32>, vector<16xi32>], vector<16xf32>,
      %mul3A_204 = arith.constant 16 : i32
      %mul3A_205 = arith.muli %scan3A_56, %mul3A_204 : i32
      %add3A_206 = arith.constant 256 : i32
      %add3A_207 = arith.addi %add3A_206, %mul3A_205 : i32
      %swap3A_208 = arith.constant 13 : i32
      %swap3A_209 = arith.index_cast %swap3A_208 : i32 to index
      %swap3A_210 = arith.index_cast %add3A_207 : i32 to index
      %swap3A_211 = tpu.vector_load %arg13[%swap3A_209, %swap3A_210] {strides = array<i32>} : memref<129x512xf32, #tpu.memory_space<vmem>>, vector<16xf32>,
      tpu.vector_store %arg13[%swap3A_209, %swap3A_210], %gather3A_203 {strides = array<i32>} : memref<129x512xf32, #tpu.memory_space<vmem>>, vector<16xf32>,
      %broadcast_in_dim3A_212 = arith.constant 14 : i32
      %broadcast_in_dim3A_213 = vector.broadcast %broadcast_in_dim3A_212 : i32 to vector<16xi32>
      %gather3A_214 = tpu.vector_load_idx %arg12[%add3A_60, %broadcast_in_dim3A_213] : memref<256x64xf32, #tpu.memory_space<vmem>>[vector<16xi32>, vector<16xi32>], vector<16xf32>,
      %mul3A_215 = arith.constant 16 : i32
      %mul3A_216 = arith.muli %scan3A_56, %mul3A_215 : i32
      %add3A_217 = arith.constant 256 : i32
      %add3A_218 = arith.addi %add3A_217, %mul3A_216 : i32
      %swap3A_219 = arith.constant 14 : i32
      %swap3A_220 = arith.index_cast %swap3A_219 : i32 to index
      %swap3A_221 = arith.index_cast %add3A_218 : i32 to index
      %swap3A_222 = tpu.vector_load %arg13[%swap3A_220, %swap3A_221] {strides = array<i32>} : memref<129x512xf32, #tpu.memory_space<vmem>>, vector<16xf32>,
      tpu.vector_store %arg13[%swap3A_220, %swap3A_221], %gather3A_214 {strides = array<i32>} : memref<129x512xf32, #tpu.memory_space<vmem>>, vector<16xf32>,
      %broadcast_in_dim3A_223 = arith.constant 15 : i32
      %broadcast_in_dim3A_224 = vector.broadcast %broadcast_in_dim3A_223 : i32 to vector<16xi32>
      %gather3A_225 = tpu.vector_load_idx %arg12[%add3A_60, %broadcast_in_dim3A_224] : memref<256x64xf32, #tpu.memory_space<vmem>>[vector<16xi32>, vector<16xi32>], vector<16xf32>,
      %mul3A_226 = arith.constant 16 : i32
      %mul3A_227 = arith.muli %scan3A_56, %mul3A_226 : i32
      %add3A_228 = arith.constant 256 : i32
      %add3A_229 = arith.addi %add3A_228, %mul3A_227 : i32
      %swap3A_230 = arith.constant 15 : i32
      %swap3A_231 = arith.index_cast %swap3A_230 : i32 to index
      %swap3A_232 = arith.index_cast %add3A_229 : i32 to index
      %swap3A_233 = tpu.vector_load %arg13[%swap3A_231, %swap3A_232] {strides = array<i32>} : memref<129x512xf32, #tpu.memory_space<vmem>>, vector<16xf32>,
      tpu.vector_store %arg13[%swap3A_231, %swap3A_232], %gather3A_225 {strides = array<i32>} : memref<129x512xf32, #tpu.memory_space<vmem>>, vector<16xf32>,
      %broadcast_in_dim3A_234 = arith.constant 16 : i32
      %broadcast_in_dim3A_235 = vector.broadcast %broadcast_in_dim3A_234 : i32 to vector<16xi32>
      %gather3A_236 = tpu.vector_load_idx %arg12[%add3A_60, %broadcast_in_dim3A_235] : memref<256x64xf32, #tpu.memory_space<vmem>>[vector<16xi32>, vector<16xi32>], vector<16xf32>,
      %mul3A_237 = arith.constant 16 : i32
      %mul3A_238 = arith.muli %scan3A_56, %mul3A_237 : i32
      %add3A_239 = arith.constant 256 : i32
      %add3A_240 = arith.addi %add3A_239, %mul3A_238 : i32
      %swap3A_241 = arith.constant 16 : i32
      %swap3A_242 = arith.index_cast %swap3A_241 : i32 to index
      %swap3A_243 = arith.index_cast %add3A_240 : i32 to index
      %swap3A_244 = tpu.vector_load %arg13[%swap3A_242, %swap3A_243] {strides = array<i32>} : memref<129x512xf32, #tpu.memory_space<vmem>>, vector<16xf32>,
      tpu.vector_store %arg13[%swap3A_242, %swap3A_243], %gather3A_236 {strides = array<i32>} : memref<129x512xf32, #tpu.memory_space<vmem>>, vector<16xf32>,
      %broadcast_in_dim3A_245 = arith.constant 17 : i32
      %broadcast_in_dim3A_246 = vector.broadcast %broadcast_in_dim3A_245 : i32 to vector<16xi32>
      %gather3A_247 = tpu.vector_load_idx %arg12[%add3A_60, %broadcast_in_dim3A_246] : memref<256x64xf32, #tpu.memory_space<vmem>>[vector<16xi32>, vector<16xi32>], vector<16xf32>,
      %mul3A_248 = arith.constant 16 : i32
      %mul3A_249 = arith.muli %scan3A_56, %mul3A_248 : i32
      %add3A_250 = arith.constant 256 : i32
      %add3A_251 = arith.addi %add3A_250, %mul3A_249 : i32
      %swap3A_252 = arith.constant 17 : i32
      %swap3A_253 = arith.index_cast %swap3A_252 : i32 to index
      %swap3A_254 = arith.index_cast %add3A_251 : i32 to index
      %swap3A_255 = tpu.vector_load %arg13[%swap3A_253, %swap3A_254] {strides = array<i32>} : memref<129x512xf32, #tpu.memory_space<vmem>>, vector<16xf32>,
      tpu.vector_store %arg13[%swap3A_253, %swap3A_254], %gather3A_247 {strides = array<i32>} : memref<129x512xf32, #tpu.memory_space<vmem>>, vector<16xf32>,
      %broadcast_in_dim3A_256 = arith.constant 18 : i32
      %broadcast_in_dim3A_257 = vector.broadcast %broadcast_in_dim3A_256 : i32 to vector<16xi32>
      %gather3A_258 = tpu.vector_load_idx %arg12[%add3A_60, %broadcast_in_dim3A_257] : memref<256x64xf32, #tpu.memory_space<vmem>>[vector<16xi32>, vector<16xi32>], vector<16xf32>,
      %mul3A_259 = arith.constant 16 : i32
      %mul3A_260 = arith.muli %scan3A_56, %mul3A_259 : i32
      %add3A_261 = arith.constant 256 : i32
      %add3A_262 = arith.addi %add3A_261, %mul3A_260 : i32
      %swap3A_263 = arith.constant 18 : i32
      %swap3A_264 = arith.index_cast %swap3A_263 : i32 to index
      %swap3A_265 = arith.index_cast %add3A_262 : i32 to index
      %swap3A_266 = tpu.vector_load %arg13[%swap3A_264, %swap3A_265] {strides = array<i32>} : memref<129x512xf32, #tpu.memory_space<vmem>>, vector<16xf32>,
      tpu.vector_store %arg13[%swap3A_264, %swap3A_265], %gather3A_258 {strides = array<i32>} : memref<129x512xf32, #tpu.memory_space<vmem>>, vector<16xf32>,
      %broadcast_in_dim3A_267 = arith.constant 19 : i32
      %broadcast_in_dim3A_268 = vector.broadcast %broadcast_in_dim3A_267 : i32 to vector<16xi32>
      %gather3A_269 = tpu.vector_load_idx %arg12[%add3A_60, %broadcast_in_dim3A_268] : memref<256x64xf32, #tpu.memory_space<vmem>>[vector<16xi32>, vector<16xi32>], vector<16xf32>,
      %mul3A_270 = arith.constant 16 : i32
      %mul3A_271 = arith.muli %scan3A_56, %mul3A_270 : i32
      %add3A_272 = arith.constant 256 : i32
      %add3A_273 = arith.addi %add3A_272, %mul3A_271 : i32
      %swap3A_274 = arith.constant 19 : i32
      %swap3A_275 = arith.index_cast %swap3A_274 : i32 to index
      %swap3A_276 = arith.index_cast %add3A_273 : i32 to index
      %swap3A_277 = tpu.vector_load %arg13[%swap3A_275, %swap3A_276] {strides = array<i32>} : memref<129x512xf32, #tpu.memory_space<vmem>>, vector<16xf32>,
      tpu.vector_store %arg13[%swap3A_275, %swap3A_276], %gather3A_269 {strides = array<i32>} : memref<129x512xf32, #tpu.memory_space<vmem>>, vector<16xf32>,
      %broadcast_in_dim3A_278 = arith.constant 20 : i32
      %broadcast_in_dim3A_279 = vector.broadcast %broadcast_in_dim3A_278 : i32 to vector<16xi32>
      %gather3A_280 = tpu.vector_load_idx %arg12[%add3A_60, %broadcast_in_dim3A_279] : memref<256x64xf32, #tpu.memory_space<vmem>>[vector<16xi32>, vector<16xi32>], vector<16xf32>,
      %mul3A_281 = arith.constant 16 : i32
      %mul3A_282 = arith.muli %scan3A_56, %mul3A_281 : i32
      %add3A_283 = arith.constant 256 : i32
      %add3A_284 = arith.addi %add3A_283, %mul3A_282 : i32
      %swap3A_285 = arith.constant 20 : i32
      %swap3A_286 = arith.index_cast %swap3A_285 : i32 to index
      %swap3A_287 = arith.index_cast %add3A_284 : i32 to index
      %swap3A_288 = tpu.vector_load %arg13[%swap3A_286, %swap3A_287] {strides = array<i32>} : memref<129x512xf32, #tpu.memory_space<vmem>>, vector<16xf32>,
      tpu.vector_store %arg13[%swap3A_286, %swap3A_287], %gather3A_280 {strides = array<i32>} : memref<129x512xf32, #tpu.memory_space<vmem>>, vector<16xf32>,
      %broadcast_in_dim3A_289 = arith.constant 21 : i32
      %broadcast_in_dim3A_290 = vector.broadcast %broadcast_in_dim3A_289 : i32 to vector<16xi32>
      %gather3A_291 = tpu.vector_load_idx %arg12[%add3A_60, %broadcast_in_dim3A_290] : memref<256x64xf32, #tpu.memory_space<vmem>>[vector<16xi32>, vector<16xi32>], vector<16xf32>,
      %mul3A_292 = arith.constant 16 : i32
      %mul3A_293 = arith.muli %scan3A_56, %mul3A_292 : i32
      %add3A_294 = arith.constant 256 : i32
      %add3A_295 = arith.addi %add3A_294, %mul3A_293 : i32
      %swap3A_296 = arith.constant 21 : i32
      %swap3A_297 = arith.index_cast %swap3A_296 : i32 to index
      %swap3A_298 = arith.index_cast %add3A_295 : i32 to index
      %swap3A_299 = tpu.vector_load %arg13[%swap3A_297, %swap3A_298] {strides = array<i32>} : memref<129x512xf32, #tpu.memory_space<vmem>>, vector<16xf32>,
      tpu.vector_store %arg13[%swap3A_297, %swap3A_298], %gather3A_291 {strides = array<i32>} : memref<129x512xf32, #tpu.memory_space<vmem>>, vector<16xf32>,
      %broadcast_in_dim3A_300 = arith.constant 22 : i32
      %broadcast_in_dim3A_301 = vector.broadcast %broadcast_in_dim3A_300 : i32 to vector<16xi32>
      %gather3A_302 = tpu.vector_load_idx %arg12[%add3A_60, %broadcast_in_dim3A_301] : memref<256x64xf32, #tpu.memory_space<vmem>>[vector<16xi32>, vector<16xi32>], vector<16xf32>,
      %mul3A_303 = arith.constant 16 : i32
      %mul3A_304 = arith.muli %scan3A_56, %mul3A_303 : i32
      %add3A_305 = arith.constant 256 : i32
      %add3A_306 = arith.addi %add3A_305, %mul3A_304 : i32
      %swap3A_307 = arith.constant 22 : i32
      %swap3A_308 = arith.index_cast %swap3A_307 : i32 to index
      %swap3A_309 = arith.index_cast %add3A_306 : i32 to index
      %swap3A_310 = tpu.vector_load %arg13[%swap3A_308, %swap3A_309] {strides = array<i32>} : memref<129x512xf32, #tpu.memory_space<vmem>>, vector<16xf32>,
      tpu.vector_store %arg13[%swap3A_308, %swap3A_309], %gather3A_302 {strides = array<i32>} : memref<129x512xf32, #tpu.memory_space<vmem>>, vector<16xf32>,
      %broadcast_in_dim3A_311 = arith.constant 23 : i32
      %broadcast_in_dim3A_312 = vector.broadcast %broadcast_in_dim3A_311 : i32 to vector<16xi32>
      %gather3A_313 = tpu.vector_load_idx %arg12[%add3A_60, %broadcast_in_dim3A_312] : memref<256x64xf32, #tpu.memory_space<vmem>>[vector<16xi32>, vector<16xi32>], vector<16xf32>,
      %mul3A_314 = arith.constant 16 : i32
      %mul3A_315 = arith.muli %scan3A_56, %mul3A_314 : i32
      %add3A_316 = arith.constant 256 : i32
      %add3A_317 = arith.addi %add3A_316, %mul3A_315 : i32
      %swap3A_318 = arith.constant 23 : i32
      %swap3A_319 = arith.index_cast %swap3A_318 : i32 to index
      %swap3A_320 = arith.index_cast %add3A_317 : i32 to index
      %swap3A_321 = tpu.vector_load %arg13[%swap3A_319, %swap3A_320] {strides = array<i32>} : memref<129x512xf32, #tpu.memory_space<vmem>>, vector<16xf32>,
      tpu.vector_store %arg13[%swap3A_319, %swap3A_320], %gather3A_313 {strides = array<i32>} : memref<129x512xf32, #tpu.memory_space<vmem>>, vector<16xf32>,
      %broadcast_in_dim3A_322 = arith.constant 24 : i32
      %broadcast_in_dim3A_323 = vector.broadcast %broadcast_in_dim3A_322 : i32 to vector<16xi32>
      %gather3A_324 = tpu.vector_load_idx %arg12[%add3A_60, %broadcast_in_dim3A_323] : memref<256x64xf32, #tpu.memory_space<vmem>>[vector<16xi32>, vector<16xi32>], vector<16xf32>,
      %mul3A_325 = arith.constant 16 : i32
      %mul3A_326 = arith.muli %scan3A_56, %mul3A_325 : i32
      %add3A_327 = arith.constant 256 : i32
      %add3A_328 = arith.addi %add3A_327, %mul3A_326 : i32
      %swap3A_329 = arith.constant 24 : i32
      %swap3A_330 = arith.index_cast %swap3A_329 : i32 to index
      %swap3A_331 = arith.index_cast %add3A_328 : i32 to index
      %swap3A_332 = tpu.vector_load %arg13[%swap3A_330, %swap3A_331] {strides = array<i32>} : memref<129x512xf32, #tpu.memory_space<vmem>>, vector<16xf32>,
      tpu.vector_store %arg13[%swap3A_330, %swap3A_331], %gather3A_324 {strides = array<i32>} : memref<129x512xf32, #tpu.memory_space<vmem>>, vector<16xf32>,
      %broadcast_in_dim3A_333 = arith.constant 25 : i32
      %broadcast_in_dim3A_334 = vector.broadcast %broadcast_in_dim3A_333 : i32 to vector<16xi32>
      %gather3A_335 = tpu.vector_load_idx %arg12[%add3A_60, %broadcast_in_dim3A_334] : memref<256x64xf32, #tpu.memory_space<vmem>>[vector<16xi32>, vector<16xi32>], vector<16xf32>,
      %mul3A_336 = arith.constant 16 : i32
      %mul3A_337 = arith.muli %scan3A_56, %mul3A_336 : i32
      %add3A_338 = arith.constant 256 : i32
      %add3A_339 = arith.addi %add3A_338, %mul3A_337 : i32
      %swap3A_340 = arith.constant 25 : i32
      %swap3A_341 = arith.index_cast %swap3A_340 : i32 to index
      %swap3A_342 = arith.index_cast %add3A_339 : i32 to index
      %swap3A_343 = tpu.vector_load %arg13[%swap3A_341, %swap3A_342] {strides = array<i32>} : memref<129x512xf32, #tpu.memory_space<vmem>>, vector<16xf32>,
      tpu.vector_store %arg13[%swap3A_341, %swap3A_342], %gather3A_335 {strides = array<i32>} : memref<129x512xf32, #tpu.memory_space<vmem>>, vector<16xf32>,
      %broadcast_in_dim3A_344 = arith.constant 26 : i32
      %broadcast_in_dim3A_345 = vector.broadcast %broadcast_in_dim3A_344 : i32 to vector<16xi32>
      %gather3A_346 = tpu.vector_load_idx %arg12[%add3A_60, %broadcast_in_dim3A_345] : memref<256x64xf32, #tpu.memory_space<vmem>>[vector<16xi32>, vector<16xi32>], vector<16xf32>,
      %mul3A_347 = arith.constant 16 : i32
      %mul3A_348 = arith.muli %scan3A_56, %mul3A_347 : i32
      %add3A_349 = arith.constant 256 : i32
      %add3A_350 = arith.addi %add3A_349, %mul3A_348 : i32
      %swap3A_351 = arith.constant 26 : i32
      %swap3A_352 = arith.index_cast %swap3A_351 : i32 to index
      %swap3A_353 = arith.index_cast %add3A_350 : i32 to index
      %swap3A_354 = tpu.vector_load %arg13[%swap3A_352, %swap3A_353] {strides = array<i32>} : memref<129x512xf32, #tpu.memory_space<vmem>>, vector<16xf32>,
      tpu.vector_store %arg13[%swap3A_352, %swap3A_353], %gather3A_346 {strides = array<i32>} : memref<129x512xf32, #tpu.memory_space<vmem>>, vector<16xf32>,
      %broadcast_in_dim3A_355 = arith.constant 27 : i32
      %broadcast_in_dim3A_356 = vector.broadcast %broadcast_in_dim3A_355 : i32 to vector<16xi32>
      %gather3A_357 = tpu.vector_load_idx %arg12[%add3A_60, %broadcast_in_dim3A_356] : memref<256x64xf32, #tpu.memory_space<vmem>>[vector<16xi32>, vector<16xi32>], vector<16xf32>,
      %mul3A_358 = arith.constant 16 : i32
      %mul3A_359 = arith.muli %scan3A_56, %mul3A_358 : i32
      %add3A_360 = arith.constant 256 : i32
      %add3A_361 = arith.addi %add3A_360, %mul3A_359 : i32
      %swap3A_362 = arith.constant 27 : i32
      %swap3A_363 = arith.index_cast %swap3A_362 : i32 to index
      %swap3A_364 = arith.index_cast %add3A_361 : i32 to index
      %swap3A_365 = tpu.vector_load %arg13[%swap3A_363, %swap3A_364] {strides = array<i32>} : memref<129x512xf32, #tpu.memory_space<vmem>>, vector<16xf32>,
      tpu.vector_store %arg13[%swap3A_363, %swap3A_364], %gather3A_357 {strides = array<i32>} : memref<129x512xf32, #tpu.memory_space<vmem>>, vector<16xf32>,
      %broadcast_in_dim3A_366 = arith.constant 28 : i32
      %broadcast_in_dim3A_367 = vector.broadcast %broadcast_in_dim3A_366 : i32 to vector<16xi32>
      %gather3A_368 = tpu.vector_load_idx %arg12[%add3A_60, %broadcast_in_dim3A_367] : memref<256x64xf32, #tpu.memory_space<vmem>>[vector<16xi32>, vector<16xi32>], vector<16xf32>,
      %mul3A_369 = arith.constant 16 : i32
      %mul3A_370 = arith.muli %scan3A_56, %mul3A_369 : i32
      %add3A_371 = arith.constant 256 : i32
      %add3A_372 = arith.addi %add3A_371, %mul3A_370 : i32
      %swap3A_373 = arith.constant 28 : i32
      %swap3A_374 = arith.index_cast %swap3A_373 : i32 to index
      %swap3A_375 = arith.index_cast %add3A_372 : i32 to index
      %swap3A_376 = tpu.vector_load %arg13[%swap3A_374, %swap3A_375] {strides = array<i32>} : memref<129x512xf32, #tpu.memory_space<vmem>>, vector<16xf32>,
      tpu.vector_store %arg13[%swap3A_374, %swap3A_375], %gather3A_368 {strides = array<i32>} : memref<129x512xf32, #tpu.memory_space<vmem>>, vector<16xf32>,
      %broadcast_in_dim3A_377 = arith.constant 29 : i32
      %broadcast_in_dim3A_378 = vector.broadcast %broadcast_in_dim3A_377 : i32 to vector<16xi32>
      %gather3A_379 = tpu.vector_load_idx %arg12[%add3A_60, %broadcast_in_dim3A_378] : memref<256x64xf32, #tpu.memory_space<vmem>>[vector<16xi32>, vector<16xi32>], vector<16xf32>,
      %mul3A_380 = arith.constant 16 : i32
      %mul3A_381 = arith.muli %scan3A_56, %mul3A_380 : i32
      %add3A_382 = arith.constant 256 : i32
      %add3A_383 = arith.addi %add3A_382, %mul3A_381 : i32
      %swap3A_384 = arith.constant 29 : i32
      %swap3A_385 = arith.index_cast %swap3A_384 : i32 to index
      %swap3A_386 = arith.index_cast %add3A_383 : i32 to index
      %swap3A_387 = tpu.vector_load %arg13[%swap3A_385, %swap3A_386] {strides = array<i32>} : memref<129x512xf32, #tpu.memory_space<vmem>>, vector<16xf32>,
      tpu.vector_store %arg13[%swap3A_385, %swap3A_386], %gather3A_379 {strides = array<i32>} : memref<129x512xf32, #tpu.memory_space<vmem>>, vector<16xf32>,
      %broadcast_in_dim3A_388 = arith.constant 30 : i32
      %broadcast_in_dim3A_389 = vector.broadcast %broadcast_in_dim3A_388 : i32 to vector<16xi32>
      %gather3A_390 = tpu.vector_load_idx %arg12[%add3A_60, %broadcast_in_dim3A_389] : memref<256x64xf32, #tpu.memory_space<vmem>>[vector<16xi32>, vector<16xi32>], vector<16xf32>,
      %mul3A_391 = arith.constant 16 : i32
      %mul3A_392 = arith.muli %scan3A_56, %mul3A_391 : i32
      %add3A_393 = arith.constant 256 : i32
      %add3A_394 = arith.addi %add3A_393, %mul3A_392 : i32
      %swap3A_395 = arith.constant 30 : i32
      %swap3A_396 = arith.index_cast %swap3A_395 : i32 to index
      %swap3A_397 = arith.index_cast %add3A_394 : i32 to index
      %swap3A_398 = tpu.vector_load %arg13[%swap3A_396, %swap3A_397] {strides = array<i32>} : memref<129x512xf32, #tpu.memory_space<vmem>>, vector<16xf32>,
      tpu.vector_store %arg13[%swap3A_396, %swap3A_397], %gather3A_390 {strides = array<i32>} : memref<129x512xf32, #tpu.memory_space<vmem>>, vector<16xf32>,
      %broadcast_in_dim3A_399 = arith.constant 31 : i32
      %broadcast_in_dim3A_400 = vector.broadcast %broadcast_in_dim3A_399 : i32 to vector<16xi32>
      %gather3A_401 = tpu.vector_load_idx %arg12[%add3A_60, %broadcast_in_dim3A_400] : memref<256x64xf32, #tpu.memory_space<vmem>>[vector<16xi32>, vector<16xi32>], vector<16xf32>,
      %mul3A_402 = arith.constant 16 : i32
      %mul3A_403 = arith.muli %scan3A_56, %mul3A_402 : i32
      %add3A_404 = arith.constant 256 : i32
      %add3A_405 = arith.addi %add3A_404, %mul3A_403 : i32
      %swap3A_406 = arith.constant 31 : i32
      %swap3A_407 = arith.index_cast %swap3A_406 : i32 to index
      %swap3A_408 = arith.index_cast %add3A_405 : i32 to index
      %swap3A_409 = tpu.vector_load %arg13[%swap3A_407, %swap3A_408] {strides = array<i32>} : memref<129x512xf32, #tpu.memory_space<vmem>>, vector<16xf32>,
      tpu.vector_store %arg13[%swap3A_407, %swap3A_408], %gather3A_401 {strides = array<i32>} : memref<129x512xf32, #tpu.memory_space<vmem>>, vector<16xf32>,
      %broadcast_in_dim3A_410 = arith.constant 32 : i32
      %broadcast_in_dim3A_411 = vector.broadcast %broadcast_in_dim3A_410 : i32 to vector<16xi32>
      %gather3A_412 = tpu.vector_load_idx %arg12[%add3A_60, %broadcast_in_dim3A_411] : memref<256x64xf32, #tpu.memory_space<vmem>>[vector<16xi32>, vector<16xi32>], vector<16xf32>,
      %mul3A_413 = arith.constant 16 : i32
      %mul3A_414 = arith.muli %scan3A_56, %mul3A_413 : i32
      %add3A_415 = arith.constant 256 : i32
      %add3A_416 = arith.addi %add3A_415, %mul3A_414 : i32
      %swap3A_417 = arith.constant 32 : i32
      %swap3A_418 = arith.index_cast %swap3A_417 : i32 to index
      %swap3A_419 = arith.index_cast %add3A_416 : i32 to index
      %swap3A_420 = tpu.vector_load %arg13[%swap3A_418, %swap3A_419] {strides = array<i32>} : memref<129x512xf32, #tpu.memory_space<vmem>>, vector<16xf32>,
      tpu.vector_store %arg13[%swap3A_418, %swap3A_419], %gather3A_412 {strides = array<i32>} : memref<129x512xf32, #tpu.memory_space<vmem>>, vector<16xf32>,
      %broadcast_in_dim3A_421 = arith.constant 33 : i32
      %broadcast_in_dim3A_422 = vector.broadcast %broadcast_in_dim3A_421 : i32 to vector<16xi32>
      %gather3A_423 = tpu.vector_load_idx %arg12[%add3A_60, %broadcast_in_dim3A_422] : memref<256x64xf32, #tpu.memory_space<vmem>>[vector<16xi32>, vector<16xi32>], vector<16xf32>,
      %mul3A_424 = arith.constant 16 : i32
      %mul3A_425 = arith.muli %scan3A_56, %mul3A_424 : i32
      %add3A_426 = arith.constant 256 : i32
      %add3A_427 = arith.addi %add3A_426, %mul3A_425 : i32
      %swap3A_428 = arith.constant 33 : i32
      %swap3A_429 = arith.index_cast %swap3A_428 : i32 to index
      %swap3A_430 = arith.index_cast %add3A_427 : i32 to index
      %swap3A_431 = tpu.vector_load %arg13[%swap3A_429, %swap3A_430] {strides = array<i32>} : memref<129x512xf32, #tpu.memory_space<vmem>>, vector<16xf32>,
      tpu.vector_store %arg13[%swap3A_429, %swap3A_430], %gather3A_423 {strides = array<i32>} : memref<129x512xf32, #tpu.memory_space<vmem>>, vector<16xf32>,
      %broadcast_in_dim3A_432 = arith.constant 34 : i32
      %broadcast_in_dim3A_433 = vector.broadcast %broadcast_in_dim3A_432 : i32 to vector<16xi32>
      %gather3A_434 = tpu.vector_load_idx %arg12[%add3A_60, %broadcast_in_dim3A_433] : memref<256x64xf32, #tpu.memory_space<vmem>>[vector<16xi32>, vector<16xi32>], vector<16xf32>,
      %mul3A_435 = arith.constant 16 : i32
      %mul3A_436 = arith.muli %scan3A_56, %mul3A_435 : i32
      %add3A_437 = arith.constant 256 : i32
      %add3A_438 = arith.addi %add3A_437, %mul3A_436 : i32
      %swap3A_439 = arith.constant 34 : i32
      %swap3A_440 = arith.index_cast %swap3A_439 : i32 to index
      %swap3A_441 = arith.index_cast %add3A_438 : i32 to index
      %swap3A_442 = tpu.vector_load %arg13[%swap3A_440, %swap3A_441] {strides = array<i32>} : memref<129x512xf32, #tpu.memory_space<vmem>>, vector<16xf32>,
      tpu.vector_store %arg13[%swap3A_440, %swap3A_441], %gather3A_434 {strides = array<i32>} : memref<129x512xf32, #tpu.memory_space<vmem>>, vector<16xf32>,
      %broadcast_in_dim3A_443 = arith.constant 35 : i32
      %broadcast_in_dim3A_444 = vector.broadcast %broadcast_in_dim3A_443 : i32 to vector<16xi32>
      %gather3A_445 = tpu.vector_load_idx %arg12[%add3A_60, %broadcast_in_dim3A_444] : memref<256x64xf32, #tpu.memory_space<vmem>>[vector<16xi32>, vector<16xi32>], vector<16xf32>,
      %mul3A_446 = arith.constant 16 : i32
      %mul3A_447 = arith.muli %scan3A_56, %mul3A_446 : i32
      %add3A_448 = arith.constant 256 : i32
      %add3A_449 = arith.addi %add3A_448, %mul3A_447 : i32
      %swap3A_450 = arith.constant 35 : i32
      %swap3A_451 = arith.index_cast %swap3A_450 : i32 to index
      %swap3A_452 = arith.index_cast %add3A_449 : i32 to index
      %swap3A_453 = tpu.vector_load %arg13[%swap3A_451, %swap3A_452] {strides = array<i32>} : memref<129x512xf32, #tpu.memory_space<vmem>>, vector<16xf32>,
      tpu.vector_store %arg13[%swap3A_451, %swap3A_452], %gather3A_445 {strides = array<i32>} : memref<129x512xf32, #tpu.memory_space<vmem>>, vector<16xf32>,
      %broadcast_in_dim3A_454 = arith.constant 36 : i32
      %broadcast_in_dim3A_455 = vector.broadcast %broadcast_in_dim3A_454 : i32 to vector<16xi32>
      %gather3A_456 = tpu.vector_load_idx %arg12[%add3A_60, %broadcast_in_dim3A_455] : memref<256x64xf32, #tpu.memory_space<vmem>>[vector<16xi32>, vector<16xi32>], vector<16xf32>,
      %mul3A_457 = arith.constant 16 : i32
      %mul3A_458 = arith.muli %scan3A_56, %mul3A_457 : i32
      %add3A_459 = arith.constant 256 : i32
      %add3A_460 = arith.addi %add3A_459, %mul3A_458 : i32
      %swap3A_461 = arith.constant 36 : i32
      %swap3A_462 = arith.index_cast %swap3A_461 : i32 to index
      %swap3A_463 = arith.index_cast %add3A_460 : i32 to index
      %swap3A_464 = tpu.vector_load %arg13[%swap3A_462, %swap3A_463] {strides = array<i32>} : memref<129x512xf32, #tpu.memory_space<vmem>>, vector<16xf32>,
      tpu.vector_store %arg13[%swap3A_462, %swap3A_463], %gather3A_456 {strides = array<i32>} : memref<129x512xf32, #tpu.memory_space<vmem>>, vector<16xf32>,
      %broadcast_in_dim3A_465 = arith.constant 37 : i32
      %broadcast_in_dim3A_466 = vector.broadcast %broadcast_in_dim3A_465 : i32 to vector<16xi32>
      %gather3A_467 = tpu.vector_load_idx %arg12[%add3A_60, %broadcast_in_dim3A_466] : memref<256x64xf32, #tpu.memory_space<vmem>>[vector<16xi32>, vector<16xi32>], vector<16xf32>,
      %mul3A_468 = arith.constant 16 : i32
      %mul3A_469 = arith.muli %scan3A_56, %mul3A_468 : i32
      %add3A_470 = arith.constant 256 : i32
      %add3A_471 = arith.addi %add3A_470, %mul3A_469 : i32
      %swap3A_472 = arith.constant 37 : i32
      %swap3A_473 = arith.index_cast %swap3A_472 : i32 to index
      %swap3A_474 = arith.index_cast %add3A_471 : i32 to index
      %swap3A_475 = tpu.vector_load %arg13[%swap3A_473, %swap3A_474] {strides = array<i32>} : memref<129x512xf32, #tpu.memory_space<vmem>>, vector<16xf32>,
      tpu.vector_store %arg13[%swap3A_473, %swap3A_474], %gather3A_467 {strides = array<i32>} : memref<129x512xf32, #tpu.memory_space<vmem>>, vector<16xf32>,
      %broadcast_in_dim3A_476 = arith.constant 38 : i32
      %broadcast_in_dim3A_477 = vector.broadcast %broadcast_in_dim3A_476 : i32 to vector<16xi32>
      %gather3A_478 = tpu.vector_load_idx %arg12[%add3A_60, %broadcast_in_dim3A_477] : memref<256x64xf32, #tpu.memory_space<vmem>>[vector<16xi32>, vector<16xi32>], vector<16xf32>,
      %mul3A_479 = arith.constant 16 : i32
      %mul3A_480 = arith.muli %scan3A_56, %mul3A_479 : i32
      %add3A_481 = arith.constant 256 : i32
      %add3A_482 = arith.addi %add3A_481, %mul3A_480 : i32
      %swap3A_483 = arith.constant 38 : i32
      %swap3A_484 = arith.index_cast %swap3A_483 : i32 to index
      %swap3A_485 = arith.index_cast %add3A_482 : i32 to index
      %swap3A_486 = tpu.vector_load %arg13[%swap3A_484, %swap3A_485] {strides = array<i32>} : memref<129x512xf32, #tpu.memory_space<vmem>>, vector<16xf32>,
      tpu.vector_store %arg13[%swap3A_484, %swap3A_485], %gather3A_478 {strides = array<i32>} : memref<129x512xf32, #tpu.memory_space<vmem>>, vector<16xf32>,
      %broadcast_in_dim3A_487 = arith.constant 39 : i32
      %broadcast_in_dim3A_488 = vector.broadcast %broadcast_in_dim3A_487 : i32 to vector<16xi32>
      %gather3A_489 = tpu.vector_load_idx %arg12[%add3A_60, %broadcast_in_dim3A_488] : memref<256x64xf32, #tpu.memory_space<vmem>>[vector<16xi32>, vector<16xi32>], vector<16xf32>,
      %mul3A_490 = arith.constant 16 : i32
      %mul3A_491 = arith.muli %scan3A_56, %mul3A_490 : i32
      %add3A_492 = arith.constant 256 : i32
      %add3A_493 = arith.addi %add3A_492, %mul3A_491 : i32
      %swap3A_494 = arith.constant 39 : i32
      %swap3A_495 = arith.index_cast %swap3A_494 : i32 to index
      %swap3A_496 = arith.index_cast %add3A_493 : i32 to index
      %swap3A_497 = tpu.vector_load %arg13[%swap3A_495, %swap3A_496] {strides = array<i32>} : memref<129x512xf32, #tpu.memory_space<vmem>>, vector<16xf32>,
      tpu.vector_store %arg13[%swap3A_495, %swap3A_496], %gather3A_489 {strides = array<i32>} : memref<129x512xf32, #tpu.memory_space<vmem>>, vector<16xf32>,
      %broadcast_in_dim3A_498 = arith.constant 40 : i32
      %broadcast_in_dim3A_499 = vector.broadcast %broadcast_in_dim3A_498 : i32 to vector<16xi32>
      %gather3A_500 = tpu.vector_load_idx %arg12[%add3A_60, %broadcast_in_dim3A_499] : memref<256x64xf32, #tpu.memory_space<vmem>>[vector<16xi32>, vector<16xi32>], vector<16xf32>,
      %mul3A_501 = arith.constant 16 : i32
      %mul3A_502 = arith.muli %scan3A_56, %mul3A_501 : i32
      %add3A_503 = arith.constant 256 : i32
      %add3A_504 = arith.addi %add3A_503, %mul3A_502 : i32
      %swap3A_505 = arith.constant 40 : i32
      %swap3A_506 = arith.index_cast %swap3A_505 : i32 to index
      %swap3A_507 = arith.index_cast %add3A_504 : i32 to index
      %swap3A_508 = tpu.vector_load %arg13[%swap3A_506, %swap3A_507] {strides = array<i32>} : memref<129x512xf32, #tpu.memory_space<vmem>>, vector<16xf32>,
      tpu.vector_store %arg13[%swap3A_506, %swap3A_507], %gather3A_500 {strides = array<i32>} : memref<129x512xf32, #tpu.memory_space<vmem>>, vector<16xf32>,
      %broadcast_in_dim3A_509 = arith.constant 41 : i32
      %broadcast_in_dim3A_510 = vector.broadcast %broadcast_in_dim3A_509 : i32 to vector<16xi32>
      %gather3A_511 = tpu.vector_load_idx %arg12[%add3A_60, %broadcast_in_dim3A_510] : memref<256x64xf32, #tpu.memory_space<vmem>>[vector<16xi32>, vector<16xi32>], vector<16xf32>,
      %mul3A_512 = arith.constant 16 : i32
      %mul3A_513 = arith.muli %scan3A_56, %mul3A_512 : i32
      %add3A_514 = arith.constant 256 : i32
      %add3A_515 = arith.addi %add3A_514, %mul3A_513 : i32
      %swap3A_516 = arith.constant 41 : i32
      %swap3A_517 = arith.index_cast %swap3A_516 : i32 to index
      %swap3A_518 = arith.index_cast %add3A_515 : i32 to index
      %swap3A_519 = tpu.vector_load %arg13[%swap3A_517, %swap3A_518] {strides = array<i32>} : memref<129x512xf32, #tpu.memory_space<vmem>>, vector<16xf32>,
      tpu.vector_store %arg13[%swap3A_517, %swap3A_518], %gather3A_511 {strides = array<i32>} : memref<129x512xf32, #tpu.memory_space<vmem>>, vector<16xf32>,
      %broadcast_in_dim3A_520 = arith.constant 42 : i32
      %broadcast_in_dim3A_521 = vector.broadcast %broadcast_in_dim3A_520 : i32 to vector<16xi32>
      %gather3A_522 = tpu.vector_load_idx %arg12[%add3A_60, %broadcast_in_dim3A_521] : memref<256x64xf32, #tpu.memory_space<vmem>>[vector<16xi32>, vector<16xi32>], vector<16xf32>,
      %mul3A_523 = arith.constant 16 : i32
      %mul3A_524 = arith.muli %scan3A_56, %mul3A_523 : i32
      %add3A_525 = arith.constant 256 : i32
      %add3A_526 = arith.addi %add3A_525, %mul3A_524 : i32
      %swap3A_527 = arith.constant 42 : i32
      %swap3A_528 = arith.index_cast %swap3A_527 : i32 to index
      %swap3A_529 = arith.index_cast %add3A_526 : i32 to index
      %swap3A_530 = tpu.vector_load %arg13[%swap3A_528, %swap3A_529] {strides = array<i32>} : memref<129x512xf32, #tpu.memory_space<vmem>>, vector<16xf32>,
      tpu.vector_store %arg13[%swap3A_528, %swap3A_529], %gather3A_522 {strides = array<i32>} : memref<129x512xf32, #tpu.memory_space<vmem>>, vector<16xf32>,
      %broadcast_in_dim3A_531 = arith.constant 43 : i32
      %broadcast_in_dim3A_532 = vector.broadcast %broadcast_in_dim3A_531 : i32 to vector<16xi32>
      %gather3A_533 = tpu.vector_load_idx %arg12[%add3A_60, %broadcast_in_dim3A_532] : memref<256x64xf32, #tpu.memory_space<vmem>>[vector<16xi32>, vector<16xi32>], vector<16xf32>,
      %mul3A_534 = arith.constant 16 : i32
      %mul3A_535 = arith.muli %scan3A_56, %mul3A_534 : i32
      %add3A_536 = arith.constant 256 : i32
      %add3A_537 = arith.addi %add3A_536, %mul3A_535 : i32
      %swap3A_538 = arith.constant 43 : i32
      %swap3A_539 = arith.index_cast %swap3A_538 : i32 to index
      %swap3A_540 = arith.index_cast %add3A_537 : i32 to index
      %swap3A_541 = tpu.vector_load %arg13[%swap3A_539, %swap3A_540] {strides = array<i32>} : memref<129x512xf32, #tpu.memory_space<vmem>>, vector<16xf32>,
      tpu.vector_store %arg13[%swap3A_539, %swap3A_540], %gather3A_533 {strides = array<i32>} : memref<129x512xf32, #tpu.memory_space<vmem>>, vector<16xf32>,
      %broadcast_in_dim3A_542 = arith.constant 44 : i32
      %broadcast_in_dim3A_543 = vector.broadcast %broadcast_in_dim3A_542 : i32 to vector<16xi32>
      %gather3A_544 = tpu.vector_load_idx %arg12[%add3A_60, %broadcast_in_dim3A_543] : memref<256x64xf32, #tpu.memory_space<vmem>>[vector<16xi32>, vector<16xi32>], vector<16xf32>,
      %mul3A_545 = arith.constant 16 : i32
      %mul3A_546 = arith.muli %scan3A_56, %mul3A_545 : i32
      %add3A_547 = arith.constant 256 : i32
      %add3A_548 = arith.addi %add3A_547, %mul3A_546 : i32
      %swap3A_549 = arith.constant 44 : i32
      %swap3A_550 = arith.index_cast %swap3A_549 : i32 to index
      %swap3A_551 = arith.index_cast %add3A_548 : i32 to index
      %swap3A_552 = tpu.vector_load %arg13[%swap3A_550, %swap3A_551] {strides = array<i32>} : memref<129x512xf32, #tpu.memory_space<vmem>>, vector<16xf32>,
      tpu.vector_store %arg13[%swap3A_550, %swap3A_551], %gather3A_544 {strides = array<i32>} : memref<129x512xf32, #tpu.memory_space<vmem>>, vector<16xf32>,
      %broadcast_in_dim3A_553 = arith.constant 45 : i32
      %broadcast_in_dim3A_554 = vector.broadcast %broadcast_in_dim3A_553 : i32 to vector<16xi32>
      %gather3A_555 = tpu.vector_load_idx %arg12[%add3A_60, %broadcast_in_dim3A_554] : memref<256x64xf32, #tpu.memory_space<vmem>>[vector<16xi32>, vector<16xi32>], vector<16xf32>,
      %mul3A_556 = arith.constant 16 : i32
      %mul3A_557 = arith.muli %scan3A_56, %mul3A_556 : i32
      %add3A_558 = arith.constant 256 : i32
      %add3A_559 = arith.addi %add3A_558, %mul3A_557 : i32
      %swap3A_560 = arith.constant 45 : i32
      %swap3A_561 = arith.index_cast %swap3A_560 : i32 to index
      %swap3A_562 = arith.index_cast %add3A_559 : i32 to index
      %swap3A_563 = tpu.vector_load %arg13[%swap3A_561, %swap3A_562] {strides = array<i32>} : memref<129x512xf32, #tpu.memory_space<vmem>>, vector<16xf32>,
      tpu.vector_store %arg13[%swap3A_561, %swap3A_562], %gather3A_555 {strides = array<i32>} : memref<129x512xf32, #tpu.memory_space<vmem>>, vector<16xf32>,
      %broadcast_in_dim3A_564 = arith.constant 46 : i32
      %broadcast_in_dim3A_565 = vector.broadcast %broadcast_in_dim3A_564 : i32 to vector<16xi32>
      %gather3A_566 = tpu.vector_load_idx %arg12[%add3A_60, %broadcast_in_dim3A_565] : memref<256x64xf32, #tpu.memory_space<vmem>>[vector<16xi32>, vector<16xi32>], vector<16xf32>,
      %mul3A_567 = arith.constant 16 : i32
      %mul3A_568 = arith.muli %scan3A_56, %mul3A_567 : i32
      %add3A_569 = arith.constant 256 : i32
      %add3A_570 = arith.addi %add3A_569, %mul3A_568 : i32
      %swap3A_571 = arith.constant 46 : i32
      %swap3A_572 = arith.index_cast %swap3A_571 : i32 to index
      %swap3A_573 = arith.index_cast %add3A_570 : i32 to index
      %swap3A_574 = tpu.vector_load %arg13[%swap3A_572, %swap3A_573] {strides = array<i32>} : memref<129x512xf32, #tpu.memory_space<vmem>>, vector<16xf32>,
      tpu.vector_store %arg13[%swap3A_572, %swap3A_573], %gather3A_566 {strides = array<i32>} : memref<129x512xf32, #tpu.memory_space<vmem>>, vector<16xf32>,
      %broadcast_in_dim3A_575 = arith.constant 47 : i32
      %broadcast_in_dim3A_576 = vector.broadcast %broadcast_in_dim3A_575 : i32 to vector<16xi32>
      %gather3A_577 = tpu.vector_load_idx %arg12[%add3A_60, %broadcast_in_dim3A_576] : memref<256x64xf32, #tpu.memory_space<vmem>>[vector<16xi32>, vector<16xi32>], vector<16xf32>,
      %mul3A_578 = arith.constant 16 : i32
      %mul3A_579 = arith.muli %scan3A_56, %mul3A_578 : i32
      %add3A_580 = arith.constant 256 : i32
      %add3A_581 = arith.addi %add3A_580, %mul3A_579 : i32
      %swap3A_582 = arith.constant 47 : i32
      %swap3A_583 = arith.index_cast %swap3A_582 : i32 to index
      %swap3A_584 = arith.index_cast %add3A_581 : i32 to index
      %swap3A_585 = tpu.vector_load %arg13[%swap3A_583, %swap3A_584] {strides = array<i32>} : memref<129x512xf32, #tpu.memory_space<vmem>>, vector<16xf32>,
      tpu.vector_store %arg13[%swap3A_583, %swap3A_584], %gather3A_577 {strides = array<i32>} : memref<129x512xf32, #tpu.memory_space<vmem>>, vector<16xf32>,
      %broadcast_in_dim3A_586 = arith.constant 48 : i32
      %broadcast_in_dim3A_587 = vector.broadcast %broadcast_in_dim3A_586 : i32 to vector<16xi32>
      %gather3A_588 = tpu.vector_load_idx %arg12[%add3A_60, %broadcast_in_dim3A_587] : memref<256x64xf32, #tpu.memory_space<vmem>>[vector<16xi32>, vector<16xi32>], vector<16xf32>,
      %mul3A_589 = arith.constant 16 : i32
      %mul3A_590 = arith.muli %scan3A_56, %mul3A_589 : i32
      %add3A_591 = arith.constant 256 : i32
      %add3A_592 = arith.addi %add3A_591, %mul3A_590 : i32
      %swap3A_593 = arith.constant 48 : i32
      %swap3A_594 = arith.index_cast %swap3A_593 : i32 to index
      %swap3A_595 = arith.index_cast %add3A_592 : i32 to index
      %swap3A_596 = tpu.vector_load %arg13[%swap3A_594, %swap3A_595] {strides = array<i32>} : memref<129x512xf32, #tpu.memory_space<vmem>>, vector<16xf32>,
      tpu.vector_store %arg13[%swap3A_594, %swap3A_595], %gather3A_588 {strides = array<i32>} : memref<129x512xf32, #tpu.memory_space<vmem>>, vector<16xf32>,
      %broadcast_in_dim3A_597 = arith.constant 49 : i32
      %broadcast_in_dim3A_598 = vector.broadcast %broadcast_in_dim3A_597 : i32 to vector<16xi32>
      %gather3A_599 = tpu.vector_load_idx %arg12[%add3A_60, %broadcast_in_dim3A_598] : memref<256x64xf32, #tpu.memory_space<vmem>>[vector<16xi32>, vector<16xi32>], vector<16xf32>,
      %mul3A_600 = arith.constant 16 : i32
      %mul3A_601 = arith.muli %scan3A_56, %mul3A_600 : i32
      %add3A_602 = arith.constant 256 : i32
      %add3A_603 = arith.addi %add3A_602, %mul3A_601 : i32
      %swap3A_604 = arith.constant 49 : i32
      %swap3A_605 = arith.index_cast %swap3A_604 : i32 to index
      %swap3A_606 = arith.index_cast %add3A_603 : i32 to index
      %swap3A_607 = tpu.vector_load %arg13[%swap3A_605, %swap3A_606] {strides = array<i32>} : memref<129x512xf32, #tpu.memory_space<vmem>>, vector<16xf32>,
      tpu.vector_store %arg13[%swap3A_605, %swap3A_606], %gather3A_599 {strides = array<i32>} : memref<129x512xf32, #tpu.memory_space<vmem>>, vector<16xf32>,
      %broadcast_in_dim3A_608 = arith.constant 50 : i32
      %broadcast_in_dim3A_609 = vector.broadcast %broadcast_in_dim3A_608 : i32 to vector<16xi32>
      %gather3A_610 = tpu.vector_load_idx %arg12[%add3A_60, %broadcast_in_dim3A_609] : memref<256x64xf32, #tpu.memory_space<vmem>>[vector<16xi32>, vector<16xi32>], vector<16xf32>,
      %mul3A_611 = arith.constant 16 : i32
      %mul3A_612 = arith.muli %scan3A_56, %mul3A_611 : i32
      %add3A_613 = arith.constant 256 : i32
      %add3A_614 = arith.addi %add3A_613, %mul3A_612 : i32
      %swap3A_615 = arith.constant 50 : i32
      %swap3A_616 = arith.index_cast %swap3A_615 : i32 to index
      %swap3A_617 = arith.index_cast %add3A_614 : i32 to index
      %swap3A_618 = tpu.vector_load %arg13[%swap3A_616, %swap3A_617] {strides = array<i32>} : memref<129x512xf32, #tpu.memory_space<vmem>>, vector<16xf32>,
      tpu.vector_store %arg13[%swap3A_616, %swap3A_617], %gather3A_610 {strides = array<i32>} : memref<129x512xf32, #tpu.memory_space<vmem>>, vector<16xf32>,
      %broadcast_in_dim3A_619 = arith.constant 51 : i32
      %broadcast_in_dim3A_620 = vector.broadcast %broadcast_in_dim3A_619 : i32 to vector<16xi32>
      %gather3A_621 = tpu.vector_load_idx %arg12[%add3A_60, %broadcast_in_dim3A_620] : memref<256x64xf32, #tpu.memory_space<vmem>>[vector<16xi32>, vector<16xi32>], vector<16xf32>,
      %mul3A_622 = arith.constant 16 : i32
      %mul3A_623 = arith.muli %scan3A_56, %mul3A_622 : i32
      %add3A_624 = arith.constant 256 : i32
      %add3A_625 = arith.addi %add3A_624, %mul3A_623 : i32
      %swap3A_626 = arith.constant 51 : i32
      %swap3A_627 = arith.index_cast %swap3A_626 : i32 to index
      %swap3A_628 = arith.index_cast %add3A_625 : i32 to index
      %swap3A_629 = tpu.vector_load %arg13[%swap3A_627, %swap3A_628] {strides = array<i32>} : memref<129x512xf32, #tpu.memory_space<vmem>>, vector<16xf32>,
      tpu.vector_store %arg13[%swap3A_627, %swap3A_628], %gather3A_621 {strides = array<i32>} : memref<129x512xf32, #tpu.memory_space<vmem>>, vector<16xf32>,
      %broadcast_in_dim3A_630 = arith.constant 52 : i32
      %broadcast_in_dim3A_631 = vector.broadcast %broadcast_in_dim3A_630 : i32 to vector<16xi32>
      %gather3A_632 = tpu.vector_load_idx %arg12[%add3A_60, %broadcast_in_dim3A_631] : memref<256x64xf32, #tpu.memory_space<vmem>>[vector<16xi32>, vector<16xi32>], vector<16xf32>,
      %mul3A_633 = arith.constant 16 : i32
      %mul3A_634 = arith.muli %scan3A_56, %mul3A_633 : i32
      %add3A_635 = arith.constant 256 : i32
      %add3A_636 = arith.addi %add3A_635, %mul3A_634 : i32
      %swap3A_637 = arith.constant 52 : i32
      %swap3A_638 = arith.index_cast %swap3A_637 : i32 to index
      %swap3A_639 = arith.index_cast %add3A_636 : i32 to index
      %swap3A_640 = tpu.vector_load %arg13[%swap3A_638, %swap3A_639] {strides = array<i32>} : memref<129x512xf32, #tpu.memory_space<vmem>>, vector<16xf32>,
      tpu.vector_store %arg13[%swap3A_638, %swap3A_639], %gather3A_632 {strides = array<i32>} : memref<129x512xf32, #tpu.memory_space<vmem>>, vector<16xf32>,
      %broadcast_in_dim3A_641 = arith.constant 53 : i32
      %broadcast_in_dim3A_642 = vector.broadcast %broadcast_in_dim3A_641 : i32 to vector<16xi32>
      %gather3A_643 = tpu.vector_load_idx %arg12[%add3A_60, %broadcast_in_dim3A_642] : memref<256x64xf32, #tpu.memory_space<vmem>>[vector<16xi32>, vector<16xi32>], vector<16xf32>,
      %mul3A_644 = arith.constant 16 : i32
      %mul3A_645 = arith.muli %scan3A_56, %mul3A_644 : i32
      %add3A_646 = arith.constant 256 : i32
      %add3A_647 = arith.addi %add3A_646, %mul3A_645 : i32
      %swap3A_648 = arith.constant 53 : i32
      %swap3A_649 = arith.index_cast %swap3A_648 : i32 to index
      %swap3A_650 = arith.index_cast %add3A_647 : i32 to index
      %swap3A_651 = tpu.vector_load %arg13[%swap3A_649, %swap3A_650] {strides = array<i32>} : memref<129x512xf32, #tpu.memory_space<vmem>>, vector<16xf32>,
      tpu.vector_store %arg13[%swap3A_649, %swap3A_650], %gather3A_643 {strides = array<i32>} : memref<129x512xf32, #tpu.memory_space<vmem>>, vector<16xf32>,
      %broadcast_in_dim3A_652 = arith.constant 54 : i32
      %broadcast_in_dim3A_653 = vector.broadcast %broadcast_in_dim3A_652 : i32 to vector<16xi32>
      %gather3A_654 = tpu.vector_load_idx %arg12[%add3A_60, %broadcast_in_dim3A_653] : memref<256x64xf32, #tpu.memory_space<vmem>>[vector<16xi32>, vector<16xi32>], vector<16xf32>,
      %mul3A_655 = arith.constant 16 : i32
      %mul3A_656 = arith.muli %scan3A_56, %mul3A_655 : i32
      %add3A_657 = arith.constant 256 : i32
      %add3A_658 = arith.addi %add3A_657, %mul3A_656 : i32
      %swap3A_659 = arith.constant 54 : i32
      %swap3A_660 = arith.index_cast %swap3A_659 : i32 to index
      %swap3A_661 = arith.index_cast %add3A_658 : i32 to index
      %swap3A_662 = tpu.vector_load %arg13[%swap3A_660, %swap3A_661] {strides = array<i32>} : memref<129x512xf32, #tpu.memory_space<vmem>>, vector<16xf32>,
      tpu.vector_store %arg13[%swap3A_660, %swap3A_661], %gather3A_654 {strides = array<i32>} : memref<129x512xf32, #tpu.memory_space<vmem>>, vector<16xf32>,
      %broadcast_in_dim3A_663 = arith.constant 55 : i32
      %broadcast_in_dim3A_664 = vector.broadcast %broadcast_in_dim3A_663 : i32 to vector<16xi32>
      %gather3A_665 = tpu.vector_load_idx %arg12[%add3A_60, %broadcast_in_dim3A_664] : memref<256x64xf32, #tpu.memory_space<vmem>>[vector<16xi32>, vector<16xi32>], vector<16xf32>,
      %mul3A_666 = arith.constant 16 : i32
      %mul3A_667 = arith.muli %scan3A_56, %mul3A_666 : i32
      %add3A_668 = arith.constant 256 : i32
      %add3A_669 = arith.addi %add3A_668, %mul3A_667 : i32
      %swap3A_670 = arith.constant 55 : i32
      %swap3A_671 = arith.index_cast %swap3A_670 : i32 to index
      %swap3A_672 = arith.index_cast %add3A_669 : i32 to index
      %swap3A_673 = tpu.vector_load %arg13[%swap3A_671, %swap3A_672] {strides = array<i32>} : memref<129x512xf32, #tpu.memory_space<vmem>>, vector<16xf32>,
      tpu.vector_store %arg13[%swap3A_671, %swap3A_672], %gather3A_665 {strides = array<i32>} : memref<129x512xf32, #tpu.memory_space<vmem>>, vector<16xf32>,
      %broadcast_in_dim3A_674 = arith.constant 56 : i32
      %broadcast_in_dim3A_675 = vector.broadcast %broadcast_in_dim3A_674 : i32 to vector<16xi32>
      %gather3A_676 = tpu.vector_load_idx %arg12[%add3A_60, %broadcast_in_dim3A_675] : memref<256x64xf32, #tpu.memory_space<vmem>>[vector<16xi32>, vector<16xi32>], vector<16xf32>,
      %mul3A_677 = arith.constant 16 : i32
      %mul3A_678 = arith.muli %scan3A_56, %mul3A_677 : i32
      %add3A_679 = arith.constant 256 : i32
      %add3A_680 = arith.addi %add3A_679, %mul3A_678 : i32
      %swap3A_681 = arith.constant 56 : i32
      %swap3A_682 = arith.index_cast %swap3A_681 : i32 to index
      %swap3A_683 = arith.index_cast %add3A_680 : i32 to index
      %swap3A_684 = tpu.vector_load %arg13[%swap3A_682, %swap3A_683] {strides = array<i32>} : memref<129x512xf32, #tpu.memory_space<vmem>>, vector<16xf32>,
      tpu.vector_store %arg13[%swap3A_682, %swap3A_683], %gather3A_676 {strides = array<i32>} : memref<129x512xf32, #tpu.memory_space<vmem>>, vector<16xf32>,
      %broadcast_in_dim3A_685 = arith.constant 57 : i32
      %broadcast_in_dim3A_686 = vector.broadcast %broadcast_in_dim3A_685 : i32 to vector<16xi32>
      %gather3A_687 = tpu.vector_load_idx %arg12[%add3A_60, %broadcast_in_dim3A_686] : memref<256x64xf32, #tpu.memory_space<vmem>>[vector<16xi32>, vector<16xi32>], vector<16xf32>,
      %mul3A_688 = arith.constant 16 : i32
      %mul3A_689 = arith.muli %scan3A_56, %mul3A_688 : i32
      %add3A_690 = arith.constant 256 : i32
      %add3A_691 = arith.addi %add3A_690, %mul3A_689 : i32
      %swap3A_692 = arith.constant 57 : i32
      %swap3A_693 = arith.index_cast %swap3A_692 : i32 to index
      %swap3A_694 = arith.index_cast %add3A_691 : i32 to index
      %swap3A_695 = tpu.vector_load %arg13[%swap3A_693, %swap3A_694] {strides = array<i32>} : memref<129x512xf32, #tpu.memory_space<vmem>>, vector<16xf32>,
      tpu.vector_store %arg13[%swap3A_693, %swap3A_694], %gather3A_687 {strides = array<i32>} : memref<129x512xf32, #tpu.memory_space<vmem>>, vector<16xf32>,
      %broadcast_in_dim3A_696 = arith.constant 58 : i32
      %broadcast_in_dim3A_697 = vector.broadcast %broadcast_in_dim3A_696 : i32 to vector<16xi32>
      %gather3A_698 = tpu.vector_load_idx %arg12[%add3A_60, %broadcast_in_dim3A_697] : memref<256x64xf32, #tpu.memory_space<vmem>>[vector<16xi32>, vector<16xi32>], vector<16xf32>,
      %mul3A_699 = arith.constant 16 : i32
      %mul3A_700 = arith.muli %scan3A_56, %mul3A_699 : i32
      %add3A_701 = arith.constant 256 : i32
      %add3A_702 = arith.addi %add3A_701, %mul3A_700 : i32
      %swap3A_703 = arith.constant 58 : i32
      %swap3A_704 = arith.index_cast %swap3A_703 : i32 to index
      %swap3A_705 = arith.index_cast %add3A_702 : i32 to index
      %swap3A_706 = tpu.vector_load %arg13[%swap3A_704, %swap3A_705] {strides = array<i32>} : memref<129x512xf32, #tpu.memory_space<vmem>>, vector<16xf32>,
      tpu.vector_store %arg13[%swap3A_704, %swap3A_705], %gather3A_698 {strides = array<i32>} : memref<129x512xf32, #tpu.memory_space<vmem>>, vector<16xf32>,
      %broadcast_in_dim3A_707 = arith.constant 59 : i32
      %broadcast_in_dim3A_708 = vector.broadcast %broadcast_in_dim3A_707 : i32 to vector<16xi32>
      %gather3A_709 = tpu.vector_load_idx %arg12[%add3A_60, %broadcast_in_dim3A_708] : memref<256x64xf32, #tpu.memory_space<vmem>>[vector<16xi32>, vector<16xi32>], vector<16xf32>,
      %mul3A_710 = arith.constant 16 : i32
      %mul3A_711 = arith.muli %scan3A_56, %mul3A_710 : i32
      %add3A_712 = arith.constant 256 : i32
      %add3A_713 = arith.addi %add3A_712, %mul3A_711 : i32
      %swap3A_714 = arith.constant 59 : i32
      %swap3A_715 = arith.index_cast %swap3A_714 : i32 to index
      %swap3A_716 = arith.index_cast %add3A_713 : i32 to index
      %swap3A_717 = tpu.vector_load %arg13[%swap3A_715, %swap3A_716] {strides = array<i32>} : memref<129x512xf32, #tpu.memory_space<vmem>>, vector<16xf32>,
      tpu.vector_store %arg13[%swap3A_715, %swap3A_716], %gather3A_709 {strides = array<i32>} : memref<129x512xf32, #tpu.memory_space<vmem>>, vector<16xf32>,
      %broadcast_in_dim3A_718 = arith.constant 60 : i32
      %broadcast_in_dim3A_719 = vector.broadcast %broadcast_in_dim3A_718 : i32 to vector<16xi32>
      %gather3A_720 = tpu.vector_load_idx %arg12[%add3A_60, %broadcast_in_dim3A_719] : memref<256x64xf32, #tpu.memory_space<vmem>>[vector<16xi32>, vector<16xi32>], vector<16xf32>,
      %mul3A_721 = arith.constant 16 : i32
      %mul3A_722 = arith.muli %scan3A_56, %mul3A_721 : i32
      %add3A_723 = arith.constant 256 : i32
      %add3A_724 = arith.addi %add3A_723, %mul3A_722 : i32
      %swap3A_725 = arith.constant 60 : i32
      %swap3A_726 = arith.index_cast %swap3A_725 : i32 to index
      %swap3A_727 = arith.index_cast %add3A_724 : i32 to index
      %swap3A_728 = tpu.vector_load %arg13[%swap3A_726, %swap3A_727] {strides = array<i32>} : memref<129x512xf32, #tpu.memory_space<vmem>>, vector<16xf32>,
      tpu.vector_store %arg13[%swap3A_726, %swap3A_727], %gather3A_720 {strides = array<i32>} : memref<129x512xf32, #tpu.memory_space<vmem>>, vector<16xf32>,
      %broadcast_in_dim3A_729 = arith.constant 61 : i32
      %broadcast_in_dim3A_730 = vector.broadcast %broadcast_in_dim3A_729 : i32 to vector<16xi32>
      %gather3A_731 = tpu.vector_load_idx %arg12[%add3A_60, %broadcast_in_dim3A_730] : memref<256x64xf32, #tpu.memory_space<vmem>>[vector<16xi32>, vector<16xi32>], vector<16xf32>,
      %mul3A_732 = arith.constant 16 : i32
      %mul3A_733 = arith.muli %scan3A_56, %mul3A_732 : i32
      %add3A_734 = arith.constant 256 : i32
      %add3A_735 = arith.addi %add3A_734, %mul3A_733 : i32
      %swap3A_736 = arith.constant 61 : i32
      %swap3A_737 = arith.index_cast %swap3A_736 : i32 to index
      %swap3A_738 = arith.index_cast %add3A_735 : i32 to index
      %swap3A_739 = tpu.vector_load %arg13[%swap3A_737, %swap3A_738] {strides = array<i32>} : memref<129x512xf32, #tpu.memory_space<vmem>>, vector<16xf32>,
      tpu.vector_store %arg13[%swap3A_737, %swap3A_738], %gather3A_731 {strides = array<i32>} : memref<129x512xf32, #tpu.memory_space<vmem>>, vector<16xf32>,
      %broadcast_in_dim3A_740 = arith.constant 62 : i32
      %broadcast_in_dim3A_741 = vector.broadcast %broadcast_in_dim3A_740 : i32 to vector<16xi32>
      %gather3A_742 = tpu.vector_load_idx %arg12[%add3A_60, %broadcast_in_dim3A_741] : memref<256x64xf32, #tpu.memory_space<vmem>>[vector<16xi32>, vector<16xi32>], vector<16xf32>,
      %mul3A_743 = arith.constant 16 : i32
      %mul3A_744 = arith.muli %scan3A_56, %mul3A_743 : i32
      %add3A_745 = arith.constant 256 : i32
      %add3A_746 = arith.addi %add3A_745, %mul3A_744 : i32
      %swap3A_747 = arith.constant 62 : i32
      %swap3A_748 = arith.index_cast %swap3A_747 : i32 to index
      %swap3A_749 = arith.index_cast %add3A_746 : i32 to index
      %swap3A_750 = tpu.vector_load %arg13[%swap3A_748, %swap3A_749] {strides = array<i32>} : memref<129x512xf32, #tpu.memory_space<vmem>>, vector<16xf32>,
      tpu.vector_store %arg13[%swap3A_748, %swap3A_749], %gather3A_742 {strides = array<i32>} : memref<129x512xf32, #tpu.memory_space<vmem>>, vector<16xf32>,
      %broadcast_in_dim3A_751 = arith.constant 63 : i32
      %broadcast_in_dim3A_752 = vector.broadcast %broadcast_in_dim3A_751 : i32 to vector<16xi32>
      %gather3A_753 = tpu.vector_load_idx %arg12[%add3A_60, %broadcast_in_dim3A_752] : memref<256x64xf32, #tpu.memory_space<vmem>>[vector<16xi32>, vector<16xi32>], vector<16xf32>,
      %mul3A_754 = arith.constant 16 : i32
      %mul3A_755 = arith.muli %scan3A_56, %mul3A_754 : i32
      %add3A_756 = arith.constant 256 : i32
      %add3A_757 = arith.addi %add3A_756, %mul3A_755 : i32
      %swap3A_758 = arith.constant 63 : i32
      %swap3A_759 = arith.index_cast %swap3A_758 : i32 to index
      %swap3A_760 = arith.index_cast %add3A_757 : i32 to index
      %swap3A_761 = tpu.vector_load %arg13[%swap3A_759, %swap3A_760] {strides = array<i32>} : memref<129x512xf32, #tpu.memory_space<vmem>>, vector<16xf32>,
      tpu.vector_store %arg13[%swap3A_759, %swap3A_760], %gather3A_753 {strides = array<i32>} : memref<129x512xf32, #tpu.memory_space<vmem>>, vector<16xf32>,
    }
    %scan3A_55 = arith.constant 16 : i32
    "tpu.region"() ({
      %run_scoped3A = tpu.sem_alloc : memref<!tpu.dma_semaphore, #tpu.memory_space<semaphore_mem>>
      %dma_start3A = arith.constant 0 : i32
      %dma_start3A_56 = tpu.memref_slice %arg8[%dma_start3A, %mul3A_2] : memref<129x16384xf32, #tpu.memory_space<hbm>> -> memref<129x512xf32, #tpu.memory_space<hbm>>
      %dma_start3A_57 = arith.constant 0 : i32
      %dma_start3A_58 = tpu.memref_slice %arg8[%dma_start3A_57, %mul3A_2] : memref<129x16384xf32, #tpu.memory_space<hbm>> -> memref<129x512xf32, #tpu.memory_space<hbm>>
      tpu.enqueue_dma source(%arg13 : memref<129x512xf32, #tpu.memory_space<vmem>>) target(%dma_start3A_58 : memref<129x512xf32, #tpu.memory_space<hbm>>) target_semaphore(%run_scoped3A : memref<!tpu.dma_semaphore, #tpu.memory_space<semaphore_mem>>)
      %dma_wait3A_59 = arith.constant 0 : i32
      %dma_wait3A_60 = tpu.memref_slice %arg8[%dma_wait3A_59, %mul3A_2] : memref<129x16384xf32, #tpu.memory_space<hbm>> -> memref<129x512xf32, #tpu.memory_space<hbm>>
      %dma_wait3A_61 = arith.constant 0 : i32
      %dma_wait3A_62 = tpu.memref_slice %arg8[%dma_wait3A_61, %mul3A_2] : memref<129x16384xf32, #tpu.memory_space<hbm>> -> memref<129x512xf32, #tpu.memory_space<hbm>>
      tpu.wait_dma2 semaphore(%run_scoped3A : memref<!tpu.dma_semaphore, #tpu.memory_space<semaphore_mem>>) src(%arg13 : memref<129x512xf32, #tpu.memory_space<vmem>>) dst(%dma_wait3A_62 : memref<129x512xf32, #tpu.memory_space<hbm>>)
      tpu.yield
    }) : () -> ()
    return
  }
}

</mosaic_0001>

<sc_bundles>
// kernel: _sc_lookup.3.cloned.1.call-start
scs
__scs_entry_jumppad:
0x0: {  	(pc) =	sbr.rel $0x88, $3  }
0x1: {  	(tag) =	ssettag $0x0;
	lr =	simm.s32 $0x1  }
0x2: {  	[smem:$0x3F9B] =	sst lr;
	_ =	strace $0xD0000000  }
0x3: {  	_ = 	snop  }
0x4: {  	_ = 	snop  }
0x5: {  	_ = 	snop  }
0x6: {  	_ = 	snop  }
0x7: {  	_ = 	snop  }
__scs_overlays_trampoline_lowered:
0x8: {  	[smem:$0x3FAA] =	sst s0  }
0x9: {  	[smem:$0x3FAB] =	sst s1  }
0xa: {  	[smem:$0x3FAC] =	sst s2  }
0xb: {  	[smem:$0x3FAD] =	sst s3  }
0xc: {  	[smem:$0x3FAE] =	sst s4  }
0xd: {  	[smem:$0x3FAF] =	sst s5  }
0xe: {  	[smem:$0x3FB0] =	sst s6  }
0xf: {  	[smem:$0x3FB1] =	sst s7  }
0x10: {  	[smem:$0x3FB2] =	sst s8  }
0x11: {  	[smem:$0x3FB3] =	sst s9;
	s0 =	simm.s32 @!p0 $0x0  }
0x12: {  	s1 =	sld [smem:$0x3F99];
	s0 =	simm.s32 @p0 $0x1  }
0x13: {  	[smem:$0x3FB4] =	sst s0;
	s0 =	simm.s32 @!p1 $0x0  }
0x14: {  	s2 =	sld [smem:$0x3F98];
	s0 =	simm.s32 @p1 $0x1  }
0x15: {  	[smem:$0x3FB5] =	sst s0;
	s0 =	simm.s32 @!p2 $0x0  }
0x16: {  	s3 =	sld [smem:$0x3FDB];
	s0 =	simm.s32 @p2 $0x1  }
0x17: {  	s4 =	simm.s32 $0x1BF5;
	[smem:$0x3FB7] =	sst s0  }
0x18: {  	s0 =	sld [smem:$0x3F9A];
	_ =	swait.ge [sflag:s4], $0x0  }
0x19: {  	s7 =	sld [smem:$0x3F9B]  }
0x1a: {  	s8 =	sadd.s32 $0xFFFFE003, lr  }
0x1b: {  	s9 =	sadd.s32 $0xFFFFFEF7, lr;
	s5 =	simm.s32 $0xFFFFFFFF;
	p2 =	slt.u32 s8, $0xFFFFF086  }
0x1c: {  	p1 =	slt.u32 s9, $0xF7A;
	s5 =	simm.s32 @!p2 $0x0  }
0x1d: {  	s5 =	simm.s32 @p1 $0x1;
	p0 =	seq.s32 s7, s2  }
0x1e: {  	s7 =	smul.u32 @!p0 $0xF7A, s2;
	p2 =	seq.s32 @!p0 s5, $0x0  }
0x1f: {  	s9 =	smul.u32 $0xF7A, s1;
	s8 =	simm.s32 @!p0 $0x1BF5;
	p2 =	por !p2, p0  }
0x20: {  	[sflag:s8] =	ssyncset.s32 @!p0 $0xFFFFF086;
	s6 =	sadd.s32 @!p0 s3, s7;
	s7 =	simm.s32 @!p0 $0x108  }
0x21: {  	s3 =	sadd.s32 s3, s9;
	s6 =	sadd.s32 @!p0 $0x88, s6;
	s7 =	simm.s32 @p2 $0x1082  }
0x22: {  	[simem:s7], [sflag:s8] =	dma.local @!p0 [hbm:s6], $0xF7A  }
0x23: {  	s9 =	sor.u32 $0xD0000000, s2;
	s6 =	simm.s32 $0x108;
	_ =	swait.ge @!p0 [sflag:s8], $0x0  }
0x24: {  	s3 =	sadd.s32 $0x88, s3;
	s6 =	simm.s32 @!p1 $0x1082;
	[sflag:s4] =	ssyncset.s32 $0xFFFFF086  }
0x25: {  	[simem:s6], [sflag:s4] =	dma.local [hbm:s3], $0xF7A  }
0x26: {  	[smem:$0x3F9B] =	sst s1;
	(tag) =	ssettag s2;
	_ =	strace s9  }
0x27: {  	s1 =	sld [smem:$0x3FAB]  }
0x28: {  	s2 =	sld [smem:$0x3FAC]  }
0x29: {  	s4 =	sld [smem:$0x3FAE]  }
0x2a: {  	p0 =	seq.s32 s5, $0x0;
	s5 =	sld [smem:$0x3FAF]  }
0x2b: {  	s6 =	sld [smem:$0x3FB0]  }
0x2c: {  	s7 =	sld [smem:$0x3FB1]  }
0x2d: {  	s3 =	simm.s32 $0x108;
	s8 =	sld [smem:$0x3FB2]  }
0x2e: {  	s3 =	simm.s32 @!p0 $0x1082;
	s9 =	sld [smem:$0x3FB3]  }
0x2f: {  	lr =	sadd.s32 s0, s3;
	s0 =	sld [smem:$0x3FAA]  }
0x30: {  	s3 =	sld [smem:$0x3FAD]  }
0x31: {  	[smem:$0x3FB6] =	sst s10  }
0x32: {  	s10 =	sld [smem:$0x3FB4];
	_ =	sdelay $0x3  }
0x33: {  	p0 =	seq.s32 s10, $0x1;
	s10 =	sld [smem:$0x3FB6];
	_ =	sdelay $0x3  }
0x34: {  	[smem:$0x3FB6] =	sst s10  }
0x35: {  	s10 =	sld [smem:$0x3FB5];
	_ =	sdelay $0x3  }
0x36: {  	p1 =	seq.s32 s10, $0x1;
	s10 =	sld [smem:$0x3FB6];
	_ =	sdelay $0x3  }
0x37: {  	[smem:$0x3FB6] =	sst s10  }
0x38: {  	s10 =	sld [smem:$0x3FB7]  }
0x39: {  	_ = 	snop;
	(pc) =	sbr.ind lr, $3  }
0x3a: {  	_ = 	snop  }
0x3b: {  	_ = 	snop  }
0x3c: {  	p2 =	seq.s32 s10, $0x1;
	s10 =	sld [smem:$0x3FB6]  }
0x3d: {  	_ =	shalt  }
0x3e: {  	_ =	shalt  }
0x3f: {  	_ =	shalt  }
0x40: {  	_ =	shalt  }
0x41: {  	_ =	shalt  }
0x42: {  	_ =	shalt  }
0x43: {  	_ =	shalt  }
0x44: {  	_ =	shalt  }
0x45: {  	_ =	shalt  }
0x46: {  	_ =	shalt  }
0x47: {  	_ =	shalt  }
0x48: {  	_ =	shalt  }
0x49: {  	_ =	shalt  }
0x4a: {  	_ =	shalt  }
0x4b: {  	_ =	shalt  }
0x4c: {  	_ =	shalt  }
0x4d: {  	_ =	shalt  }
0x4e: {  	_ =	shalt  }
0x4f: {  	_ =	shalt  }
0x50: {  	_ =	shalt  }
0x51: {  	_ =	shalt  }
0x52: {  	_ =	shalt  }
0x53: {  	_ =	shalt  }
0x54: {  	_ =	shalt  }
0x55: {  	_ =	shalt  }
0x56: {  	_ =	shalt  }
0x57: {  	_ =	shalt  }
0x58: {  	_ =	shalt  }
0x59: {  	_ =	shalt  }
0x5a: {  	_ =	shalt  }
0x5b: {  	_ =	shalt  }
0x5c: {  	_ =	shalt  }
0x5d: {  	_ =	shalt  }
0x5e: {  	_ =	shalt  }
0x5f: {  	_ =	shalt  }
0x60: {  	_ =	shalt  }
0x61: {  	_ =	shalt  }
0x62: {  	_ =	shalt  }
0x63: {  	_ =	shalt  }
0x64: {  	_ =	shalt  }
0x65: {  	_ =	shalt  }
0x66: {  	_ =	shalt  }
0x67: {  	_ =	shalt  }
0x68: {  	_ =	shalt  }
0x69: {  	_ =	shalt  }
0x6a: {  	_ =	shalt  }
0x6b: {  	_ =	shalt  }
0x6c: {  	_ =	shalt  }
0x6d: {  	_ =	shalt  }
0x6e: {  	_ =	shalt  }
0x6f: {  	_ =	shalt  }
0x70: {  	_ =	shalt  }
0x71: {  	_ =	shalt  }
0x72: {  	_ =	shalt  }
0x73: {  	_ =	shalt  }
0x74: {  	_ =	shalt  }
0x75: {  	_ =	shalt  }
0x76: {  	_ =	shalt  }
0x77: {  	_ =	shalt  }
0x78: {  	_ =	shalt  }
0x79: {  	_ =	shalt  }
0x7a: {  	_ =	shalt  }
0x7b: {  	_ =	shalt  }
0x7c: {  	_ =	shalt  }
0x7d: {  	_ =	shalt  }
0x7e: {  	_ =	shalt  }
0x7f: {  	_ =	shalt  }
0x80: {  	_ =	shalt  }
0x81: {  	_ =	shalt  }
0x82: {  	_ =	shalt  }
0x83: {  	_ =	shalt  }
0x84: {  	_ =	shalt  }
0x85: {  	_ =	shalt  }
0x86: {  	_ =	shalt  }
0x87: {  	_ =	shalt  }
.Lfunc_end0:
.L_simem_size_0:
called_computation_lowered:
.L_overlay_start_0:
0x88: {  	s2 =	sld [smem:$0x3FD9]  }
0x89: {  	s3 =	sld [smem:$0x3FFE];
	_ =	sdelay $0x1  }
0x8a: {  	s1 =	srdreg.scid  }
0x8b: {  	s0 =	sand.u32 $0x1, s1  }
0x8c: {  	s17 =	sshll.u32 s0, $0xA;
	s2 =	sadd.s32 s3, s2  }
0x8d: {  	s2 =	sadd.s32 s2, s17  }
0x8e: {  	[smem:$0x3FC2] =	sst s2  }
0x8f: {  	_ = 	snop  }
0x90: {  	s2 =	sld [smem:$0x3FC9]  }
0x91: {  	s18 =	sld [smem:$0x3FC8]  }
0x92: {  	s4 =	sld [smem:$0x3FC5]  }
0x93: {  	s5 =	sld [smem:$0x3FC4]  }
0x94: {  	s6 =	sld [smem:$0x3FD0];
	(tm) =	ssettm $0x1  }
0x95: {  	s7 =	sld [smem:$0x3FFB];
	_ =	sdelay $0x3  }
0x96: {  	_ =	strace s7  }
0x97: {  	s7 =	sld [smem:$0x3FFC];
	_ =	sdelay $0x3  }
0x98: {  	_ =	strace s7  }
0x99: {  	s7 =	sld [smem:$0x3FFD];
	_ =	sdelay $0x3  }
0x9a: {  	_ =	strace s7  }
0x9b: {  	_ =	strace $0x8FFFFFFF  }
0x9c: {  	s19 =	sld [smem:$0x3FDB];
	_ =	sdelay $0x1  }
0x9d: {  	s8 =	simm.s32 $_scs_section_size  }
0x9e: {  	s9 =	simm.s32 $_size__tile_overlayer_lowered;
	s10 =	simm.s32 $_tile_overlayer_lowered  }
0x9f: {  	s22 =	simm.s32 $0x1BFF;
	s21 =	sshll.u32 s10, $0x1;
	s7 =	sadd.s32 s8, s19  }
0xa0: {  	s11 =	simm.s32 $0x0;
	s20 =	sshll.u32 s9, $0x1;
	s9 =	sadd.s32 s21, s7  }
0xa1: {  	[timem:s11], [sflag:s22] =	dma.local [hbm:s9], s20  }
0xa2: {  	_ =	swait.ge [sflag:s22], s20  }
0xa3: {  	s8 =	ssub.s32 $0x0, s20;
	[sflag:s22] =	ssyncset.done $0x0  }
0xa4: {  	[sflag:s22] =	ssyncadd.s32 s8;
	_ =	sdelay $0x1  }
0xa5: {  	s23 =	simm.s32 $0x1B8B  }
0xa6: {  	_ =	swait.ge [sflag:s23], $0x1  }
0xa7: {  	[sflag:s23] =	ssyncset.done $0x0  }
0xa8: {  	s25 =	simm.s32 $0x1B8E;
	s24 =	sld [smem:$0x3FFE];
	[sflag:s23] =	ssyncadd.s32 $0xFFFFFFFF  }
0xa9: {  	s26 =	simm.s32 $execute0_lowered;
	[smem:$0x3FD2] =	sst s25  }
0xaa: {  	s9 =	sshll.u32 s26, $0x1;
	_ =	strace $0x80000046;
	[dreg:$0x1] =	wrdreg $0xFFFFFFFF  }
0xab: {  	s28 =	simm.s32 $_size_execute0_lowered;
	s7 =	sadd.s32 s7, s9;
	[dreg:$0x0] =	wrdreg $0x0  }
0xac: {  	s9 =	sshll.u32 s28, $0x1;
	[dreg:$0x2] =	wrdreg s7  }
0xad: {  	[dreg:$0x3] =	wrdreg s9  }
0xae: {  	[dreg:$0x4] =	wrdreg $0xC0  }
0xaf: {  	_ =	task [dreg:s11], $0x5FFFF  }
0xb0: {  	[dreg:$0x1] =	wrdreg $0xFFFFFFFF  }
0xb1: {  	[dreg:$0x0] =	wrdreg $0x60  }
0xb2: {  	[dreg:$0x2] =	wrdreg s2  }
0xb3: {  	[dreg:$0x3] =	wrdreg s18  }
0xb4: {  	[dreg:$0x4] =	wrdreg s24  }
0xb5: {  	[dreg:$0x5] =	wrdreg s4  }
0xb6: {  	[dreg:$0x6] =	wrdreg s5  }
0xb7: {  	[dreg:$0x7] =	wrdreg s6  }
0xb8: {  	[dreg:$0x8] =	wrdreg $0x9  }
0xb9: {  	_ =	task.clear_ibuf [dreg:s11], $0x9FFFF;
	_ =	strace $0x90000046  }
0xba: {  	s29 =	simm.s32 $0x9;
	_ =	strace $0x80000048  }
0xbb: {  	_ =	swait.ge [sflag:s29], $0x1  }
0xbc: {  	[sflag:s29] =	ssyncadd.s32 $0xFFFFFFFF  }
0xbd: {  	_ =	strace $0x90000048  }
0xbe: {  	_ =	sfence  }
0xbf: {  	s30 =	sld [smem:$0x0];
	_ =	sdelay $0x2  }
0xc0: {  	s31 =	sshll.u32 s1, $0xD;
	s1 =	sshrl.u32 s1, $0x2  }
0xc1: {  	s3 =	sand.u32 $0x4000, s31;
	s1 =	sadd.s32 s1, s30  }
0xc2: {  	s0 =	sor.u32 s3, s0;
	s1 =	sshll.u32 s1, $0x11  }
0xc3: {  	s0 =	sor.u32 s1, s0  }
0xc4: {  	s0 =	sadd.s32 $0x8F2B, s0  }
0xc5: {  	[sflag:s0] =	ssyncadd.remote.s32 $0x1  }
0xc6: {  	_ =	sfence.sel $0xFFFF  }
0xc7: {  	[dreg:$0x0] =	wrdreg $0xFFFFFFFF;
	(pc) =	sbr.abs _section_cstart, $3  }
0xc8: {  	[dreg:$0x1] =	wrdreg $0xFFFFFFFF  }
0xc9: {  	_ =	task.clear_ibuf [dreg:s11], $0x2FFFF;
	_ =	strace $0x9FFFFFFF  }
0xca: {  	(tm) =	ssettm $0x7FFFFFFF  }
0xcb: {  	_ =	shalt  }
tec
execute0_lowered:
.L_overlay_start_1:
0x0: {  	(tag) =	ssettag $0x1  }
0x1: {  	s0 =	rddreg [dreg:$0x0]  }
0x2: {  	s1 =	rddreg [dreg:$0x1]  }
0x3: {  	s2 =	rddreg [dreg:$0x2]  }
0x4: {  	s3 =	rddreg [dreg:$0x5];
	s4 =	simm.s32 $0x0;
	s5 =	srdreg.scid  }
0x5: {  	s6 =	stileid.u32;
	s11 =	simm.s32 $0x2;
	s15 =	simm.s32 $0x400  }
0x6: {  	s16 =	simm.s32 $0x1;
	s17 =	simm.s32 $0x2400;
	s21 =	simm.s32 $0x0  }
0x7: {  	[smem:$0x7FF] =	sst s4;
	s5 =	sand.u32 $0x1, s5;
	s6 =	sshll.u32 s6, $0xA  }
0x8: {  	_ =	strace $0x80000047;
	s7 =	ssub.s32 $0x2, s5;
	s8 =	sshll.u32 s5, $0x9  }
0x9: {  	s5 =	sadd.s32 $0x800, s2;
	s2 =	sadd.s32 $0x400, s2;
	s10 =	sor.u32 s8, s6  }
0xa: {  	s9 =	sshrl.u32 s7, $0x1;
	[dreg:$0x7] =	wrdreg s2;
	s8 =	sshrl.u32 s10, $0x3  }
0xb: {  	v1 =	vlaneseq.u32;
	s31 =	ssub.s32 s7, s9;
	s9 =	sadd.s32 s3, s10;
	s0 =	sadd.s32 s0, s8  }
0xc: {  	v0 =	vimm.s32 $0x0;
	v1 =	vmul.u32 $0x80, v1;
	s8 =	sadd.s32 s1, s8;
	s10 =	smax.u32 s31, $0x1;
	[dreg:$0x8] =	wrdreg s0  }
.LBB2_1:
0xd: {  	s0 =	rddreg [dreg:$0x8]  }
0xe: {  	[tilespmem:s4], [sflag:$0x2] =	stream.linear.gather [hbm4b:s0+s4], $0x200, $0x38;
	[tilespmem:$0x1BD00] =	vst v63  }
0xf: {  	_ =	swait.ge [sflag:s11], $0x200  }
0x10: {  	[sflag:s11] =	ssyncset.done $0x0  }
0x11: {  	s26 =	simm.s32 $0x200;
	[sflag:s11] =	ssyncadd.s32 $0xFFFFFE00  }
0x12: {  	[tilespmem:s26], [sflag:$0x2] =	stream.linear.gather [hbm4b:s8+s4], $0x200, $0x38;
	[tilespmem:$0x1BD00] =	vst v63  }
0x13: {  	_ =	swait.ge [sflag:s11], $0x200  }
0x14: {  	[sflag:s11] =	ssyncset.done $0x0  }
0x15: {  	[sflag:s11] =	ssyncadd.s32 $0xFFFFFE00  }
0x16: {  	s1 =	simm.s32 $0x1B400;
	s28 =	rddreg [dreg:$0x3]  }
0x17: {  	[tilespmem:s1], [sflag:$0x2] =	stream.linear.gather [hbm4b:s28+s4], $0x500, $0x38;
	[tilespmem:$0x1BD00] =	vst v63  }
0x18: {  	_ =	swait.ge [sflag:s11], $0x500  }
0x19: {  	[sflag:s11] =	ssyncset.done $0x0  }
0x1a: {  	[sflag:s11] =	ssyncadd.s32 $0xFFFFFB00  }
0x1b: {  	s30 =	simm.s32 $0x1BC00;
	s29 =	rddreg [dreg:$0x4]  }
0x1c: {  	[tilespmem:s30], [sflag:$0x2] =	stream.linear.gather [hbm4b:s29+s4], $0x100, $0x38;
	[tilespmem:$0x1BD00] =	vst v63  }
0x1d: {  	_ =	swait.ge [sflag:s11], $0x100  }
0x1e: {  	[sflag:s11] =	ssyncset.done $0x0  }
0x1f: {  	s31 =	rddreg [dreg:$0x7];
	[sflag:s11] =	ssyncadd.s32 $0xFFFFFF00  }
0x20: {  	[tilespmem:s15], [sflag:$0x2] =	stream.linear.gather [hbm4b:s31+s4], $0x2000, $0x38;
	[tilespmem:$0x1BD00] =	vst v63  }
0x21: {  	_ =	swait.ge [sflag:s11], $0x2000  }
0x22: {  	[sflag:s11] =	ssyncset.done $0x0  }
0x23: {  	[sflag:s11] =	ssyncadd.s32 $0xFFFFE000  }
0x24: {  	v2 =	vld [tilespmem:$0x1BC00]  }
0x25: {  	s0 =	simm.s32 $0x0;
	s1 =	simm.s32 $0x40;
	v3 =	vld [tilespmem:$0x1BC80]  }
.LBB2_2:
0x26: {  	p0 =	sne.s32 s1, $0x7C0;
	v4 =	vld [tilespmem:s0+$0x0];
	_ =	sdelay $0x1  }
.Ltmp0:
0x27: {  	(pc) =	sbr.rel @p0 .LBB2_2-.Ltmp0, $3  }
0x28: {  	_ =	sdelay $0x1  }
0x29: {  	v4 =	vadd.s32 $0x1, v4  }
0x2a: {  	[tilespmem:s0+$0x0] =	vst v4;
	s0 =	sshra.s32 s1, $0x2;
	s1 =	sadd.s32 $0x40, s1  }
0x2b: {  	v4 =	vld [tilespmem:s0+$0x0];
	_ =	sdelay $0x4  }
0x2c: {  	v4 =	vadd.s32 $0x1, v4  }
0x2d: {  	s22 =	simm.s32 $0x0;
	[tilespmem:s0+$0x0] =	vst v4  }
0x2e: {  	v4 =	vld [tilespmem:s22+$0x0];
	_ =	sdelay $0x4  }
0x2f: {  	v4 =	vshll.u32 v4, $0x4  }
0x30: {  	(v2sf) =	vpush v4, $0x0  }
0x31: {  	(v2sf) =	vpush v4, $0x1  }
0x32: {  	(v2sf) =	vpush v4, $0x2;
	_ =	sdelay $0x1  }
0x33: {  	(v2sf) =	vpush v4, $0x4;
	_ =	sdelay $0x1  }
0x34: {  	(v2sf) =	vpush v4, $0x3  }
0x35: {  	(v2sf) =	vpush v4, $0x5  }
0x36: {  	s24 =	simm.s32 $0x2000;
	s23 =	simm.s32 $0x0;
	s25 =	simm.s32 $0x0;
	(v2sf) =	vpush v4, $0x6  }
.LBB2_4:
0x37: {  	p0 =	sne.s32 s24, $0x1E000  }
0x38: {  	s12 =	sadd.s32 $0x2480, s23;
	s30 =	sadd.s32 $0x2980, s23;
	s26 =	smov.u32 s24  }
0x39: {  	s24 =	sadd.s32 $0x2000, s24;
	s3 =	sadd.s32 $0x2780, s23;
	s28 =	sadd.s32 $0x2A00, s23;
	(v2sf) =	vpush v4, $0x7  }
0x3a: {  	s2 =	sadd.s32 $0x2680, s23;
	s0 =	sadd.s32 $0x2800, s23;
	s29 =	sadd.s32 $0x2A80, s23  }
0x3b: {  	s13 =	sadd.s32 $0x2400, s23;
	s14 =	sadd.s32 $0x2600, s23;
	(v2sf) =	vpush v4, $0x8  }
0x3c: {  	s18 =	sadd.s32 $0x2700, s23;
	s25 =	sadd.s32 $0x10, s25  }
0x3d: {  	s19 =	sadd.s32 $0x2500, s23;
	s31 =	sadd.s32 $0x2900, s23;
	s1 =	spop (v2sf);
	(v2sf) =	vpush v4, $0x9  }
0x3e: {  	s20 =	sand.u32 $0x1FFFFFF0, s1;
	s1 =	sadd.s32 $0x2880, s23;
	s6 =	spop (v2sf)  }
0x3f: {  	s20 =	sadd.s32 s5, s20;
	s6 =	sand.u32 $0x1FFFFFF0, s6;
	s7 =	spop (v2sf);
	(v2sf) =	vpush v4, $0xA  }
0x40: {  	[tilespmem:s13], [sflag:$0x1] =	stream.linear.gather [hbm4b:s20+s22], $0x80, $0x38;
	[tilespmem:$0x1BD00] =	vst v63  }
0x41: {  	s6 =	sadd.s32 s5, s6;
	s13 =	sadd.s32 $0x2580, s23;
	s20 =	spop (v2sf);
	(v2sf) =	vpush v4, $0xB  }
0x42: {  	[tilespmem:s12], [sflag:$0x1] =	stream.linear.gather [hbm4b:s6+s22], $0x80, $0x38;
	[tilespmem:$0x1BD00] =	vst v63  }
0x43: {  	s6 =	sand.u32 $0x1FFFFFF0, s7;
	s7 =	sand.u32 $0x1FFFFFF0, s20;
	s12 =	spop (v2sf);
	(v2sf) =	vpush v4, $0xC  }
0x44: {  	s6 =	sadd.s32 s5, s6;
	s12 =	sand.u32 $0x1FFFFFF0, s12;
	s20 =	spop (v2sf)  }
0x45: {  	[tilespmem:s19], [sflag:$0x1] =	stream.linear.gather [hbm4b:s6+s22], $0x80, $0x38;
	(v2sf) =	vpush v4, $0xD;
	[tilespmem:$0x1BD00] =	vst v63  }
0x46: {  	s6 =	sadd.s32 s5, s12;
	s12 =	sand.u32 $0x1FFFFFF0, s20;
	s19 =	spop (v2sf)  }
0x47: {  	[tilespmem:s13], [sflag:$0x1] =	stream.linear.gather [hbm4b:s6+s22], $0x80, $0x38;
	(v2sf) =	vpush v4, $0xE;
	[tilespmem:$0x1BD00] =	vst v63  }
0x48: {  	s6 =	sadd.s32 s5, s7;
	s7 =	sand.u32 $0x1FFFFFF0, s19;
	s13 =	spop (v2sf)  }
0x49: {  	[tilespmem:s14], [sflag:$0x1] =	stream.linear.gather [hbm4b:s6+s22], $0x80, $0x38;
	(v2sf) =	vpush v4, $0xF;
	[tilespmem:$0x1BD00] =	vst v63  }
0x4a: {  	s6 =	sadd.s32 s5, s12;
	s12 =	sand.u32 $0x1FFFFFF0, s13;
	s13 =	spop (v2sf)  }
0x4b: {  	[tilespmem:s2], [sflag:$0x1] =	stream.linear.gather [hbm4b:s6+s22], $0x80, $0x38;
	[tilespmem:$0x1BD00] =	vst v63  }
0x4c: {  	s2 =	sadd.s32 s5, s7;
	s6 =	sand.u32 $0x1FFFFFF0, s13;
	s7 =	spop (v2sf)  }
0x4d: {  	[tilespmem:s18], [sflag:$0x1] =	stream.linear.gather [hbm4b:s2+s22], $0x80, $0x38;
	[tilespmem:$0x1BD00] =	vst v63  }
0x4e: {  	s2 =	sadd.s32 s5, s12;
	s7 =	sand.u32 $0x1FFFFFF0, s7;
	s12 =	spop (v2sf)  }
0x4f: {  	[tilespmem:s3], [sflag:$0x1] =	stream.linear.gather [hbm4b:s2+s22], $0x80, $0x38;
	[tilespmem:$0x1BD00] =	vst v63  }
0x50: {  	s2 =	sadd.s32 s5, s6;
	s3 =	sand.u32 $0x1FFFFFF0, s12;
	s6 =	spop (v2sf)  }
0x51: {  	[tilespmem:s0], [sflag:$0x1] =	stream.linear.gather [hbm4b:s2+s22], $0x80, $0x38;
	[tilespmem:$0x1BD00] =	vst v63  }
0x52: {  	s0 =	sadd.s32 s5, s7;
	s2 =	sand.u32 $0x1FFFFFF0, s6;
	s6 =	spop (v2sf)  }
0x53: {  	[tilespmem:s1], [sflag:$0x1] =	stream.linear.gather [hbm4b:s0+s22], $0x80, $0x38;
	[tilespmem:$0x1BD00] =	vst v63  }
0x54: {  	s0 =	sadd.s32 s5, s3;
	s1 =	sand.u32 $0x1FFFFFF0, s6;
	s3 =	spop (v2sf)  }
0x55: {  	[tilespmem:s31], [sflag:$0x1] =	stream.linear.gather [hbm4b:s0+s22], $0x80, $0x38;
	[tilespmem:$0x1BD00] =	vst v63  }
0x56: {  	s0 =	sadd.s32 s5, s2;
	s2 =	sand.u32 $0x1FFFFFF0, s3;
	s3 =	spop (v2sf)  }
0x57: {  	[tilespmem:s30], [sflag:$0x1] =	stream.linear.gather [hbm4b:s0+s22], $0x80, $0x38;
	[tilespmem:$0x1BD00] =	vst v63  }
0x58: {  	s0 =	sadd.s32 s5, s1;
	s1 =	sand.u32 $0x1FFFFFF0, s3;
	s3 =	spop (v2sf)  }
0x59: {  	[tilespmem:s28], [sflag:$0x1] =	stream.linear.gather [hbm4b:s0+s22], $0x80, $0x38;
	[tilespmem:$0x1BD00] =	vst v63  }
0x5a: {  	s0 =	sadd.s32 s5, s2;
	s2 =	sand.u32 $0x1FFFFFF0, s3  }
0x5b: {  	[tilespmem:s29], [sflag:$0x1] =	stream.linear.gather [hbm4b:s0+s22], $0x80, $0x38;
	[tilespmem:$0x1BD00] =	vst v63  }
0x5c: {  	s1 =	sadd.s32 s5, s1;
	s0 =	sadd.s32 $0x2B00, s23  }
0x5d: {  	[tilespmem:s0], [sflag:$0x1] =	stream.linear.gather [hbm4b:s1+s22], $0x80, $0x38;
	[tilespmem:$0x1BD00] =	vst v63  }
0x5e: {  	s0 =	sadd.s32 $0x2B80, s23;
	s1 =	sadd.s32 s5, s2  }
0x5f: {  	[tilespmem:s0], [sflag:$0x1] =	stream.linear.gather [hbm4b:s1+s22], $0x80, $0x38;
	[tilespmem:$0x1BD00] =	vst v63  }
0x60: {  	v4 =	vld [tilespmem:s25+$0x0];
	_ =	sdelay $0x4  }
0x61: {  	v4 =	vshll.u32 v4, $0x4  }
0x62: {  	(v2sf) =	vpush v4, $0x0  }
0x63: {  	(v2sf) =	vpush v4, $0x1  }
0x64: {  	(v2sf) =	vpush v4, $0x2;
	_ =	sdelay $0x1  }
0x65: {  	(v2sf) =	vpush v4, $0x4  }
.Ltmp1:
0x66: {  	(pc) =	sbr.rel @p0 .LBB2_4-.Ltmp1, $3  }
0x67: {  	(v2sf) =	vpush v4, $0x3  }
0x68: {  	(v2sf) =	vpush v4, $0x5;
	_ =	sdelay $0x1  }
0x69: {  	s23 =	sshra.s32 s26, $0x2;
	(v2sf) =	vpush v4, $0x6  }
0x6a: {  	_ =	sdelay $0x2  }
0x6b: {  	s1 =	sadd.s32 $0x2480, s23;
	s24 =	sadd.s32 $0x2980, s23;
	s2 =	sadd.s32 $0x2780, s23;
	(v2sf) =	vpush v4, $0x7  }
0x6c: {  	s0 =	sadd.s32 $0x2A00, s23;
	s6 =	sadd.s32 $0x2680, s23;
	s7 =	sadd.s32 $0x2800, s23  }
0x6d: {  	s3 =	sadd.s32 $0x2A80, s23;
	s12 =	sadd.s32 $0x2400, s23;
	(v2sf) =	vpush v4, $0x8;
	s18 =	spop (v2sf)  }
0x6e: {  	s13 =	sadd.s32 $0x2600, s23;
	s18 =	sand.u32 $0x1FFFFFF0, s18;
	s20 =	spop (v2sf)  }
0x6f: {  	(v2sf) =	vpush v4, $0x9;
	s18 =	sadd.s32 s5, s18;
	s20 =	sand.u32 $0x1FFFFFF0, s20;
	s25 =	spop (v2sf)  }
0x70: {  	[tilespmem:s12], [sflag:$0x1] =	stream.linear.gather [hbm4b:s18+s22], $0x80, $0x38;
	[tilespmem:$0x1BD00] =	vst v63  }
0x71: {  	s14 =	sadd.s32 $0x2700, s23;
	(v2sf) =	vpush v4, $0xA;
	s26 =	sadd.s32 s5, s20;
	s28 =	spop (v2sf)  }
0x72: {  	[tilespmem:s1], [sflag:$0x1] =	stream.linear.gather [hbm4b:s26+s22], $0x80, $0x38;
	[tilespmem:$0x1BD00] =	vst v63  }
0x73: {  	s19 =	sadd.s32 $0x2500, s23;
	s29 =	sand.u32 $0x1FFFFFF0, s25;
	s30 =	spop (v2sf)  }
0x74: {  	(v2sf) =	vpush v4, $0xB;
	s18 =	sadd.s32 s5, s29;
	s26 =	sadd.s32 $0x2580, s23;
	s25 =	sand.u32 $0x1FFFFFF0, s30  }
0x75: {  	[tilespmem:s19], [sflag:$0x1] =	stream.linear.gather [hbm4b:s18+s22], $0x80, $0x38;
	[tilespmem:$0x1BD00] =	vst v63  }
0x76: {  	s31 =	sand.u32 $0x1FFFFFF0, s28;
	(v2sf) =	vpush v4, $0xC;
	s28 =	spop (v2sf);
	s29 =	sadd.s32 s5, s25  }
0x77: {  	[tilespmem:s26], [sflag:$0x1] =	stream.linear.gather [hbm4b:s29+s22], $0x80, $0x38;
	[tilespmem:$0x1BD00] =	vst v63  }
0x78: {  	(v2sf) =	vpush v4, $0xD;
	s18 =	sadd.s32 s5, s31;
	s19 =	sand.u32 $0x1FFFFFF0, s28;
	s30 =	spop (v2sf)  }
0x79: {  	[tilespmem:s13], [sflag:$0x1] =	stream.linear.gather [hbm4b:s18+s22], $0x80, $0x38;
	[tilespmem:$0x1BD00] =	vst v63  }
0x7a: {  	(v2sf) =	vpush v4, $0xE;
	s19 =	sadd.s32 s5, s19;
	s31 =	sand.u32 $0x1FFFFFF0, s30;
	s20 =	spop (v2sf)  }
0x7b: {  	[tilespmem:s6], [sflag:$0x1] =	stream.linear.gather [hbm4b:s19+s22], $0x80, $0x38;
	[tilespmem:$0x1BD00] =	vst v63  }
0x7c: {  	(v2sf) =	vpush v4, $0xF;
	s25 =	sand.u32 $0x1FFFFFF0, s20;
	s26 =	spop (v2sf);
	s13 =	sadd.s32 s5, s31  }
0x7d: {  	[tilespmem:s14], [sflag:$0x1] =	stream.linear.gather [hbm4b:s13+s22], $0x80, $0x38;
	[tilespmem:$0x1BD00] =	vst v63  }
0x7e: {  	s12 =	sadd.s32 $0x2900, s23;
	s6 =	sadd.s32 s5, s25;
	s29 =	spop (v2sf)  }
0x7f: {  	[tilespmem:s2], [sflag:$0x1] =	stream.linear.gather [hbm4b:s6+s22], $0x80, $0x38;
	[tilespmem:$0x1BD00] =	vst v63  }
0x80: {  	s1 =	sadd.s32 $0x2880, s23;
	s28 =	sand.u32 $0x1FFFFFF0, s26;
	s31 =	spop (v2sf)  }
0x81: {  	s13 =	sadd.s32 s5, s28;
	s30 =	sand.u32 $0x1FFFFFF0, s29;
	s6 =	sand.u32 $0x1FFFFFF0, s31  }
0x82: {  	[tilespmem:s7], [sflag:$0x1] =	stream.linear.gather [hbm4b:s13+s22], $0x80, $0x38;
	[tilespmem:$0x1BD00] =	vst v63  }
0x83: {  	s2 =	sadd.s32 s5, s30;
	s30 =	sadd.s32 $0x2B00, s23;
	s14 =	spop (v2sf)  }
0x84: {  	[tilespmem:s1], [sflag:$0x1] =	stream.linear.gather [hbm4b:s2+s22], $0x80, $0x38;
	[tilespmem:$0x1BD00] =	vst v63  }
0x85: {  	s6 =	sadd.s32 s5, s6;
	s18 =	sand.u32 $0x1FFFFFF0, s14;
	s19 =	spop (v2sf)  }
0x86: {  	[tilespmem:s12], [sflag:$0x1] =	stream.linear.gather [hbm4b:s6+s22], $0x80, $0x38;
	[tilespmem:$0x1BD00] =	vst v63  }
0x87: {  	s1 =	sadd.s32 s5, s18;
	s2 =	sand.u32 $0x1FFFFFF0, s19;
	s20 =	spop (v2sf)  }
0x88: {  	[tilespmem:s24], [sflag:$0x1] =	stream.linear.gather [hbm4b:s1+s22], $0x80, $0x38;
	[tilespmem:$0x1BD00] =	vst v63  }
0x89: {  	s2 =	sadd.s32 s5, s2;
	s25 =	spop (v2sf);
	s24 =	sand.u32 $0x1FFFFFF0, s20  }
0x8a: {  	[tilespmem:s0], [sflag:$0x1] =	stream.linear.gather [hbm4b:s2+s22], $0x80, $0x38;
	[tilespmem:$0x1BD00] =	vst v63  }
0x8b: {  	s26 =	sand.u32 $0x1FFFFFF0, s25;
	s28 =	spop (v2sf);
	s1 =	sadd.s32 s5, s24  }
0x8c: {  	[tilespmem:s3], [sflag:$0x1] =	stream.linear.gather [hbm4b:s1+s22], $0x80, $0x38;
	[tilespmem:$0x1BD00] =	vst v63  }
0x8d: {  	s31 =	sadd.s32 $0x2B80, s23;
	s29 =	sand.u32 $0x1FFFFFF0, s28;
	s0 =	sadd.s32 s5, s26  }
0x8e: {  	[tilespmem:s30], [sflag:$0x1] =	stream.linear.gather [hbm4b:s0+s22], $0x80, $0x38;
	[tilespmem:$0x1BD00] =	vst v63  }
0x8f: {  	s23 =	simm.s32 $0x200;
	s24 =	simm.s32 $0x0;
	s1 =	sadd.s32 s5, s29  }
0x90: {  	[tilespmem:s31], [sflag:$0x1] =	stream.linear.gather [hbm4b:s1+s22], $0x80, $0x38;
	[tilespmem:$0x1BD00] =	vst v63  }
.LBB2_6:
0x91: {  	v5 =	vld [tilespmem:s23+$0x0]  }
0x92: {  	v4 =	vld [tilespmem:$0x1B400]  }
0x93: {  	v6 =	vld [tilespmem:$0x1B480]  }
0x94: {  	v7 =	vld [tilespmem:$0x1B500]  }
0x95: {  	v8 =	vld [tilespmem:$0x1B580]  }
0x96: {  	v9 =	vld [tilespmem:$0x1B600]  }
0x97: {  	v10 =	vld [tilespmem:$0x1B680]  }
0x98: {  	vm0 =	vge.f32 v5, v4;
	vm1 =	vge.f32 v5, v6;
	v4 =	vld [tilespmem:$0x1B700]  }
0x99: {  	v48 =	vld [tilespmem:$0x1B780];
	vm8 =	vge.f32 v5, v7;
	v47 =	vsel vm0, $0x1, v0;
	v11 =	vsel vm1, $0x1, v0  }
0x9a: {  	v50 =	vld [tilespmem:$0x1B800];
	vm9 =	vge.f32 v5, v8;
	v49 =	vsel vm8, $0x1, v0;
	v6 =	vadd.s32 v47, v11  }
0x9b: {  	v52 =	vld [tilespmem:$0x1B880];
	vm10 =	vge.f32 v5, v9;
	v51 =	vsel vm9, $0x1, v0;
	v6 =	vadd.s32 v49, v6  }
0x9c: {  	vm11 =	vge.f32 v5, v10;
	v53 =	vsel vm10, $0x1, v0;
	v6 =	vadd.s32 v51, v6  }
0x9d: {  	v10 =	vsel vm11, $0x1, v0;
	v6 =	vadd.s32 v53, v6;
	vm12 =	vge.f32 v5, v4  }
0x9e: {  	vm13 =	vge.f32 v5, v48;
	v4 =	vadd.s32 v10, v6;
	v54 =	vsel vm12, $0x1, v0  }
0x9f: {  	vm14 =	vge.f32 v5, v50;
	v55 =	vsel vm13, $0x1, v0;
	v4 =	vadd.s32 v54, v4  }
0xa0: {  	vm15 =	vge.f32 v5, v52;
	v56 =	vsel vm14, $0x1, v0;
	v4 =	vadd.s32 v55, v4  }
0xa1: {  	v57 =	vsel vm15, $0x1, v0;
	v4 =	vadd.s32 v56, v4  }
0xa2: {  	v5 =	vsub.f32 v5, v2;
	v4 =	vadd.s32 v57, v4;
	_ =	sdelay $0x1  }
0xa3: {  	s0 =	sand.u32 $0x70, s24;
	s1 =	sand.u32 $0xC00, s22;
	v5 =	vmul.f32 v5, v3  }
0xa4: {  	s25 =	sor.u32 s0, s1  }
0xa5: {  	[tilespmem:s25+$0x1A400] =	vst v5  }
0xa6: {  	v5 =	vld.idx.msk [tilespmem:v4+s15+$0x0], $0xffff  }
0xa7: {  	v6 =	vor.u32 $0x80, v4;
	_ =	sdelay $0x3  }
0xa8: {  	[tilespmem:s25+$0x12400] =	vst v5  }
0xa9: {  	v5 =	vld.idx.msk [tilespmem:v6+s15+$0x0], $0xffff  }
0xaa: {  	v58 =	vor.u32 $0x100, v4;
	_ =	sdelay $0x3  }
0xab: {  	[tilespmem:s25+$0x12480] =	vst v5  }
0xac: {  	v5 =	vld.idx.msk [tilespmem:v58+s15+$0x0], $0xffff  }
0xad: {  	v59 =	vor.u32 $0x180, v4;
	_ =	sdelay $0x3  }
0xae: {  	[tilespmem:s25+$0x12500] =	vst v5  }
0xaf: {  	v5 =	vld.idx.msk [tilespmem:v59+s15+$0x0], $0xffff  }
0xb0: {  	v60 =	vor.u32 $0x200, v4;
	_ =	sdelay $0x3  }
0xb1: {  	[tilespmem:s25+$0x12580] =	vst v5  }
0xb2: {  	v5 =	vld.idx.msk [tilespmem:v60+s15+$0x0], $0xffff  }
0xb3: {  	v61 =	vor.u32 $0x280, v4;
	_ =	sdelay $0x3  }
0xb4: {  	[tilespmem:s25+$0x12600] =	vst v5  }
0xb5: {  	v5 =	vld.idx.msk [tilespmem:v61+s15+$0x0], $0xffff  }
0xb6: {  	v62 =	vor.u32 $0x300, v4;
	_ =	sdelay $0x3  }
0xb7: {  	[tilespmem:s25+$0x12680] =	vst v5  }
0xb8: {  	v5 =	vld.idx.msk [tilespmem:v62+s15+$0x0], $0xffff  }
0xb9: {  	v63 =	vor.u32 $0x380, v4;
	_ =	sdelay $0x3  }
0xba: {  	[tilespmem:s25+$0x12700] =	vst v5  }
0xbb: {  	v5 =	vld.idx.msk [tilespmem:v63+s15+$0x0], $0xffff  }
0xbc: {  	v9 =	vor.u32 $0x400, v4;
	_ =	sdelay $0x3  }
0xbd: {  	[tilespmem:s25+$0x12780] =	vst v5  }
0xbe: {  	v5 =	vld.idx.msk [tilespmem:v9+s15+$0x0], $0xffff  }
0xbf: {  	v10 =	vor.u32 $0x480, v4;
	_ =	sdelay $0x3  }
0xc0: {  	[tilespmem:s25+$0x13400] =	vst v5  }
0xc1: {  	v5 =	vld.idx.msk [tilespmem:v10+s15+$0x0], $0xffff  }
0xc2: {  	v11 =	vor.u32 $0x500, v4;
	_ =	sdelay $0x3  }
0xc3: {  	[tilespmem:s25+$0x13480] =	vst v5  }
0xc4: {  	v5 =	vld.idx.msk [tilespmem:v11+s15+$0x0], $0xffff  }
0xc5: {  	v12 =	vor.u32 $0x580, v4;
	_ =	sdelay $0x3  }
0xc6: {  	[tilespmem:s25+$0x13500] =	vst v5  }
0xc7: {  	v5 =	vld.idx.msk [tilespmem:v12+s15+$0x0], $0xffff  }
0xc8: {  	v13 =	vor.u32 $0x600, v4;
	_ =	sdelay $0x3  }
0xc9: {  	[tilespmem:s25+$0x13580] =	vst v5  }
0xca: {  	v5 =	vld.idx.msk [tilespmem:v13+s15+$0x0], $0xffff  }
0xcb: {  	v14 =	vor.u32 $0x680, v4;
	_ =	sdelay $0x3  }
0xcc: {  	[tilespmem:s25+$0x13600] =	vst v5  }
0xcd: {  	v5 =	vld.idx.msk [tilespmem:v14+s15+$0x0], $0xffff  }
0xce: {  	v15 =	vor.u32 $0x700, v4;
	_ =	sdelay $0x3  }
0xcf: {  	[tilespmem:s25+$0x13680] =	vst v5  }
0xd0: {  	v5 =	vld.idx.msk [tilespmem:v15+s15+$0x0], $0xffff  }
0xd1: {  	v16 =	vor.u32 $0x780, v4;
	_ =	sdelay $0x3  }
0xd2: {  	[tilespmem:s25+$0x13700] =	vst v5  }
0xd3: {  	v5 =	vld.idx.msk [tilespmem:v16+s15+$0x0], $0xffff  }
0xd4: {  	v17 =	vor.u32 $0x800, v4;
	_ =	sdelay $0x3  }
0xd5: {  	[tilespmem:s25+$0x13780] =	vst v5  }
0xd6: {  	v5 =	vld.idx.msk [tilespmem:v17+s15+$0x0], $0xffff  }
0xd7: {  	v18 =	vor.u32 $0x880, v4;
	_ =	sdelay $0x3  }
0xd8: {  	[tilespmem:s25+$0x14400] =	vst v5  }
0xd9: {  	v5 =	vld.idx.msk [tilespmem:v18+s15+$0x0], $0xffff  }
0xda: {  	v19 =	vor.u32 $0x900, v4;
	_ =	sdelay $0x3  }
0xdb: {  	[tilespmem:s25+$0x14480] =	vst v5  }
0xdc: {  	v5 =	vld.idx.msk [tilespmem:v19+s15+$0x0], $0xffff  }
0xdd: {  	v20 =	vor.u32 $0x980, v4;
	_ =	sdelay $0x3  }
0xde: {  	[tilespmem:s25+$0x14500] =	vst v5  }
0xdf: {  	v5 =	vld.idx.msk [tilespmem:v20+s15+$0x0], $0xffff  }
0xe0: {  	v21 =	vor.u32 $0xA00, v4;
	_ =	sdelay $0x3  }
0xe1: {  	[tilespmem:s25+$0x14580] =	vst v5  }
0xe2: {  	v5 =	vld.idx.msk [tilespmem:v21+s15+$0x0], $0xffff  }
0xe3: {  	v22 =	vor.u32 $0xA80, v4;
	_ =	sdelay $0x3  }
0xe4: {  	[tilespmem:s25+$0x14600] =	vst v5  }
0xe5: {  	v5 =	vld.idx.msk [tilespmem:v22+s15+$0x0], $0xffff  }
0xe6: {  	v23 =	vor.u32 $0xB00, v4;
	_ =	sdelay $0x3  }
0xe7: {  	[tilespmem:s25+$0x14680] =	vst v5  }
0xe8: {  	v5 =	vld.idx.msk [tilespmem:v23+s15+$0x0], $0xffff  }
0xe9: {  	v24 =	vor.u32 $0xB80, v4;
	_ =	sdelay $0x3  }
0xea: {  	[tilespmem:s25+$0x14700] =	vst v5  }
0xeb: {  	v5 =	vld.idx.msk [tilespmem:v24+s15+$0x0], $0xffff  }
0xec: {  	v25 =	vor.u32 $0xC00, v4;
	_ =	sdelay $0x3  }
0xed: {  	[tilespmem:s25+$0x14780] =	vst v5  }
0xee: {  	v5 =	vld.idx.msk [tilespmem:v25+s15+$0x0], $0xffff  }
0xef: {  	v26 =	vor.u32 $0xC80, v4;
	_ =	sdelay $0x3  }
0xf0: {  	[tilespmem:s25+$0x15400] =	vst v5  }
0xf1: {  	v5 =	vld.idx.msk [tilespmem:v26+s15+$0x0], $0xffff  }
0xf2: {  	v27 =	vor.u32 $0xD00, v4;
	_ =	sdelay $0x3  }
0xf3: {  	[tilespmem:s25+$0x15480] =	vst v5  }
0xf4: {  	v5 =	vld.idx.msk [tilespmem:v27+s15+$0x0], $0xffff  }
0xf5: {  	v28 =	vor.u32 $0xD80, v4;
	_ =	sdelay $0x3  }
0xf6: {  	[tilespmem:s25+$0x15500] =	vst v5  }
0xf7: {  	v5 =	vld.idx.msk [tilespmem:v28+s15+$0x0], $0xffff  }
0xf8: {  	v29 =	vor.u32 $0xE00, v4;
	_ =	sdelay $0x3  }
0xf9: {  	[tilespmem:s25+$0x15580] =	vst v5  }
0xfa: {  	v5 =	vld.idx.msk [tilespmem:v29+s15+$0x0], $0xffff  }
0xfb: {  	v30 =	vor.u32 $0xE80, v4;
	_ =	sdelay $0x3  }
0xfc: {  	[tilespmem:s25+$0x15600] =	vst v5  }
0xfd: {  	v5 =	vld.idx.msk [tilespmem:v30+s15+$0x0], $0xffff  }
0xfe: {  	v31 =	vor.u32 $0xF00, v4;
	_ =	sdelay $0x3  }
0xff: {  	[tilespmem:s25+$0x15680] =	vst v5  }
0x100: {  	v5 =	vld.idx.msk [tilespmem:v31+s15+$0x0], $0xffff  }
0x101: {  	v32 =	vor.u32 $0xF80, v4;
	_ =	sdelay $0x3  }
0x102: {  	[tilespmem:s25+$0x15700] =	vst v5  }
0x103: {  	v5 =	vld.idx.msk [tilespmem:v32+s15+$0x0], $0xffff  }
0x104: {  	v33 =	vor.u32 $0x1000, v4;
	_ =	sdelay $0x3  }
0x105: {  	[tilespmem:s25+$0x15780] =	vst v5  }
0x106: {  	v5 =	vld.idx.msk [tilespmem:v33+s15+$0x0], $0xffff  }
0x107: {  	v34 =	vor.u32 $0x1080, v4;
	_ =	sdelay $0x3  }
0x108: {  	[tilespmem:s25+$0x16400] =	vst v5  }
0x109: {  	v5 =	vld.idx.msk [tilespmem:v34+s15+$0x0], $0xffff  }
0x10a: {  	v35 =	vor.u32 $0x1100, v4;
	_ =	sdelay $0x3  }
0x10b: {  	[tilespmem:s25+$0x16480] =	vst v5  }
0x10c: {  	v5 =	vld.idx.msk [tilespmem:v35+s15+$0x0], $0xffff  }
0x10d: {  	v36 =	vor.u32 $0x1180, v4;
	_ =	sdelay $0x3  }
0x10e: {  	[tilespmem:s25+$0x16500] =	vst v5  }
0x10f: {  	v5 =	vld.idx.msk [tilespmem:v36+s15+$0x0], $0xffff  }
0x110: {  	v37 =	vor.u32 $0x1200, v4;
	_ =	sdelay $0x3  }
0x111: {  	[tilespmem:s25+$0x16580] =	vst v5  }
0x112: {  	v5 =	vld.idx.msk [tilespmem:v37+s15+$0x0], $0xffff  }
0x113: {  	v38 =	vor.u32 $0x1280, v4;
	_ =	sdelay $0x3  }
0x114: {  	[tilespmem:s25+$0x16600] =	vst v5  }
0x115: {  	v5 =	vld.idx.msk [tilespmem:v38+s15+$0x0], $0xffff  }
0x116: {  	v39 =	vor.u32 $0x1300, v4;
	_ =	sdelay $0x3  }
0x117: {  	[tilespmem:s25+$0x16680] =	vst v5  }
0x118: {  	v5 =	vld.idx.msk [tilespmem:v39+s15+$0x0], $0xffff  }
0x119: {  	v40 =	vor.u32 $0x1380, v4;
	_ =	sdelay $0x3  }
0x11a: {  	[tilespmem:s25+$0x16700] =	vst v5  }
0x11b: {  	v5 =	vld.idx.msk [tilespmem:v40+s15+$0x0], $0xffff  }
0x11c: {  	v41 =	vor.u32 $0x1400, v4;
	_ =	sdelay $0x3  }
0x11d: {  	[tilespmem:s25+$0x16780] =	vst v5  }
0x11e: {  	v5 =	vld.idx.msk [tilespmem:v41+s15+$0x0], $0xffff  }
0x11f: {  	v42 =	vor.u32 $0x1480, v4;
	_ =	sdelay $0x3  }
0x120: {  	[tilespmem:s25+$0x17400] =	vst v5  }
0x121: {  	v5 =	vld.idx.msk [tilespmem:v42+s15+$0x0], $0xffff  }
0x122: {  	v43 =	vor.u32 $0x1500, v4;
	_ =	sdelay $0x3  }
0x123: {  	[tilespmem:s25+$0x17480] =	vst v5  }
0x124: {  	v5 =	vld.idx.msk [tilespmem:v43+s15+$0x0], $0xffff  }
0x125: {  	v44 =	vor.u32 $0x1580, v4;
	_ =	sdelay $0x3  }
0x126: {  	[tilespmem:s25+$0x17500] =	vst v5  }
0x127: {  	v5 =	vld.idx.msk [tilespmem:v44+s15+$0x0], $0xffff  }
0x128: {  	v45 =	vor.u32 $0x1600, v4;
	_ =	sdelay $0x3  }
0x129: {  	[tilespmem:s25+$0x17580] =	vst v5  }
0x12a: {  	v5 =	vld.idx.msk [tilespmem:v45+s15+$0x0], $0xffff  }
0x12b: {  	v46 =	vor.u32 $0x1680, v4;
	_ =	sdelay $0x3  }
0x12c: {  	[tilespmem:s25+$0x17600] =	vst v5  }
0x12d: {  	v5 =	vld.idx.msk [tilespmem:v46+s15+$0x0], $0xffff  }
0x12e: {  	v47 =	vor.u32 $0x1700, v4;
	_ =	sdelay $0x3  }
0x12f: {  	[tilespmem:s25+$0x17680] =	vst v5  }
0x130: {  	v5 =	vld.idx.msk [tilespmem:v47+s15+$0x0], $0xffff  }
0x131: {  	v48 =	vor.u32 $0x1780, v4;
	_ =	sdelay $0x3  }
0x132: {  	[tilespmem:s25+$0x17700] =	vst v5  }
0x133: {  	v5 =	vld.idx.msk [tilespmem:v48+s15+$0x0], $0xffff  }
0x134: {  	v49 =	vor.u32 $0x1800, v4;
	_ =	sdelay $0x3  }
0x135: {  	[tilespmem:s25+$0x17780] =	vst v5  }
0x136: {  	v5 =	vld.idx.msk [tilespmem:v49+s15+$0x0], $0xffff  }
0x137: {  	v50 =	vor.u32 $0x1880, v4;
	_ =	sdelay $0x3  }
0x138: {  	[tilespmem:s25+$0x18400] =	vst v5  }
0x139: {  	v5 =	vld.idx.msk [tilespmem:v50+s15+$0x0], $0xffff  }
0x13a: {  	v51 =	vor.u32 $0x1900, v4;
	_ =	sdelay $0x3  }
0x13b: {  	[tilespmem:s25+$0x18480] =	vst v5  }
0x13c: {  	v5 =	vld.idx.msk [tilespmem:v51+s15+$0x0], $0xffff  }
0x13d: {  	v52 =	vor.u32 $0x1980, v4;
	_ =	sdelay $0x3  }
0x13e: {  	[tilespmem:s25+$0x18500] =	vst v5  }
0x13f: {  	v5 =	vld.idx.msk [tilespmem:v52+s15+$0x0], $0xffff  }
0x140: {  	v53 =	vor.u32 $0x1A00, v4;
	_ =	sdelay $0x3  }
0x141: {  	[tilespmem:s25+$0x18580] =	vst v5  }
0x142: {  	v5 =	vld.idx.msk [tilespmem:v53+s15+$0x0], $0xffff  }
0x143: {  	v54 =	vor.u32 $0x1A80, v4;
	_ =	sdelay $0x3  }
0x144: {  	[tilespmem:s25+$0x18600] =	vst v5  }
0x145: {  	v5 =	vld.idx.msk [tilespmem:v54+s15+$0x0], $0xffff  }
0x146: {  	v55 =	vor.u32 $0x1B00, v4;
	_ =	sdelay $0x3  }
0x147: {  	[tilespmem:s25+$0x18680] =	vst v5  }
0x148: {  	v5 =	vld.idx.msk [tilespmem:v55+s15+$0x0], $0xffff  }
0x149: {  	v56 =	vor.u32 $0x1B80, v4;
	_ =	sdelay $0x3  }
0x14a: {  	[tilespmem:s25+$0x18700] =	vst v5  }
0x14b: {  	v5 =	vld.idx.msk [tilespmem:v56+s15+$0x0], $0xffff  }
0x14c: {  	v57 =	vor.u32 $0x1C00, v4;
	_ =	sdelay $0x3  }
0x14d: {  	[tilespmem:s25+$0x18780] =	vst v5  }
0x14e: {  	v5 =	vld.idx.msk [tilespmem:v57+s15+$0x0], $0xffff  }
0x14f: {  	v58 =	vor.u32 $0x1C80, v4;
	_ =	sdelay $0x3  }
0x150: {  	[tilespmem:s25+$0x19400] =	vst v5  }
0x151: {  	v5 =	vld.idx.msk [tilespmem:v58+s15+$0x0], $0xffff  }
0x152: {  	v59 =	vor.u32 $0x1D00, v4;
	_ =	sdelay $0x3  }
0x153: {  	[tilespmem:s25+$0x19480] =	vst v5  }
0x154: {  	v5 =	vld.idx.msk [tilespmem:v59+s15+$0x0], $0xffff  }
0x155: {  	v60 =	vor.u32 $0x1D80, v4;
	_ =	sdelay $0x3  }
0x156: {  	[tilespmem:s25+$0x19500] =	vst v5  }
0x157: {  	v5 =	vld.idx.msk [tilespmem:v60+s15+$0x0], $0xffff  }
0x158: {  	v61 =	vor.u32 $0x1E00, v4;
	_ =	sdelay $0x3  }
0x159: {  	[tilespmem:s25+$0x19580] =	vst v5  }
0x15a: {  	v5 =	vld.idx.msk [tilespmem:v61+s15+$0x0], $0xffff  }
0x15b: {  	v62 =	vor.u32 $0x1E80, v4;
	_ =	sdelay $0x3  }
0x15c: {  	[tilespmem:s25+$0x19600] =	vst v5  }
0x15d: {  	v5 =	vld.idx.msk [tilespmem:v62+s15+$0x0], $0xffff  }
0x15e: {  	v63 =	vor.u32 $0x1F00, v4;
	_ =	sdelay $0x3  }
0x15f: {  	[tilespmem:s25+$0x19680] =	vst v5  }
0x160: {  	v5 =	vld.idx.msk [tilespmem:v63+s15+$0x0], $0xffff  }
0x161: {  	v4 =	vor.u32 $0x1F80, v4;
	_ =	sdelay $0x3  }
0x162: {  	[tilespmem:s25+$0x19700] =	vst v5  }
0x163: {  	p0 =	sne.s32 s24, $0x1F0;
	v4 =	vld.idx.msk [tilespmem:v4+s15+$0x0], $0xffff  }
.Ltmp2:
0x164: {  	_ = 	snop;
	(pc) =	sbr.rel @p0 .LBB2_6-.Ltmp2, $2  }
0x165: {  	_ =	sdelay $0x2  }
0x166: {  	s22 =	sadd.s32 $0x80, s22;
	s23 =	sadd.s32 $0x10, s23;
	s24 =	sadd.s32 $0x10, s24;
	[tilespmem:s25+$0x19780] =	vst v4  }
0x167: {  	s22 =	simm.s32 $0x0  }
0x168: {  	v2 =	vmov s22  }
0x169: {  	v2 =	vshll.u32 v2, $0x7  }
0x16a: {  	v2 =	vor.u32 v1, v2;
	_ =	sdelay $0x1  }
0x16b: {  	_ =	swait.ge [sflag:s16], $0x8000  }
0x16c: {  	[sflag:s16] =	ssyncset.done $0x0  }
0x16d: {  	[sflag:s16] =	ssyncadd.s32 $0xFFFF8000  }
0x16e: {  	v3 =	vld.idx.msk [tilespmem:v2+s17+$0x0], $0xffff  }
0x16f: {  	v4 =	vor.u32 $0x1, v2;
	_ =	sdelay $0x1  }
0x170: {  	s0 =	sand.u32 $0x70, s22;
	s1 =	sand.u32 $0x400, s22  }
0x171: {  	s24 =	sor.u32 s0, s1  }
0x172: {  	[tilespmem:s24+$0xA400] =	vst v3  }
0x173: {  	v3 =	vld.idx.msk [tilespmem:v4+s17+$0x0], $0xffff  }
0x174: {  	v4 =	vor.u32 $0x2, v2;
	_ =	sdelay $0x3  }
0x175: {  	[tilespmem:s24+$0xA480] =	vst v3  }
0x176: {  	v3 =	vld.idx.msk [tilespmem:v4+s17+$0x0], $0xffff  }
0x177: {  	v4 =	vor.u32 $0x3, v2;
	_ =	sdelay $0x3  }
0x178: {  	[tilespmem:s24+$0xA500] =	vst v3  }
0x179: {  	v3 =	vld.idx.msk [tilespmem:v4+s17+$0x0], $0xffff  }
0x17a: {  	v4 =	vor.u32 $0x4, v2;
	_ =	sdelay $0x3  }
0x17b: {  	[tilespmem:s24+$0xA580] =	vst v3  }
0x17c: {  	v3 =	vld.idx.msk [tilespmem:v4+s17+$0x0], $0xffff  }
0x17d: {  	v4 =	vor.u32 $0x5, v2;
	_ =	sdelay $0x3  }
0x17e: {  	[tilespmem:s24+$0xA600] =	vst v3  }
0x17f: {  	v3 =	vld.idx.msk [tilespmem:v4+s17+$0x0], $0xffff  }
0x180: {  	v4 =	vor.u32 $0x6, v2;
	_ =	sdelay $0x3  }
0x181: {  	[tilespmem:s24+$0xA680] =	vst v3  }
0x182: {  	v3 =	vld.idx.msk [tilespmem:v4+s17+$0x0], $0xffff  }
0x183: {  	v4 =	vor.u32 $0x7, v2;
	_ =	sdelay $0x3  }
0x184: {  	[tilespmem:s24+$0xA700] =	vst v3  }
0x185: {  	v3 =	vld.idx.msk [tilespmem:v4+s17+$0x0], $0xffff  }
0x186: {  	v4 =	vor.u32 $0x8, v2;
	_ =	sdelay $0x1  }
0x187: {  	s31 =	sor.u32 s22, s22  }
0x188: {  	s0 =	sor.u32 $0x380, s31  }
0x189: {  	[tilespmem:s0+$0xA400] =	vst v3  }
0x18a: {  	v3 =	vld.idx.msk [tilespmem:v4+s17+$0x0], $0xffff  }
0x18b: {  	v4 =	vor.u32 $0x9, v2;
	_ =	sdelay $0x3  }
0x18c: {  	[tilespmem:s24+$0xB400] =	vst v3  }
0x18d: {  	v3 =	vld.idx.msk [tilespmem:v4+s17+$0x0], $0xffff  }
0x18e: {  	v4 =	vor.u32 $0xA, v2;
	_ =	sdelay $0x3  }
0x18f: {  	[tilespmem:s24+$0xB480] =	vst v3  }
0x190: {  	v3 =	vld.idx.msk [tilespmem:v4+s17+$0x0], $0xffff  }
0x191: {  	v4 =	vor.u32 $0xB, v2;
	_ =	sdelay $0x3  }
0x192: {  	[tilespmem:s24+$0xB500] =	vst v3  }
0x193: {  	v3 =	vld.idx.msk [tilespmem:v4+s17+$0x0], $0xffff  }
0x194: {  	v4 =	vor.u32 $0xC, v2;
	_ =	sdelay $0x3  }
0x195: {  	[tilespmem:s24+$0xB580] =	vst v3  }
0x196: {  	v3 =	vld.idx.msk [tilespmem:v4+s17+$0x0], $0xffff  }
0x197: {  	v4 =	vor.u32 $0xD, v2;
	_ =	sdelay $0x3  }
0x198: {  	[tilespmem:s24+$0xB600] =	vst v3  }
0x199: {  	v3 =	vld.idx.msk [tilespmem:v4+s17+$0x0], $0xffff  }
0x19a: {  	v4 =	vor.u32 $0xE, v2;
	_ =	sdelay $0x3  }
0x19b: {  	[tilespmem:s24+$0xB680] =	vst v3  }
0x19c: {  	v3 =	vld.idx.msk [tilespmem:v4+s17+$0x0], $0xffff  }
0x19d: {  	v4 =	vor.u32 $0xF, v2;
	_ =	sdelay $0x3  }
0x19e: {  	[tilespmem:s24+$0xB700] =	vst v3  }
0x19f: {  	v3 =	vld.idx.msk [tilespmem:v4+s17+$0x0], $0xffff  }
0x1a0: {  	v4 =	vor.u32 $0x10, v2;
	_ =	sdelay $0x3  }
0x1a1: {  	[tilespmem:s24+$0xB780] =	vst v3  }
0x1a2: {  	v3 =	vld.idx.msk [tilespmem:v4+s17+$0x0], $0xffff  }
0x1a3: {  	v4 =	vor.u32 $0x11, v2;
	_ =	sdelay $0x3  }
0x1a4: {  	[tilespmem:s24+$0xC400] =	vst v3  }
0x1a5: {  	v3 =	vld.idx.msk [tilespmem:v4+s17+$0x0], $0xffff  }
0x1a6: {  	v4 =	vor.u32 $0x12, v2;
	_ =	sdelay $0x3  }
0x1a7: {  	[tilespmem:s24+$0xC480] =	vst v3  }
0x1a8: {  	v3 =	vld.idx.msk [tilespmem:v4+s17+$0x0], $0xffff  }
0x1a9: {  	v4 =	vor.u32 $0x13, v2;
	_ =	sdelay $0x3  }
0x1aa: {  	[tilespmem:s24+$0xC500] =	vst v3  }
0x1ab: {  	v3 =	vld.idx.msk [tilespmem:v4+s17+$0x0], $0xffff  }
0x1ac: {  	v4 =	vor.u32 $0x14, v2;
	_ =	sdelay $0x3  }
0x1ad: {  	[tilespmem:s24+$0xC580] =	vst v3  }
0x1ae: {  	v3 =	vld.idx.msk [tilespmem:v4+s17+$0x0], $0xffff  }
0x1af: {  	v4 =	vor.u32 $0x15, v2;
	_ =	sdelay $0x3  }
0x1b0: {  	[tilespmem:s24+$0xC600] =	vst v3  }
0x1b1: {  	v3 =	vld.idx.msk [tilespmem:v4+s17+$0x0], $0xffff  }
0x1b2: {  	v4 =	vor.u32 $0x16, v2;
	_ =	sdelay $0x3  }
0x1b3: {  	[tilespmem:s24+$0xC680] =	vst v3  }
0x1b4: {  	v3 =	vld.idx.msk [tilespmem:v4+s17+$0x0], $0xffff  }
0x1b5: {  	v4 =	vor.u32 $0x17, v2;
	_ =	sdelay $0x3  }
0x1b6: {  	[tilespmem:s24+$0xC700] =	vst v3  }
0x1b7: {  	v3 =	vld.idx.msk [tilespmem:v4+s17+$0x0], $0xffff  }
0x1b8: {  	v4 =	vor.u32 $0x18, v2;
	_ =	sdelay $0x3  }
0x1b9: {  	[tilespmem:s24+$0xC780] =	vst v3  }
0x1ba: {  	v3 =	vld.idx.msk [tilespmem:v4+s17+$0x0], $0xffff  }
0x1bb: {  	v4 =	vor.u32 $0x19, v2;
	_ =	sdelay $0x3  }
0x1bc: {  	[tilespmem:s24+$0xD400] =	vst v3  }
0x1bd: {  	v3 =	vld.idx.msk [tilespmem:v4+s17+$0x0], $0xffff  }
0x1be: {  	v4 =	vor.u32 $0x1A, v2;
	_ =	sdelay $0x3  }
0x1bf: {  	[tilespmem:s24+$0xD480] =	vst v3  }
0x1c0: {  	v3 =	vld.idx.msk [tilespmem:v4+s17+$0x0], $0xffff  }
0x1c1: {  	v4 =	vor.u32 $0x1B, v2;
	_ =	sdelay $0x3  }
0x1c2: {  	[tilespmem:s24+$0xD500] =	vst v3  }
0x1c3: {  	v3 =	vld.idx.msk [tilespmem:v4+s17+$0x0], $0xffff  }
0x1c4: {  	v4 =	vor.u32 $0x1C, v2;
	_ =	sdelay $0x3  }
0x1c5: {  	[tilespmem:s24+$0xD580] =	vst v3  }
0x1c6: {  	v3 =	vld.idx.msk [tilespmem:v4+s17+$0x0], $0xffff  }
0x1c7: {  	v4 =	vor.u32 $0x1D, v2;
	_ =	sdelay $0x3  }
0x1c8: {  	[tilespmem:s24+$0xD600] =	vst v3  }
0x1c9: {  	v3 =	vld.idx.msk [tilespmem:v4+s17+$0x0], $0xffff  }
0x1ca: {  	v4 =	vor.u32 $0x1E, v2;
	_ =	sdelay $0x3  }
0x1cb: {  	[tilespmem:s24+$0xD680] =	vst v3  }
0x1cc: {  	v3 =	vld.idx.msk [tilespmem:v4+s17+$0x0], $0xffff  }
0x1cd: {  	v4 =	vor.u32 $0x1F, v2;
	_ =	sdelay $0x3  }
0x1ce: {  	[tilespmem:s24+$0xD700] =	vst v3  }
0x1cf: {  	v3 =	vld.idx.msk [tilespmem:v4+s17+$0x0], $0xffff  }
0x1d0: {  	v4 =	vor.u32 $0x20, v2;
	_ =	sdelay $0x3  }
0x1d1: {  	[tilespmem:s24+$0xD780] =	vst v3  }
0x1d2: {  	v3 =	vld.idx.msk [tilespmem:v4+s17+$0x0], $0xffff  }
0x1d3: {  	v4 =	vor.u32 $0x21, v2;
	_ =	sdelay $0x3  }
0x1d4: {  	[tilespmem:s24+$0xE400] =	vst v3  }
0x1d5: {  	v3 =	vld.idx.msk [tilespmem:v4+s17+$0x0], $0xffff  }
0x1d6: {  	v4 =	vor.u32 $0x22, v2;
	_ =	sdelay $0x3  }
0x1d7: {  	[tilespmem:s24+$0xE480] =	vst v3  }
0x1d8: {  	v3 =	vld.idx.msk [tilespmem:v4+s17+$0x0], $0xffff  }
0x1d9: {  	v4 =	vor.u32 $0x23, v2;
	_ =	sdelay $0x3  }
0x1da: {  	[tilespmem:s24+$0xE500] =	vst v3  }
0x1db: {  	v3 =	vld.idx.msk [tilespmem:v4+s17+$0x0], $0xffff  }
0x1dc: {  	v4 =	vor.u32 $0x24, v2;
	_ =	sdelay $0x3  }
0x1dd: {  	[tilespmem:s24+$0xE580] =	vst v3  }
0x1de: {  	v3 =	vld.idx.msk [tilespmem:v4+s17+$0x0], $0xffff  }
0x1df: {  	v4 =	vor.u32 $0x25, v2;
	_ =	sdelay $0x3  }
0x1e0: {  	[tilespmem:s24+$0xE600] =	vst v3  }
0x1e1: {  	v3 =	vld.idx.msk [tilespmem:v4+s17+$0x0], $0xffff  }
0x1e2: {  	v4 =	vor.u32 $0x26, v2;
	_ =	sdelay $0x3  }
0x1e3: {  	[tilespmem:s24+$0xE680] =	vst v3  }
0x1e4: {  	v3 =	vld.idx.msk [tilespmem:v4+s17+$0x0], $0xffff  }
0x1e5: {  	v4 =	vor.u32 $0x27, v2;
	_ =	sdelay $0x3  }
0x1e6: {  	[tilespmem:s24+$0xE700] =	vst v3  }
0x1e7: {  	v3 =	vld.idx.msk [tilespmem:v4+s17+$0x0], $0xffff  }
0x1e8: {  	v4 =	vor.u32 $0x28, v2;
	_ =	sdelay $0x3  }
0x1e9: {  	[tilespmem:s24+$0xE780] =	vst v3  }
0x1ea: {  	v3 =	vld.idx.msk [tilespmem:v4+s17+$0x0], $0xffff  }
0x1eb: {  	v4 =	vor.u32 $0x29, v2;
	_ =	sdelay $0x3  }
0x1ec: {  	[tilespmem:s24+$0xF400] =	vst v3  }
0x1ed: {  	v3 =	vld.idx.msk [tilespmem:v4+s17+$0x0], $0xffff  }
0x1ee: {  	v4 =	vor.u32 $0x2A, v2;
	_ =	sdelay $0x3  }
0x1ef: {  	[tilespmem:s24+$0xF480] =	vst v3  }
0x1f0: {  	v3 =	vld.idx.msk [tilespmem:v4+s17+$0x0], $0xffff  }
0x1f1: {  	v4 =	vor.u32 $0x2B, v2;
	_ =	sdelay $0x3  }
0x1f2: {  	[tilespmem:s24+$0xF500] =	vst v3  }
0x1f3: {  	v3 =	vld.idx.msk [tilespmem:v4+s17+$0x0], $0xffff  }
0x1f4: {  	v4 =	vor.u32 $0x2C, v2;
	_ =	sdelay $0x3  }
0x1f5: {  	[tilespmem:s24+$0xF580] =	vst v3  }
0x1f6: {  	v3 =	vld.idx.msk [tilespmem:v4+s17+$0x0], $0xffff  }
0x1f7: {  	v4 =	vor.u32 $0x2D, v2;
	_ =	sdelay $0x3  }
0x1f8: {  	[tilespmem:s24+$0xF600] =	vst v3  }
0x1f9: {  	v3 =	vld.idx.msk [tilespmem:v4+s17+$0x0], $0xffff  }
0x1fa: {  	v4 =	vor.u32 $0x2E, v2;
	_ =	sdelay $0x3  }
0x1fb: {  	[tilespmem:s24+$0xF680] =	vst v3  }
0x1fc: {  	v3 =	vld.idx.msk [tilespmem:v4+s17+$0x0], $0xffff  }
0x1fd: {  	v4 =	vor.u32 $0x2F, v2;
	_ =	sdelay $0x3  }
0x1fe: {  	[tilespmem:s24+$0xF700] =	vst v3  }
0x1ff: {  	v3 =	vld.idx.msk [tilespmem:v4+s17+$0x0], $0xffff  }
0x200: {  	v4 =	vor.u32 $0x30, v2;
	_ =	sdelay $0x3  }
0x201: {  	[tilespmem:s24+$0xF780] =	vst v3  }
0x202: {  	v3 =	vld.idx.msk [tilespmem:v4+s17+$0x0], $0xffff  }
0x203: {  	v4 =	vor.u32 $0x31, v2;
	_ =	sdelay $0x3  }
0x204: {  	[tilespmem:s24+$0x10400] =	vst v3  }
0x205: {  	v3 =	vld.idx.msk [tilespmem:v4+s17+$0x0], $0xffff  }
0x206: {  	v4 =	vor.u32 $0x32, v2;
	_ =	sdelay $0x3  }
0x207: {  	[tilespmem:s24+$0x10480] =	vst v3  }
0x208: {  	v3 =	vld.idx.msk [tilespmem:v4+s17+$0x0], $0xffff  }
0x209: {  	v4 =	vor.u32 $0x33, v2;
	_ =	sdelay $0x3  }
0x20a: {  	[tilespmem:s24+$0x10500] =	vst v3  }
0x20b: {  	v3 =	vld.idx.msk [tilespmem:v4+s17+$0x0], $0xffff  }
0x20c: {  	v4 =	vor.u32 $0x34, v2;
	_ =	sdelay $0x3  }
0x20d: {  	[tilespmem:s24+$0x10580] =	vst v3  }
0x20e: {  	v3 =	vld.idx.msk [tilespmem:v4+s17+$0x0], $0xffff  }
0x20f: {  	v4 =	vor.u32 $0x35, v2;
	_ =	sdelay $0x3  }
0x210: {  	[tilespmem:s24+$0x10600] =	vst v3  }
0x211: {  	v3 =	vld.idx.msk [tilespmem:v4+s17+$0x0], $0xffff  }
0x212: {  	v4 =	vor.u32 $0x36, v2;
	_ =	sdelay $0x3  }
0x213: {  	[tilespmem:s24+$0x10680] =	vst v3  }
0x214: {  	v3 =	vld.idx.msk [tilespmem:v4+s17+$0x0], $0xffff  }
0x215: {  	v4 =	vor.u32 $0x37, v2;
	_ =	sdelay $0x3  }
0x216: {  	[tilespmem:s24+$0x10700] =	vst v3  }
0x217: {  	v3 =	vld.idx.msk [tilespmem:v4+s17+$0x0], $0xffff  }
0x218: {  	v4 =	vor.u32 $0x38, v2;
	_ =	sdelay $0x3  }
0x219: {  	[tilespmem:s24+$0x10780] =	vst v3  }
0x21a: {  	v3 =	vld.idx.msk [tilespmem:v4+s17+$0x0], $0xffff  }
0x21b: {  	v4 =	vor.u32 $0x39, v2;
	_ =	sdelay $0x3  }
0x21c: {  	[tilespmem:s24+$0x11400] =	vst v3  }
0x21d: {  	v3 =	vld.idx.msk [tilespmem:v4+s17+$0x0], $0xffff  }
0x21e: {  	v4 =	vor.u32 $0x3A, v2;
	_ =	sdelay $0x3  }
0x21f: {  	[tilespmem:s24+$0x11480] =	vst v3  }
0x220: {  	v3 =	vld.idx.msk [tilespmem:v4+s17+$0x0], $0xffff  }
0x221: {  	v4 =	vor.u32 $0x3B, v2;
	_ =	sdelay $0x3  }
0x222: {  	[tilespmem:s24+$0x11500] =	vst v3  }
0x223: {  	v3 =	vld.idx.msk [tilespmem:v4+s17+$0x0], $0xffff  }
0x224: {  	v4 =	vor.u32 $0x3C, v2;
	_ =	sdelay $0x3  }
0x225: {  	[tilespmem:s24+$0x11580] =	vst v3  }
0x226: {  	v3 =	vld.idx.msk [tilespmem:v4+s17+$0x0], $0xffff  }
0x227: {  	v4 =	vor.u32 $0x3D, v2;
	_ =	sdelay $0x3  }
0x228: {  	[tilespmem:s24+$0x11600] =	vst v3  }
0x229: {  	v3 =	vld.idx.msk [tilespmem:v4+s17+$0x0], $0xffff  }
0x22a: {  	v4 =	vor.u32 $0x3E, v2;
	_ =	sdelay $0x3  }
0x22b: {  	[tilespmem:s24+$0x11680] =	vst v3  }
0x22c: {  	v3 =	vld.idx.msk [tilespmem:v4+s17+$0x0], $0xffff  }
0x22d: {  	v4 =	vor.u32 $0x3F, v2;
	_ =	sdelay $0x3  }
0x22e: {  	s23 =	simm.s32 $0x10;
	[tilespmem:s24+$0x11700] =	vst v3  }
0x22f: {  	s28 =	simm.s32 $0x20;
	s26 =	simm.s32 $0x0;
	s25 =	simm.s32 $0x10;
	v2 =	vmov s23;
	v3 =	vld.idx.msk [tilespmem:v4+s17+$0x0], $0xffff  }
.LBB2_8:
0x230: {  	p0 =	sne.s32 s28, $0xF0;
	v2 =	vshll.u32 v2, $0x7  }
0x231: {  	v2 =	vor.u32 v1, v2;
	_ =	sdelay $0x3  }
0x232: {  	[tilespmem:s24+$0x11780] =	vst v3  }
0x233: {  	v3 =	vld.idx.msk [tilespmem:v2+s17+$0x0], $0xffff;
	_ =	sdelay $0x1  }
0x234: {  	v4 =	vor.u32 $0x1, v2  }
0x235: {  	s26 =	sadd.s32 $0x80, s26  }
0x236: {  	s0 =	sand.u32 $0x70, s25;
	s1 =	sand.u32 $0x400, s26  }
0x237: {  	s24 =	sor.u32 s0, s1  }
0x238: {  	[tilespmem:s24+$0xA400] =	vst v3  }
0x239: {  	v3 =	vld.idx.msk [tilespmem:v4+s17+$0x0], $0xffff;
	_ =	sdelay $0x1  }
0x23a: {  	v4 =	vor.u32 $0x2, v2;
	_ =	sdelay $0x3  }
0x23b: {  	[tilespmem:s24+$0xA480] =	vst v3  }
0x23c: {  	v3 =	vld.idx.msk [tilespmem:v4+s17+$0x0], $0xffff;
	_ =	sdelay $0x1  }
0x23d: {  	v4 =	vor.u32 $0x3, v2;
	_ =	sdelay $0x3  }
0x23e: {  	[tilespmem:s24+$0xA500] =	vst v3  }
0x23f: {  	v3 =	vld.idx.msk [tilespmem:v4+s17+$0x0], $0xffff;
	_ =	sdelay $0x1  }
0x240: {  	v4 =	vor.u32 $0x4, v2;
	_ =	sdelay $0x3  }
0x241: {  	[tilespmem:s24+$0xA580] =	vst v3  }
0x242: {  	v3 =	vld.idx.msk [tilespmem:v4+s17+$0x0], $0xffff;
	_ =	sdelay $0x1  }
0x243: {  	v4 =	vor.u32 $0x5, v2;
	_ =	sdelay $0x3  }
0x244: {  	[tilespmem:s24+$0xA600] =	vst v3  }
0x245: {  	v3 =	vld.idx.msk [tilespmem:v4+s17+$0x0], $0xffff;
	_ =	sdelay $0x1  }
0x246: {  	v4 =	vor.u32 $0x6, v2;
	_ =	sdelay $0x3  }
0x247: {  	[tilespmem:s24+$0xA680] =	vst v3  }
0x248: {  	v3 =	vld.idx.msk [tilespmem:v4+s17+$0x0], $0xffff;
	_ =	sdelay $0x1  }
0x249: {  	v4 =	vor.u32 $0x7, v2;
	_ =	sdelay $0x3  }
0x24a: {  	[tilespmem:s24+$0xA700] =	vst v3  }
0x24b: {  	v3 =	vld.idx.msk [tilespmem:v4+s17+$0x0], $0xffff;
	_ =	sdelay $0x1  }
0x24c: {  	v4 =	vor.u32 $0x8, v2;
	_ =	sdelay $0x1  }
0x24d: {  	s0 =	sor.u32 s26, s25;
	s25 =	smov.u32 s28  }
0x24e: {  	s0 =	sor.u32 $0x380, s0  }
0x24f: {  	[tilespmem:s0+$0xA400] =	vst v3  }
0x250: {  	v3 =	vld.idx.msk [tilespmem:v4+s17+$0x0], $0xffff;
	_ =	sdelay $0x1  }
0x251: {  	v4 =	vor.u32 $0x9, v2;
	_ =	sdelay $0x3  }
0x252: {  	[tilespmem:s24+$0xB400] =	vst v3  }
0x253: {  	v3 =	vld.idx.msk [tilespmem:v4+s17+$0x0], $0xffff;
	_ =	sdelay $0x1  }
0x254: {  	v4 =	vor.u32 $0xA, v2;
	_ =	sdelay $0x3  }
0x255: {  	[tilespmem:s24+$0xB480] =	vst v3  }
0x256: {  	v3 =	vld.idx.msk [tilespmem:v4+s17+$0x0], $0xffff;
	_ =	sdelay $0x1  }
0x257: {  	v4 =	vor.u32 $0xB, v2;
	_ =	sdelay $0x3  }
0x258: {  	[tilespmem:s24+$0xB500] =	vst v3  }
0x259: {  	v3 =	vld.idx.msk [tilespmem:v4+s17+$0x0], $0xffff;
	_ =	sdelay $0x1  }
0x25a: {  	v4 =	vor.u32 $0xC, v2;
	_ =	sdelay $0x3  }
0x25b: {  	[tilespmem:s24+$0xB580] =	vst v3  }
0x25c: {  	v3 =	vld.idx.msk [tilespmem:v4+s17+$0x0], $0xffff;
	_ =	sdelay $0x1  }
0x25d: {  	v4 =	vor.u32 $0xD, v2;
	_ =	sdelay $0x3  }
0x25e: {  	[tilespmem:s24+$0xB600] =	vst v3  }
0x25f: {  	v3 =	vld.idx.msk [tilespmem:v4+s17+$0x0], $0xffff;
	_ =	sdelay $0x1  }
0x260: {  	v4 =	vor.u32 $0xE, v2;
	_ =	sdelay $0x3  }
0x261: {  	[tilespmem:s24+$0xB680] =	vst v3  }
0x262: {  	v3 =	vld.idx.msk [tilespmem:v4+s17+$0x0], $0xffff;
	_ =	sdelay $0x1  }
0x263: {  	v4 =	vor.u32 $0xF, v2;
	_ =	sdelay $0x3  }
0x264: {  	[tilespmem:s24+$0xB700] =	vst v3  }
0x265: {  	v3 =	vld.idx.msk [tilespmem:v4+s17+$0x0], $0xffff;
	_ =	sdelay $0x1  }
0x266: {  	v4 =	vor.u32 $0x10, v2;
	_ =	sdelay $0x3  }
0x267: {  	[tilespmem:s24+$0xB780] =	vst v3  }
0x268: {  	v3 =	vld.idx.msk [tilespmem:v4+s17+$0x0], $0xffff;
	_ =	sdelay $0x1  }
0x269: {  	v4 =	vor.u32 $0x11, v2;
	_ =	sdelay $0x3  }
0x26a: {  	[tilespmem:s24+$0xC400] =	vst v3  }
0x26b: {  	v3 =	vld.idx.msk [tilespmem:v4+s17+$0x0], $0xffff;
	_ =	sdelay $0x1  }
0x26c: {  	v4 =	vor.u32 $0x12, v2;
	_ =	sdelay $0x3  }
0x26d: {  	[tilespmem:s24+$0xC480] =	vst v3  }
0x26e: {  	v3 =	vld.idx.msk [tilespmem:v4+s17+$0x0], $0xffff;
	_ =	sdelay $0x1  }
0x26f: {  	v4 =	vor.u32 $0x13, v2;
	_ =	sdelay $0x3  }
0x270: {  	[tilespmem:s24+$0xC500] =	vst v3  }
0x271: {  	v3 =	vld.idx.msk [tilespmem:v4+s17+$0x0], $0xffff;
	_ =	sdelay $0x1  }
0x272: {  	v4 =	vor.u32 $0x14, v2;
	_ =	sdelay $0x3  }
0x273: {  	[tilespmem:s24+$0xC580] =	vst v3  }
0x274: {  	v3 =	vld.idx.msk [tilespmem:v4+s17+$0x0], $0xffff;
	_ =	sdelay $0x1  }
0x275: {  	v4 =	vor.u32 $0x15, v2;
	_ =	sdelay $0x3  }
0x276: {  	[tilespmem:s24+$0xC600] =	vst v3  }
0x277: {  	v3 =	vld.idx.msk [tilespmem:v4+s17+$0x0], $0xffff;
	_ =	sdelay $0x1  }
0x278: {  	v4 =	vor.u32 $0x16, v2;
	_ =	sdelay $0x3  }
0x279: {  	[tilespmem:s24+$0xC680] =	vst v3  }
0x27a: {  	v3 =	vld.idx.msk [tilespmem:v4+s17+$0x0], $0xffff;
	_ =	sdelay $0x1  }
0x27b: {  	v4 =	vor.u32 $0x17, v2;
	_ =	sdelay $0x3  }
0x27c: {  	[tilespmem:s24+$0xC700] =	vst v3  }
0x27d: {  	v3 =	vld.idx.msk [tilespmem:v4+s17+$0x0], $0xffff;
	_ =	sdelay $0x1  }
0x27e: {  	v4 =	vor.u32 $0x18, v2;
	_ =	sdelay $0x3  }
0x27f: {  	[tilespmem:s24+$0xC780] =	vst v3  }
0x280: {  	v3 =	vld.idx.msk [tilespmem:v4+s17+$0x0], $0xffff;
	_ =	sdelay $0x1  }
0x281: {  	v4 =	vor.u32 $0x19, v2;
	_ =	sdelay $0x3  }
0x282: {  	[tilespmem:s24+$0xD400] =	vst v3  }
0x283: {  	v3 =	vld.idx.msk [tilespmem:v4+s17+$0x0], $0xffff;
	_ =	sdelay $0x1  }
0x284: {  	v4 =	vor.u32 $0x1A, v2;
	_ =	sdelay $0x3  }
0x285: {  	[tilespmem:s24+$0xD480] =	vst v3  }
0x286: {  	v3 =	vld.idx.msk [tilespmem:v4+s17+$0x0], $0xffff;
	_ =	sdelay $0x1  }
0x287: {  	v4 =	vor.u32 $0x1B, v2;
	_ =	sdelay $0x3  }
0x288: {  	[tilespmem:s24+$0xD500] =	vst v3  }
0x289: {  	v3 =	vld.idx.msk [tilespmem:v4+s17+$0x0], $0xffff;
	_ =	sdelay $0x1  }
0x28a: {  	v4 =	vor.u32 $0x1C, v2;
	_ =	sdelay $0x3  }
0x28b: {  	[tilespmem:s24+$0xD580] =	vst v3  }
0x28c: {  	v3 =	vld.idx.msk [tilespmem:v4+s17+$0x0], $0xffff;
	_ =	sdelay $0x1  }
0x28d: {  	v4 =	vor.u32 $0x1D, v2;
	_ =	sdelay $0x3  }
0x28e: {  	[tilespmem:s24+$0xD600] =	vst v3  }
0x28f: {  	v3 =	vld.idx.msk [tilespmem:v4+s17+$0x0], $0xffff;
	_ =	sdelay $0x1  }
0x290: {  	v4 =	vor.u32 $0x1E, v2;
	_ =	sdelay $0x3  }
0x291: {  	[tilespmem:s24+$0xD680] =	vst v3  }
0x292: {  	v3 =	vld.idx.msk [tilespmem:v4+s17+$0x0], $0xffff;
	_ =	sdelay $0x1  }
0x293: {  	v4 =	vor.u32 $0x1F, v2;
	_ =	sdelay $0x3  }
0x294: {  	[tilespmem:s24+$0xD700] =	vst v3  }
0x295: {  	v3 =	vld.idx.msk [tilespmem:v4+s17+$0x0], $0xffff;
	_ =	sdelay $0x1  }
0x296: {  	v4 =	vor.u32 $0x20, v2;
	_ =	sdelay $0x3  }
0x297: {  	[tilespmem:s24+$0xD780] =	vst v3  }
0x298: {  	v3 =	vld.idx.msk [tilespmem:v4+s17+$0x0], $0xffff;
	_ =	sdelay $0x1  }
0x299: {  	v4 =	vor.u32 $0x21, v2;
	_ =	sdelay $0x3  }
0x29a: {  	[tilespmem:s24+$0xE400] =	vst v3  }
0x29b: {  	v3 =	vld.idx.msk [tilespmem:v4+s17+$0x0], $0xffff;
	_ =	sdelay $0x1  }
0x29c: {  	v4 =	vor.u32 $0x22, v2;
	_ =	sdelay $0x3  }
0x29d: {  	[tilespmem:s24+$0xE480] =	vst v3  }
0x29e: {  	v3 =	vld.idx.msk [tilespmem:v4+s17+$0x0], $0xffff;
	_ =	sdelay $0x1  }
0x29f: {  	v4 =	vor.u32 $0x23, v2;
	_ =	sdelay $0x3  }
0x2a0: {  	[tilespmem:s24+$0xE500] =	vst v3  }
0x2a1: {  	v3 =	vld.idx.msk [tilespmem:v4+s17+$0x0], $0xffff;
	_ =	sdelay $0x1  }
0x2a2: {  	v4 =	vor.u32 $0x24, v2;
	_ =	sdelay $0x3  }
0x2a3: {  	[tilespmem:s24+$0xE580] =	vst v3  }
0x2a4: {  	v3 =	vld.idx.msk [tilespmem:v4+s17+$0x0], $0xffff;
	_ =	sdelay $0x1  }
0x2a5: {  	v4 =	vor.u32 $0x25, v2;
	_ =	sdelay $0x3  }
0x2a6: {  	[tilespmem:s24+$0xE600] =	vst v3  }
0x2a7: {  	v3 =	vld.idx.msk [tilespmem:v4+s17+$0x0], $0xffff;
	_ =	sdelay $0x1  }
0x2a8: {  	v4 =	vor.u32 $0x26, v2;
	_ =	sdelay $0x3  }
0x2a9: {  	[tilespmem:s24+$0xE680] =	vst v3  }
0x2aa: {  	v3 =	vld.idx.msk [tilespmem:v4+s17+$0x0], $0xffff;
	_ =	sdelay $0x1  }
0x2ab: {  	v4 =	vor.u32 $0x27, v2;
	_ =	sdelay $0x3  }
0x2ac: {  	[tilespmem:s24+$0xE700] =	vst v3  }
0x2ad: {  	v3 =	vld.idx.msk [tilespmem:v4+s17+$0x0], $0xffff;
	_ =	sdelay $0x1  }
0x2ae: {  	v4 =	vor.u32 $0x28, v2;
	_ =	sdelay $0x3  }
0x2af: {  	[tilespmem:s24+$0xE780] =	vst v3  }
0x2b0: {  	v3 =	vld.idx.msk [tilespmem:v4+s17+$0x0], $0xffff;
	_ =	sdelay $0x1  }
0x2b1: {  	v4 =	vor.u32 $0x29, v2;
	_ =	sdelay $0x3  }
0x2b2: {  	[tilespmem:s24+$0xF400] =	vst v3  }
0x2b3: {  	v3 =	vld.idx.msk [tilespmem:v4+s17+$0x0], $0xffff;
	_ =	sdelay $0x1  }
0x2b4: {  	v4 =	vor.u32 $0x2A, v2;
	_ =	sdelay $0x3  }
0x2b5: {  	[tilespmem:s24+$0xF480] =	vst v3  }
0x2b6: {  	v3 =	vld.idx.msk [tilespmem:v4+s17+$0x0], $0xffff;
	_ =	sdelay $0x1  }
0x2b7: {  	v4 =	vor.u32 $0x2B, v2;
	_ =	sdelay $0x3  }
0x2b8: {  	[tilespmem:s24+$0xF500] =	vst v3  }
0x2b9: {  	v3 =	vld.idx.msk [tilespmem:v4+s17+$0x0], $0xffff;
	_ =	sdelay $0x1  }
0x2ba: {  	v4 =	vor.u32 $0x2C, v2;
	_ =	sdelay $0x3  }
0x2bb: {  	[tilespmem:s24+$0xF580] =	vst v3  }
0x2bc: {  	v3 =	vld.idx.msk [tilespmem:v4+s17+$0x0], $0xffff;
	_ =	sdelay $0x1  }
0x2bd: {  	v4 =	vor.u32 $0x2D, v2;
	_ =	sdelay $0x3  }
0x2be: {  	[tilespmem:s24+$0xF600] =	vst v3  }
0x2bf: {  	v3 =	vld.idx.msk [tilespmem:v4+s17+$0x0], $0xffff;
	_ =	sdelay $0x1  }
0x2c0: {  	v4 =	vor.u32 $0x2E, v2;
	_ =	sdelay $0x3  }
0x2c1: {  	[tilespmem:s24+$0xF680] =	vst v3  }
0x2c2: {  	v3 =	vld.idx.msk [tilespmem:v4+s17+$0x0], $0xffff;
	_ =	sdelay $0x1  }
0x2c3: {  	v4 =	vor.u32 $0x2F, v2;
	_ =	sdelay $0x3  }
0x2c4: {  	[tilespmem:s24+$0xF700] =	vst v3  }
0x2c5: {  	v3 =	vld.idx.msk [tilespmem:v4+s17+$0x0], $0xffff;
	_ =	sdelay $0x1  }
0x2c6: {  	v4 =	vor.u32 $0x30, v2;
	_ =	sdelay $0x3  }
0x2c7: {  	[tilespmem:s24+$0xF780] =	vst v3  }
0x2c8: {  	v3 =	vld.idx.msk [tilespmem:v4+s17+$0x0], $0xffff;
	_ =	sdelay $0x1  }
0x2c9: {  	v4 =	vor.u32 $0x31, v2;
	_ =	sdelay $0x3  }
0x2ca: {  	[tilespmem:s24+$0x10400] =	vst v3  }
0x2cb: {  	v3 =	vld.idx.msk [tilespmem:v4+s17+$0x0], $0xffff;
	_ =	sdelay $0x1  }
0x2cc: {  	v4 =	vor.u32 $0x32, v2;
	_ =	sdelay $0x3  }
0x2cd: {  	[tilespmem:s24+$0x10480] =	vst v3  }
0x2ce: {  	v3 =	vld.idx.msk [tilespmem:v4+s17+$0x0], $0xffff;
	_ =	sdelay $0x1  }
0x2cf: {  	v4 =	vor.u32 $0x33, v2;
	_ =	sdelay $0x3  }
0x2d0: {  	[tilespmem:s24+$0x10500] =	vst v3  }
0x2d1: {  	v3 =	vld.idx.msk [tilespmem:v4+s17+$0x0], $0xffff;
	_ =	sdelay $0x1  }
0x2d2: {  	v4 =	vor.u32 $0x34, v2;
	_ =	sdelay $0x3  }
0x2d3: {  	[tilespmem:s24+$0x10580] =	vst v3  }
0x2d4: {  	v3 =	vld.idx.msk [tilespmem:v4+s17+$0x0], $0xffff;
	_ =	sdelay $0x1  }
0x2d5: {  	v4 =	vor.u32 $0x35, v2;
	_ =	sdelay $0x3  }
0x2d6: {  	[tilespmem:s24+$0x10600] =	vst v3  }
0x2d7: {  	v3 =	vld.idx.msk [tilespmem:v4+s17+$0x0], $0xffff;
	_ =	sdelay $0x1  }
0x2d8: {  	v4 =	vor.u32 $0x36, v2;
	_ =	sdelay $0x3  }
0x2d9: {  	[tilespmem:s24+$0x10680] =	vst v3  }
0x2da: {  	v3 =	vld.idx.msk [tilespmem:v4+s17+$0x0], $0xffff;
	_ =	sdelay $0x1  }
0x2db: {  	v4 =	vor.u32 $0x37, v2;
	_ =	sdelay $0x3  }
0x2dc: {  	[tilespmem:s24+$0x10700] =	vst v3  }
0x2dd: {  	v3 =	vld.idx.msk [tilespmem:v4+s17+$0x0], $0xffff;
	_ =	sdelay $0x1  }
0x2de: {  	v4 =	vor.u32 $0x38, v2;
	_ =	sdelay $0x3  }
0x2df: {  	[tilespmem:s24+$0x10780] =	vst v3  }
0x2e0: {  	v3 =	vld.idx.msk [tilespmem:v4+s17+$0x0], $0xffff;
	_ =	sdelay $0x1  }
0x2e1: {  	v4 =	vor.u32 $0x39, v2;
	_ =	sdelay $0x3  }
0x2e2: {  	[tilespmem:s24+$0x11400] =	vst v3  }
0x2e3: {  	v3 =	vld.idx.msk [tilespmem:v4+s17+$0x0], $0xffff;
	_ =	sdelay $0x1  }
0x2e4: {  	v4 =	vor.u32 $0x3A, v2;
	_ =	sdelay $0x3  }
0x2e5: {  	[tilespmem:s24+$0x11480] =	vst v3  }
0x2e6: {  	v3 =	vld.idx.msk [tilespmem:v4+s17+$0x0], $0xffff;
	_ =	sdelay $0x1  }
0x2e7: {  	v4 =	vor.u32 $0x3B, v2;
	_ =	sdelay $0x3  }
0x2e8: {  	[tilespmem:s24+$0x11500] =	vst v3  }
0x2e9: {  	v3 =	vld.idx.msk [tilespmem:v4+s17+$0x0], $0xffff;
	_ =	sdelay $0x1  }
0x2ea: {  	v4 =	vor.u32 $0x3C, v2;
	_ =	sdelay $0x3  }
0x2eb: {  	[tilespmem:s24+$0x11580] =	vst v3  }
0x2ec: {  	v3 =	vld.idx.msk [tilespmem:v4+s17+$0x0], $0xffff;
	_ =	sdelay $0x1  }
0x2ed: {  	v4 =	vor.u32 $0x3D, v2;
	_ =	sdelay $0x3  }
0x2ee: {  	[tilespmem:s24+$0x11600] =	vst v3  }
0x2ef: {  	v3 =	vld.idx.msk [tilespmem:v4+s17+$0x0], $0xffff;
	_ =	sdelay $0x1  }
0x2f0: {  	v4 =	vor.u32 $0x3E, v2;
	_ =	sdelay $0x3  }
0x2f1: {  	[tilespmem:s24+$0x11680] =	vst v3  }
0x2f2: {  	v3 =	vld.idx.msk [tilespmem:v4+s17+$0x0], $0xffff;
	_ =	sdelay $0x1  }
0x2f3: {  	v4 =	vor.u32 $0x3F, v2  }
.Ltmp3:
0x2f4: {  	(pc) =	sbr.rel @p0 .LBB2_8-.Ltmp3, $3  }
0x2f5: {  	_ =	sdelay $0x1  }
0x2f6: {  	[tilespmem:s24+$0x11700] =	vst v3  }
0x2f7: {  	s28 =	sadd.s32 $0x10, s28;
	v2 =	vmov s25;
	v3 =	vld.idx.msk [tilespmem:v4+s17+$0x0], $0xffff  }
0x2f8: {  	v2 =	vshll.u32 v2, $0x7  }
0x2f9: {  	v2 =	vor.u32 v1, v2;
	_ =	sdelay $0x3  }
0x2fa: {  	[tilespmem:s24+$0x11780] =	vst v3  }
0x2fb: {  	v3 =	vld.idx.msk [tilespmem:v2+s17+$0x0], $0xffff  }
0x2fc: {  	v4 =	vor.u32 $0x1, v2  }
0x2fd: {  	s0 =	sadd.s32 $0x80, s26  }
0x2fe: {  	s1 =	sand.u32 $0x70, s25;
	s2 =	sand.u32 $0x400, s0  }
0x2ff: {  	s30 =	sor.u32 s1, s2  }
0x300: {  	[tilespmem:s30+$0xA400] =	vst v3  }
0x301: {  	v3 =	vld.idx.msk [tilespmem:v4+s17+$0x0], $0xffff  }
0x302: {  	v59 =	vor.u32 $0x2, v2;
	_ =	sdelay $0x3  }
0x303: {  	[tilespmem:s30+$0xA480] =	vst v3  }
0x304: {  	v3 =	vld.idx.msk [tilespmem:v59+s17+$0x0], $0xffff  }
0x305: {  	v60 =	vor.u32 $0x3, v2;
	_ =	sdelay $0x3  }
0x306: {  	[tilespmem:s30+$0xA500] =	vst v3  }
0x307: {  	v3 =	vld.idx.msk [tilespmem:v60+s17+$0x0], $0xffff  }
0x308: {  	v61 =	vor.u32 $0x4, v2;
	_ =	sdelay $0x3  }
0x309: {  	[tilespmem:s30+$0xA580] =	vst v3  }
0x30a: {  	v3 =	vld.idx.msk [tilespmem:v61+s17+$0x0], $0xffff  }
0x30b: {  	v62 =	vor.u32 $0x5, v2;
	_ =	sdelay $0x3  }
0x30c: {  	[tilespmem:s30+$0xA600] =	vst v3  }
0x30d: {  	v3 =	vld.idx.msk [tilespmem:v62+s17+$0x0], $0xffff  }
0x30e: {  	v63 =	vor.u32 $0x6, v2;
	_ =	sdelay $0x3  }
0x30f: {  	[tilespmem:s30+$0xA680] =	vst v3  }
0x310: {  	v3 =	vld.idx.msk [tilespmem:v63+s17+$0x0], $0xffff  }
0x311: {  	v8 =	vor.u32 $0x7, v2;
	_ =	sdelay $0x3  }
0x312: {  	[tilespmem:s30+$0xA700] =	vst v3  }
0x313: {  	v3 =	vld.idx.msk [tilespmem:v8+s17+$0x0], $0xffff  }
0x314: {  	v9 =	vor.u32 $0x8, v2;
	_ =	sdelay $0x1  }
0x315: {  	s0 =	sor.u32 s0, s25  }
0x316: {  	s0 =	sor.u32 $0x380, s0  }
0x317: {  	[tilespmem:s0+$0xA400] =	vst v3  }
0x318: {  	v3 =	vld.idx.msk [tilespmem:v9+s17+$0x0], $0xffff  }
0x319: {  	v10 =	vor.u32 $0x9, v2;
	_ =	sdelay $0x3  }
0x31a: {  	[tilespmem:s30+$0xB400] =	vst v3  }
0x31b: {  	v3 =	vld.idx.msk [tilespmem:v10+s17+$0x0], $0xffff  }
0x31c: {  	v11 =	vor.u32 $0xA, v2;
	_ =	sdelay $0x3  }
0x31d: {  	[tilespmem:s30+$0xB480] =	vst v3  }
0x31e: {  	v3 =	vld.idx.msk [tilespmem:v11+s17+$0x0], $0xffff  }
0x31f: {  	v12 =	vor.u32 $0xB, v2;
	_ =	sdelay $0x3  }
0x320: {  	[tilespmem:s30+$0xB500] =	vst v3  }
0x321: {  	v3 =	vld.idx.msk [tilespmem:v12+s17+$0x0], $0xffff  }
0x322: {  	v13 =	vor.u32 $0xC, v2;
	_ =	sdelay $0x3  }
0x323: {  	[tilespmem:s30+$0xB580] =	vst v3  }
0x324: {  	v3 =	vld.idx.msk [tilespmem:v13+s17+$0x0], $0xffff  }
0x325: {  	v14 =	vor.u32 $0xD, v2;
	_ =	sdelay $0x3  }
0x326: {  	[tilespmem:s30+$0xB600] =	vst v3  }
0x327: {  	v3 =	vld.idx.msk [tilespmem:v14+s17+$0x0], $0xffff  }
0x328: {  	v15 =	vor.u32 $0xE, v2;
	_ =	sdelay $0x3  }
0x329: {  	[tilespmem:s30+$0xB680] =	vst v3  }
0x32a: {  	v3 =	vld.idx.msk [tilespmem:v15+s17+$0x0], $0xffff  }
0x32b: {  	v16 =	vor.u32 $0xF, v2;
	_ =	sdelay $0x3  }
0x32c: {  	[tilespmem:s30+$0xB700] =	vst v3  }
0x32d: {  	v3 =	vld.idx.msk [tilespmem:v16+s17+$0x0], $0xffff  }
0x32e: {  	v17 =	vor.u32 $0x10, v2;
	_ =	sdelay $0x3  }
0x32f: {  	[tilespmem:s30+$0xB780] =	vst v3  }
0x330: {  	v3 =	vld.idx.msk [tilespmem:v17+s17+$0x0], $0xffff  }
0x331: {  	v18 =	vor.u32 $0x11, v2;
	_ =	sdelay $0x3  }
0x332: {  	[tilespmem:s30+$0xC400] =	vst v3  }
0x333: {  	v3 =	vld.idx.msk [tilespmem:v18+s17+$0x0], $0xffff  }
0x334: {  	v19 =	vor.u32 $0x12, v2;
	_ =	sdelay $0x3  }
0x335: {  	[tilespmem:s30+$0xC480] =	vst v3  }
0x336: {  	v3 =	vld.idx.msk [tilespmem:v19+s17+$0x0], $0xffff  }
0x337: {  	v20 =	vor.u32 $0x13, v2;
	_ =	sdelay $0x3  }
0x338: {  	[tilespmem:s30+$0xC500] =	vst v3  }
0x339: {  	v3 =	vld.idx.msk [tilespmem:v20+s17+$0x0], $0xffff  }
0x33a: {  	v21 =	vor.u32 $0x14, v2;
	_ =	sdelay $0x3  }
0x33b: {  	[tilespmem:s30+$0xC580] =	vst v3  }
0x33c: {  	v3 =	vld.idx.msk [tilespmem:v21+s17+$0x0], $0xffff  }
0x33d: {  	v22 =	vor.u32 $0x15, v2;
	_ =	sdelay $0x3  }
0x33e: {  	[tilespmem:s30+$0xC600] =	vst v3  }
0x33f: {  	v3 =	vld.idx.msk [tilespmem:v22+s17+$0x0], $0xffff  }
0x340: {  	v23 =	vor.u32 $0x16, v2;
	_ =	sdelay $0x3  }
0x341: {  	[tilespmem:s30+$0xC680] =	vst v3  }
0x342: {  	v3 =	vld.idx.msk [tilespmem:v23+s17+$0x0], $0xffff  }
0x343: {  	v24 =	vor.u32 $0x17, v2;
	_ =	sdelay $0x3  }
0x344: {  	[tilespmem:s30+$0xC700] =	vst v3  }
0x345: {  	v3 =	vld.idx.msk [tilespmem:v24+s17+$0x0], $0xffff  }
0x346: {  	v25 =	vor.u32 $0x18, v2;
	_ =	sdelay $0x3  }
0x347: {  	[tilespmem:s30+$0xC780] =	vst v3  }
0x348: {  	v3 =	vld.idx.msk [tilespmem:v25+s17+$0x0], $0xffff  }
0x349: {  	v26 =	vor.u32 $0x19, v2;
	_ =	sdelay $0x3  }
0x34a: {  	[tilespmem:s30+$0xD400] =	vst v3  }
0x34b: {  	v3 =	vld.idx.msk [tilespmem:v26+s17+$0x0], $0xffff  }
0x34c: {  	v27 =	vor.u32 $0x1A, v2;
	_ =	sdelay $0x3  }
0x34d: {  	[tilespmem:s30+$0xD480] =	vst v3  }
0x34e: {  	v3 =	vld.idx.msk [tilespmem:v27+s17+$0x0], $0xffff  }
0x34f: {  	v28 =	vor.u32 $0x1B, v2;
	_ =	sdelay $0x3  }
0x350: {  	[tilespmem:s30+$0xD500] =	vst v3  }
0x351: {  	v3 =	vld.idx.msk [tilespmem:v28+s17+$0x0], $0xffff  }
0x352: {  	v29 =	vor.u32 $0x1C, v2;
	_ =	sdelay $0x3  }
0x353: {  	[tilespmem:s30+$0xD580] =	vst v3  }
0x354: {  	v3 =	vld.idx.msk [tilespmem:v29+s17+$0x0], $0xffff  }
0x355: {  	v30 =	vor.u32 $0x1D, v2;
	_ =	sdelay $0x3  }
0x356: {  	[tilespmem:s30+$0xD600] =	vst v3  }
0x357: {  	v3 =	vld.idx.msk [tilespmem:v30+s17+$0x0], $0xffff  }
0x358: {  	v31 =	vor.u32 $0x1E, v2;
	_ =	sdelay $0x3  }
0x359: {  	[tilespmem:s30+$0xD680] =	vst v3  }
0x35a: {  	v3 =	vld.idx.msk [tilespmem:v31+s17+$0x0], $0xffff  }
0x35b: {  	v32 =	vor.u32 $0x1F, v2;
	_ =	sdelay $0x3  }
0x35c: {  	[tilespmem:s30+$0xD700] =	vst v3  }
0x35d: {  	v3 =	vld.idx.msk [tilespmem:v32+s17+$0x0], $0xffff  }
0x35e: {  	v33 =	vor.u32 $0x20, v2;
	_ =	sdelay $0x3  }
0x35f: {  	[tilespmem:s30+$0xD780] =	vst v3  }
0x360: {  	v3 =	vld.idx.msk [tilespmem:v33+s17+$0x0], $0xffff  }
0x361: {  	v34 =	vor.u32 $0x21, v2;
	_ =	sdelay $0x3  }
0x362: {  	[tilespmem:s30+$0xE400] =	vst v3  }
0x363: {  	v3 =	vld.idx.msk [tilespmem:v34+s17+$0x0], $0xffff  }
0x364: {  	v35 =	vor.u32 $0x22, v2;
	_ =	sdelay $0x3  }
0x365: {  	[tilespmem:s30+$0xE480] =	vst v3  }
0x366: {  	v3 =	vld.idx.msk [tilespmem:v35+s17+$0x0], $0xffff  }
0x367: {  	v36 =	vor.u32 $0x23, v2;
	_ =	sdelay $0x3  }
0x368: {  	[tilespmem:s30+$0xE500] =	vst v3  }
0x369: {  	v3 =	vld.idx.msk [tilespmem:v36+s17+$0x0], $0xffff  }
0x36a: {  	v37 =	vor.u32 $0x24, v2;
	_ =	sdelay $0x3  }
0x36b: {  	[tilespmem:s30+$0xE580] =	vst v3  }
0x36c: {  	v3 =	vld.idx.msk [tilespmem:v37+s17+$0x0], $0xffff  }
0x36d: {  	v38 =	vor.u32 $0x25, v2;
	_ =	sdelay $0x3  }
0x36e: {  	[tilespmem:s30+$0xE600] =	vst v3  }
0x36f: {  	v3 =	vld.idx.msk [tilespmem:v38+s17+$0x0], $0xffff  }
0x370: {  	v39 =	vor.u32 $0x26, v2;
	_ =	sdelay $0x3  }
0x371: {  	[tilespmem:s30+$0xE680] =	vst v3  }
0x372: {  	v3 =	vld.idx.msk [tilespmem:v39+s17+$0x0], $0xffff  }
0x373: {  	v40 =	vor.u32 $0x27, v2;
	_ =	sdelay $0x3  }
0x374: {  	[tilespmem:s30+$0xE700] =	vst v3  }
0x375: {  	v3 =	vld.idx.msk [tilespmem:v40+s17+$0x0], $0xffff  }
0x376: {  	v41 =	vor.u32 $0x28, v2;
	_ =	sdelay $0x3  }
0x377: {  	[tilespmem:s30+$0xE780] =	vst v3  }
0x378: {  	v3 =	vld.idx.msk [tilespmem:v41+s17+$0x0], $0xffff  }
0x379: {  	v42 =	vor.u32 $0x29, v2;
	_ =	sdelay $0x3  }
0x37a: {  	[tilespmem:s30+$0xF400] =	vst v3  }
0x37b: {  	v3 =	vld.idx.msk [tilespmem:v42+s17+$0x0], $0xffff  }
0x37c: {  	v43 =	vor.u32 $0x2A, v2;
	_ =	sdelay $0x3  }
0x37d: {  	[tilespmem:s30+$0xF480] =	vst v3  }
0x37e: {  	v3 =	vld.idx.msk [tilespmem:v43+s17+$0x0], $0xffff  }
0x37f: {  	v44 =	vor.u32 $0x2B, v2;
	_ =	sdelay $0x3  }
0x380: {  	[tilespmem:s30+$0xF500] =	vst v3  }
0x381: {  	v3 =	vld.idx.msk [tilespmem:v44+s17+$0x0], $0xffff  }
0x382: {  	v45 =	vor.u32 $0x2C, v2;
	_ =	sdelay $0x3  }
0x383: {  	[tilespmem:s30+$0xF580] =	vst v3  }
0x384: {  	v3 =	vld.idx.msk [tilespmem:v45+s17+$0x0], $0xffff  }
0x385: {  	v46 =	vor.u32 $0x2D, v2;
	_ =	sdelay $0x3  }
0x386: {  	[tilespmem:s30+$0xF600] =	vst v3  }
0x387: {  	v3 =	vld.idx.msk [tilespmem:v46+s17+$0x0], $0xffff  }
0x388: {  	v47 =	vor.u32 $0x2E, v2;
	_ =	sdelay $0x3  }
0x389: {  	[tilespmem:s30+$0xF680] =	vst v3  }
0x38a: {  	v3 =	vld.idx.msk [tilespmem:v47+s17+$0x0], $0xffff  }
0x38b: {  	v48 =	vor.u32 $0x2F, v2;
	_ =	sdelay $0x3  }
0x38c: {  	[tilespmem:s30+$0xF700] =	vst v3  }
0x38d: {  	v3 =	vld.idx.msk [tilespmem:v48+s17+$0x0], $0xffff  }
0x38e: {  	v49 =	vor.u32 $0x30, v2;
	_ =	sdelay $0x3  }
0x38f: {  	[tilespmem:s30+$0xF780] =	vst v3  }
0x390: {  	v3 =	vld.idx.msk [tilespmem:v49+s17+$0x0], $0xffff  }
0x391: {  	v50 =	vor.u32 $0x31, v2;
	_ =	sdelay $0x3  }
0x392: {  	[tilespmem:s30+$0x10400] =	vst v3  }
0x393: {  	v3 =	vld.idx.msk [tilespmem:v50+s17+$0x0], $0xffff  }
0x394: {  	v51 =	vor.u32 $0x32, v2;
	_ =	sdelay $0x3  }
0x395: {  	[tilespmem:s30+$0x10480] =	vst v3  }
0x396: {  	v3 =	vld.idx.msk [tilespmem:v51+s17+$0x0], $0xffff  }
0x397: {  	v52 =	vor.u32 $0x33, v2;
	_ =	sdelay $0x3  }
0x398: {  	[tilespmem:s30+$0x10500] =	vst v3  }
0x399: {  	v3 =	vld.idx.msk [tilespmem:v52+s17+$0x0], $0xffff  }
0x39a: {  	v53 =	vor.u32 $0x34, v2;
	_ =	sdelay $0x3  }
0x39b: {  	[tilespmem:s30+$0x10580] =	vst v3  }
0x39c: {  	v3 =	vld.idx.msk [tilespmem:v53+s17+$0x0], $0xffff  }
0x39d: {  	v54 =	vor.u32 $0x35, v2;
	_ =	sdelay $0x3  }
0x39e: {  	[tilespmem:s30+$0x10600] =	vst v3  }
0x39f: {  	v3 =	vld.idx.msk [tilespmem:v54+s17+$0x0], $0xffff  }
0x3a0: {  	v55 =	vor.u32 $0x36, v2;
	_ =	sdelay $0x3  }
0x3a1: {  	[tilespmem:s30+$0x10680] =	vst v3  }
0x3a2: {  	v3 =	vld.idx.msk [tilespmem:v55+s17+$0x0], $0xffff  }
0x3a3: {  	v56 =	vor.u32 $0x37, v2;
	_ =	sdelay $0x3  }
0x3a4: {  	[tilespmem:s30+$0x10700] =	vst v3  }
0x3a5: {  	v3 =	vld.idx.msk [tilespmem:v56+s17+$0x0], $0xffff  }
0x3a6: {  	v57 =	vor.u32 $0x38, v2;
	_ =	sdelay $0x3  }
0x3a7: {  	[tilespmem:s30+$0x10780] =	vst v3  }
0x3a8: {  	v3 =	vld.idx.msk [tilespmem:v57+s17+$0x0], $0xffff  }
0x3a9: {  	v58 =	vor.u32 $0x39, v2;
	_ =	sdelay $0x3  }
0x3aa: {  	[tilespmem:s30+$0x11400] =	vst v3  }
0x3ab: {  	v3 =	vld.idx.msk [tilespmem:v58+s17+$0x0], $0xffff  }
0x3ac: {  	v59 =	vor.u32 $0x3A, v2;
	_ =	sdelay $0x3  }
0x3ad: {  	[tilespmem:s30+$0x11480] =	vst v3  }
0x3ae: {  	v3 =	vld.idx.msk [tilespmem:v59+s17+$0x0], $0xffff  }
0x3af: {  	v60 =	vor.u32 $0x3B, v2;
	_ =	sdelay $0x3  }
0x3b0: {  	[tilespmem:s30+$0x11500] =	vst v3  }
0x3b1: {  	v3 =	vld.idx.msk [tilespmem:v60+s17+$0x0], $0xffff  }
0x3b2: {  	v61 =	vor.u32 $0x3C, v2;
	_ =	sdelay $0x3  }
0x3b3: {  	[tilespmem:s30+$0x11580] =	vst v3  }
0x3b4: {  	v3 =	vld.idx.msk [tilespmem:v61+s17+$0x0], $0xffff  }
0x3b5: {  	v62 =	vor.u32 $0x3D, v2;
	_ =	sdelay $0x3  }
0x3b6: {  	[tilespmem:s30+$0x11600] =	vst v3  }
0x3b7: {  	v3 =	vld.idx.msk [tilespmem:v62+s17+$0x0], $0xffff  }
0x3b8: {  	v63 =	vor.u32 $0x3E, v2;
	_ =	sdelay $0x3  }
0x3b9: {  	[tilespmem:s30+$0x11680] =	vst v3  }
0x3ba: {  	v3 =	vld.idx.msk [tilespmem:v63+s17+$0x0], $0xffff  }
0x3bb: {  	v2 =	vor.u32 $0x3F, v2;
	_ =	sdelay $0x3  }
0x3bc: {  	[tilespmem:s30+$0x11700] =	vst v3  }
0x3bd: {  	v2 =	vld.idx.msk [tilespmem:v2+s17+$0x0], $0xffff;
	_ =	sdelay $0x4  }
0x3be: {  	s31 =	sand.u32 $0xF0, s22;
	[tilespmem:s30+$0x11780] =	vst v2  }
0x3bf: {  	v2 =	vld [tilespmem:s31+$0x100];
	_ =	sdelay $0x4  }
0x3c0: {  	v2 =	vshll.u32 v2, $0x4  }
0x3c1: {  	(v2sf) =	vpush v2, $0x0  }
0x3c2: {  	(v2sf) =	vpush v2, $0x2  }
0x3c3: {  	(v2sf) =	vpush v2, $0x1;
	_ =	sdelay $0x1  }
0x3c4: {  	(v2sf) =	vpush v2, $0x3  }
0x3c5: {  	(v2sf) =	vpush v2, $0x4;
	_ =	sdelay $0x2  }
0x3c6: {  	s24 =	simm.s32 $0x2000  }
.LBB2_10:
0x3c7: {  	p0 =	sne.s32 s24, $0x1E000;
	(v2sf) =	vpush v2, $0x5;
	s0 =	smov.u32 s24;
	s24 =	sadd.s32 $0x2000, s24  }
0x3c8: {  	s25 =	sshra.s32 s22, $0x2;
	s22 =	smov.u32 s0  }
0x3c9: {  	s2 =	sadd.s32 $0x2480, s25;
	(v2sf) =	vpush v2, $0x6  }
0x3ca: {  	s6 =	sadd.s32 $0x2400, s25  }
0x3cb: {  	s29 =	sadd.s32 $0x2980, s25;
	s28 =	sadd.s32 $0x2A00, s25;
	s26 =	sadd.s32 $0x2A80, s25;
	(v2sf) =	vpush v2, $0x7  }
0x3cc: {  	s3 =	sadd.s32 $0x2800, s25;
	s0 =	sadd.s32 $0x2880, s25;
	s30 =	sadd.s32 $0x2900, s25  }
0x3cd: {  	s7 =	sadd.s32 $0x2700, s25;
	s1 =	sadd.s32 $0x2780, s25;
	s12 =	spop (v2sf);
	(v2sf) =	vpush v2, $0x8  }
0x3ce: {  	s13 =	sadd.s32 $0x2500, s25;
	s12 =	sand.u32 $0x1FFFFFF0, s12;
	s14 =	spop (v2sf)  }
0x3cf: {  	s18 =	sadd.s32 $0x2680, s25;
	s12 =	sadd.s32 s5, s12;
	s19 =	spop (v2sf);
	(v2sf) =	vpush v2, $0x9  }
0x3d0: {  	[tilespmem:s6], [sflag:$0x1] =	stream.linear.gather [hbm4b:s12+s4], $0x80, $0x38;
	[tilespmem:$0x1BD00] =	vst v63  }
0x3d1: {  	s6 =	sand.u32 $0x1FFFFFF0, s19;
	s12 =	sand.u32 $0x1FFFFFF0, s14;
	s14 =	spop (v2sf);
	(v2sf) =	vpush v2, $0xA  }
0x3d2: {  	s19 =	sadd.s32 $0x2600, s25;
	s6 =	sadd.s32 s5, s6;
	s20 =	spop (v2sf)  }
0x3d3: {  	[tilespmem:s2], [sflag:$0x1] =	stream.linear.gather [hbm4b:s6+s4], $0x80, $0x38;
	(v2sf) =	vpush v2, $0xB;
	[tilespmem:$0x1BD00] =	vst v63  }
0x3d4: {  	s2 =	sadd.s32 s5, s12;
	s6 =	sand.u32 $0x1FFFFFF0, s14;
	s12 =	sand.u32 $0x1FFFFFF0, s20  }
0x3d5: {  	[tilespmem:s13], [sflag:$0x1] =	stream.linear.gather [hbm4b:s2+s4], $0x80, $0x38;
	(v2sf) =	vpush v2, $0xC;
	[tilespmem:$0x1BD00] =	vst v63  }
0x3d6: {  	s6 =	sadd.s32 s5, s6;
	s2 =	sadd.s32 $0x2580, s25;
	s13 =	spop (v2sf)  }
0x3d7: {  	[tilespmem:s2], [sflag:$0x1] =	stream.linear.gather [hbm4b:s6+s4], $0x80, $0x38;
	(v2sf) =	vpush v2, $0xD;
	[tilespmem:$0x1BD00] =	vst v63  }
0x3d8: {  	s2 =	sadd.s32 s5, s12;
	s6 =	sand.u32 $0x1FFFFFF0, s13;
	s12 =	spop (v2sf)  }
0x3d9: {  	[tilespmem:s19], [sflag:$0x1] =	stream.linear.gather [hbm4b:s2+s4], $0x80, $0x38;
	(v2sf) =	vpush v2, $0xE;
	[tilespmem:$0x1BD00] =	vst v63  }
0x3da: {  	s2 =	sadd.s32 s5, s6;
	s6 =	sand.u32 $0x1FFFFFF0, s12;
	s12 =	spop (v2sf)  }
0x3db: {  	[tilespmem:s18], [sflag:$0x1] =	stream.linear.gather [hbm4b:s2+s4], $0x80, $0x38;
	(v2sf) =	vpush v2, $0xF;
	[tilespmem:$0x1BD00] =	vst v63  }
0x3dc: {  	s2 =	sadd.s32 s5, s6;
	s6 =	sand.u32 $0x1FFFFFF0, s12;
	s12 =	spop (v2sf)  }
0x3dd: {  	[tilespmem:s7], [sflag:$0x1] =	stream.linear.gather [hbm4b:s2+s4], $0x80, $0x38;
	[tilespmem:$0x1BD00] =	vst v63  }
0x3de: {  	s2 =	sadd.s32 s5, s6;
	s6 =	sand.u32 $0x1FFFFFF0, s12;
	s7 =	spop (v2sf)  }
0x3df: {  	[tilespmem:s1], [sflag:$0x1] =	stream.linear.gather [hbm4b:s2+s4], $0x80, $0x38;
	[tilespmem:$0x1BD00] =	vst v63  }
0x3e0: {  	s1 =	sadd.s32 s5, s6;
	s2 =	sand.u32 $0x1FFFFFF0, s7;
	s6 =	spop (v2sf)  }
0x3e1: {  	[tilespmem:s3], [sflag:$0x1] =	stream.linear.gather [hbm4b:s1+s4], $0x80, $0x38;
	[tilespmem:$0x1BD00] =	vst v63  }
0x3e2: {  	s1 =	sadd.s32 s5, s2;
	s2 =	sand.u32 $0x1FFFFFF0, s6;
	s3 =	spop (v2sf)  }
0x3e3: {  	[tilespmem:s0], [sflag:$0x1] =	stream.linear.gather [hbm4b:s1+s4], $0x80, $0x38;
	[tilespmem:$0x1BD00] =	vst v63  }
0x3e4: {  	s0 =	sadd.s32 s5, s2;
	s1 =	sand.u32 $0x1FFFFFF0, s3;
	s2 =	spop (v2sf)  }
0x3e5: {  	[tilespmem:s30], [sflag:$0x1] =	stream.linear.gather [hbm4b:s0+s4], $0x80, $0x38;
	[tilespmem:$0x1BD00] =	vst v63  }
0x3e6: {  	s0 =	sadd.s32 s5, s1;
	s1 =	sand.u32 $0x1FFFFFF0, s2;
	s2 =	spop (v2sf)  }
0x3e7: {  	[tilespmem:s29], [sflag:$0x1] =	stream.linear.gather [hbm4b:s0+s4], $0x80, $0x38;
	[tilespmem:$0x1BD00] =	vst v63  }
0x3e8: {  	s0 =	sadd.s32 s5, s1;
	s1 =	sand.u32 $0x1FFFFFF0, s2;
	s2 =	spop (v2sf)  }
0x3e9: {  	[tilespmem:s28], [sflag:$0x1] =	stream.linear.gather [hbm4b:s0+s4], $0x80, $0x38;
	[tilespmem:$0x1BD00] =	vst v63  }
0x3ea: {  	s0 =	sadd.s32 s5, s1;
	s1 =	sand.u32 $0x1FFFFFF0, s2;
	s2 =	spop (v2sf)  }
0x3eb: {  	[tilespmem:s26], [sflag:$0x1] =	stream.linear.gather [hbm4b:s0+s4], $0x80, $0x38;
	[tilespmem:$0x1BD00] =	vst v63  }
0x3ec: {  	s1 =	sadd.s32 s5, s1;
	s0 =	sadd.s32 $0x2B00, s25;
	s2 =	sand.u32 $0x1FFFFFF0, s2  }
0x3ed: {  	[tilespmem:s0], [sflag:$0x1] =	stream.linear.gather [hbm4b:s1+s4], $0x80, $0x38;
	[tilespmem:$0x1BD00] =	vst v63  }
0x3ee: {  	s2 =	sadd.s32 s5, s2;
	s0 =	sand.u32 $0xF0, s23;
	s1 =	sadd.s32 $0x2B80, s25  }
0x3ef: {  	[tilespmem:s1], [sflag:$0x1] =	stream.linear.gather [hbm4b:s2+s4], $0x80, $0x38;
	[tilespmem:$0x1BD00] =	vst v63  }
0x3f0: {  	v2 =	vld [tilespmem:s0+$0x100];
	_ =	sdelay $0x4  }
0x3f1: {  	v2 =	vshll.u32 v2, $0x4  }
0x3f2: {  	(v2sf) =	vpush v2, $0x0  }
0x3f3: {  	(v2sf) =	vpush v2, $0x2  }
0x3f4: {  	(v2sf) =	vpush v2, $0x1;
	_ =	sdelay $0x1  }
.Ltmp4:
0x3f5: {  	(v2sf) =	vpush v2, $0x3;
	(pc) =	sbr.rel @p0 .LBB2_10-.Ltmp4, $2  }
0x3f6: {  	(v2sf) =	vpush v2, $0x4;
	_ =	sdelay $0x2  }
0x3f7: {  	s23 =	sadd.s32 $0x10, s23  }
0x3f8: {  	(v2sf) =	vpush v2, $0x5;
	_ =	sdelay $0x1  }
0x3f9: {  	(v2sf) =	vpush v2, $0x6  }
0x3fa: {  	s23 =	sshra.s32 s22, $0x2  }
0x3fb: {  	s1 =	sadd.s32 $0x2480, s23;
	s2 =	sadd.s32 $0x2400, s23;
	s0 =	sadd.s32 $0x2980, s23;
	(v2sf) =	vpush v2, $0x7  }
0x3fc: {  	s3 =	sadd.s32 $0x2800, s23;
	s6 =	sadd.s32 $0x2880, s23;
	s7 =	sadd.s32 $0x2900, s23  }
0x3fd: {  	s12 =	sadd.s32 $0x2700, s23;
	s13 =	sadd.s32 $0x2780, s23;
	s14 =	spop (v2sf);
	(v2sf) =	vpush v2, $0x8  }
0x3fe: {  	s18 =	sadd.s32 $0x2500, s23;
	s14 =	sand.u32 $0x1FFFFFF0, s14;
	s19 =	spop (v2sf)  }
0x3ff: {  	s20 =	sadd.s32 $0x2680, s23;
	s14 =	sadd.s32 s5, s14;
	s24 =	spop (v2sf);
	(v2sf) =	vpush v2, $0x9  }
0x400: {  	[tilespmem:s2], [sflag:$0x1] =	stream.linear.gather [hbm4b:s14+s4], $0x80, $0x38;
	[tilespmem:$0x1BD00] =	vst v63  }
0x401: {  	s22 =	sadd.s32 $0x2600, s23;
	s25 =	sand.u32 $0x1FFFFFF0, s24;
	s28 =	spop (v2sf);
	(v2sf) =	vpush v2, $0xA  }
0x402: {  	s26 =	sand.u32 $0x1FFFFFF0, s19;
	s2 =	sadd.s32 s5, s25;
	s24 =	spop (v2sf)  }
0x403: {  	[tilespmem:s1], [sflag:$0x1] =	stream.linear.gather [hbm4b:s2+s4], $0x80, $0x38;
	(v2sf) =	vpush v2, $0xB;
	[tilespmem:$0x1BD00] =	vst v63  }
0x404: {  	s19 =	sadd.s32 $0x2580, s23;
	s29 =	sadd.s32 s5, s26;
	s30 =	sand.u32 $0x1FFFFFF0, s28  }
0x405: {  	(v2sf) =	vpush v2, $0xC;
	[tilespmem:s18], [sflag:$0x1] =	stream.linear.gather [hbm4b:s29+s4], $0x80, $0x38;
	[tilespmem:$0x1BD00] =	vst v63  }
0x406: {  	s31 =	sand.u32 $0x1FFFFFF0, s24;
	s2 =	sadd.s32 s5, s30;
	s24 =	spop (v2sf)  }
0x407: {  	[tilespmem:s19], [sflag:$0x1] =	stream.linear.gather [hbm4b:s2+s4], $0x80, $0x38;
	(v2sf) =	vpush v2, $0xD;
	[tilespmem:$0x1BD00] =	vst v63  }
0x408: {  	s25 =	sadd.s32 s5, s31;
	s26 =	sand.u32 $0x1FFFFFF0, s24;
	s28 =	spop (v2sf)  }
0x409: {  	[tilespmem:s22], [sflag:$0x1] =	stream.linear.gather [hbm4b:s25+s4], $0x80, $0x38;
	[tilespmem:$0x1BD00] =	vst v63  }
0x40a: {  	s29 =	sadd.s32 s5, s26;
	s30 =	sand.u32 $0x1FFFFFF0, s28;
	s31 =	spop (v2sf)  }
0x40b: {  	(v2sf) =	vpush v2, $0xE;
	[tilespmem:s20], [sflag:$0x1] =	stream.linear.gather [hbm4b:s29+s4], $0x80, $0x38;
	[tilespmem:$0x1BD00] =	vst v63  }
0x40c: {  	s2 =	sadd.s32 s5, s30;
	s18 =	sand.u32 $0x1FFFFFF0, s31;
	s19 =	spop (v2sf)  }
0x40d: {  	(v2sf) =	vpush v2, $0xF;
	[tilespmem:s12], [sflag:$0x1] =	stream.linear.gather [hbm4b:s2+s4], $0x80, $0x38;
	[tilespmem:$0x1BD00] =	vst v63  }
0x40e: {  	s20 =	sadd.s32 s5, s18;
	s22 =	sand.u32 $0x1FFFFFF0, s19;
	s24 =	spop (v2sf)  }
0x40f: {  	[tilespmem:s13], [sflag:$0x1] =	stream.linear.gather [hbm4b:s20+s4], $0x80, $0x38;
	[tilespmem:$0x1BD00] =	vst v63  }
0x410: {  	s25 =	sadd.s32 s5, s22;
	s26 =	sand.u32 $0x1FFFFFF0, s24;
	s28 =	spop (v2sf)  }
0x411: {  	[tilespmem:s3], [sflag:$0x1] =	stream.linear.gather [hbm4b:s25+s4], $0x80, $0x38;
	[tilespmem:$0x1BD00] =	vst v63  }
0x412: {  	s29 =	sadd.s32 s5, s26;
	s30 =	sand.u32 $0x1FFFFFF0, s28;
	s31 =	spop (v2sf)  }
0x413: {  	[tilespmem:s6], [sflag:$0x1] =	stream.linear.gather [hbm4b:s29+s4], $0x80, $0x38;
	[tilespmem:$0x1BD00] =	vst v63  }
0x414: {  	s2 =	sadd.s32 s5, s30;
	s3 =	sand.u32 $0x1FFFFFF0, s31;
	s6 =	spop (v2sf)  }
0x415: {  	[tilespmem:s7], [sflag:$0x1] =	stream.linear.gather [hbm4b:s2+s4], $0x80, $0x38;
	[tilespmem:$0x1BD00] =	vst v63  }
0x416: {  	s12 =	sadd.s32 s5, s3;
	s13 =	sand.u32 $0x1FFFFFF0, s6;
	s14 =	spop (v2sf)  }
0x417: {  	[tilespmem:s0], [sflag:$0x1] =	stream.linear.gather [hbm4b:s12+s4], $0x80, $0x38;
	[tilespmem:$0x1BD00] =	vst v63  }
0x418: {  	s18 =	sadd.s32 $0x2A00, s23;
	s19 =	sadd.s32 s5, s13;
	s20 =	sand.u32 $0x1FFFFFF0, s14  }
0x419: {  	[tilespmem:s18], [sflag:$0x1] =	stream.linear.gather [hbm4b:s19+s4], $0x80, $0x38;
	[tilespmem:$0x1BD00] =	vst v63  }
0x41a: {  	s22 =	sadd.s32 $0x2A80, s23;
	s24 =	spop (v2sf);
	s2 =	sadd.s32 s5, s20  }
0x41b: {  	[tilespmem:s22], [sflag:$0x1] =	stream.linear.gather [hbm4b:s2+s4], $0x80, $0x38;
	[tilespmem:$0x1BD00] =	vst v63  }
0x41c: {  	s25 =	sand.u32 $0x1FFFFFF0, s24;
	s22 =	simm.s32 $0x0;
	s26 =	spop (v2sf)  }
0x41d: {  	s28 =	sadd.s32 $0x2B00, s23;
	s0 =	sadd.s32 s5, s25;
	v2 =	vmov s22;
	s1 =	sand.u32 $0x1FFFFFF0, s26  }
0x41e: {  	[tilespmem:s28], [sflag:$0x1] =	stream.linear.gather [hbm4b:s0+s4], $0x80, $0x38;
	v2 =	vshll.u32 v2, $0x7;
	[tilespmem:$0x1BD00] =	vst v63  }
0x41f: {  	s29 =	sadd.s32 $0x2B80, s23;
	s1 =	sadd.s32 s5, s1;
	v2 =	vor.u32 v1, v2  }
0x420: {  	[tilespmem:s29], [sflag:$0x1] =	stream.linear.gather [hbm4b:s1+s4], $0x80, $0x38;
	[tilespmem:$0x1BD00] =	vst v63  }
0x421: {  	_ =	swait.ge [sflag:s16], $0x8000  }
0x422: {  	[sflag:s16] =	ssyncset.done $0x0  }
0x423: {  	[sflag:s16] =	ssyncadd.s32 $0xFFFF8000  }
0x424: {  	v3 =	vld.idx.msk [tilespmem:v2+s17+$0x0], $0xffff  }
0x425: {  	v4 =	vor.u32 $0x1, v2;
	_ =	sdelay $0x1  }
0x426: {  	s30 =	sand.u32 $0x70, s22;
	s31 =	sand.u32 $0x400, s22  }
0x427: {  	s23 =	sor.u32 s30, s31  }
0x428: {  	[tilespmem:s23+$0xAC00] =	vst v3  }
0x429: {  	v3 =	vld.idx.msk [tilespmem:v4+s17+$0x0], $0xffff  }
0x42a: {  	v4 =	vor.u32 $0x2, v2;
	_ =	sdelay $0x3  }
0x42b: {  	[tilespmem:s23+$0xAC80] =	vst v3  }
0x42c: {  	v3 =	vld.idx.msk [tilespmem:v4+s17+$0x0], $0xffff  }
0x42d: {  	v4 =	vor.u32 $0x3, v2;
	_ =	sdelay $0x3  }
0x42e: {  	[tilespmem:s23+$0xAD00] =	vst v3  }
0x42f: {  	v3 =	vld.idx.msk [tilespmem:v4+s17+$0x0], $0xffff  }
0x430: {  	v4 =	vor.u32 $0x4, v2;
	_ =	sdelay $0x3  }
0x431: {  	[tilespmem:s23+$0xAD80] =	vst v3  }
0x432: {  	v3 =	vld.idx.msk [tilespmem:v4+s17+$0x0], $0xffff  }
0x433: {  	v4 =	vor.u32 $0x5, v2;
	_ =	sdelay $0x3  }
0x434: {  	[tilespmem:s23+$0xAE00] =	vst v3  }
0x435: {  	v3 =	vld.idx.msk [tilespmem:v4+s17+$0x0], $0xffff  }
0x436: {  	v4 =	vor.u32 $0x6, v2;
	_ =	sdelay $0x3  }
0x437: {  	[tilespmem:s23+$0xAE80] =	vst v3  }
0x438: {  	v3 =	vld.idx.msk [tilespmem:v4+s17+$0x0], $0xffff  }
0x439: {  	v4 =	vor.u32 $0x7, v2;
	_ =	sdelay $0x3  }
0x43a: {  	[tilespmem:s23+$0xAF00] =	vst v3  }
0x43b: {  	v3 =	vld.idx.msk [tilespmem:v4+s17+$0x0], $0xffff  }
0x43c: {  	v4 =	vor.u32 $0x8, v2;
	_ =	sdelay $0x3  }
0x43d: {  	[tilespmem:s23+$0xAF80] =	vst v3  }
0x43e: {  	v3 =	vld.idx.msk [tilespmem:v4+s17+$0x0], $0xffff  }
0x43f: {  	v4 =	vor.u32 $0x9, v2;
	_ =	sdelay $0x3  }
0x440: {  	[tilespmem:s23+$0xBC00] =	vst v3  }
0x441: {  	v3 =	vld.idx.msk [tilespmem:v4+s17+$0x0], $0xffff  }
0x442: {  	v4 =	vor.u32 $0xA, v2;
	_ =	sdelay $0x3  }
0x443: {  	[tilespmem:s23+$0xBC80] =	vst v3  }
0x444: {  	v3 =	vld.idx.msk [tilespmem:v4+s17+$0x0], $0xffff  }
0x445: {  	v4 =	vor.u32 $0xB, v2;
	_ =	sdelay $0x3  }
0x446: {  	[tilespmem:s23+$0xBD00] =	vst v3  }
0x447: {  	v3 =	vld.idx.msk [tilespmem:v4+s17+$0x0], $0xffff  }
0x448: {  	v4 =	vor.u32 $0xC, v2;
	_ =	sdelay $0x3  }
0x449: {  	[tilespmem:s23+$0xBD80] =	vst v3  }
0x44a: {  	v3 =	vld.idx.msk [tilespmem:v4+s17+$0x0], $0xffff  }
0x44b: {  	v4 =	vor.u32 $0xD, v2;
	_ =	sdelay $0x3  }
0x44c: {  	[tilespmem:s23+$0xBE00] =	vst v3  }
0x44d: {  	v3 =	vld.idx.msk [tilespmem:v4+s17+$0x0], $0xffff  }
0x44e: {  	v4 =	vor.u32 $0xE, v2;
	_ =	sdelay $0x3  }
0x44f: {  	[tilespmem:s23+$0xBE80] =	vst v3  }
0x450: {  	v3 =	vld.idx.msk [tilespmem:v4+s17+$0x0], $0xffff  }
0x451: {  	v4 =	vor.u32 $0xF, v2;
	_ =	sdelay $0x3  }
0x452: {  	[tilespmem:s23+$0xBF00] =	vst v3  }
0x453: {  	v3 =	vld.idx.msk [tilespmem:v4+s17+$0x0], $0xffff  }
0x454: {  	v4 =	vor.u32 $0x10, v2;
	_ =	sdelay $0x3  }
0x455: {  	[tilespmem:s23+$0xBF80] =	vst v3  }
0x456: {  	v3 =	vld.idx.msk [tilespmem:v4+s17+$0x0], $0xffff  }
0x457: {  	v4 =	vor.u32 $0x11, v2;
	_ =	sdelay $0x3  }
0x458: {  	[tilespmem:s23+$0xCC00] =	vst v3  }
0x459: {  	v3 =	vld.idx.msk [tilespmem:v4+s17+$0x0], $0xffff  }
0x45a: {  	v4 =	vor.u32 $0x12, v2;
	_ =	sdelay $0x3  }
0x45b: {  	[tilespmem:s23+$0xCC80] =	vst v3  }
0x45c: {  	v3 =	vld.idx.msk [tilespmem:v4+s17+$0x0], $0xffff  }
0x45d: {  	v4 =	vor.u32 $0x13, v2;
	_ =	sdelay $0x3  }
0x45e: {  	[tilespmem:s23+$0xCD00] =	vst v3  }
0x45f: {  	v3 =	vld.idx.msk [tilespmem:v4+s17+$0x0], $0xffff  }
0x460: {  	v4 =	vor.u32 $0x14, v2;
	_ =	sdelay $0x3  }
0x461: {  	[tilespmem:s23+$0xCD80] =	vst v3  }
0x462: {  	v3 =	vld.idx.msk [tilespmem:v4+s17+$0x0], $0xffff  }
0x463: {  	v4 =	vor.u32 $0x15, v2;
	_ =	sdelay $0x3  }
0x464: {  	[tilespmem:s23+$0xCE00] =	vst v3  }
0x465: {  	v3 =	vld.idx.msk [tilespmem:v4+s17+$0x0], $0xffff  }
0x466: {  	v4 =	vor.u32 $0x16, v2;
	_ =	sdelay $0x3  }
0x467: {  	[tilespmem:s23+$0xCE80] =	vst v3  }
0x468: {  	v3 =	vld.idx.msk [tilespmem:v4+s17+$0x0], $0xffff  }
0x469: {  	v4 =	vor.u32 $0x17, v2;
	_ =	sdelay $0x3  }
0x46a: {  	[tilespmem:s23+$0xCF00] =	vst v3  }
0x46b: {  	v3 =	vld.idx.msk [tilespmem:v4+s17+$0x0], $0xffff  }
0x46c: {  	v4 =	vor.u32 $0x18, v2;
	_ =	sdelay $0x3  }
0x46d: {  	[tilespmem:s23+$0xCF80] =	vst v3  }
0x46e: {  	v3 =	vld.idx.msk [tilespmem:v4+s17+$0x0], $0xffff  }
0x46f: {  	v4 =	vor.u32 $0x19, v2;
	_ =	sdelay $0x3  }
0x470: {  	[tilespmem:s23+$0xDC00] =	vst v3  }
0x471: {  	v3 =	vld.idx.msk [tilespmem:v4+s17+$0x0], $0xffff  }
0x472: {  	v4 =	vor.u32 $0x1A, v2;
	_ =	sdelay $0x3  }
0x473: {  	[tilespmem:s23+$0xDC80] =	vst v3  }
0x474: {  	v3 =	vld.idx.msk [tilespmem:v4+s17+$0x0], $0xffff  }
0x475: {  	v4 =	vor.u32 $0x1B, v2;
	_ =	sdelay $0x3  }
0x476: {  	[tilespmem:s23+$0xDD00] =	vst v3  }
0x477: {  	v3 =	vld.idx.msk [tilespmem:v4+s17+$0x0], $0xffff  }
0x478: {  	v4 =	vor.u32 $0x1C, v2;
	_ =	sdelay $0x3  }
0x479: {  	[tilespmem:s23+$0xDD80] =	vst v3  }
0x47a: {  	v3 =	vld.idx.msk [tilespmem:v4+s17+$0x0], $0xffff  }
0x47b: {  	v4 =	vor.u32 $0x1D, v2;
	_ =	sdelay $0x3  }
0x47c: {  	[tilespmem:s23+$0xDE00] =	vst v3  }
0x47d: {  	v3 =	vld.idx.msk [tilespmem:v4+s17+$0x0], $0xffff  }
0x47e: {  	v4 =	vor.u32 $0x1E, v2;
	_ =	sdelay $0x3  }
0x47f: {  	[tilespmem:s23+$0xDE80] =	vst v3  }
0x480: {  	v3 =	vld.idx.msk [tilespmem:v4+s17+$0x0], $0xffff  }
0x481: {  	v4 =	vor.u32 $0x1F, v2;
	_ =	sdelay $0x3  }
0x482: {  	[tilespmem:s23+$0xDF00] =	vst v3  }
0x483: {  	v3 =	vld.idx.msk [tilespmem:v4+s17+$0x0], $0xffff  }
0x484: {  	v4 =	vor.u32 $0x20, v2;
	_ =	sdelay $0x3  }
0x485: {  	[tilespmem:s23+$0xDF80] =	vst v3  }
0x486: {  	v3 =	vld.idx.msk [tilespmem:v4+s17+$0x0], $0xffff  }
0x487: {  	v4 =	vor.u32 $0x21, v2;
	_ =	sdelay $0x3  }
0x488: {  	[tilespmem:s23+$0xEC00] =	vst v3  }
0x489: {  	v3 =	vld.idx.msk [tilespmem:v4+s17+$0x0], $0xffff  }
0x48a: {  	v4 =	vor.u32 $0x22, v2;
	_ =	sdelay $0x3  }
0x48b: {  	[tilespmem:s23+$0xEC80] =	vst v3  }
0x48c: {  	v3 =	vld.idx.msk [tilespmem:v4+s17+$0x0], $0xffff  }
0x48d: {  	v4 =	vor.u32 $0x23, v2;
	_ =	sdelay $0x3  }
0x48e: {  	[tilespmem:s23+$0xED00] =	vst v3  }
0x48f: {  	v3 =	vld.idx.msk [tilespmem:v4+s17+$0x0], $0xffff  }
0x490: {  	v4 =	vor.u32 $0x24, v2;
	_ =	sdelay $0x3  }
0x491: {  	[tilespmem:s23+$0xED80] =	vst v3  }
0x492: {  	v3 =	vld.idx.msk [tilespmem:v4+s17+$0x0], $0xffff  }
0x493: {  	v4 =	vor.u32 $0x25, v2;
	_ =	sdelay $0x3  }
0x494: {  	[tilespmem:s23+$0xEE00] =	vst v3  }
0x495: {  	v3 =	vld.idx.msk [tilespmem:v4+s17+$0x0], $0xffff  }
0x496: {  	v4 =	vor.u32 $0x26, v2;
	_ =	sdelay $0x3  }
0x497: {  	[tilespmem:s23+$0xEE80] =	vst v3  }
0x498: {  	v3 =	vld.idx.msk [tilespmem:v4+s17+$0x0], $0xffff  }
0x499: {  	v4 =	vor.u32 $0x27, v2;
	_ =	sdelay $0x3  }
0x49a: {  	[tilespmem:s23+$0xEF00] =	vst v3  }
0x49b: {  	v3 =	vld.idx.msk [tilespmem:v4+s17+$0x0], $0xffff  }
0x49c: {  	v4 =	vor.u32 $0x28, v2;
	_ =	sdelay $0x3  }
0x49d: {  	[tilespmem:s23+$0xEF80] =	vst v3  }
0x49e: {  	v3 =	vld.idx.msk [tilespmem:v4+s17+$0x0], $0xffff  }
0x49f: {  	v4 =	vor.u32 $0x29, v2;
	_ =	sdelay $0x3  }
0x4a0: {  	[tilespmem:s23+$0xFC00] =	vst v3  }
0x4a1: {  	v3 =	vld.idx.msk [tilespmem:v4+s17+$0x0], $0xffff  }
0x4a2: {  	v4 =	vor.u32 $0x2A, v2;
	_ =	sdelay $0x3  }
0x4a3: {  	[tilespmem:s23+$0xFC80] =	vst v3  }
0x4a4: {  	v3 =	vld.idx.msk [tilespmem:v4+s17+$0x0], $0xffff  }
0x4a5: {  	v4 =	vor.u32 $0x2B, v2;
	_ =	sdelay $0x3  }
0x4a6: {  	[tilespmem:s23+$0xFD00] =	vst v3  }
0x4a7: {  	v3 =	vld.idx.msk [tilespmem:v4+s17+$0x0], $0xffff  }
0x4a8: {  	v4 =	vor.u32 $0x2C, v2;
	_ =	sdelay $0x3  }
0x4a9: {  	[tilespmem:s23+$0xFD80] =	vst v3  }
0x4aa: {  	v3 =	vld.idx.msk [tilespmem:v4+s17+$0x0], $0xffff  }
0x4ab: {  	v4 =	vor.u32 $0x2D, v2;
	_ =	sdelay $0x3  }
0x4ac: {  	[tilespmem:s23+$0xFE00] =	vst v3  }
0x4ad: {  	v3 =	vld.idx.msk [tilespmem:v4+s17+$0x0], $0xffff  }
0x4ae: {  	v4 =	vor.u32 $0x2E, v2;
	_ =	sdelay $0x3  }
0x4af: {  	[tilespmem:s23+$0xFE80] =	vst v3  }
0x4b0: {  	v3 =	vld.idx.msk [tilespmem:v4+s17+$0x0], $0xffff  }
0x4b1: {  	v4 =	vor.u32 $0x2F, v2;
	_ =	sdelay $0x3  }
0x4b2: {  	[tilespmem:s23+$0xFF00] =	vst v3  }
0x4b3: {  	v3 =	vld.idx.msk [tilespmem:v4+s17+$0x0], $0xffff  }
0x4b4: {  	v4 =	vor.u32 $0x30, v2;
	_ =	sdelay $0x3  }
0x4b5: {  	[tilespmem:s23+$0xFF80] =	vst v3  }
0x4b6: {  	v3 =	vld.idx.msk [tilespmem:v4+s17+$0x0], $0xffff  }
0x4b7: {  	v4 =	vor.u32 $0x31, v2;
	_ =	sdelay $0x3  }
0x4b8: {  	[tilespmem:s23+$0x10C00] =	vst v3  }
0x4b9: {  	v3 =	vld.idx.msk [tilespmem:v4+s17+$0x0], $0xffff  }
0x4ba: {  	v4 =	vor.u32 $0x32, v2;
	_ =	sdelay $0x3  }
0x4bb: {  	[tilespmem:s23+$0x10C80] =	vst v3  }
0x4bc: {  	v3 =	vld.idx.msk [tilespmem:v4+s17+$0x0], $0xffff  }
0x4bd: {  	v4 =	vor.u32 $0x33, v2;
	_ =	sdelay $0x3  }
0x4be: {  	[tilespmem:s23+$0x10D00] =	vst v3  }
0x4bf: {  	v3 =	vld.idx.msk [tilespmem:v4+s17+$0x0], $0xffff  }
0x4c0: {  	v4 =	vor.u32 $0x34, v2;
	_ =	sdelay $0x3  }
0x4c1: {  	[tilespmem:s23+$0x10D80] =	vst v3  }
0x4c2: {  	v3 =	vld.idx.msk [tilespmem:v4+s17+$0x0], $0xffff  }
0x4c3: {  	v4 =	vor.u32 $0x35, v2;
	_ =	sdelay $0x3  }
0x4c4: {  	[tilespmem:s23+$0x10E00] =	vst v3  }
0x4c5: {  	v3 =	vld.idx.msk [tilespmem:v4+s17+$0x0], $0xffff  }
0x4c6: {  	v4 =	vor.u32 $0x36, v2;
	_ =	sdelay $0x3  }
0x4c7: {  	[tilespmem:s23+$0x10E80] =	vst v3  }
0x4c8: {  	v3 =	vld.idx.msk [tilespmem:v4+s17+$0x0], $0xffff  }
0x4c9: {  	v4 =	vor.u32 $0x37, v2;
	_ =	sdelay $0x3  }
0x4ca: {  	[tilespmem:s23+$0x10F00] =	vst v3  }
0x4cb: {  	v3 =	vld.idx.msk [tilespmem:v4+s17+$0x0], $0xffff  }
0x4cc: {  	v4 =	vor.u32 $0x38, v2;
	_ =	sdelay $0x3  }
0x4cd: {  	[tilespmem:s23+$0x10F80] =	vst v3  }
0x4ce: {  	v3 =	vld.idx.msk [tilespmem:v4+s17+$0x0], $0xffff  }
0x4cf: {  	v4 =	vor.u32 $0x39, v2;
	_ =	sdelay $0x3  }
0x4d0: {  	[tilespmem:s23+$0x11C00] =	vst v3  }
0x4d1: {  	v3 =	vld.idx.msk [tilespmem:v4+s17+$0x0], $0xffff  }
0x4d2: {  	v4 =	vor.u32 $0x3A, v2;
	_ =	sdelay $0x3  }
0x4d3: {  	[tilespmem:s23+$0x11C80] =	vst v3  }
0x4d4: {  	v3 =	vld.idx.msk [tilespmem:v4+s17+$0x0], $0xffff  }
0x4d5: {  	v4 =	vor.u32 $0x3B, v2;
	_ =	sdelay $0x3  }
0x4d6: {  	[tilespmem:s23+$0x11D00] =	vst v3  }
0x4d7: {  	v3 =	vld.idx.msk [tilespmem:v4+s17+$0x0], $0xffff  }
0x4d8: {  	v4 =	vor.u32 $0x3C, v2;
	_ =	sdelay $0x3  }
0x4d9: {  	[tilespmem:s23+$0x11D80] =	vst v3  }
0x4da: {  	v3 =	vld.idx.msk [tilespmem:v4+s17+$0x0], $0xffff  }
0x4db: {  	v4 =	vor.u32 $0x3D, v2;
	_ =	sdelay $0x3  }
0x4dc: {  	[tilespmem:s23+$0x11E00] =	vst v3  }
0x4dd: {  	v3 =	vld.idx.msk [tilespmem:v4+s17+$0x0], $0xffff  }
0x4de: {  	v4 =	vor.u32 $0x3E, v2;
	_ =	sdelay $0x3  }
0x4df: {  	[tilespmem:s23+$0x11E80] =	vst v3  }
0x4e0: {  	v3 =	vld.idx.msk [tilespmem:v4+s17+$0x0], $0xffff  }
0x4e1: {  	v4 =	vor.u32 $0x3F, v2;
	_ =	sdelay $0x3  }
0x4e2: {  	s24 =	simm.s32 $0x10;
	[tilespmem:s23+$0x11F00] =	vst v3  }
0x4e3: {  	s25 =	simm.s32 $0x20;
	v2 =	vmov s24;
	v3 =	vld.idx.msk [tilespmem:v4+s17+$0x0], $0xffff  }
.LBB2_12:
0x4e4: {  	p0 =	sne.s32 s25, $0xF0;
	v2 =	vshll.u32 v2, $0x7  }
0x4e5: {  	v2 =	vor.u32 v1, v2;
	_ =	sdelay $0x3  }
0x4e6: {  	[tilespmem:s23+$0x11F80] =	vst v3  }
0x4e7: {  	v3 =	vld.idx.msk [tilespmem:v2+s17+$0x0], $0xffff;
	_ =	sdelay $0x1  }
0x4e8: {  	v4 =	vor.u32 $0x1, v2  }
0x4e9: {  	s22 =	sadd.s32 $0x80, s22  }
0x4ea: {  	s0 =	sand.u32 $0x70, s24;
	s24 =	smov.u32 s25;
	s1 =	sand.u32 $0x400, s22  }
0x4eb: {  	s23 =	sor.u32 s0, s1  }
0x4ec: {  	[tilespmem:s23+$0xAC00] =	vst v3  }
0x4ed: {  	v3 =	vld.idx.msk [tilespmem:v4+s17+$0x0], $0xffff;
	_ =	sdelay $0x1  }
0x4ee: {  	v4 =	vor.u32 $0x2, v2;
	_ =	sdelay $0x3  }
0x4ef: {  	[tilespmem:s23+$0xAC80] =	vst v3  }
0x4f0: {  	v3 =	vld.idx.msk [tilespmem:v4+s17+$0x0], $0xffff;
	_ =	sdelay $0x1  }
0x4f1: {  	v4 =	vor.u32 $0x3, v2;
	_ =	sdelay $0x3  }
0x4f2: {  	[tilespmem:s23+$0xAD00] =	vst v3  }
0x4f3: {  	v3 =	vld.idx.msk [tilespmem:v4+s17+$0x0], $0xffff;
	_ =	sdelay $0x1  }
0x4f4: {  	v4 =	vor.u32 $0x4, v2;
	_ =	sdelay $0x3  }
0x4f5: {  	[tilespmem:s23+$0xAD80] =	vst v3  }
0x4f6: {  	v3 =	vld.idx.msk [tilespmem:v4+s17+$0x0], $0xffff;
	_ =	sdelay $0x1  }
0x4f7: {  	v4 =	vor.u32 $0x5, v2;
	_ =	sdelay $0x3  }
0x4f8: {  	[tilespmem:s23+$0xAE00] =	vst v3  }
0x4f9: {  	v3 =	vld.idx.msk [tilespmem:v4+s17+$0x0], $0xffff;
	_ =	sdelay $0x1  }
0x4fa: {  	v4 =	vor.u32 $0x6, v2;
	_ =	sdelay $0x3  }
0x4fb: {  	[tilespmem:s23+$0xAE80] =	vst v3  }
0x4fc: {  	v3 =	vld.idx.msk [tilespmem:v4+s17+$0x0], $0xffff;
	_ =	sdelay $0x1  }
0x4fd: {  	v4 =	vor.u32 $0x7, v2;
	_ =	sdelay $0x3  }
0x4fe: {  	[tilespmem:s23+$0xAF00] =	vst v3  }
0x4ff: {  	v3 =	vld.idx.msk [tilespmem:v4+s17+$0x0], $0xffff;
	_ =	sdelay $0x1  }
0x500: {  	v4 =	vor.u32 $0x8, v2;
	_ =	sdelay $0x3  }
0x501: {  	[tilespmem:s23+$0xAF80] =	vst v3  }
0x502: {  	v3 =	vld.idx.msk [tilespmem:v4+s17+$0x0], $0xffff;
	_ =	sdelay $0x1  }
0x503: {  	v4 =	vor.u32 $0x9, v2;
	_ =	sdelay $0x3  }
0x504: {  	[tilespmem:s23+$0xBC00] =	vst v3  }
0x505: {  	v3 =	vld.idx.msk [tilespmem:v4+s17+$0x0], $0xffff;
	_ =	sdelay $0x1  }
0x506: {  	v4 =	vor.u32 $0xA, v2;
	_ =	sdelay $0x3  }
0x507: {  	[tilespmem:s23+$0xBC80] =	vst v3  }
0x508: {  	v3 =	vld.idx.msk [tilespmem:v4+s17+$0x0], $0xffff;
	_ =	sdelay $0x1  }
0x509: {  	v4 =	vor.u32 $0xB, v2;
	_ =	sdelay $0x3  }
0x50a: {  	[tilespmem:s23+$0xBD00] =	vst v3  }
0x50b: {  	v3 =	vld.idx.msk [tilespmem:v4+s17+$0x0], $0xffff;
	_ =	sdelay $0x1  }
0x50c: {  	v4 =	vor.u32 $0xC, v2;
	_ =	sdelay $0x3  }
0x50d: {  	[tilespmem:s23+$0xBD80] =	vst v3  }
0x50e: {  	v3 =	vld.idx.msk [tilespmem:v4+s17+$0x0], $0xffff;
	_ =	sdelay $0x1  }
0x50f: {  	v4 =	vor.u32 $0xD, v2;
	_ =	sdelay $0x3  }
0x510: {  	[tilespmem:s23+$0xBE00] =	vst v3  }
0x511: {  	v3 =	vld.idx.msk [tilespmem:v4+s17+$0x0], $0xffff;
	_ =	sdelay $0x1  }
0x512: {  	v4 =	vor.u32 $0xE, v2;
	_ =	sdelay $0x3  }
0x513: {  	[tilespmem:s23+$0xBE80] =	vst v3  }
0x514: {  	v3 =	vld.idx.msk [tilespmem:v4+s17+$0x0], $0xffff;
	_ =	sdelay $0x1  }
0x515: {  	v4 =	vor.u32 $0xF, v2;
	_ =	sdelay $0x3  }
0x516: {  	[tilespmem:s23+$0xBF00] =	vst v3  }
0x517: {  	v3 =	vld.idx.msk [tilespmem:v4+s17+$0x0], $0xffff;
	_ =	sdelay $0x1  }
0x518: {  	v4 =	vor.u32 $0x10, v2;
	_ =	sdelay $0x3  }
0x519: {  	[tilespmem:s23+$0xBF80] =	vst v3  }
0x51a: {  	v3 =	vld.idx.msk [tilespmem:v4+s17+$0x0], $0xffff;
	_ =	sdelay $0x1  }
0x51b: {  	v4 =	vor.u32 $0x11, v2;
	_ =	sdelay $0x3  }
0x51c: {  	[tilespmem:s23+$0xCC00] =	vst v3  }
0x51d: {  	v3 =	vld.idx.msk [tilespmem:v4+s17+$0x0], $0xffff;
	_ =	sdelay $0x1  }
0x51e: {  	v4 =	vor.u32 $0x12, v2;
	_ =	sdelay $0x3  }
0x51f: {  	[tilespmem:s23+$0xCC80] =	vst v3  }
0x520: {  	v3 =	vld.idx.msk [tilespmem:v4+s17+$0x0], $0xffff;
	_ =	sdelay $0x1  }
0x521: {  	v4 =	vor.u32 $0x13, v2;
	_ =	sdelay $0x3  }
0x522: {  	[tilespmem:s23+$0xCD00] =	vst v3  }
0x523: {  	v3 =	vld.idx.msk [tilespmem:v4+s17+$0x0], $0xffff;
	_ =	sdelay $0x1  }
0x524: {  	v4 =	vor.u32 $0x14, v2;
	_ =	sdelay $0x3  }
0x525: {  	[tilespmem:s23+$0xCD80] =	vst v3  }
0x526: {  	v3 =	vld.idx.msk [tilespmem:v4+s17+$0x0], $0xffff;
	_ =	sdelay $0x1  }
0x527: {  	v4 =	vor.u32 $0x15, v2;
	_ =	sdelay $0x3  }
0x528: {  	[tilespmem:s23+$0xCE00] =	vst v3  }
0x529: {  	v3 =	vld.idx.msk [tilespmem:v4+s17+$0x0], $0xffff;
	_ =	sdelay $0x1  }
0x52a: {  	v4 =	vor.u32 $0x16, v2;
	_ =	sdelay $0x3  }
0x52b: {  	[tilespmem:s23+$0xCE80] =	vst v3  }
0x52c: {  	v3 =	vld.idx.msk [tilespmem:v4+s17+$0x0], $0xffff;
	_ =	sdelay $0x1  }
0x52d: {  	v4 =	vor.u32 $0x17, v2;
	_ =	sdelay $0x3  }
0x52e: {  	[tilespmem:s23+$0xCF00] =	vst v3  }
0x52f: {  	v3 =	vld.idx.msk [tilespmem:v4+s17+$0x0], $0xffff;
	_ =	sdelay $0x1  }
0x530: {  	v4 =	vor.u32 $0x18, v2;
	_ =	sdelay $0x3  }
0x531: {  	[tilespmem:s23+$0xCF80] =	vst v3  }
0x532: {  	v3 =	vld.idx.msk [tilespmem:v4+s17+$0x0], $0xffff;
	_ =	sdelay $0x1  }
0x533: {  	v4 =	vor.u32 $0x19, v2;
	_ =	sdelay $0x3  }
0x534: {  	[tilespmem:s23+$0xDC00] =	vst v3  }
0x535: {  	v3 =	vld.idx.msk [tilespmem:v4+s17+$0x0], $0xffff;
	_ =	sdelay $0x1  }
0x536: {  	v4 =	vor.u32 $0x1A, v2;
	_ =	sdelay $0x3  }
0x537: {  	[tilespmem:s23+$0xDC80] =	vst v3  }
0x538: {  	v3 =	vld.idx.msk [tilespmem:v4+s17+$0x0], $0xffff;
	_ =	sdelay $0x1  }
0x539: {  	v4 =	vor.u32 $0x1B, v2;
	_ =	sdelay $0x3  }
0x53a: {  	[tilespmem:s23+$0xDD00] =	vst v3  }
0x53b: {  	v3 =	vld.idx.msk [tilespmem:v4+s17+$0x0], $0xffff;
	_ =	sdelay $0x1  }
0x53c: {  	v4 =	vor.u32 $0x1C, v2;
	_ =	sdelay $0x3  }
0x53d: {  	[tilespmem:s23+$0xDD80] =	vst v3  }
0x53e: {  	v3 =	vld.idx.msk [tilespmem:v4+s17+$0x0], $0xffff;
	_ =	sdelay $0x1  }
0x53f: {  	v4 =	vor.u32 $0x1D, v2;
	_ =	sdelay $0x3  }
0x540: {  	[tilespmem:s23+$0xDE00] =	vst v3  }
0x541: {  	v3 =	vld.idx.msk [tilespmem:v4+s17+$0x0], $0xffff;
	_ =	sdelay $0x1  }
0x542: {  	v4 =	vor.u32 $0x1E, v2;
	_ =	sdelay $0x3  }
0x543: {  	[tilespmem:s23+$0xDE80] =	vst v3  }
0x544: {  	v3 =	vld.idx.msk [tilespmem:v4+s17+$0x0], $0xffff;
	_ =	sdelay $0x1  }
0x545: {  	v4 =	vor.u32 $0x1F, v2;
	_ =	sdelay $0x3  }
0x546: {  	[tilespmem:s23+$0xDF00] =	vst v3  }
0x547: {  	v3 =	vld.idx.msk [tilespmem:v4+s17+$0x0], $0xffff;
	_ =	sdelay $0x1  }
0x548: {  	v4 =	vor.u32 $0x20, v2;
	_ =	sdelay $0x3  }
0x549: {  	[tilespmem:s23+$0xDF80] =	vst v3  }
0x54a: {  	v3 =	vld.idx.msk [tilespmem:v4+s17+$0x0], $0xffff;
	_ =	sdelay $0x1  }
0x54b: {  	v4 =	vor.u32 $0x21, v2;
	_ =	sdelay $0x3  }
0x54c: {  	[tilespmem:s23+$0xEC00] =	vst v3  }
0x54d: {  	v3 =	vld.idx.msk [tilespmem:v4+s17+$0x0], $0xffff;
	_ =	sdelay $0x1  }
0x54e: {  	v4 =	vor.u32 $0x22, v2;
	_ =	sdelay $0x3  }
0x54f: {  	[tilespmem:s23+$0xEC80] =	vst v3  }
0x550: {  	v3 =	vld.idx.msk [tilespmem:v4+s17+$0x0], $0xffff;
	_ =	sdelay $0x1  }
0x551: {  	v4 =	vor.u32 $0x23, v2;
	_ =	sdelay $0x3  }
0x552: {  	[tilespmem:s23+$0xED00] =	vst v3  }
0x553: {  	v3 =	vld.idx.msk [tilespmem:v4+s17+$0x0], $0xffff;
	_ =	sdelay $0x1  }
0x554: {  	v4 =	vor.u32 $0x24, v2;
	_ =	sdelay $0x3  }
0x555: {  	[tilespmem:s23+$0xED80] =	vst v3  }
0x556: {  	v3 =	vld.idx.msk [tilespmem:v4+s17+$0x0], $0xffff;
	_ =	sdelay $0x1  }
0x557: {  	v4 =	vor.u32 $0x25, v2;
	_ =	sdelay $0x3  }
0x558: {  	[tilespmem:s23+$0xEE00] =	vst v3  }
0x559: {  	v3 =	vld.idx.msk [tilespmem:v4+s17+$0x0], $0xffff;
	_ =	sdelay $0x1  }
0x55a: {  	v4 =	vor.u32 $0x26, v2;
	_ =	sdelay $0x3  }
0x55b: {  	[tilespmem:s23+$0xEE80] =	vst v3  }
0x55c: {  	v3 =	vld.idx.msk [tilespmem:v4+s17+$0x0], $0xffff;
	_ =	sdelay $0x1  }
0x55d: {  	v4 =	vor.u32 $0x27, v2;
	_ =	sdelay $0x3  }
0x55e: {  	[tilespmem:s23+$0xEF00] =	vst v3  }
0x55f: {  	v3 =	vld.idx.msk [tilespmem:v4+s17+$0x0], $0xffff;
	_ =	sdelay $0x1  }
0x560: {  	v4 =	vor.u32 $0x28, v2;
	_ =	sdelay $0x3  }
0x561: {  	[tilespmem:s23+$0xEF80] =	vst v3  }
0x562: {  	v3 =	vld.idx.msk [tilespmem:v4+s17+$0x0], $0xffff;
	_ =	sdelay $0x1  }
0x563: {  	v4 =	vor.u32 $0x29, v2;
	_ =	sdelay $0x3  }
0x564: {  	[tilespmem:s23+$0xFC00] =	vst v3  }
0x565: {  	v3 =	vld.idx.msk [tilespmem:v4+s17+$0x0], $0xffff;
	_ =	sdelay $0x1  }
0x566: {  	v4 =	vor.u32 $0x2A, v2;
	_ =	sdelay $0x3  }
0x567: {  	[tilespmem:s23+$0xFC80] =	vst v3  }
0x568: {  	v3 =	vld.idx.msk [tilespmem:v4+s17+$0x0], $0xffff;
	_ =	sdelay $0x1  }
0x569: {  	v4 =	vor.u32 $0x2B, v2;
	_ =	sdelay $0x3  }
0x56a: {  	[tilespmem:s23+$0xFD00] =	vst v3  }
0x56b: {  	v3 =	vld.idx.msk [tilespmem:v4+s17+$0x0], $0xffff;
	_ =	sdelay $0x1  }
0x56c: {  	v4 =	vor.u32 $0x2C, v2;
	_ =	sdelay $0x3  }
0x56d: {  	[tilespmem:s23+$0xFD80] =	vst v3  }
0x56e: {  	v3 =	vld.idx.msk [tilespmem:v4+s17+$0x0], $0xffff;
	_ =	sdelay $0x1  }
0x56f: {  	v4 =	vor.u32 $0x2D, v2;
	_ =	sdelay $0x3  }
0x570: {  	[tilespmem:s23+$0xFE00] =	vst v3  }
0x571: {  	v3 =	vld.idx.msk [tilespmem:v4+s17+$0x0], $0xffff;
	_ =	sdelay $0x1  }
0x572: {  	v4 =	vor.u32 $0x2E, v2;
	_ =	sdelay $0x3  }
0x573: {  	[tilespmem:s23+$0xFE80] =	vst v3  }
0x574: {  	v3 =	vld.idx.msk [tilespmem:v4+s17+$0x0], $0xffff;
	_ =	sdelay $0x1  }
0x575: {  	v4 =	vor.u32 $0x2F, v2;
	_ =	sdelay $0x3  }
0x576: {  	[tilespmem:s23+$0xFF00] =	vst v3  }
0x577: {  	v3 =	vld.idx.msk [tilespmem:v4+s17+$0x0], $0xffff;
	_ =	sdelay $0x1  }
0x578: {  	v4 =	vor.u32 $0x30, v2;
	_ =	sdelay $0x3  }
0x579: {  	[tilespmem:s23+$0xFF80] =	vst v3  }
0x57a: {  	v3 =	vld.idx.msk [tilespmem:v4+s17+$0x0], $0xffff;
	_ =	sdelay $0x1  }
0x57b: {  	v4 =	vor.u32 $0x31, v2;
	_ =	sdelay $0x3  }
0x57c: {  	[tilespmem:s23+$0x10C00] =	vst v3  }
0x57d: {  	v3 =	vld.idx.msk [tilespmem:v4+s17+$0x0], $0xffff;
	_ =	sdelay $0x1  }
0x57e: {  	v4 =	vor.u32 $0x32, v2;
	_ =	sdelay $0x3  }
0x57f: {  	[tilespmem:s23+$0x10C80] =	vst v3  }
0x580: {  	v3 =	vld.idx.msk [tilespmem:v4+s17+$0x0], $0xffff;
	_ =	sdelay $0x1  }
0x581: {  	v4 =	vor.u32 $0x33, v2;
	_ =	sdelay $0x3  }
0x582: {  	[tilespmem:s23+$0x10D00] =	vst v3  }
0x583: {  	v3 =	vld.idx.msk [tilespmem:v4+s17+$0x0], $0xffff;
	_ =	sdelay $0x1  }
0x584: {  	v4 =	vor.u32 $0x34, v2;
	_ =	sdelay $0x3  }
0x585: {  	[tilespmem:s23+$0x10D80] =	vst v3  }
0x586: {  	v3 =	vld.idx.msk [tilespmem:v4+s17+$0x0], $0xffff;
	_ =	sdelay $0x1  }
0x587: {  	v4 =	vor.u32 $0x35, v2;
	_ =	sdelay $0x3  }
0x588: {  	[tilespmem:s23+$0x10E00] =	vst v3  }
0x589: {  	v3 =	vld.idx.msk [tilespmem:v4+s17+$0x0], $0xffff;
	_ =	sdelay $0x1  }
0x58a: {  	v4 =	vor.u32 $0x36, v2;
	_ =	sdelay $0x3  }
0x58b: {  	[tilespmem:s23+$0x10E80] =	vst v3  }
0x58c: {  	v3 =	vld.idx.msk [tilespmem:v4+s17+$0x0], $0xffff;
	_ =	sdelay $0x1  }
0x58d: {  	v4 =	vor.u32 $0x37, v2;
	_ =	sdelay $0x3  }
0x58e: {  	[tilespmem:s23+$0x10F00] =	vst v3  }
0x58f: {  	v3 =	vld.idx.msk [tilespmem:v4+s17+$0x0], $0xffff;
	_ =	sdelay $0x1  }
0x590: {  	v4 =	vor.u32 $0x38, v2;
	_ =	sdelay $0x3  }
0x591: {  	[tilespmem:s23+$0x10F80] =	vst v3  }
0x592: {  	v3 =	vld.idx.msk [tilespmem:v4+s17+$0x0], $0xffff;
	_ =	sdelay $0x1  }
0x593: {  	v4 =	vor.u32 $0x39, v2;
	_ =	sdelay $0x3  }
0x594: {  	[tilespmem:s23+$0x11C00] =	vst v3  }
0x595: {  	v3 =	vld.idx.msk [tilespmem:v4+s17+$0x0], $0xffff;
	_ =	sdelay $0x1  }
0x596: {  	v4 =	vor.u32 $0x3A, v2;
	_ =	sdelay $0x3  }
0x597: {  	[tilespmem:s23+$0x11C80] =	vst v3  }
0x598: {  	v3 =	vld.idx.msk [tilespmem:v4+s17+$0x0], $0xffff;
	_ =	sdelay $0x1  }
0x599: {  	v4 =	vor.u32 $0x3B, v2;
	_ =	sdelay $0x3  }
0x59a: {  	[tilespmem:s23+$0x11D00] =	vst v3  }
0x59b: {  	v3 =	vld.idx.msk [tilespmem:v4+s17+$0x0], $0xffff;
	_ =	sdelay $0x1  }
0x59c: {  	v4 =	vor.u32 $0x3C, v2;
	_ =	sdelay $0x3  }
0x59d: {  	[tilespmem:s23+$0x11D80] =	vst v3  }
0x59e: {  	v3 =	vld.idx.msk [tilespmem:v4+s17+$0x0], $0xffff;
	_ =	sdelay $0x1  }
0x59f: {  	v4 =	vor.u32 $0x3D, v2;
	_ =	sdelay $0x3  }
0x5a0: {  	[tilespmem:s23+$0x11E00] =	vst v3  }
0x5a1: {  	v3 =	vld.idx.msk [tilespmem:v4+s17+$0x0], $0xffff;
	_ =	sdelay $0x1  }
0x5a2: {  	v4 =	vor.u32 $0x3E, v2;
	_ =	sdelay $0x3  }
0x5a3: {  	[tilespmem:s23+$0x11E80] =	vst v3  }
0x5a4: {  	v3 =	vld.idx.msk [tilespmem:v4+s17+$0x0], $0xffff;
	_ =	sdelay $0x1  }
0x5a5: {  	v4 =	vor.u32 $0x3F, v2  }
.Ltmp5:
0x5a6: {  	(pc) =	sbr.rel @p0 .LBB2_12-.Ltmp5, $3  }
0x5a7: {  	_ =	sdelay $0x1  }
0x5a8: {  	[tilespmem:s23+$0x11F00] =	vst v3  }
0x5a9: {  	s25 =	sadd.s32 $0x10, s25;
	v2 =	vmov s24;
	v3 =	vld.idx.msk [tilespmem:v4+s17+$0x0], $0xffff  }
0x5aa: {  	v2 =	vshll.u32 v2, $0x7  }
0x5ab: {  	v2 =	vor.u32 v1, v2;
	_ =	sdelay $0x3  }
0x5ac: {  	[tilespmem:s23+$0x11F80] =	vst v3  }
0x5ad: {  	v3 =	vld.idx.msk [tilespmem:v2+s17+$0x0], $0xffff  }
0x5ae: {  	v4 =	vor.u32 $0x1, v2  }
0x5af: {  	s0 =	sadd.s32 $0x80, s22  }
0x5b0: {  	s1 =	sand.u32 $0x70, s24;
	s0 =	sand.u32 $0x400, s0  }
0x5b1: {  	s29 =	sor.u32 s1, s0  }
0x5b2: {  	[tilespmem:s29+$0xAC00] =	vst v3  }
0x5b3: {  	v3 =	vld.idx.msk [tilespmem:v4+s17+$0x0], $0xffff  }
0x5b4: {  	v59 =	vor.u32 $0x2, v2;
	_ =	sdelay $0x3  }
0x5b5: {  	[tilespmem:s29+$0xAC80] =	vst v3  }
0x5b6: {  	v3 =	vld.idx.msk [tilespmem:v59+s17+$0x0], $0xffff  }
0x5b7: {  	v60 =	vor.u32 $0x3, v2;
	_ =	sdelay $0x3  }
0x5b8: {  	[tilespmem:s29+$0xAD00] =	vst v3  }
0x5b9: {  	v3 =	vld.idx.msk [tilespmem:v60+s17+$0x0], $0xffff  }
0x5ba: {  	v61 =	vor.u32 $0x4, v2;
	_ =	sdelay $0x3  }
0x5bb: {  	[tilespmem:s29+$0xAD80] =	vst v3  }
0x5bc: {  	v3 =	vld.idx.msk [tilespmem:v61+s17+$0x0], $0xffff  }
0x5bd: {  	v62 =	vor.u32 $0x5, v2;
	_ =	sdelay $0x3  }
0x5be: {  	[tilespmem:s29+$0xAE00] =	vst v3  }
0x5bf: {  	v3 =	vld.idx.msk [tilespmem:v62+s17+$0x0], $0xffff  }
0x5c0: {  	v63 =	vor.u32 $0x6, v2;
	_ =	sdelay $0x3  }
0x5c1: {  	[tilespmem:s29+$0xAE80] =	vst v3  }
0x5c2: {  	v3 =	vld.idx.msk [tilespmem:v63+s17+$0x0], $0xffff  }
0x5c3: {  	v8 =	vor.u32 $0x7, v2;
	_ =	sdelay $0x3  }
0x5c4: {  	[tilespmem:s29+$0xAF00] =	vst v3  }
0x5c5: {  	v3 =	vld.idx.msk [tilespmem:v8+s17+$0x0], $0xffff  }
0x5c6: {  	v9 =	vor.u32 $0x8, v2;
	_ =	sdelay $0x3  }
0x5c7: {  	[tilespmem:s29+$0xAF80] =	vst v3  }
0x5c8: {  	v3 =	vld.idx.msk [tilespmem:v9+s17+$0x0], $0xffff  }
0x5c9: {  	v10 =	vor.u32 $0x9, v2;
	_ =	sdelay $0x3  }
0x5ca: {  	[tilespmem:s29+$0xBC00] =	vst v3  }
0x5cb: {  	v3 =	vld.idx.msk [tilespmem:v10+s17+$0x0], $0xffff  }
0x5cc: {  	v11 =	vor.u32 $0xA, v2;
	_ =	sdelay $0x3  }
0x5cd: {  	[tilespmem:s29+$0xBC80] =	vst v3  }
0x5ce: {  	v3 =	vld.idx.msk [tilespmem:v11+s17+$0x0], $0xffff  }
0x5cf: {  	v12 =	vor.u32 $0xB, v2;
	_ =	sdelay $0x3  }
0x5d0: {  	[tilespmem:s29+$0xBD00] =	vst v3  }
0x5d1: {  	v3 =	vld.idx.msk [tilespmem:v12+s17+$0x0], $0xffff  }
0x5d2: {  	v13 =	vor.u32 $0xC, v2;
	_ =	sdelay $0x3  }
0x5d3: {  	[tilespmem:s29+$0xBD80] =	vst v3  }
0x5d4: {  	v3 =	vld.idx.msk [tilespmem:v13+s17+$0x0], $0xffff  }
0x5d5: {  	v14 =	vor.u32 $0xD, v2;
	_ =	sdelay $0x3  }
0x5d6: {  	[tilespmem:s29+$0xBE00] =	vst v3  }
0x5d7: {  	v3 =	vld.idx.msk [tilespmem:v14+s17+$0x0], $0xffff  }
0x5d8: {  	v15 =	vor.u32 $0xE, v2;
	_ =	sdelay $0x3  }
0x5d9: {  	[tilespmem:s29+$0xBE80] =	vst v3  }
0x5da: {  	v3 =	vld.idx.msk [tilespmem:v15+s17+$0x0], $0xffff  }
0x5db: {  	v16 =	vor.u32 $0xF, v2;
	_ =	sdelay $0x3  }
0x5dc: {  	[tilespmem:s29+$0xBF00] =	vst v3  }
0x5dd: {  	v3 =	vld.idx.msk [tilespmem:v16+s17+$0x0], $0xffff  }
0x5de: {  	v17 =	vor.u32 $0x10, v2;
	_ =	sdelay $0x3  }
0x5df: {  	[tilespmem:s29+$0xBF80] =	vst v3  }
0x5e0: {  	v3 =	vld.idx.msk [tilespmem:v17+s17+$0x0], $0xffff  }
0x5e1: {  	v18 =	vor.u32 $0x11, v2;
	_ =	sdelay $0x3  }
0x5e2: {  	[tilespmem:s29+$0xCC00] =	vst v3  }
0x5e3: {  	v3 =	vld.idx.msk [tilespmem:v18+s17+$0x0], $0xffff  }
0x5e4: {  	v19 =	vor.u32 $0x12, v2;
	_ =	sdelay $0x3  }
0x5e5: {  	[tilespmem:s29+$0xCC80] =	vst v3  }
0x5e6: {  	v3 =	vld.idx.msk [tilespmem:v19+s17+$0x0], $0xffff  }
0x5e7: {  	v20 =	vor.u32 $0x13, v2;
	_ =	sdelay $0x3  }
0x5e8: {  	[tilespmem:s29+$0xCD00] =	vst v3  }
0x5e9: {  	v3 =	vld.idx.msk [tilespmem:v20+s17+$0x0], $0xffff  }
0x5ea: {  	v21 =	vor.u32 $0x14, v2;
	_ =	sdelay $0x3  }
0x5eb: {  	[tilespmem:s29+$0xCD80] =	vst v3  }
0x5ec: {  	v3 =	vld.idx.msk [tilespmem:v21+s17+$0x0], $0xffff  }
0x5ed: {  	v22 =	vor.u32 $0x15, v2;
	_ =	sdelay $0x3  }
0x5ee: {  	[tilespmem:s29+$0xCE00] =	vst v3  }
0x5ef: {  	v3 =	vld.idx.msk [tilespmem:v22+s17+$0x0], $0xffff  }
0x5f0: {  	v23 =	vor.u32 $0x16, v2;
	_ =	sdelay $0x3  }
0x5f1: {  	[tilespmem:s29+$0xCE80] =	vst v3  }
0x5f2: {  	v3 =	vld.idx.msk [tilespmem:v23+s17+$0x0], $0xffff  }
0x5f3: {  	v24 =	vor.u32 $0x17, v2;
	_ =	sdelay $0x3  }
0x5f4: {  	[tilespmem:s29+$0xCF00] =	vst v3  }
0x5f5: {  	v3 =	vld.idx.msk [tilespmem:v24+s17+$0x0], $0xffff  }
0x5f6: {  	v25 =	vor.u32 $0x18, v2;
	_ =	sdelay $0x3  }
0x5f7: {  	[tilespmem:s29+$0xCF80] =	vst v3  }
0x5f8: {  	v3 =	vld.idx.msk [tilespmem:v25+s17+$0x0], $0xffff  }
0x5f9: {  	v26 =	vor.u32 $0x19, v2;
	_ =	sdelay $0x3  }
0x5fa: {  	[tilespmem:s29+$0xDC00] =	vst v3  }
0x5fb: {  	v3 =	vld.idx.msk [tilespmem:v26+s17+$0x0], $0xffff  }
0x5fc: {  	v27 =	vor.u32 $0x1A, v2;
	_ =	sdelay $0x3  }
0x5fd: {  	[tilespmem:s29+$0xDC80] =	vst v3  }
0x5fe: {  	v3 =	vld.idx.msk [tilespmem:v27+s17+$0x0], $0xffff  }
0x5ff: {  	v28 =	vor.u32 $0x1B, v2;
	_ =	sdelay $0x3  }
0x600: {  	[tilespmem:s29+$0xDD00] =	vst v3  }
0x601: {  	v3 =	vld.idx.msk [tilespmem:v28+s17+$0x0], $0xffff  }
0x602: {  	v29 =	vor.u32 $0x1C, v2;
	_ =	sdelay $0x3  }
0x603: {  	[tilespmem:s29+$0xDD80] =	vst v3  }
0x604: {  	v3 =	vld.idx.msk [tilespmem:v29+s17+$0x0], $0xffff  }
0x605: {  	v30 =	vor.u32 $0x1D, v2;
	_ =	sdelay $0x3  }
0x606: {  	[tilespmem:s29+$0xDE00] =	vst v3  }
0x607: {  	v3 =	vld.idx.msk [tilespmem:v30+s17+$0x0], $0xffff  }
0x608: {  	v31 =	vor.u32 $0x1E, v2;
	_ =	sdelay $0x3  }
0x609: {  	[tilespmem:s29+$0xDE80] =	vst v3  }
0x60a: {  	v3 =	vld.idx.msk [tilespmem:v31+s17+$0x0], $0xffff  }
0x60b: {  	v32 =	vor.u32 $0x1F, v2;
	_ =	sdelay $0x3  }
0x60c: {  	[tilespmem:s29+$0xDF00] =	vst v3  }
0x60d: {  	v3 =	vld.idx.msk [tilespmem:v32+s17+$0x0], $0xffff  }
0x60e: {  	v33 =	vor.u32 $0x20, v2;
	_ =	sdelay $0x3  }
0x60f: {  	[tilespmem:s29+$0xDF80] =	vst v3  }
0x610: {  	v3 =	vld.idx.msk [tilespmem:v33+s17+$0x0], $0xffff  }
0x611: {  	v34 =	vor.u32 $0x21, v2;
	_ =	sdelay $0x3  }
0x612: {  	[tilespmem:s29+$0xEC00] =	vst v3  }
0x613: {  	v3 =	vld.idx.msk [tilespmem:v34+s17+$0x0], $0xffff  }
0x614: {  	v35 =	vor.u32 $0x22, v2;
	_ =	sdelay $0x3  }
0x615: {  	[tilespmem:s29+$0xEC80] =	vst v3  }
0x616: {  	v3 =	vld.idx.msk [tilespmem:v35+s17+$0x0], $0xffff  }
0x617: {  	v36 =	vor.u32 $0x23, v2;
	_ =	sdelay $0x3  }
0x618: {  	[tilespmem:s29+$0xED00] =	vst v3  }
0x619: {  	v3 =	vld.idx.msk [tilespmem:v36+s17+$0x0], $0xffff  }
0x61a: {  	v37 =	vor.u32 $0x24, v2;
	_ =	sdelay $0x3  }
0x61b: {  	[tilespmem:s29+$0xED80] =	vst v3  }
0x61c: {  	v3 =	vld.idx.msk [tilespmem:v37+s17+$0x0], $0xffff  }
0x61d: {  	v38 =	vor.u32 $0x25, v2;
	_ =	sdelay $0x3  }
0x61e: {  	[tilespmem:s29+$0xEE00] =	vst v3  }
0x61f: {  	v3 =	vld.idx.msk [tilespmem:v38+s17+$0x0], $0xffff  }
0x620: {  	v39 =	vor.u32 $0x26, v2;
	_ =	sdelay $0x3  }
0x621: {  	[tilespmem:s29+$0xEE80] =	vst v3  }
0x622: {  	v3 =	vld.idx.msk [tilespmem:v39+s17+$0x0], $0xffff  }
0x623: {  	v40 =	vor.u32 $0x27, v2;
	_ =	sdelay $0x3  }
0x624: {  	[tilespmem:s29+$0xEF00] =	vst v3  }
0x625: {  	v3 =	vld.idx.msk [tilespmem:v40+s17+$0x0], $0xffff  }
0x626: {  	v41 =	vor.u32 $0x28, v2;
	_ =	sdelay $0x3  }
0x627: {  	[tilespmem:s29+$0xEF80] =	vst v3  }
0x628: {  	v3 =	vld.idx.msk [tilespmem:v41+s17+$0x0], $0xffff  }
0x629: {  	v42 =	vor.u32 $0x29, v2;
	_ =	sdelay $0x3  }
0x62a: {  	[tilespmem:s29+$0xFC00] =	vst v3  }
0x62b: {  	v3 =	vld.idx.msk [tilespmem:v42+s17+$0x0], $0xffff  }
0x62c: {  	v43 =	vor.u32 $0x2A, v2;
	_ =	sdelay $0x3  }
0x62d: {  	[tilespmem:s29+$0xFC80] =	vst v3  }
0x62e: {  	v3 =	vld.idx.msk [tilespmem:v43+s17+$0x0], $0xffff  }
0x62f: {  	v44 =	vor.u32 $0x2B, v2;
	_ =	sdelay $0x3  }
0x630: {  	[tilespmem:s29+$0xFD00] =	vst v3  }
0x631: {  	v3 =	vld.idx.msk [tilespmem:v44+s17+$0x0], $0xffff  }
0x632: {  	v45 =	vor.u32 $0x2C, v2;
	_ =	sdelay $0x3  }
0x633: {  	[tilespmem:s29+$0xFD80] =	vst v3  }
0x634: {  	v3 =	vld.idx.msk [tilespmem:v45+s17+$0x0], $0xffff  }
0x635: {  	v46 =	vor.u32 $0x2D, v2;
	_ =	sdelay $0x3  }
0x636: {  	[tilespmem:s29+$0xFE00] =	vst v3  }
0x637: {  	v3 =	vld.idx.msk [tilespmem:v46+s17+$0x0], $0xffff  }
0x638: {  	v47 =	vor.u32 $0x2E, v2;
	_ =	sdelay $0x3  }
0x639: {  	[tilespmem:s29+$0xFE80] =	vst v3  }
0x63a: {  	v3 =	vld.idx.msk [tilespmem:v47+s17+$0x0], $0xffff  }
0x63b: {  	v48 =	vor.u32 $0x2F, v2;
	_ =	sdelay $0x3  }
0x63c: {  	[tilespmem:s29+$0xFF00] =	vst v3  }
0x63d: {  	v3 =	vld.idx.msk [tilespmem:v48+s17+$0x0], $0xffff  }
0x63e: {  	v49 =	vor.u32 $0x30, v2;
	_ =	sdelay $0x3  }
0x63f: {  	[tilespmem:s29+$0xFF80] =	vst v3  }
0x640: {  	v3 =	vld.idx.msk [tilespmem:v49+s17+$0x0], $0xffff  }
0x641: {  	v50 =	vor.u32 $0x31, v2;
	_ =	sdelay $0x3  }
0x642: {  	[tilespmem:s29+$0x10C00] =	vst v3  }
0x643: {  	v3 =	vld.idx.msk [tilespmem:v50+s17+$0x0], $0xffff  }
0x644: {  	v51 =	vor.u32 $0x32, v2;
	_ =	sdelay $0x3  }
0x645: {  	[tilespmem:s29+$0x10C80] =	vst v3  }
0x646: {  	v3 =	vld.idx.msk [tilespmem:v51+s17+$0x0], $0xffff  }
0x647: {  	v52 =	vor.u32 $0x33, v2;
	_ =	sdelay $0x3  }
0x648: {  	[tilespmem:s29+$0x10D00] =	vst v3  }
0x649: {  	v3 =	vld.idx.msk [tilespmem:v52+s17+$0x0], $0xffff  }
0x64a: {  	v53 =	vor.u32 $0x34, v2;
	_ =	sdelay $0x3  }
0x64b: {  	[tilespmem:s29+$0x10D80] =	vst v3  }
0x64c: {  	v3 =	vld.idx.msk [tilespmem:v53+s17+$0x0], $0xffff  }
0x64d: {  	v54 =	vor.u32 $0x35, v2;
	_ =	sdelay $0x3  }
0x64e: {  	[tilespmem:s29+$0x10E00] =	vst v3  }
0x64f: {  	v3 =	vld.idx.msk [tilespmem:v54+s17+$0x0], $0xffff  }
0x650: {  	v55 =	vor.u32 $0x36, v2;
	_ =	sdelay $0x3  }
0x651: {  	[tilespmem:s29+$0x10E80] =	vst v3  }
0x652: {  	v3 =	vld.idx.msk [tilespmem:v55+s17+$0x0], $0xffff  }
0x653: {  	v56 =	vor.u32 $0x37, v2;
	_ =	sdelay $0x3  }
0x654: {  	[tilespmem:s29+$0x10F00] =	vst v3  }
0x655: {  	v3 =	vld.idx.msk [tilespmem:v56+s17+$0x0], $0xffff  }
0x656: {  	v57 =	vor.u32 $0x38, v2;
	_ =	sdelay $0x3  }
0x657: {  	[tilespmem:s29+$0x10F80] =	vst v3  }
0x658: {  	v3 =	vld.idx.msk [tilespmem:v57+s17+$0x0], $0xffff  }
0x659: {  	v58 =	vor.u32 $0x39, v2;
	_ =	sdelay $0x3  }
0x65a: {  	[tilespmem:s29+$0x11C00] =	vst v3  }
0x65b: {  	v3 =	vld.idx.msk [tilespmem:v58+s17+$0x0], $0xffff  }
0x65c: {  	v59 =	vor.u32 $0x3A, v2;
	_ =	sdelay $0x3  }
0x65d: {  	[tilespmem:s29+$0x11C80] =	vst v3  }
0x65e: {  	v3 =	vld.idx.msk [tilespmem:v59+s17+$0x0], $0xffff  }
0x65f: {  	v60 =	vor.u32 $0x3B, v2;
	_ =	sdelay $0x3  }
0x660: {  	[tilespmem:s29+$0x11D00] =	vst v3  }
0x661: {  	v3 =	vld.idx.msk [tilespmem:v60+s17+$0x0], $0xffff  }
0x662: {  	v61 =	vor.u32 $0x3C, v2;
	_ =	sdelay $0x3  }
0x663: {  	[tilespmem:s29+$0x11D80] =	vst v3  }
0x664: {  	v3 =	vld.idx.msk [tilespmem:v61+s17+$0x0], $0xffff  }
0x665: {  	v62 =	vor.u32 $0x3D, v2;
	_ =	sdelay $0x3  }
0x666: {  	[tilespmem:s29+$0x11E00] =	vst v3  }
0x667: {  	v3 =	vld.idx.msk [tilespmem:v62+s17+$0x0], $0xffff  }
0x668: {  	v63 =	vor.u32 $0x3E, v2;
	_ =	sdelay $0x3  }
0x669: {  	[tilespmem:s29+$0x11E80] =	vst v3  }
0x66a: {  	v3 =	vld.idx.msk [tilespmem:v63+s17+$0x0], $0xffff  }
0x66b: {  	v2 =	vor.u32 $0x3F, v2;
	_ =	sdelay $0x3  }
0x66c: {  	[tilespmem:s29+$0x11F00] =	vst v3  }
0x66d: {  	v2 =	vld.idx.msk [tilespmem:v2+s17+$0x0], $0xffff;
	_ =	sdelay $0x2  }
0x66e: {  	s21 =	sadd.s32 $0x1, s21  }
0x66f: {  	s30 =	simm.s32 $0x1000;
	p0 =	sne.s32 s21, s10  }
.Ltmp6:
0x670: {  	s31 =	simm.s32 $0x20000;
	s2 =	simm.s32 $0xA400;
	[tilespmem:s29+$0x11F80] =	vst v2;
	(pc) =	sbr.rel @p0 .LBB2_1-.Ltmp6, $4  }
0x671: {  	[hbm4b:s9+s30] =	stream.strided.scatter [tilespmem:s2], [sflag:$0x2], $0x11000, s31, s30, $0x38;
	[tilespmem:$0x1BD00] =	vst v63  }
0x672: {  	_ =	swait.ge [sflag:s11], $0x11000  }
0x673: {  	[sflag:s11] =	ssyncset.done $0x0  }
0x674: {  	[sflag:s11] =	ssyncadd.s32 $0xFFFEF000  }
0x675: {  	_ =	sfence.sel $0x180000  }
0x676: {  	[bflag:$0x0] =	sbarrier.arrive $0xFFFF  }
0x677: {  	_ =	strace $0x90000047  }
0x678: {  	s0 =	stileid.u32;
	[bflag:$0x2] =	sbarrier.arrive $0xFFFF  }
0x679: {  	p0 =	sne.s32 s0, $0x0;
	s0 =	rddreg [dreg:$0x6]  }
0x67a: {  	s0 =	sadd.s32 @!p0 $0x100000, s0  }
0x67b: {  	[sflag:s0] =	ssyncadd.tile.s32 @!p0 $0x1;
	_ =	shalt  }
.Lfunc_end2:
_tile_overlayer_lowered:
.L_overlay_start_2:
0x67c: {  	(tag) =	ssettag $0x2  }
0x67d: {  	s0 =	rddreg [dreg:$0x0];
	s2 =	stileid.u32  }
0x67e: {  	s1 =	rddreg [dreg:$0x1];
	p0 =	sne.s32 s2, $0x0  }
0x67f: {  	s3 =	rddreg [dreg:$0x2];
	[bflag:$0x3] =	sbarrier.arrive $0xFFFF;
	s2 =	simm.s32 @!p0 $0x1C02  }
0x680: {  	[timem:s3], [sflag:s2] =	dma.local @!p0 [hbm:s0], s1  }
0x681: {  	s0 =	simm.s32 @!p0 $0x2  }
0x682: {  	_ =	swait.ge @!p0 [sflag:s0], s1  }
0x683: {  	s1 =	ssub.s32 @!p0 $0x0, s1;
	[sflag:s0] =	ssyncset.done @!p0 $0x0  }
0x684: {  	[sflag:s0] =	ssyncadd.s32 @!p0 s1  }
0x685: {  	[bflag:$0x3] =	sbarrier.arrive $0xFFFF  }
0x686: {  	_ =	shalt  }

</sc_bundles>
